<compile_context>
chip_gen: v7x
topology: tpu7x:2x2x1
jax: 0.10.2.dev20260603
libtpu: 0.0.44.dev20260713+nightly
codegen_flags: <defaults>
</compile_context>

<pallas_src>
import functools

import jax
import jax.numpy as jnp
from jax import lax
from jax.experimental import pallas as pl
from jax.experimental.pallas import tpu as pltpu
from jax.experimental.pallas import tpu_sc as plsc

N_AB = 256
N_AG = 512
F_IN = 128
D_H = 64
MD_H = 16
EB = 2048


def _silu(x):
    return x * jax.nn.sigmoid(x)


def _lrelu(x):
    return jnp.where(x >= 0, x, 0.2 * x)


def _bn(x, g, b, eps=1e-5):
    mu = jnp.mean(x, axis=0, keepdims=True)
    var = jnp.mean((x - mu) ** 2, axis=0, keepdims=True)
    return (x - mu) * jax.lax.rsqrt(var + eps) * g + b


def _onehot_t(idx_row, n, eb):
    col = jax.lax.broadcasted_iota(jnp.int32, (n, eb), 0)
    return (col == idx_row).astype(jnp.float32)


def _dot(a, b, dims):
    return jax.lax.dot_general(a, b, (dims, ((), ())),
                               preferred_element_type=jnp.float32,
                               precision=jax.lax.Precision.HIGHEST)


def _bdot(a, b):
    return jnp.dot(a.astype(jnp.bfloat16), b.astype(jnp.bfloat16),
                   preferred_element_type=jnp.float32)


def _bdot_g(a, b, dims):
    return jax.lax.dot_general(a.astype(jnp.bfloat16), b.astype(jnp.bfloat16),
                               (dims, ((), ())),
                               preferred_element_type=jnp.float32)




def _gcn_pre_body(n, e, x_ref, dst_ref, w_ref, hd_ref, h_ref, dinv_ref):
    x = x_ref[:]
    h = _bdot(x, w_ref[:])
    nblk = e // EB
    deg = jnp.zeros((n, 1), jnp.float32)
    for k in range(nblk):
        dr = dst_ref[:, k * EB:(k + 1) * EB]
        odst = _onehot_t(dr, n, EB)
        deg = deg + jnp.sum(odst, axis=1, keepdims=True)
    dinv = jax.lax.rsqrt(deg + 1.0)
    hd_ref[:] = jnp.concatenate([h * dinv, jnp.zeros((n, D_H), jnp.float32)],
                                axis=1)
    h_ref[:] = h
    dinv_ref[:] = dinv


def _sc_gcn_scatter(hd, src, dst, n, e):
    nw = 32
    ns = 16
    epw = e // nw
    cpw = epw // 128
    rps = n // ns
    mesh = plsc.VectorSubcoreMesh(core_axis_name="c", subcore_axis_name="s")

    @functools.partial(
        pl.kernel, mesh=mesh,
        out_type=jax.ShapeDtypeStruct((2 * n, 2 * D_H), jnp.float32),
        scratch_types=[
            pltpu.VMEM((cpw, 128), jnp.int32),
            pltpu.VMEM((cpw, 128), jnp.int32),
            pltpu.VMEM((128, 2 * D_H), jnp.float32),
            pltpu.VMEM((rps, 2 * D_H), jnp.float32),
            pltpu.VMEM_SHARED((n, 2 * D_H), jnp.float32),
            pltpu.SemaphoreType.DMA,
        ])
    def k(hd_hbm, src_hbm, dst_hbm, out_hbm, sidx, didx, rows, ztile, shacc,
          sem):
        cid = lax.axis_index("c")
        sid = lax.axis_index("s")
        wid = sid * 2 + cid
        for r in range(rps):
            for cc in range(2 * D_H // 16):
                ztile[r, pl.ds(cc * 16, 16)] = jnp.zeros((16,), jnp.float32)
        pltpu.sync_copy(ztile, shacc.at[pl.ds(sid * rps, rps)])
        pltpu.sync_copy(src_hbm.at[pl.ds(wid * cpw, cpw)], sidx)
        pltpu.sync_copy(dst_hbm.at[pl.ds(wid * cpw, cpw)], didx)
        plsc.subcore_barrier()
        for j in range(cpw):
            pltpu.async_copy(hd_hbm.at[sidx.at[j]], rows, sem).wait()
            pltpu.sync_copy(rows, shacc.at[didx.at[j]], add=True)
        plsc.subcore_barrier()
        pltpu.sync_copy(shacc.at[pl.ds(sid * rps, rps)],
                        out_hbm.at[pl.ds(cid * n + sid * rps, rps)])

    return k(hd, src.reshape(-1, 128), dst.reshape(-1, 128))


def _gcn_post_body(n, acc_ref, h_ref, dinv_ref, b_ref, g_ref, beta_ref,
                   h0_ref):
    dinv = dinv_ref[:]
    h = h_ref[:]
    acc = acc_ref[0:n, 0:D_H] + acc_ref[n:2 * n, 0:D_H]
    out = dinv * acc + dinv * dinv * h + b_ref[:]
    h0_ref[:] = jnp.maximum(_bn(out, g_ref[:], beta_ref[:]), 0.0)


def _gcn(x, src, dst, w, b, g, beta, n, e):
    hd, h, dinv = pl.pallas_call(
        functools.partial(_gcn_pre_body, n, e),
        out_shape=(
            jax.ShapeDtypeStruct((n, 2 * D_H), jnp.float32),
            jax.ShapeDtypeStruct((n, D_H), jnp.float32),
            jax.ShapeDtypeStruct((n, 1), jnp.float32),
        ),
    )(x, dst, w)
    acc = _sc_gcn_scatter(hd, src.reshape(-1), dst.reshape(-1), n, e)
    return pl.pallas_call(
        functools.partial(_gcn_post_body, n),
        out_shape=jax.ShapeDtypeStruct((n, D_H), jnp.float32),
    )(acc, h, dinv, b, g, beta)




def _egnn_body(n, bi, bj, h_f, c_ref, ct_ref, w1_ref, b1_ref, w2_ref, b2_ref,
               gw_ref, gb_ref, msum_ref, a_scr):
    h_all = h_f[:]
    ct = ct_ref[:]
    wd = w1_ref[2 * D_H:2 * D_H + 1, :]
    wdb = wd.astype(jnp.bfloat16).astype(jnp.float32)
    w2 = w2_ref[:]
    b2 = b2_ref[:]
    gw = gw_ref[:]
    gb = gb_ref[:]
    a_scr[:] = _bdot(h_all, w1_ref[0:D_H, :]) + b1_ref[:]
    b_all = _bdot(h_all, w1_ref[D_H:2 * D_H, :])

    def istep(i, _):
        a_blk = a_scr[pl.ds(i * bi, bi), :]
        ci = c_ref[pl.ds(i * bi, bi), :]
        d0 = ci[:, 0:1] - ct[0:1, :]
        d1 = ci[:, 1:2] - ct[1:2, :]
        d2 = ci[:, 2:3] - ct[2:3, :]
        dist = d0 * d0 + d1 * d1 + d2 * d2
        acc = jnp.zeros((bi, MD_H), jnp.float32)
        for j in range(n // bj):
            dblk = dist[:, j * bj:(j + 1) * bj]
            dbb = dblk.astype(jnp.bfloat16).astype(jnp.float32)
            pre = (a_blk[:, None, :] + b_all[j * bj:(j + 1) * bj][None]
                   + dbb[:, :, None] * wdb[0][None, None, :])
            h1 = _silu(pre).reshape(bi * bj, pre.shape[2])
            m2 = _silu(_bdot(h1, w2) + b2)
            gate = jax.nn.sigmoid(_bdot(m2, gw) + gb)
            m = m2 * gate
            acc = acc + jnp.sum(m.reshape(bi, bj, MD_H), axis=1)
        msum_ref[pl.ds(i * bi, bi), :] = acc
        return 0

    jax.lax.fori_loop(0, n // bi, istep, 0)


def _egnn_edges(h0, coord, p, n):
    bi = 16
    bj = 256 if n >= 256 else n
    return pl.pallas_call(
        functools.partial(_egnn_body, n, bi, bj),
        out_shape=jax.ShapeDtypeStruct((n, MD_H), jnp.float32),
        scratch_shapes=[pltpu.VMEM((n, 2 * (2 * D_H + 1)), jnp.float32)],
    )(h0, coord, coord.T, p['e_W1'], p['e_b1'], p['e_W2'], p['e_b2'],
      p['g_W'], p['g_b'])


def _node_body(h0_ref, ms_ref, w1_ref, b1_ref, w2_ref, b2_ref, g_ref,
               beta_ref, out_ref):
    h0 = h0_ref[:]
    ni = jnp.concatenate([h0, ms_ref[:]], axis=1)
    t = _silu(_bdot(ni, w1_ref[:]) + b1_ref[:])
    t2 = _bdot(t, w2_ref[:]) + b2_ref[:] + h0
    out_ref[:] = jnp.maximum(_bn(t2, g_ref[:], beta_ref[:]), 0.0)


def _egnn_node(h0, msum, p, g, beta, n):
    return pl.pallas_call(
        _node_body,
        out_shape=jax.ShapeDtypeStruct((n, D_H), jnp.float32),
    )(h0, msum, p['n_W1'], p['n_b1'], p['n_W2'], p['n_b2'], g, beta)




def _gat_body(n, e, do_relu, x_ref, src_ref, dst_ref, w_ref, asrc_ref,
              adst_ref, b_ref, out_ref):
    h = _bdot(x_ref[:], w_ref[:])
    asrc = asrc_ref[:].reshape(D_H, 1)
    adst = adst_ref[:].reshape(D_H, 1)
    acol = _bdot(h, asrc)
    dcol = _bdot(h, adst)
    arow = _bdot_g(asrc, h, ((0,), (1,)))
    drow = _bdot_g(adst, h, ((0,), (1,)))
    alpha_self = _lrelu(acol + dcol)
    m0 = jnp.maximum(jnp.max(acol) + jnp.max(dcol), 0.0)
    geb = 1024
    nblk = e // geb

    def accstep(k, carry):
        num, s = carry
        sr = src_ref[:, pl.ds(k * geb, geb)]
        dr = dst_ref[:, pl.ds(k * geb, geb)]
        osrc = _onehot_t(sr, n, geb)
        odst = _onehot_t(dr, n, geb)
        alpha = _lrelu(_dot(arow, osrc, ((1,), (0,)))
                       + _dot(drow, odst, ((1,), (0,))))
        ee = jnp.exp(alpha - m0)
        hs = _dot(osrc, h, ((0,), (0,)))
        wsc = odst * ee
        num = num + _dot(wsc, hs, ((1,), (0,)))
        s = s + _dot(odst, ee, ((1,), (1,)))
        return num, s

    num, s = jax.lax.fori_loop(
        0, nblk, accstep,
        (jnp.zeros((n, D_H), jnp.float32), jnp.zeros((n, 1), jnp.float32)))
    eself = jnp.exp(alpha_self - m0)
    s = s + eself
    num = num + eself * h
    out = num / s + b_ref[:]
    if do_relu:
        out = jnp.maximum(out, 0.0)
    out_ref[:] = out


def _gat(x, src, dst, w, asrc, adst, b, n, e, do_relu):
    return pl.pallas_call(
        functools.partial(_gat_body, n, e, do_relu),
        out_shape=jax.ShapeDtypeStruct((n, D_H), jnp.float32),
    )(x, src, dst, w, asrc, adst, b)




def _head_body(xg_ref, hab_ref, hag_ref, g1_ref, b1_ref, g2_ref, b2_ref,
               w1_ref, c1_ref, w2_ref, c2_ref, oab_ref, oag_ref):
    xg = xg_ref[:]
    x1 = xg[:N_AB, :]
    x2 = xg[N_AB:, :]
    cab = jnp.concatenate([x1, hab_ref[:]], axis=1)
    cag = jnp.concatenate([x2, hag_ref[:]], axis=1)
    rab = jnp.maximum(_bn(cab, g1_ref[:], b1_ref[:]), 0.0)
    rag = jnp.maximum(_bn(cag, g2_ref[:], b2_ref[:]), 0.0)
    oab_ref[:] = _bdot(rab, w1_ref[:]) + c1_ref[:]
    oag_ref[:] = _bdot(rag, w2_ref[:]) + c2_ref[:]


def _heads(xg, hab, hag, p):
    return pl.pallas_call(
        _head_body,
        out_shape=(
            jax.ShapeDtypeStruct((N_AB, 1), jnp.float32),
            jax.ShapeDtypeStruct((N_AG, 1), jnp.float32),
        ),
    )(xg, hab, hag, p['bn2_g'], p['bn2_b'], p['agbn2_g'], p['agbn2_b'],
      p['fc_W'], p['fc_b'], p['agfc_W'], p['agfc_b'])




def kernel(x_ab, x_ag, edge_x_ab, edge_x_ag, edge_index_d, coord_ab,
           coord_ag, params):
    p = params
    src_ab = edge_x_ab[0:1, :].astype(jnp.int32)
    dst_ab = edge_x_ab[1:2, :].astype(jnp.int32)
    src_ag = edge_x_ag[0:1, :].astype(jnp.int32)
    dst_ag = edge_x_ag[1:2, :].astype(jnp.int32)
    src_d = edge_index_d[0:1, :].astype(jnp.int32)
    dst_d = edge_index_d[1:2, :].astype(jnp.int32)

    h0_ab = _gcn(x_ab, src_ab, dst_ab, p['gcn_ab_W'], p['gcn_ab_b'],
                 p['abbn0_g'], p['abbn0_b'], N_AB, edge_x_ab.shape[1])
    h0_ag = _gcn(x_ag, src_ag, dst_ag, p['gcn_ag_W'], p['gcn_ag_b'],
                 p['agbn0_g'], p['agbn0_b'], N_AG, edge_x_ag.shape[1])

    ms_ab = _egnn_edges(h0_ab, coord_ab, p['egnn_ab'], N_AB)
    h1_ab = _egnn_node(h0_ab, ms_ab, p['egnn_ab'], p['ab_bn1_g'],
                       p['ab_bn1_b'], N_AB)
    ms_ag = _egnn_edges(h0_ag, coord_ag, p['egnn_ag'], N_AG)
    h1_ag = _egnn_node(h0_ag, ms_ag, p['egnn_ag'], p['ag_bn1_g'],
                       p['ag_bn1_b'], N_AG)

    x = jnp.concatenate([h1_ab, h1_ag], axis=0)
    n = N_AB + N_AG
    x = _gat(x, src_d, dst_d, p['gat1_W'], p['gat1_asrc'], p['gat1_adst'],
             p['gat1_b'], n, edge_index_d.shape[1], True)
    x = _gat(x, src_d, dst_d, p['gat2_W'], p['gat2_asrc'], p['gat2_adst'],
             p['gat2_b'], n, edge_index_d.shape[1], False)

    return _heads(x, h1_ab, h1_ag, params)

# --- scband reference (transcript-rebuilt; emitter-appended) ---
"""Pipeline reference for scband-epi-epmp-83983790506434 (READ-ONLY COPY).

The authoritative reference and input builder live on the scoring server;
editing this copy changes nothing except your own understanding.
"""

import jax, jax.numpy as jnp
import numpy as np

N_AB = 256
N_AG = 512
F = 128
D = 64
MD = 16
E_AB = 4096
E_AG = 8192
E_D = 8192

def silu(x):
    return x * jax.nn.sigmoid(x)

def batch_norm(x, g, b, eps=1e-5):
    mu = x.mean(axis=0)
    var = x.var(axis=0)
    return (x - mu) / jnp.sqrt(var + eps) * g + b

def gcn_conv(x, edge_index, W, b, n):
    loop = jnp.arange(n)
    src = jnp.concatenate([edge_index[0], loop])
    dst = jnp.concatenate([edge_index[1], loop])
    deg = jnp.zeros(n, jnp.float32).at[dst].add(1.0)
    dinv = 1.0 / jnp.sqrt(jnp.maximum(deg, 1.0))
    h = x @ W
    msg = h[src] * (dinv[src] * dinv[dst])[:, None]
    out = jnp.zeros((n, h.shape[1]), h.dtype).at[dst].add(msg)
    return out + b

def gat_conv(x, edge_index, W, a_src, a_dst, b, n):
    loop = jnp.arange(n)
    src = jnp.concatenate([edge_index[0], loop])
    dst = jnp.concatenate([edge_index[1], loop])
    h = x @ W
    alpha = jax.nn.leaky_relu(h[src] @ a_src + h[dst] @ a_dst, 0.2)
    m = jax.ops.segment_max(alpha, dst, num_segments=n)
    e = jnp.exp(alpha - m[dst])
    s = jax.ops.segment_sum(e, dst, num_segments=n)
    a = e / s[dst]
    out = jnp.zeros((n, h.shape[1]), h.dtype).at[dst].add(a[:, None] * h[src])
    return out + b

def egnn_layer(feats, coors, p):
    rel = coors[:, :, None, :] - coors[:, None, :, :]
    dist = (rel ** 2).sum(-1, keepdims=True)
    n = feats.shape[1]
    d = feats.shape[-1]
    fi = jnp.broadcast_to(feats[:, :, None, :], (1, n, n, d))
    fj = jnp.broadcast_to(feats[:, None, :, :], (1, n, n, d))
    edge_in = jnp.concatenate([fi, fj, dist], axis=-1)
    m = silu(silu(edge_in @ p['e_W1'] + p['e_b1']) @ p['e_W2'] + p['e_b2'])
    gate = jax.nn.sigmoid(m @ p['g_W'] + p['g_b'])
    m = m * gate
    norm = jnp.sqrt(jnp.maximum((rel ** 2).sum(-1, keepdims=True), 1e-8))
    rel_n = rel / norm * p['cn_scale']
    cw = (silu(m @ p['c_W1'] + p['c_b1']) @ p['c_W2'] + p['c_b2'])[..., 0]
    coors_out = jnp.einsum('bij,bijc->bic', cw, rel_n) + coors
    m_i = m.sum(axis=2)
    node_in = jnp.concatenate([feats, m_i], axis=-1)
    node_out = silu(node_in @ p['n_W1'] + p['n_b1']) @ p['n_W2'] + p['n_b2'] + feats
    return node_out, coors_out

def _lin(k, fi, fo):
    return jax.random.normal(k, (fi, fo), jnp.float32) / np.sqrt(fi)

def _egnn_params(k, d, md):
    ks = jax.random.split(k, 8)
    ei = 2 * d + 1
    return {
        'e_W1': _lin(ks[0], ei, ei * 2), 'e_b1': jnp.zeros(ei * 2),
        'e_W2': _lin(ks[1], ei * 2, md), 'e_b2': jnp.zeros(md),
        'g_W': _lin(ks[2], md, 1), 'g_b': jnp.zeros(1),
        'cn_scale': jnp.asarray(0.01, jnp.float32),
        'c_W1': _lin(ks[3], md, md * 4), 'c_b1': jnp.zeros(md * 4),
        'c_W2': _lin(ks[4], md * 4, 1), 'c_b2': jnp.zeros(1),
        'n_W1': _lin(ks[5], d + md, d * 2), 'n_b1': jnp.zeros(d * 2),
        'n_W2': _lin(ks[6], d * 2, d), 'n_b2': jnp.zeros(d),
    }

def setup_inputs(seed: int = 0):
    key = jax.random.key(seed)
    ks = jax.random.split(key, 24)
    x_ab = jax.random.normal(ks[0], (N_AB, F), jnp.float32)
    x_ag = jax.random.normal(ks[1], (N_AG, F), jnp.float32)
    edge_x_ab = jax.random.randint(ks[2], (2, E_AB), 0, N_AB)
    edge_x_ag = jax.random.randint(ks[3], (2, E_AG), 0, N_AG)
    edge_index_d = jax.random.randint(ks[4], (2, E_D), 0, N_AB + N_AG)
    coord_ab = jax.random.normal(ks[5], (N_AB, 3), jnp.float32) * 10.0
    coord_ag = jax.random.normal(ks[6], (N_AG, 3), jnp.float32) * 10.0
    params = {
        'gcn_ab_W': _lin(ks[7], F, D), 'gcn_ab_b': jnp.zeros(D),
        'gcn_ag_W': _lin(ks[8], F, D), 'gcn_ag_b': jnp.zeros(D),
        'abbn0_g': jnp.ones(D), 'abbn0_b': jnp.zeros(D),
        'agbn0_g': jnp.ones(D), 'agbn0_b': jnp.zeros(D),
        'ab_bn1_g': jnp.ones(D), 'ab_bn1_b': jnp.zeros(D),
        'ag_bn1_g': jnp.ones(D), 'ag_bn1_b': jnp.zeros(D),
        'bn2_g': jnp.ones(2 * D), 'bn2_b': jnp.zeros(2 * D),
        'agbn2_g': jnp.ones(2 * D), 'agbn2_b': jnp.zeros(2 * D),
        'egnn_ab': _egnn_params(ks[9], D, MD),
        'egnn_ag': _egnn_params(ks[10], D, MD),
        'gat1_W': _lin(ks[11], D, D),
        'gat1_asrc': jax.random.normal(ks[12], (D,), jnp.float32) / np.sqrt(D),
        'gat1_adst': jax.random.normal(ks[13], (D,), jnp.float32) / np.sqrt(D),
        'gat1_b': jnp.zeros(D),
        'gat2_W': _lin(ks[14], D, D),
        'gat2_asrc': jax.random.normal(ks[15], (D,), jnp.float32) / np.sqrt(D),
        'gat2_adst': jax.random.normal(ks[16], (D,), jnp.float32) / np.sqrt(D),
        'gat2_b': jnp.zeros(D),
        'fc_W': _lin(ks[17], 2 * D, 1), 'fc_b': jnp.zeros(1),
        'agfc_W': _lin(ks[18], 2 * D, 1), 'agfc_b': jnp.zeros(1),
    }
    return {'x_ab': x_ab, 'x_ag': x_ag, 'edge_x_ab': edge_x_ab, 'edge_x_ag': edge_x_ag, 'edge_index_d': edge_index_d, 'coord_ab': coord_ab, 'coord_ag': coord_ag, 'params': params}

def _forward(x_ab, x_ag, coord_ab, coord_ag, params, edge_x_ab, edge_x_ag, edge_index_d):
    p = params
    relu = jax.nn.relu
    h_ab = gcn_conv(x_ab, edge_x_ab, p['gcn_ab_W'], p['gcn_ab_b'], N_AB)
    h_ab = relu(batch_norm(h_ab, p['abbn0_g'], p['abbn0_b']))
    h_ag = gcn_conv(x_ag, edge_x_ag, p['gcn_ag_W'], p['gcn_ag_b'], N_AG)
    h_ag = relu(batch_norm(h_ag, p['agbn0_g'], p['agbn0_b']))
    h_ab2, _ = egnn_layer(h_ab[None], coord_ab[None], p['egnn_ab'])
    h_ab = relu(batch_norm(h_ab2[0], p['ab_bn1_g'], p['ab_bn1_b']))
    h_ag2, _ = egnn_layer(h_ag[None], coord_ag[None], p['egnn_ag'])
    h_ag = relu(batch_norm(h_ag2[0], p['ag_bn1_g'], p['ag_bn1_b']))
    x = jnp.concatenate([h_ab, h_ag], axis=0)
    n = N_AB + N_AG
    x = relu(gat_conv(x, edge_index_d, p['gat1_W'], p['gat1_asrc'], p['gat1_adst'], p['gat1_b'], n))
    x = gat_conv(x, edge_index_d, p['gat2_W'], p['gat2_asrc'], p['gat2_adst'], p['gat2_b'], n)
    x1 = x[:N_AB]
    x2 = x[N_AB:]
    out_ag = jnp.concatenate([x2, h_ag], axis=1)
    out_ag = relu(batch_norm(out_ag, p['agbn2_g'], p['agbn2_b'])) @ p['agfc_W'] + p['agfc_b']
    out_ab = jnp.concatenate([x1, h_ab], axis=1)
    out_ab = relu(batch_norm(out_ab, p['bn2_g'], p['bn2_b'])) @ p['fc_W'] + p['fc_b']
    return (out_ab, out_ag)

def reference(x_ab, x_ag, edge_x_ab, edge_x_ag, edge_index_d, coord_ab, coord_ag, params):
    return _forward(x_ab, x_ag, coord_ab, coord_ag, params, edge_x_ab, edge_x_ag, edge_index_d)

if __name__ == "__main__":
    import jax
    _d = setup_inputs()
    print(jax.jit(kernel)(*tuple(_d.values())))

</pallas_src>

<mosaic_0001>
#map = affine_map<(d0, d1) -> (0, 0)>
module attributes {stable_mosaic.version = 14 : i64} {
  func.func @k(%arg0: i32, %arg1: i32, %arg2: memref<512x128xf32, #tpu.memory_space<hbm>>, %arg3: memref<64x128xi32, #tpu.memory_space<hbm>>, %arg4: memref<64x128xi32, #tpu.memory_space<hbm>>, %arg5: memref<1024x128xf32, #tpu.memory_space<hbm>>, %arg6: memref<2x128xi32, #tpu.memory_space<vmem>>, %arg7: memref<2x128xi32, #tpu.memory_space<vmem>>, %arg8: memref<128x128xf32, #tpu.memory_space<vmem>>, %arg9: memref<32x128xf32, #tpu.memory_space<vmem>>, %arg10: memref<512x128xf32, #tpu.memory_space<vmem_shared>>, %arg11: memref<!tpu.dma_semaphore, #tpu.memory_space<semaphore_mem>>) attributes {dimension_semantics = [#tpu.dimension_semantics<core_parallel>, #tpu.dimension_semantics<subcore_parallel>], iteration_bounds = array<i64: 2, 16>, scalar_prefetch = 0 : i64, scratch_operands = 6 : i64, tpu.core_type = #tpu.core_type<sc_vector_subcore>, window_params = [{transform_indices = #map}, {transform_indices = #map}, {transform_indices = #map}, {transform_indices = #map}]} {
    %mul3A = arith.constant 2 : i32
    %mul3A_0 = arith.muli %arg1, %mul3A : i32
    %add3A = arith.addi %mul3A_0, %arg0 : i32
    %broadcast_in_dim3A = arith.constant 0.000000e+00 : f32
    %broadcast_in_dim3A_1 = vector.broadcast %broadcast_in_dim3A : f32 to vector<16xf32>
    %swap3A = arith.constant 0 : i32
    %swap3A_2 = arith.index_cast %swap3A : i32 to index
    %swap3A_3 = arith.constant 0 : index
    %swap3A_4 = tpu.vector_load %arg9[%swap3A_2, %swap3A_3] {strides = array<i32>} : memref<32x128xf32, #tpu.memory_space<vmem>>, vector<1x16xf32>,
    %swap3A_5 = vector.shape_cast %swap3A_4 : vector<1x16xf32> to vector<16xf32>
    %swap3A_6 = vector.shape_cast %broadcast_in_dim3A_1 : vector<16xf32> to vector<1x16xf32>
    tpu.vector_store %arg9[%swap3A_2, %swap3A_3], %swap3A_6 {strides = array<i32>} : memref<32x128xf32, #tpu.memory_space<vmem>>, vector<1x16xf32>,
    %broadcast_in_dim3A_7 = arith.constant 0.000000e+00 : f32
    %broadcast_in_dim3A_8 = vector.broadcast %broadcast_in_dim3A_7 : f32 to vector<16xf32>
    %swap3A_9 = arith.constant 0 : i32
    %swap3A_10 = arith.index_cast %swap3A_9 : i32 to index
    %swap3A_11 = arith.constant 16 : index
    %swap3A_12 = tpu.vector_load %arg9[%swap3A_10, %swap3A_11] {strides = array<i32>} : memref<32x128xf32, #tpu.memory_space<vmem>>, vector<1x16xf32>,
    %swap3A_13 = vector.shape_cast %swap3A_12 : vector<1x16xf32> to vector<16xf32>
    %swap3A_14 = vector.shape_cast %broadcast_in_dim3A_8 : vector<16xf32> to vector<1x16xf32>
    tpu.vector_store %arg9[%swap3A_10, %swap3A_11], %swap3A_14 {strides = array<i32>} : memref<32x128xf32, #tpu.memory_space<vmem>>, vector<1x16xf32>,
    %broadcast_in_dim3A_15 = arith.constant 0.000000e+00 : f32
    %broadcast_in_dim3A_16 = vector.broadcast %broadcast_in_dim3A_15 : f32 to vector<16xf32>
    %swap3A_17 = arith.constant 0 : i32
    %swap3A_18 = arith.index_cast %swap3A_17 : i32 to index
    %swap3A_19 = arith.constant 32 : index
    %swap3A_20 = tpu.vector_load %arg9[%swap3A_18, %swap3A_19] {strides = array<i32>} : memref<32x128xf32, #tpu.memory_space<vmem>>, vector<1x16xf32>,
    %swap3A_21 = vector.shape_cast %swap3A_20 : vector<1x16xf32> to vector<16xf32>
    %swap3A_22 = vector.shape_cast %broadcast_in_dim3A_16 : vector<16xf32> to vector<1x16xf32>
    tpu.vector_store %arg9[%swap3A_18, %swap3A_19], %swap3A_22 {strides = array<i32>} : memref<32x128xf32, #tpu.memory_space<vmem>>, vector<1x16xf32>,
    %broadcast_in_dim3A_23 = arith.constant 0.000000e+00 : f32
    %broadcast_in_dim3A_24 = vector.broadcast %broadcast_in_dim3A_23 : f32 to vector<16xf32>
    %swap3A_25 = arith.constant 0 : i32
    %swap3A_26 = arith.index_cast %swap3A_25 : i32 to index
    %swap3A_27 = arith.constant 48 : index
    %swap3A_28 = tpu.vector_load %arg9[%swap3A_26, %swap3A_27] {strides = array<i32>} : memref<32x128xf32, #tpu.memory_space<vmem>>, vector<1x16xf32>,
    %swap3A_29 = vector.shape_cast %swap3A_28 : vector<1x16xf32> to vector<16xf32>
    %swap3A_30 = vector.shape_cast %broadcast_in_dim3A_24 : vector<16xf32> to vector<1x16xf32>
    tpu.vector_store %arg9[%swap3A_26, %swap3A_27], %swap3A_30 {strides = array<i32>} : memref<32x128xf32, #tpu.memory_space<vmem>>, vector<1x16xf32>,
    %broadcast_in_dim3A_31 = arith.constant 0.000000e+00 : f32
    %broadcast_in_dim3A_32 = vector.broadcast %broadcast_in_dim3A_31 : f32 to vector<16xf32>
    %swap3A_33 = arith.constant 0 : i32
    %swap3A_34 = arith.index_cast %swap3A_33 : i32 to index
    %swap3A_35 = arith.constant 64 : index
    %swap3A_36 = tpu.vector_load %arg9[%swap3A_34, %swap3A_35] {strides = array<i32>} : memref<32x128xf32, #tpu.memory_space<vmem>>, vector<1x16xf32>,
    %swap3A_37 = vector.shape_cast %swap3A_36 : vector<1x16xf32> to vector<16xf32>
    %swap3A_38 = vector.shape_cast %broadcast_in_dim3A_32 : vector<16xf32> to vector<1x16xf32>
    tpu.vector_store %arg9[%swap3A_34, %swap3A_35], %swap3A_38 {strides = array<i32>} : memref<32x128xf32, #tpu.memory_space<vmem>>, vector<1x16xf32>,
    %broadcast_in_dim3A_39 = arith.constant 0.000000e+00 : f32
    %broadcast_in_dim3A_40 = vector.broadcast %broadcast_in_dim3A_39 : f32 to vector<16xf32>
    %swap3A_41 = arith.constant 0 : i32
    %swap3A_42 = arith.index_cast %swap3A_41 : i32 to index
    %swap3A_43 = arith.constant 80 : index
    %swap3A_44 = tpu.vector_load %arg9[%swap3A_42, %swap3A_43] {strides = array<i32>} : memref<32x128xf32, #tpu.memory_space<vmem>>, vector<1x16xf32>,
    %swap3A_45 = vector.shape_cast %swap3A_44 : vector<1x16xf32> to vector<16xf32>
    %swap3A_46 = vector.shape_cast %broadcast_in_dim3A_40 : vector<16xf32> to vector<1x16xf32>
    tpu.vector_store %arg9[%swap3A_42, %swap3A_43], %swap3A_46 {strides = array<i32>} : memref<32x128xf32, #tpu.memory_space<vmem>>, vector<1x16xf32>,
    %broadcast_in_dim3A_47 = arith.constant 0.000000e+00 : f32
    %broadcast_in_dim3A_48 = vector.broadcast %broadcast_in_dim3A_47 : f32 to vector<16xf32>
    %swap3A_49 = arith.constant 0 : i32
    %swap3A_50 = arith.index_cast %swap3A_49 : i32 to index
    %swap3A_51 = arith.constant 96 : index
    %swap3A_52 = tpu.vector_load %arg9[%swap3A_50, %swap3A_51] {strides = array<i32>} : memref<32x128xf32, #tpu.memory_space<vmem>>, vector<1x16xf32>,
    %swap3A_53 = vector.shape_cast %swap3A_52 : vector<1x16xf32> to vector<16xf32>
    %swap3A_54 = vector.shape_cast %broadcast_in_dim3A_48 : vector<16xf32> to vector<1x16xf32>
    tpu.vector_store %arg9[%swap3A_50, %swap3A_51], %swap3A_54 {strides = array<i32>} : memref<32x128xf32, #tpu.memory_space<vmem>>, vector<1x16xf32>,
    %broadcast_in_dim3A_55 = arith.constant 0.000000e+00 : f32
    %broadcast_in_dim3A_56 = vector.broadcast %broadcast_in_dim3A_55 : f32 to vector<16xf32>
    %swap3A_57 = arith.constant 0 : i32
    %swap3A_58 = arith.index_cast %swap3A_57 : i32 to index
    %swap3A_59 = arith.constant 112 : index
    %swap3A_60 = tpu.vector_load %arg9[%swap3A_58, %swap3A_59] {strides = array<i32>} : memref<32x128xf32, #tpu.memory_space<vmem>>, vector<1x16xf32>,
    %swap3A_61 = vector.shape_cast %swap3A_60 : vector<1x16xf32> to vector<16xf32>
    %swap3A_62 = vector.shape_cast %broadcast_in_dim3A_56 : vector<16xf32> to vector<1x16xf32>
    tpu.vector_store %arg9[%swap3A_58, %swap3A_59], %swap3A_62 {strides = array<i32>} : memref<32x128xf32, #tpu.memory_space<vmem>>, vector<1x16xf32>,
    %broadcast_in_dim3A_63 = arith.constant 0.000000e+00 : f32
    %broadcast_in_dim3A_64 = vector.broadcast %broadcast_in_dim3A_63 : f32 to vector<16xf32>
    %swap3A_65 = arith.constant 1 : i32
    %swap3A_66 = arith.index_cast %swap3A_65 : i32 to index
    %swap3A_67 = arith.constant 0 : index
    %swap3A_68 = tpu.vector_load %arg9[%swap3A_66, %swap3A_67] {strides = array<i32>} : memref<32x128xf32, #tpu.memory_space<vmem>>, vector<1x16xf32>,
    %swap3A_69 = vector.shape_cast %swap3A_68 : vector<1x16xf32> to vector<16xf32>
    %swap3A_70 = vector.shape_cast %broadcast_in_dim3A_64 : vector<16xf32> to vector<1x16xf32>
    tpu.vector_store %arg9[%swap3A_66, %swap3A_67], %swap3A_70 {strides = array<i32>} : memref<32x128xf32, #tpu.memory_space<vmem>>, vector<1x16xf32>,
    %broadcast_in_dim3A_71 = arith.constant 0.000000e+00 : f32
    %broadcast_in_dim3A_72 = vector.broadcast %broadcast_in_dim3A_71 : f32 to vector<16xf32>
    %swap3A_73 = arith.constant 1 : i32
    %swap3A_74 = arith.index_cast %swap3A_73 : i32 to index
    %swap3A_75 = arith.constant 16 : index
    %swap3A_76 = tpu.vector_load %arg9[%swap3A_74, %swap3A_75] {strides = array<i32>} : memref<32x128xf32, #tpu.memory_space<vmem>>, vector<1x16xf32>,
    %swap3A_77 = vector.shape_cast %swap3A_76 : vector<1x16xf32> to vector<16xf32>
    %swap3A_78 = vector.shape_cast %broadcast_in_dim3A_72 : vector<16xf32> to vector<1x16xf32>
    tpu.vector_store %arg9[%swap3A_74, %swap3A_75], %swap3A_78 {strides = array<i32>} : memref<32x128xf32, #tpu.memory_space<vmem>>, vector<1x16xf32>,
    %broadcast_in_dim3A_79 = arith.constant 0.000000e+00 : f32
    %broadcast_in_dim3A_80 = vector.broadcast %broadcast_in_dim3A_79 : f32 to vector<16xf32>
    %swap3A_81 = arith.constant 1 : i32
    %swap3A_82 = arith.index_cast %swap3A_81 : i32 to index
    %swap3A_83 = arith.constant 32 : index
    %swap3A_84 = tpu.vector_load %arg9[%swap3A_82, %swap3A_83] {strides = array<i32>} : memref<32x128xf32, #tpu.memory_space<vmem>>, vector<1x16xf32>,
    %swap3A_85 = vector.shape_cast %swap3A_84 : vector<1x16xf32> to vector<16xf32>
    %swap3A_86 = vector.shape_cast %broadcast_in_dim3A_80 : vector<16xf32> to vector<1x16xf32>
    tpu.vector_store %arg9[%swap3A_82, %swap3A_83], %swap3A_86 {strides = array<i32>} : memref<32x128xf32, #tpu.memory_space<vmem>>, vector<1x16xf32>,
    %broadcast_in_dim3A_87 = arith.constant 0.000000e+00 : f32
    %broadcast_in_dim3A_88 = vector.broadcast %broadcast_in_dim3A_87 : f32 to vector<16xf32>
    %swap3A_89 = arith.constant 1 : i32
    %swap3A_90 = arith.index_cast %swap3A_89 : i32 to index
    %swap3A_91 = arith.constant 48 : index
    %swap3A_92 = tpu.vector_load %arg9[%swap3A_90, %swap3A_91] {strides = array<i32>} : memref<32x128xf32, #tpu.memory_space<vmem>>, vector<1x16xf32>,
    %swap3A_93 = vector.shape_cast %swap3A_92 : vector<1x16xf32> to vector<16xf32>
    %swap3A_94 = vector.shape_cast %broadcast_in_dim3A_88 : vector<16xf32> to vector<1x16xf32>
    tpu.vector_store %arg9[%swap3A_90, %swap3A_91], %swap3A_94 {strides = array<i32>} : memref<32x128xf32, #tpu.memory_space<vmem>>, vector<1x16xf32>,
    %broadcast_in_dim3A_95 = arith.constant 0.000000e+00 : f32
    %broadcast_in_dim3A_96 = vector.broadcast %broadcast_in_dim3A_95 : f32 to vector<16xf32>
    %swap3A_97 = arith.constant 1 : i32
    %swap3A_98 = arith.index_cast %swap3A_97 : i32 to index
    %swap3A_99 = arith.constant 64 : index
    %swap3A_100 = tpu.vector_load %arg9[%swap3A_98, %swap3A_99] {strides = array<i32>} : memref<32x128xf32, #tpu.memory_space<vmem>>, vector<1x16xf32>,
    %swap3A_101 = vector.shape_cast %swap3A_100 : vector<1x16xf32> to vector<16xf32>
    %swap3A_102 = vector.shape_cast %broadcast_in_dim3A_96 : vector<16xf32> to vector<1x16xf32>
    tpu.vector_store %arg9[%swap3A_98, %swap3A_99], %swap3A_102 {strides = array<i32>} : memref<32x128xf32, #tpu.memory_space<vmem>>, vector<1x16xf32>,
    %broadcast_in_dim3A_103 = arith.constant 0.000000e+00 : f32
    %broadcast_in_dim3A_104 = vector.broadcast %broadcast_in_dim3A_103 : f32 to vector<16xf32>
    %swap3A_105 = arith.constant 1 : i32
    %swap3A_106 = arith.index_cast %swap3A_105 : i32 to index
    %swap3A_107 = arith.constant 80 : index
    %swap3A_108 = tpu.vector_load %arg9[%swap3A_106, %swap3A_107] {strides = array<i32>} : memref<32x128xf32, #tpu.memory_space<vmem>>, vector<1x16xf32>,
    %swap3A_109 = vector.shape_cast %swap3A_108 : vector<1x16xf32> to vector<16xf32>
    %swap3A_110 = vector.shape_cast %broadcast_in_dim3A_104 : vector<16xf32> to vector<1x16xf32>
    tpu.vector_store %arg9[%swap3A_106, %swap3A_107], %swap3A_110 {strides = array<i32>} : memref<32x128xf32, #tpu.memory_space<vmem>>, vector<1x16xf32>,
    %broadcast_in_dim3A_111 = arith.constant 0.000000e+00 : f32
    %broadcast_in_dim3A_112 = vector.broadcast %broadcast_in_dim3A_111 : f32 to vector<16xf32>
    %swap3A_113 = arith.constant 1 : i32
    %swap3A_114 = arith.index_cast %swap3A_113 : i32 to index
    %swap3A_115 = arith.constant 96 : index
    %swap3A_116 = tpu.vector_load %arg9[%swap3A_114, %swap3A_115] {strides = array<i32>} : memref<32x128xf32, #tpu.memory_space<vmem>>, vector<1x16xf32>,
    %swap3A_117 = vector.shape_cast %swap3A_116 : vector<1x16xf32> to vector<16xf32>
    %swap3A_118 = vector.shape_cast %broadcast_in_dim3A_112 : vector<16xf32> to vector<1x16xf32>
    tpu.vector_store %arg9[%swap3A_114, %swap3A_115], %swap3A_118 {strides = array<i32>} : memref<32x128xf32, #tpu.memory_space<vmem>>, vector<1x16xf32>,
    %broadcast_in_dim3A_119 = arith.constant 0.000000e+00 : f32
    %broadcast_in_dim3A_120 = vector.broadcast %broadcast_in_dim3A_119 : f32 to vector<16xf32>
    %swap3A_121 = arith.constant 1 : i32
    %swap3A_122 = arith.index_cast %swap3A_121 : i32 to index
    %swap3A_123 = arith.constant 112 : index
    %swap3A_124 = tpu.vector_load %arg9[%swap3A_122, %swap3A_123] {strides = array<i32>} : memref<32x128xf32, #tpu.memory_space<vmem>>, vector<1x16xf32>,
    %swap3A_125 = vector.shape_cast %swap3A_124 : vector<1x16xf32> to vector<16xf32>
    %swap3A_126 = vector.shape_cast %broadcast_in_dim3A_120 : vector<16xf32> to vector<1x16xf32>
    tpu.vector_store %arg9[%swap3A_122, %swap3A_123], %swap3A_126 {strides = array<i32>} : memref<32x128xf32, #tpu.memory_space<vmem>>, vector<1x16xf32>,
    %broadcast_in_dim3A_127 = arith.constant 0.000000e+00 : f32
    %broadcast_in_dim3A_128 = vector.broadcast %broadcast_in_dim3A_127 : f32 to vector<16xf32>
    %swap3A_129 = arith.constant 2 : i32
    %swap3A_130 = arith.index_cast %swap3A_129 : i32 to index
    %swap3A_131 = arith.constant 0 : index
    %swap3A_132 = tpu.vector_load %arg9[%swap3A_130, %swap3A_131] {strides = array<i32>} : memref<32x128xf32, #tpu.memory_space<vmem>>, vector<1x16xf32>,
    %swap3A_133 = vector.shape_cast %swap3A_132 : vector<1x16xf32> to vector<16xf32>
    %swap3A_134 = vector.shape_cast %broadcast_in_dim3A_128 : vector<16xf32> to vector<1x16xf32>
    tpu.vector_store %arg9[%swap3A_130, %swap3A_131], %swap3A_134 {strides = array<i32>} : memref<32x128xf32, #tpu.memory_space<vmem>>, vector<1x16xf32>,
    %broadcast_in_dim3A_135 = arith.constant 0.000000e+00 : f32
    %broadcast_in_dim3A_136 = vector.broadcast %broadcast_in_dim3A_135 : f32 to vector<16xf32>
    %swap3A_137 = arith.constant 2 : i32
    %swap3A_138 = arith.index_cast %swap3A_137 : i32 to index
    %swap3A_139 = arith.constant 16 : index
    %swap3A_140 = tpu.vector_load %arg9[%swap3A_138, %swap3A_139] {strides = array<i32>} : memref<32x128xf32, #tpu.memory_space<vmem>>, vector<1x16xf32>,
    %swap3A_141 = vector.shape_cast %swap3A_140 : vector<1x16xf32> to vector<16xf32>
    %swap3A_142 = vector.shape_cast %broadcast_in_dim3A_136 : vector<16xf32> to vector<1x16xf32>
    tpu.vector_store %arg9[%swap3A_138, %swap3A_139], %swap3A_142 {strides = array<i32>} : memref<32x128xf32, #tpu.memory_space<vmem>>, vector<1x16xf32>,
    %broadcast_in_dim3A_143 = arith.constant 0.000000e+00 : f32
    %broadcast_in_dim3A_144 = vector.broadcast %broadcast_in_dim3A_143 : f32 to vector<16xf32>
    %swap3A_145 = arith.constant 2 : i32
    %swap3A_146 = arith.index_cast %swap3A_145 : i32 to index
    %swap3A_147 = arith.constant 32 : index
    %swap3A_148 = tpu.vector_load %arg9[%swap3A_146, %swap3A_147] {strides = array<i32>} : memref<32x128xf32, #tpu.memory_space<vmem>>, vector<1x16xf32>,
    %swap3A_149 = vector.shape_cast %swap3A_148 : vector<1x16xf32> to vector<16xf32>
    %swap3A_150 = vector.shape_cast %broadcast_in_dim3A_144 : vector<16xf32> to vector<1x16xf32>
    tpu.vector_store %arg9[%swap3A_146, %swap3A_147], %swap3A_150 {strides = array<i32>} : memref<32x128xf32, #tpu.memory_space<vmem>>, vector<1x16xf32>,
    %broadcast_in_dim3A_151 = arith.constant 0.000000e+00 : f32
    %broadcast_in_dim3A_152 = vector.broadcast %broadcast_in_dim3A_151 : f32 to vector<16xf32>
    %swap3A_153 = arith.constant 2 : i32
    %swap3A_154 = arith.index_cast %swap3A_153 : i32 to index
    %swap3A_155 = arith.constant 48 : index
    %swap3A_156 = tpu.vector_load %arg9[%swap3A_154, %swap3A_155] {strides = array<i32>} : memref<32x128xf32, #tpu.memory_space<vmem>>, vector<1x16xf32>,
    %swap3A_157 = vector.shape_cast %swap3A_156 : vector<1x16xf32> to vector<16xf32>
    %swap3A_158 = vector.shape_cast %broadcast_in_dim3A_152 : vector<16xf32> to vector<1x16xf32>
    tpu.vector_store %arg9[%swap3A_154, %swap3A_155], %swap3A_158 {strides = array<i32>} : memref<32x128xf32, #tpu.memory_space<vmem>>, vector<1x16xf32>,
    %broadcast_in_dim3A_159 = arith.constant 0.000000e+00 : f32
    %broadcast_in_dim3A_160 = vector.broadcast %broadcast_in_dim3A_159 : f32 to vector<16xf32>
    %swap3A_161 = arith.constant 2 : i32
    %swap3A_162 = arith.index_cast %swap3A_161 : i32 to index
    %swap3A_163 = arith.constant 64 : index
    %swap3A_164 = tpu.vector_load %arg9[%swap3A_162, %swap3A_163] {strides = array<i32>} : memref<32x128xf32, #tpu.memory_space<vmem>>, vector<1x16xf32>,
    %swap3A_165 = vector.shape_cast %swap3A_164 : vector<1x16xf32> to vector<16xf32>
    %swap3A_166 = vector.shape_cast %broadcast_in_dim3A_160 : vector<16xf32> to vector<1x16xf32>
    tpu.vector_store %arg9[%swap3A_162, %swap3A_163], %swap3A_166 {strides = array<i32>} : memref<32x128xf32, #tpu.memory_space<vmem>>, vector<1x16xf32>,
    %broadcast_in_dim3A_167 = arith.constant 0.000000e+00 : f32
    %broadcast_in_dim3A_168 = vector.broadcast %broadcast_in_dim3A_167 : f32 to vector<16xf32>
    %swap3A_169 = arith.constant 2 : i32
    %swap3A_170 = arith.index_cast %swap3A_169 : i32 to index
    %swap3A_171 = arith.constant 80 : index
    %swap3A_172 = tpu.vector_load %arg9[%swap3A_170, %swap3A_171] {strides = array<i32>} : memref<32x128xf32, #tpu.memory_space<vmem>>, vector<1x16xf32>,
    %swap3A_173 = vector.shape_cast %swap3A_172 : vector<1x16xf32> to vector<16xf32>
    %swap3A_174 = vector.shape_cast %broadcast_in_dim3A_168 : vector<16xf32> to vector<1x16xf32>
    tpu.vector_store %arg9[%swap3A_170, %swap3A_171], %swap3A_174 {strides = array<i32>} : memref<32x128xf32, #tpu.memory_space<vmem>>, vector<1x16xf32>,
    %broadcast_in_dim3A_175 = arith.constant 0.000000e+00 : f32
    %broadcast_in_dim3A_176 = vector.broadcast %broadcast_in_dim3A_175 : f32 to vector<16xf32>
    %swap3A_177 = arith.constant 2 : i32
    %swap3A_178 = arith.index_cast %swap3A_177 : i32 to index
    %swap3A_179 = arith.constant 96 : index
    %swap3A_180 = tpu.vector_load %arg9[%swap3A_178, %swap3A_179] {strides = array<i32>} : memref<32x128xf32, #tpu.memory_space<vmem>>, vector<1x16xf32>,
    %swap3A_181 = vector.shape_cast %swap3A_180 : vector<1x16xf32> to vector<16xf32>
    %swap3A_182 = vector.shape_cast %broadcast_in_dim3A_176 : vector<16xf32> to vector<1x16xf32>
    tpu.vector_store %arg9[%swap3A_178, %swap3A_179], %swap3A_182 {strides = array<i32>} : memref<32x128xf32, #tpu.memory_space<vmem>>, vector<1x16xf32>,
    %broadcast_in_dim3A_183 = arith.constant 0.000000e+00 : f32
    %broadcast_in_dim3A_184 = vector.broadcast %broadcast_in_dim3A_183 : f32 to vector<16xf32>
    %swap3A_185 = arith.constant 2 : i32
    %swap3A_186 = arith.index_cast %swap3A_185 : i32 to index
    %swap3A_187 = arith.constant 112 : index
    %swap3A_188 = tpu.vector_load %arg9[%swap3A_186, %swap3A_187] {strides = array<i32>} : memref<32x128xf32, #tpu.memory_space<vmem>>, vector<1x16xf32>,
    %swap3A_189 = vector.shape_cast %swap3A_188 : vector<1x16xf32> to vector<16xf32>
    %swap3A_190 = vector.shape_cast %broadcast_in_dim3A_184 : vector<16xf32> to vector<1x16xf32>
    tpu.vector_store %arg9[%swap3A_186, %swap3A_187], %swap3A_190 {strides = array<i32>} : memref<32x128xf32, #tpu.memory_space<vmem>>, vector<1x16xf32>,
    %broadcast_in_dim3A_191 = arith.constant 0.000000e+00 : f32
    %broadcast_in_dim3A_192 = vector.broadcast %broadcast_in_dim3A_191 : f32 to vector<16xf32>
    %swap3A_193 = arith.constant 3 : i32
    %swap3A_194 = arith.index_cast %swap3A_193 : i32 to index
    %swap3A_195 = arith.constant 0 : index
    %swap3A_196 = tpu.vector_load %arg9[%swap3A_194, %swap3A_195] {strides = array<i32>} : memref<32x128xf32, #tpu.memory_space<vmem>>, vector<1x16xf32>,
    %swap3A_197 = vector.shape_cast %swap3A_196 : vector<1x16xf32> to vector<16xf32>
    %swap3A_198 = vector.shape_cast %broadcast_in_dim3A_192 : vector<16xf32> to vector<1x16xf32>
    tpu.vector_store %arg9[%swap3A_194, %swap3A_195], %swap3A_198 {strides = array<i32>} : memref<32x128xf32, #tpu.memory_space<vmem>>, vector<1x16xf32>,
    %broadcast_in_dim3A_199 = arith.constant 0.000000e+00 : f32
    %broadcast_in_dim3A_200 = vector.broadcast %broadcast_in_dim3A_199 : f32 to vector<16xf32>
    %swap3A_201 = arith.constant 3 : i32
    %swap3A_202 = arith.index_cast %swap3A_201 : i32 to index
    %swap3A_203 = arith.constant 16 : index
    %swap3A_204 = tpu.vector_load %arg9[%swap3A_202, %swap3A_203] {strides = array<i32>} : memref<32x128xf32, #tpu.memory_space<vmem>>, vector<1x16xf32>,
    %swap3A_205 = vector.shape_cast %swap3A_204 : vector<1x16xf32> to vector<16xf32>
    %swap3A_206 = vector.shape_cast %broadcast_in_dim3A_200 : vector<16xf32> to vector<1x16xf32>
    tpu.vector_store %arg9[%swap3A_202, %swap3A_203], %swap3A_206 {strides = array<i32>} : memref<32x128xf32, #tpu.memory_space<vmem>>, vector<1x16xf32>,
    %broadcast_in_dim3A_207 = arith.constant 0.000000e+00 : f32
    %broadcast_in_dim3A_208 = vector.broadcast %broadcast_in_dim3A_207 : f32 to vector<16xf32>
    %swap3A_209 = arith.constant 3 : i32
    %swap3A_210 = arith.index_cast %swap3A_209 : i32 to index
    %swap3A_211 = arith.constant 32 : index
    %swap3A_212 = tpu.vector_load %arg9[%swap3A_210, %swap3A_211] {strides = array<i32>} : memref<32x128xf32, #tpu.memory_space<vmem>>, vector<1x16xf32>,
    %swap3A_213 = vector.shape_cast %swap3A_212 : vector<1x16xf32> to vector<16xf32>
    %swap3A_214 = vector.shape_cast %broadcast_in_dim3A_208 : vector<16xf32> to vector<1x16xf32>
    tpu.vector_store %arg9[%swap3A_210, %swap3A_211], %swap3A_214 {strides = array<i32>} : memref<32x128xf32, #tpu.memory_space<vmem>>, vector<1x16xf32>,
    %broadcast_in_dim3A_215 = arith.constant 0.000000e+00 : f32
    %broadcast_in_dim3A_216 = vector.broadcast %broadcast_in_dim3A_215 : f32 to vector<16xf32>
    %swap3A_217 = arith.constant 3 : i32
    %swap3A_218 = arith.index_cast %swap3A_217 : i32 to index
    %swap3A_219 = arith.constant 48 : index
    %swap3A_220 = tpu.vector_load %arg9[%swap3A_218, %swap3A_219] {strides = array<i32>} : memref<32x128xf32, #tpu.memory_space<vmem>>, vector<1x16xf32>,
    %swap3A_221 = vector.shape_cast %swap3A_220 : vector<1x16xf32> to vector<16xf32>
    %swap3A_222 = vector.shape_cast %broadcast_in_dim3A_216 : vector<16xf32> to vector<1x16xf32>
    tpu.vector_store %arg9[%swap3A_218, %swap3A_219], %swap3A_222 {strides = array<i32>} : memref<32x128xf32, #tpu.memory_space<vmem>>, vector<1x16xf32>,
    %broadcast_in_dim3A_223 = arith.constant 0.000000e+00 : f32
    %broadcast_in_dim3A_224 = vector.broadcast %broadcast_in_dim3A_223 : f32 to vector<16xf32>
    %swap3A_225 = arith.constant 3 : i32
    %swap3A_226 = arith.index_cast %swap3A_225 : i32 to index
    %swap3A_227 = arith.constant 64 : index
    %swap3A_228 = tpu.vector_load %arg9[%swap3A_226, %swap3A_227] {strides = array<i32>} : memref<32x128xf32, #tpu.memory_space<vmem>>, vector<1x16xf32>,
    %swap3A_229 = vector.shape_cast %swap3A_228 : vector<1x16xf32> to vector<16xf32>
    %swap3A_230 = vector.shape_cast %broadcast_in_dim3A_224 : vector<16xf32> to vector<1x16xf32>
    tpu.vector_store %arg9[%swap3A_226, %swap3A_227], %swap3A_230 {strides = array<i32>} : memref<32x128xf32, #tpu.memory_space<vmem>>, vector<1x16xf32>,
    %broadcast_in_dim3A_231 = arith.constant 0.000000e+00 : f32
    %broadcast_in_dim3A_232 = vector.broadcast %broadcast_in_dim3A_231 : f32 to vector<16xf32>
    %swap3A_233 = arith.constant 3 : i32
    %swap3A_234 = arith.index_cast %swap3A_233 : i32 to index
    %swap3A_235 = arith.constant 80 : index
    %swap3A_236 = tpu.vector_load %arg9[%swap3A_234, %swap3A_235] {strides = array<i32>} : memref<32x128xf32, #tpu.memory_space<vmem>>, vector<1x16xf32>,
    %swap3A_237 = vector.shape_cast %swap3A_236 : vector<1x16xf32> to vector<16xf32>
    %swap3A_238 = vector.shape_cast %broadcast_in_dim3A_232 : vector<16xf32> to vector<1x16xf32>
    tpu.vector_store %arg9[%swap3A_234, %swap3A_235], %swap3A_238 {strides = array<i32>} : memref<32x128xf32, #tpu.memory_space<vmem>>, vector<1x16xf32>,
    %broadcast_in_dim3A_239 = arith.constant 0.000000e+00 : f32
    %broadcast_in_dim3A_240 = vector.broadcast %broadcast_in_dim3A_239 : f32 to vector<16xf32>
    %swap3A_241 = arith.constant 3 : i32
    %swap3A_242 = arith.index_cast %swap3A_241 : i32 to index
    %swap3A_243 = arith.constant 96 : index
    %swap3A_244 = tpu.vector_load %arg9[%swap3A_242, %swap3A_243] {strides = array<i32>} : memref<32x128xf32, #tpu.memory_space<vmem>>, vector<1x16xf32>,
    %swap3A_245 = vector.shape_cast %swap3A_244 : vector<1x16xf32> to vector<16xf32>
    %swap3A_246 = vector.shape_cast %broadcast_in_dim3A_240 : vector<16xf32> to vector<1x16xf32>
    tpu.vector_store %arg9[%swap3A_242, %swap3A_243], %swap3A_246 {strides = array<i32>} : memref<32x128xf32, #tpu.memory_space<vmem>>, vector<1x16xf32>,
    %broadcast_in_dim3A_247 = arith.constant 0.000000e+00 : f32
    %broadcast_in_dim3A_248 = vector.broadcast %broadcast_in_dim3A_247 : f32 to vector<16xf32>
    %swap3A_249 = arith.constant 3 : i32
    %swap3A_250 = arith.index_cast %swap3A_249 : i32 to index
    %swap3A_251 = arith.constant 112 : index
    %swap3A_252 = tpu.vector_load %arg9[%swap3A_250, %swap3A_251] {strides = array<i32>} : memref<32x128xf32, #tpu.memory_space<vmem>>, vector<1x16xf32>,
    %swap3A_253 = vector.shape_cast %swap3A_252 : vector<1x16xf32> to vector<16xf32>
    %swap3A_254 = vector.shape_cast %broadcast_in_dim3A_248 : vector<16xf32> to vector<1x16xf32>
    tpu.vector_store %arg9[%swap3A_250, %swap3A_251], %swap3A_254 {strides = array<i32>} : memref<32x128xf32, #tpu.memory_space<vmem>>, vector<1x16xf32>,
    %broadcast_in_dim3A_255 = arith.constant 0.000000e+00 : f32
    %broadcast_in_dim3A_256 = vector.broadcast %broadcast_in_dim3A_255 : f32 to vector<16xf32>
    %swap3A_257 = arith.constant 4 : i32
    %swap3A_258 = arith.index_cast %swap3A_257 : i32 to index
    %swap3A_259 = arith.constant 0 : index
    %swap3A_260 = tpu.vector_load %arg9[%swap3A_258, %swap3A_259] {strides = array<i32>} : memref<32x128xf32, #tpu.memory_space<vmem>>, vector<1x16xf32>,
    %swap3A_261 = vector.shape_cast %swap3A_260 : vector<1x16xf32> to vector<16xf32>
    %swap3A_262 = vector.shape_cast %broadcast_in_dim3A_256 : vector<16xf32> to vector<1x16xf32>
    tpu.vector_store %arg9[%swap3A_258, %swap3A_259], %swap3A_262 {strides = array<i32>} : memref<32x128xf32, #tpu.memory_space<vmem>>, vector<1x16xf32>,
    %broadcast_in_dim3A_263 = arith.constant 0.000000e+00 : f32
    %broadcast_in_dim3A_264 = vector.broadcast %broadcast_in_dim3A_263 : f32 to vector<16xf32>
    %swap3A_265 = arith.constant 4 : i32
    %swap3A_266 = arith.index_cast %swap3A_265 : i32 to index
    %swap3A_267 = arith.constant 16 : index
    %swap3A_268 = tpu.vector_load %arg9[%swap3A_266, %swap3A_267] {strides = array<i32>} : memref<32x128xf32, #tpu.memory_space<vmem>>, vector<1x16xf32>,
    %swap3A_269 = vector.shape_cast %swap3A_268 : vector<1x16xf32> to vector<16xf32>
    %swap3A_270 = vector.shape_cast %broadcast_in_dim3A_264 : vector<16xf32> to vector<1x16xf32>
    tpu.vector_store %arg9[%swap3A_266, %swap3A_267], %swap3A_270 {strides = array<i32>} : memref<32x128xf32, #tpu.memory_space<vmem>>, vector<1x16xf32>,
    %broadcast_in_dim3A_271 = arith.constant 0.000000e+00 : f32
    %broadcast_in_dim3A_272 = vector.broadcast %broadcast_in_dim3A_271 : f32 to vector<16xf32>
    %swap3A_273 = arith.constant 4 : i32
    %swap3A_274 = arith.index_cast %swap3A_273 : i32 to index
    %swap3A_275 = arith.constant 32 : index
    %swap3A_276 = tpu.vector_load %arg9[%swap3A_274, %swap3A_275] {strides = array<i32>} : memref<32x128xf32, #tpu.memory_space<vmem>>, vector<1x16xf32>,
    %swap3A_277 = vector.shape_cast %swap3A_276 : vector<1x16xf32> to vector<16xf32>
    %swap3A_278 = vector.shape_cast %broadcast_in_dim3A_272 : vector<16xf32> to vector<1x16xf32>
    tpu.vector_store %arg9[%swap3A_274, %swap3A_275], %swap3A_278 {strides = array<i32>} : memref<32x128xf32, #tpu.memory_space<vmem>>, vector<1x16xf32>,
    %broadcast_in_dim3A_279 = arith.constant 0.000000e+00 : f32
    %broadcast_in_dim3A_280 = vector.broadcast %broadcast_in_dim3A_279 : f32 to vector<16xf32>
    %swap3A_281 = arith.constant 4 : i32
    %swap3A_282 = arith.index_cast %swap3A_281 : i32 to index
    %swap3A_283 = arith.constant 48 : index
    %swap3A_284 = tpu.vector_load %arg9[%swap3A_282, %swap3A_283] {strides = array<i32>} : memref<32x128xf32, #tpu.memory_space<vmem>>, vector<1x16xf32>,
    %swap3A_285 = vector.shape_cast %swap3A_284 : vector<1x16xf32> to vector<16xf32>
    %swap3A_286 = vector.shape_cast %broadcast_in_dim3A_280 : vector<16xf32> to vector<1x16xf32>
    tpu.vector_store %arg9[%swap3A_282, %swap3A_283], %swap3A_286 {strides = array<i32>} : memref<32x128xf32, #tpu.memory_space<vmem>>, vector<1x16xf32>,
    %broadcast_in_dim3A_287 = arith.constant 0.000000e+00 : f32
    %broadcast_in_dim3A_288 = vector.broadcast %broadcast_in_dim3A_287 : f32 to vector<16xf32>
    %swap3A_289 = arith.constant 4 : i32
    %swap3A_290 = arith.index_cast %swap3A_289 : i32 to index
    %swap3A_291 = arith.constant 64 : index
    %swap3A_292 = tpu.vector_load %arg9[%swap3A_290, %swap3A_291] {strides = array<i32>} : memref<32x128xf32, #tpu.memory_space<vmem>>, vector<1x16xf32>,
    %swap3A_293 = vector.shape_cast %swap3A_292 : vector<1x16xf32> to vector<16xf32>
    %swap3A_294 = vector.shape_cast %broadcast_in_dim3A_288 : vector<16xf32> to vector<1x16xf32>
    tpu.vector_store %arg9[%swap3A_290, %swap3A_291], %swap3A_294 {strides = array<i32>} : memref<32x128xf32, #tpu.memory_space<vmem>>, vector<1x16xf32>,
    %broadcast_in_dim3A_295 = arith.constant 0.000000e+00 : f32
    %broadcast_in_dim3A_296 = vector.broadcast %broadcast_in_dim3A_295 : f32 to vector<16xf32>
    %swap3A_297 = arith.constant 4 : i32
    %swap3A_298 = arith.index_cast %swap3A_297 : i32 to index
    %swap3A_299 = arith.constant 80 : index
    %swap3A_300 = tpu.vector_load %arg9[%swap3A_298, %swap3A_299] {strides = array<i32>} : memref<32x128xf32, #tpu.memory_space<vmem>>, vector<1x16xf32>,
    %swap3A_301 = vector.shape_cast %swap3A_300 : vector<1x16xf32> to vector<16xf32>
    %swap3A_302 = vector.shape_cast %broadcast_in_dim3A_296 : vector<16xf32> to vector<1x16xf32>
    tpu.vector_store %arg9[%swap3A_298, %swap3A_299], %swap3A_302 {strides = array<i32>} : memref<32x128xf32, #tpu.memory_space<vmem>>, vector<1x16xf32>,
    %broadcast_in_dim3A_303 = arith.constant 0.000000e+00 : f32
    %broadcast_in_dim3A_304 = vector.broadcast %broadcast_in_dim3A_303 : f32 to vector<16xf32>
    %swap3A_305 = arith.constant 4 : i32
    %swap3A_306 = arith.index_cast %swap3A_305 : i32 to index
    %swap3A_307 = arith.constant 96 : index
    %swap3A_308 = tpu.vector_load %arg9[%swap3A_306, %swap3A_307] {strides = array<i32>} : memref<32x128xf32, #tpu.memory_space<vmem>>, vector<1x16xf32>,
    %swap3A_309 = vector.shape_cast %swap3A_308 : vector<1x16xf32> to vector<16xf32>
    %swap3A_310 = vector.shape_cast %broadcast_in_dim3A_304 : vector<16xf32> to vector<1x16xf32>
    tpu.vector_store %arg9[%swap3A_306, %swap3A_307], %swap3A_310 {strides = array<i32>} : memref<32x128xf32, #tpu.memory_space<vmem>>, vector<1x16xf32>,
    %broadcast_in_dim3A_311 = arith.constant 0.000000e+00 : f32
    %broadcast_in_dim3A_312 = vector.broadcast %broadcast_in_dim3A_311 : f32 to vector<16xf32>
    %swap3A_313 = arith.constant 4 : i32
    %swap3A_314 = arith.index_cast %swap3A_313 : i32 to index
    %swap3A_315 = arith.constant 112 : index
    %swap3A_316 = tpu.vector_load %arg9[%swap3A_314, %swap3A_315] {strides = array<i32>} : memref<32x128xf32, #tpu.memory_space<vmem>>, vector<1x16xf32>,
    %swap3A_317 = vector.shape_cast %swap3A_316 : vector<1x16xf32> to vector<16xf32>
    %swap3A_318 = vector.shape_cast %broadcast_in_dim3A_312 : vector<16xf32> to vector<1x16xf32>
    tpu.vector_store %arg9[%swap3A_314, %swap3A_315], %swap3A_318 {strides = array<i32>} : memref<32x128xf32, #tpu.memory_space<vmem>>, vector<1x16xf32>,
    %broadcast_in_dim3A_319 = arith.constant 0.000000e+00 : f32
    %broadcast_in_dim3A_320 = vector.broadcast %broadcast_in_dim3A_319 : f32 to vector<16xf32>
    %swap3A_321 = arith.constant 5 : i32
    %swap3A_322 = arith.index_cast %swap3A_321 : i32 to index
    %swap3A_323 = arith.constant 0 : index
    %swap3A_324 = tpu.vector_load %arg9[%swap3A_322, %swap3A_323] {strides = array<i32>} : memref<32x128xf32, #tpu.memory_space<vmem>>, vector<1x16xf32>,
    %swap3A_325 = vector.shape_cast %swap3A_324 : vector<1x16xf32> to vector<16xf32>
    %swap3A_326 = vector.shape_cast %broadcast_in_dim3A_320 : vector<16xf32> to vector<1x16xf32>
    tpu.vector_store %arg9[%swap3A_322, %swap3A_323], %swap3A_326 {strides = array<i32>} : memref<32x128xf32, #tpu.memory_space<vmem>>, vector<1x16xf32>,
    %broadcast_in_dim3A_327 = arith.constant 0.000000e+00 : f32
    %broadcast_in_dim3A_328 = vector.broadcast %broadcast_in_dim3A_327 : f32 to vector<16xf32>
    %swap3A_329 = arith.constant 5 : i32
    %swap3A_330 = arith.index_cast %swap3A_329 : i32 to index
    %swap3A_331 = arith.constant 16 : index
    %swap3A_332 = tpu.vector_load %arg9[%swap3A_330, %swap3A_331] {strides = array<i32>} : memref<32x128xf32, #tpu.memory_space<vmem>>, vector<1x16xf32>,
    %swap3A_333 = vector.shape_cast %swap3A_332 : vector<1x16xf32> to vector<16xf32>
    %swap3A_334 = vector.shape_cast %broadcast_in_dim3A_328 : vector<16xf32> to vector<1x16xf32>
    tpu.vector_store %arg9[%swap3A_330, %swap3A_331], %swap3A_334 {strides = array<i32>} : memref<32x128xf32, #tpu.memory_space<vmem>>, vector<1x16xf32>,
    %broadcast_in_dim3A_335 = arith.constant 0.000000e+00 : f32
    %broadcast_in_dim3A_336 = vector.broadcast %broadcast_in_dim3A_335 : f32 to vector<16xf32>
    %swap3A_337 = arith.constant 5 : i32
    %swap3A_338 = arith.index_cast %swap3A_337 : i32 to index
    %swap3A_339 = arith.constant 32 : index
    %swap3A_340 = tpu.vector_load %arg9[%swap3A_338, %swap3A_339] {strides = array<i32>} : memref<32x128xf32, #tpu.memory_space<vmem>>, vector<1x16xf32>,
    %swap3A_341 = vector.shape_cast %swap3A_340 : vector<1x16xf32> to vector<16xf32>
    %swap3A_342 = vector.shape_cast %broadcast_in_dim3A_336 : vector<16xf32> to vector<1x16xf32>
    tpu.vector_store %arg9[%swap3A_338, %swap3A_339], %swap3A_342 {strides = array<i32>} : memref<32x128xf32, #tpu.memory_space<vmem>>, vector<1x16xf32>,
    %broadcast_in_dim3A_343 = arith.constant 0.000000e+00 : f32
    %broadcast_in_dim3A_344 = vector.broadcast %broadcast_in_dim3A_343 : f32 to vector<16xf32>
    %swap3A_345 = arith.constant 5 : i32
    %swap3A_346 = arith.index_cast %swap3A_345 : i32 to index
    %swap3A_347 = arith.constant 48 : index
    %swap3A_348 = tpu.vector_load %arg9[%swap3A_346, %swap3A_347] {strides = array<i32>} : memref<32x128xf32, #tpu.memory_space<vmem>>, vector<1x16xf32>,
    %swap3A_349 = vector.shape_cast %swap3A_348 : vector<1x16xf32> to vector<16xf32>
    %swap3A_350 = vector.shape_cast %broadcast_in_dim3A_344 : vector<16xf32> to vector<1x16xf32>
    tpu.vector_store %arg9[%swap3A_346, %swap3A_347], %swap3A_350 {strides = array<i32>} : memref<32x128xf32, #tpu.memory_space<vmem>>, vector<1x16xf32>,
    %broadcast_in_dim3A_351 = arith.constant 0.000000e+00 : f32
    %broadcast_in_dim3A_352 = vector.broadcast %broadcast_in_dim3A_351 : f32 to vector<16xf32>
    %swap3A_353 = arith.constant 5 : i32
    %swap3A_354 = arith.index_cast %swap3A_353 : i32 to index
    %swap3A_355 = arith.constant 64 : index
    %swap3A_356 = tpu.vector_load %arg9[%swap3A_354, %swap3A_355] {strides = array<i32>} : memref<32x128xf32, #tpu.memory_space<vmem>>, vector<1x16xf32>,
    %swap3A_357 = vector.shape_cast %swap3A_356 : vector<1x16xf32> to vector<16xf32>
    %swap3A_358 = vector.shape_cast %broadcast_in_dim3A_352 : vector<16xf32> to vector<1x16xf32>
    tpu.vector_store %arg9[%swap3A_354, %swap3A_355], %swap3A_358 {strides = array<i32>} : memref<32x128xf32, #tpu.memory_space<vmem>>, vector<1x16xf32>,
    %broadcast_in_dim3A_359 = arith.constant 0.000000e+00 : f32
    %broadcast_in_dim3A_360 = vector.broadcast %broadcast_in_dim3A_359 : f32 to vector<16xf32>
    %swap3A_361 = arith.constant 5 : i32
    %swap3A_362 = arith.index_cast %swap3A_361 : i32 to index
    %swap3A_363 = arith.constant 80 : index
    %swap3A_364 = tpu.vector_load %arg9[%swap3A_362, %swap3A_363] {strides = array<i32>} : memref<32x128xf32, #tpu.memory_space<vmem>>, vector<1x16xf32>,
    %swap3A_365 = vector.shape_cast %swap3A_364 : vector<1x16xf32> to vector<16xf32>
    %swap3A_366 = vector.shape_cast %broadcast_in_dim3A_360 : vector<16xf32> to vector<1x16xf32>
    tpu.vector_store %arg9[%swap3A_362, %swap3A_363], %swap3A_366 {strides = array<i32>} : memref<32x128xf32, #tpu.memory_space<vmem>>, vector<1x16xf32>,
    %broadcast_in_dim3A_367 = arith.constant 0.000000e+00 : f32
    %broadcast_in_dim3A_368 = vector.broadcast %broadcast_in_dim3A_367 : f32 to vector<16xf32>
    %swap3A_369 = arith.constant 5 : i32
    %swap3A_370 = arith.index_cast %swap3A_369 : i32 to index
    %swap3A_371 = arith.constant 96 : index
    %swap3A_372 = tpu.vector_load %arg9[%swap3A_370, %swap3A_371] {strides = array<i32>} : memref<32x128xf32, #tpu.memory_space<vmem>>, vector<1x16xf32>,
    %swap3A_373 = vector.shape_cast %swap3A_372 : vector<1x16xf32> to vector<16xf32>
    %swap3A_374 = vector.shape_cast %broadcast_in_dim3A_368 : vector<16xf32> to vector<1x16xf32>
    tpu.vector_store %arg9[%swap3A_370, %swap3A_371], %swap3A_374 {strides = array<i32>} : memref<32x128xf32, #tpu.memory_space<vmem>>, vector<1x16xf32>,
    %broadcast_in_dim3A_375 = arith.constant 0.000000e+00 : f32
    %broadcast_in_dim3A_376 = vector.broadcast %broadcast_in_dim3A_375 : f32 to vector<16xf32>
    %swap3A_377 = arith.constant 5 : i32
    %swap3A_378 = arith.index_cast %swap3A_377 : i32 to index
    %swap3A_379 = arith.constant 112 : index
    %swap3A_380 = tpu.vector_load %arg9[%swap3A_378, %swap3A_379] {strides = array<i32>} : memref<32x128xf32, #tpu.memory_space<vmem>>, vector<1x16xf32>,
    %swap3A_381 = vector.shape_cast %swap3A_380 : vector<1x16xf32> to vector<16xf32>
    %swap3A_382 = vector.shape_cast %broadcast_in_dim3A_376 : vector<16xf32> to vector<1x16xf32>
    tpu.vector_store %arg9[%swap3A_378, %swap3A_379], %swap3A_382 {strides = array<i32>} : memref<32x128xf32, #tpu.memory_space<vmem>>, vector<1x16xf32>,
    %broadcast_in_dim3A_383 = arith.constant 0.000000e+00 : f32
    %broadcast_in_dim3A_384 = vector.broadcast %broadcast_in_dim3A_383 : f32 to vector<16xf32>
    %swap3A_385 = arith.constant 6 : i32
    %swap3A_386 = arith.index_cast %swap3A_385 : i32 to index
    %swap3A_387 = arith.constant 0 : index
    %swap3A_388 = tpu.vector_load %arg9[%swap3A_386, %swap3A_387] {strides = array<i32>} : memref<32x128xf32, #tpu.memory_space<vmem>>, vector<1x16xf32>,
    %swap3A_389 = vector.shape_cast %swap3A_388 : vector<1x16xf32> to vector<16xf32>
    %swap3A_390 = vector.shape_cast %broadcast_in_dim3A_384 : vector<16xf32> to vector<1x16xf32>
    tpu.vector_store %arg9[%swap3A_386, %swap3A_387], %swap3A_390 {strides = array<i32>} : memref<32x128xf32, #tpu.memory_space<vmem>>, vector<1x16xf32>,
    %broadcast_in_dim3A_391 = arith.constant 0.000000e+00 : f32
    %broadcast_in_dim3A_392 = vector.broadcast %broadcast_in_dim3A_391 : f32 to vector<16xf32>
    %swap3A_393 = arith.constant 6 : i32
    %swap3A_394 = arith.index_cast %swap3A_393 : i32 to index
    %swap3A_395 = arith.constant 16 : index
    %swap3A_396 = tpu.vector_load %arg9[%swap3A_394, %swap3A_395] {strides = array<i32>} : memref<32x128xf32, #tpu.memory_space<vmem>>, vector<1x16xf32>,
    %swap3A_397 = vector.shape_cast %swap3A_396 : vector<1x16xf32> to vector<16xf32>
    %swap3A_398 = vector.shape_cast %broadcast_in_dim3A_392 : vector<16xf32> to vector<1x16xf32>
    tpu.vector_store %arg9[%swap3A_394, %swap3A_395], %swap3A_398 {strides = array<i32>} : memref<32x128xf32, #tpu.memory_space<vmem>>, vector<1x16xf32>,
    %broadcast_in_dim3A_399 = arith.constant 0.000000e+00 : f32
    %broadcast_in_dim3A_400 = vector.broadcast %broadcast_in_dim3A_399 : f32 to vector<16xf32>
    %swap3A_401 = arith.constant 6 : i32
    %swap3A_402 = arith.index_cast %swap3A_401 : i32 to index
    %swap3A_403 = arith.constant 32 : index
    %swap3A_404 = tpu.vector_load %arg9[%swap3A_402, %swap3A_403] {strides = array<i32>} : memref<32x128xf32, #tpu.memory_space<vmem>>, vector<1x16xf32>,
    %swap3A_405 = vector.shape_cast %swap3A_404 : vector<1x16xf32> to vector<16xf32>
    %swap3A_406 = vector.shape_cast %broadcast_in_dim3A_400 : vector<16xf32> to vector<1x16xf32>
    tpu.vector_store %arg9[%swap3A_402, %swap3A_403], %swap3A_406 {strides = array<i32>} : memref<32x128xf32, #tpu.memory_space<vmem>>, vector<1x16xf32>,
    %broadcast_in_dim3A_407 = arith.constant 0.000000e+00 : f32
    %broadcast_in_dim3A_408 = vector.broadcast %broadcast_in_dim3A_407 : f32 to vector<16xf32>
    %swap3A_409 = arith.constant 6 : i32
    %swap3A_410 = arith.index_cast %swap3A_409 : i32 to index
    %swap3A_411 = arith.constant 48 : index
    %swap3A_412 = tpu.vector_load %arg9[%swap3A_410, %swap3A_411] {strides = array<i32>} : memref<32x128xf32, #tpu.memory_space<vmem>>, vector<1x16xf32>,
    %swap3A_413 = vector.shape_cast %swap3A_412 : vector<1x16xf32> to vector<16xf32>
    %swap3A_414 = vector.shape_cast %broadcast_in_dim3A_408 : vector<16xf32> to vector<1x16xf32>
    tpu.vector_store %arg9[%swap3A_410, %swap3A_411], %swap3A_414 {strides = array<i32>} : memref<32x128xf32, #tpu.memory_space<vmem>>, vector<1x16xf32>,
    %broadcast_in_dim3A_415 = arith.constant 0.000000e+00 : f32
    %broadcast_in_dim3A_416 = vector.broadcast %broadcast_in_dim3A_415 : f32 to vector<16xf32>
    %swap3A_417 = arith.constant 6 : i32
    %swap3A_418 = arith.index_cast %swap3A_417 : i32 to index
    %swap3A_419 = arith.constant 64 : index
    %swap3A_420 = tpu.vector_load %arg9[%swap3A_418, %swap3A_419] {strides = array<i32>} : memref<32x128xf32, #tpu.memory_space<vmem>>, vector<1x16xf32>,
    %swap3A_421 = vector.shape_cast %swap3A_420 : vector<1x16xf32> to vector<16xf32>
    %swap3A_422 = vector.shape_cast %broadcast_in_dim3A_416 : vector<16xf32> to vector<1x16xf32>
    tpu.vector_store %arg9[%swap3A_418, %swap3A_419], %swap3A_422 {strides = array<i32>} : memref<32x128xf32, #tpu.memory_space<vmem>>, vector<1x16xf32>,
    %broadcast_in_dim3A_423 = arith.constant 0.000000e+00 : f32
    %broadcast_in_dim3A_424 = vector.broadcast %broadcast_in_dim3A_423 : f32 to vector<16xf32>
    %swap3A_425 = arith.constant 6 : i32
    %swap3A_426 = arith.index_cast %swap3A_425 : i32 to index
    %swap3A_427 = arith.constant 80 : index
    %swap3A_428 = tpu.vector_load %arg9[%swap3A_426, %swap3A_427] {strides = array<i32>} : memref<32x128xf32, #tpu.memory_space<vmem>>, vector<1x16xf32>,
    %swap3A_429 = vector.shape_cast %swap3A_428 : vector<1x16xf32> to vector<16xf32>
    %swap3A_430 = vector.shape_cast %broadcast_in_dim3A_424 : vector<16xf32> to vector<1x16xf32>
    tpu.vector_store %arg9[%swap3A_426, %swap3A_427], %swap3A_430 {strides = array<i32>} : memref<32x128xf32, #tpu.memory_space<vmem>>, vector<1x16xf32>,
    %broadcast_in_dim3A_431 = arith.constant 0.000000e+00 : f32
    %broadcast_in_dim3A_432 = vector.broadcast %broadcast_in_dim3A_431 : f32 to vector<16xf32>
    %swap3A_433 = arith.constant 6 : i32
    %swap3A_434 = arith.index_cast %swap3A_433 : i32 to index
    %swap3A_435 = arith.constant 96 : index
    %swap3A_436 = tpu.vector_load %arg9[%swap3A_434, %swap3A_435] {strides = array<i32>} : memref<32x128xf32, #tpu.memory_space<vmem>>, vector<1x16xf32>,
    %swap3A_437 = vector.shape_cast %swap3A_436 : vector<1x16xf32> to vector<16xf32>
    %swap3A_438 = vector.shape_cast %broadcast_in_dim3A_432 : vector<16xf32> to vector<1x16xf32>
    tpu.vector_store %arg9[%swap3A_434, %swap3A_435], %swap3A_438 {strides = array<i32>} : memref<32x128xf32, #tpu.memory_space<vmem>>, vector<1x16xf32>,
    %broadcast_in_dim3A_439 = arith.constant 0.000000e+00 : f32
    %broadcast_in_dim3A_440 = vector.broadcast %broadcast_in_dim3A_439 : f32 to vector<16xf32>
    %swap3A_441 = arith.constant 6 : i32
    %swap3A_442 = arith.index_cast %swap3A_441 : i32 to index
    %swap3A_443 = arith.constant 112 : index
    %swap3A_444 = tpu.vector_load %arg9[%swap3A_442, %swap3A_443] {strides = array<i32>} : memref<32x128xf32, #tpu.memory_space<vmem>>, vector<1x16xf32>,
    %swap3A_445 = vector.shape_cast %swap3A_444 : vector<1x16xf32> to vector<16xf32>
    %swap3A_446 = vector.shape_cast %broadcast_in_dim3A_440 : vector<16xf32> to vector<1x16xf32>
    tpu.vector_store %arg9[%swap3A_442, %swap3A_443], %swap3A_446 {strides = array<i32>} : memref<32x128xf32, #tpu.memory_space<vmem>>, vector<1x16xf32>,
    %broadcast_in_dim3A_447 = arith.constant 0.000000e+00 : f32
    %broadcast_in_dim3A_448 = vector.broadcast %broadcast_in_dim3A_447 : f32 to vector<16xf32>
    %swap3A_449 = arith.constant 7 : i32
    %swap3A_450 = arith.index_cast %swap3A_449 : i32 to index
    %swap3A_451 = arith.constant 0 : index
    %swap3A_452 = tpu.vector_load %arg9[%swap3A_450, %swap3A_451] {strides = array<i32>} : memref<32x128xf32, #tpu.memory_space<vmem>>, vector<1x16xf32>,
    %swap3A_453 = vector.shape_cast %swap3A_452 : vector<1x16xf32> to vector<16xf32>
    %swap3A_454 = vector.shape_cast %broadcast_in_dim3A_448 : vector<16xf32> to vector<1x16xf32>
    tpu.vector_store %arg9[%swap3A_450, %swap3A_451], %swap3A_454 {strides = array<i32>} : memref<32x128xf32, #tpu.memory_space<vmem>>, vector<1x16xf32>,
    %broadcast_in_dim3A_455 = arith.constant 0.000000e+00 : f32
    %broadcast_in_dim3A_456 = vector.broadcast %broadcast_in_dim3A_455 : f32 to vector<16xf32>
    %swap3A_457 = arith.constant 7 : i32
    %swap3A_458 = arith.index_cast %swap3A_457 : i32 to index
    %swap3A_459 = arith.constant 16 : index
    %swap3A_460 = tpu.vector_load %arg9[%swap3A_458, %swap3A_459] {strides = array<i32>} : memref<32x128xf32, #tpu.memory_space<vmem>>, vector<1x16xf32>,
    %swap3A_461 = vector.shape_cast %swap3A_460 : vector<1x16xf32> to vector<16xf32>
    %swap3A_462 = vector.shape_cast %broadcast_in_dim3A_456 : vector<16xf32> to vector<1x16xf32>
    tpu.vector_store %arg9[%swap3A_458, %swap3A_459], %swap3A_462 {strides = array<i32>} : memref<32x128xf32, #tpu.memory_space<vmem>>, vector<1x16xf32>,
    %broadcast_in_dim3A_463 = arith.constant 0.000000e+00 : f32
    %broadcast_in_dim3A_464 = vector.broadcast %broadcast_in_dim3A_463 : f32 to vector<16xf32>
    %swap3A_465 = arith.constant 7 : i32
    %swap3A_466 = arith.index_cast %swap3A_465 : i32 to index
    %swap3A_467 = arith.constant 32 : index
    %swap3A_468 = tpu.vector_load %arg9[%swap3A_466, %swap3A_467] {strides = array<i32>} : memref<32x128xf32, #tpu.memory_space<vmem>>, vector<1x16xf32>,
    %swap3A_469 = vector.shape_cast %swap3A_468 : vector<1x16xf32> to vector<16xf32>
    %swap3A_470 = vector.shape_cast %broadcast_in_dim3A_464 : vector<16xf32> to vector<1x16xf32>
    tpu.vector_store %arg9[%swap3A_466, %swap3A_467], %swap3A_470 {strides = array<i32>} : memref<32x128xf32, #tpu.memory_space<vmem>>, vector<1x16xf32>,
    %broadcast_in_dim3A_471 = arith.constant 0.000000e+00 : f32
    %broadcast_in_dim3A_472 = vector.broadcast %broadcast_in_dim3A_471 : f32 to vector<16xf32>
    %swap3A_473 = arith.constant 7 : i32
    %swap3A_474 = arith.index_cast %swap3A_473 : i32 to index
    %swap3A_475 = arith.constant 48 : index
    %swap3A_476 = tpu.vector_load %arg9[%swap3A_474, %swap3A_475] {strides = array<i32>} : memref<32x128xf32, #tpu.memory_space<vmem>>, vector<1x16xf32>,
    %swap3A_477 = vector.shape_cast %swap3A_476 : vector<1x16xf32> to vector<16xf32>
    %swap3A_478 = vector.shape_cast %broadcast_in_dim3A_472 : vector<16xf32> to vector<1x16xf32>
    tpu.vector_store %arg9[%swap3A_474, %swap3A_475], %swap3A_478 {strides = array<i32>} : memref<32x128xf32, #tpu.memory_space<vmem>>, vector<1x16xf32>,
    %broadcast_in_dim3A_479 = arith.constant 0.000000e+00 : f32
    %broadcast_in_dim3A_480 = vector.broadcast %broadcast_in_dim3A_479 : f32 to vector<16xf32>
    %swap3A_481 = arith.constant 7 : i32
    %swap3A_482 = arith.index_cast %swap3A_481 : i32 to index
    %swap3A_483 = arith.constant 64 : index
    %swap3A_484 = tpu.vector_load %arg9[%swap3A_482, %swap3A_483] {strides = array<i32>} : memref<32x128xf32, #tpu.memory_space<vmem>>, vector<1x16xf32>,
    %swap3A_485 = vector.shape_cast %swap3A_484 : vector<1x16xf32> to vector<16xf32>
    %swap3A_486 = vector.shape_cast %broadcast_in_dim3A_480 : vector<16xf32> to vector<1x16xf32>
    tpu.vector_store %arg9[%swap3A_482, %swap3A_483], %swap3A_486 {strides = array<i32>} : memref<32x128xf32, #tpu.memory_space<vmem>>, vector<1x16xf32>,
    %broadcast_in_dim3A_487 = arith.constant 0.000000e+00 : f32
    %broadcast_in_dim3A_488 = vector.broadcast %broadcast_in_dim3A_487 : f32 to vector<16xf32>
    %swap3A_489 = arith.constant 7 : i32
    %swap3A_490 = arith.index_cast %swap3A_489 : i32 to index
    %swap3A_491 = arith.constant 80 : index
    %swap3A_492 = tpu.vector_load %arg9[%swap3A_490, %swap3A_491] {strides = array<i32>} : memref<32x128xf32, #tpu.memory_space<vmem>>, vector<1x16xf32>,
    %swap3A_493 = vector.shape_cast %swap3A_492 : vector<1x16xf32> to vector<16xf32>
    %swap3A_494 = vector.shape_cast %broadcast_in_dim3A_488 : vector<16xf32> to vector<1x16xf32>
    tpu.vector_store %arg9[%swap3A_490, %swap3A_491], %swap3A_494 {strides = array<i32>} : memref<32x128xf32, #tpu.memory_space<vmem>>, vector<1x16xf32>,
    %broadcast_in_dim3A_495 = arith.constant 0.000000e+00 : f32
    %broadcast_in_dim3A_496 = vector.broadcast %broadcast_in_dim3A_495 : f32 to vector<16xf32>
    %swap3A_497 = arith.constant 7 : i32
    %swap3A_498 = arith.index_cast %swap3A_497 : i32 to index
    %swap3A_499 = arith.constant 96 : index
    %swap3A_500 = tpu.vector_load %arg9[%swap3A_498, %swap3A_499] {strides = array<i32>} : memref<32x128xf32, #tpu.memory_space<vmem>>, vector<1x16xf32>,
    %swap3A_501 = vector.shape_cast %swap3A_500 : vector<1x16xf32> to vector<16xf32>
    %swap3A_502 = vector.shape_cast %broadcast_in_dim3A_496 : vector<16xf32> to vector<1x16xf32>
    tpu.vector_store %arg9[%swap3A_498, %swap3A_499], %swap3A_502 {strides = array<i32>} : memref<32x128xf32, #tpu.memory_space<vmem>>, vector<1x16xf32>,
    %broadcast_in_dim3A_503 = arith.constant 0.000000e+00 : f32
    %broadcast_in_dim3A_504 = vector.broadcast %broadcast_in_dim3A_503 : f32 to vector<16xf32>
    %swap3A_505 = arith.constant 7 : i32
    %swap3A_506 = arith.index_cast %swap3A_505 : i32 to index
    %swap3A_507 = arith.constant 112 : index
    %swap3A_508 = tpu.vector_load %arg9[%swap3A_506, %swap3A_507] {strides = array<i32>} : memref<32x128xf32, #tpu.memory_space<vmem>>, vector<1x16xf32>,
    %swap3A_509 = vector.shape_cast %swap3A_508 : vector<1x16xf32> to vector<16xf32>
    %swap3A_510 = vector.shape_cast %broadcast_in_dim3A_504 : vector<16xf32> to vector<1x16xf32>
    tpu.vector_store %arg9[%swap3A_506, %swap3A_507], %swap3A_510 {strides = array<i32>} : memref<32x128xf32, #tpu.memory_space<vmem>>, vector<1x16xf32>,
    %broadcast_in_dim3A_511 = arith.constant 0.000000e+00 : f32
    %broadcast_in_dim3A_512 = vector.broadcast %broadcast_in_dim3A_511 : f32 to vector<16xf32>
    %swap3A_513 = arith.constant 8 : i32
    %swap3A_514 = arith.index_cast %swap3A_513 : i32 to index
    %swap3A_515 = arith.constant 0 : index
    %swap3A_516 = tpu.vector_load %arg9[%swap3A_514, %swap3A_515] {strides = array<i32>} : memref<32x128xf32, #tpu.memory_space<vmem>>, vector<1x16xf32>,
    %swap3A_517 = vector.shape_cast %swap3A_516 : vector<1x16xf32> to vector<16xf32>
    %swap3A_518 = vector.shape_cast %broadcast_in_dim3A_512 : vector<16xf32> to vector<1x16xf32>
    tpu.vector_store %arg9[%swap3A_514, %swap3A_515], %swap3A_518 {strides = array<i32>} : memref<32x128xf32, #tpu.memory_space<vmem>>, vector<1x16xf32>,
    %broadcast_in_dim3A_519 = arith.constant 0.000000e+00 : f32
    %broadcast_in_dim3A_520 = vector.broadcast %broadcast_in_dim3A_519 : f32 to vector<16xf32>
    %swap3A_521 = arith.constant 8 : i32
    %swap3A_522 = arith.index_cast %swap3A_521 : i32 to index
    %swap3A_523 = arith.constant 16 : index
    %swap3A_524 = tpu.vector_load %arg9[%swap3A_522, %swap3A_523] {strides = array<i32>} : memref<32x128xf32, #tpu.memory_space<vmem>>, vector<1x16xf32>,
    %swap3A_525 = vector.shape_cast %swap3A_524 : vector<1x16xf32> to vector<16xf32>
    %swap3A_526 = vector.shape_cast %broadcast_in_dim3A_520 : vector<16xf32> to vector<1x16xf32>
    tpu.vector_store %arg9[%swap3A_522, %swap3A_523], %swap3A_526 {strides = array<i32>} : memref<32x128xf32, #tpu.memory_space<vmem>>, vector<1x16xf32>,
    %broadcast_in_dim3A_527 = arith.constant 0.000000e+00 : f32
    %broadcast_in_dim3A_528 = vector.broadcast %broadcast_in_dim3A_527 : f32 to vector<16xf32>
    %swap3A_529 = arith.constant 8 : i32
    %swap3A_530 = arith.index_cast %swap3A_529 : i32 to index
    %swap3A_531 = arith.constant 32 : index
    %swap3A_532 = tpu.vector_load %arg9[%swap3A_530, %swap3A_531] {strides = array<i32>} : memref<32x128xf32, #tpu.memory_space<vmem>>, vector<1x16xf32>,
    %swap3A_533 = vector.shape_cast %swap3A_532 : vector<1x16xf32> to vector<16xf32>
    %swap3A_534 = vector.shape_cast %broadcast_in_dim3A_528 : vector<16xf32> to vector<1x16xf32>
    tpu.vector_store %arg9[%swap3A_530, %swap3A_531], %swap3A_534 {strides = array<i32>} : memref<32x128xf32, #tpu.memory_space<vmem>>, vector<1x16xf32>,
    %broadcast_in_dim3A_535 = arith.constant 0.000000e+00 : f32
    %broadcast_in_dim3A_536 = vector.broadcast %broadcast_in_dim3A_535 : f32 to vector<16xf32>
    %swap3A_537 = arith.constant 8 : i32
    %swap3A_538 = arith.index_cast %swap3A_537 : i32 to index
    %swap3A_539 = arith.constant 48 : index
    %swap3A_540 = tpu.vector_load %arg9[%swap3A_538, %swap3A_539] {strides = array<i32>} : memref<32x128xf32, #tpu.memory_space<vmem>>, vector<1x16xf32>,
    %swap3A_541 = vector.shape_cast %swap3A_540 : vector<1x16xf32> to vector<16xf32>
    %swap3A_542 = vector.shape_cast %broadcast_in_dim3A_536 : vector<16xf32> to vector<1x16xf32>
    tpu.vector_store %arg9[%swap3A_538, %swap3A_539], %swap3A_542 {strides = array<i32>} : memref<32x128xf32, #tpu.memory_space<vmem>>, vector<1x16xf32>,
    %broadcast_in_dim3A_543 = arith.constant 0.000000e+00 : f32
    %broadcast_in_dim3A_544 = vector.broadcast %broadcast_in_dim3A_543 : f32 to vector<16xf32>
    %swap3A_545 = arith.constant 8 : i32
    %swap3A_546 = arith.index_cast %swap3A_545 : i32 to index
    %swap3A_547 = arith.constant 64 : index
    %swap3A_548 = tpu.vector_load %arg9[%swap3A_546, %swap3A_547] {strides = array<i32>} : memref<32x128xf32, #tpu.memory_space<vmem>>, vector<1x16xf32>,
    %swap3A_549 = vector.shape_cast %swap3A_548 : vector<1x16xf32> to vector<16xf32>
    %swap3A_550 = vector.shape_cast %broadcast_in_dim3A_544 : vector<16xf32> to vector<1x16xf32>
    tpu.vector_store %arg9[%swap3A_546, %swap3A_547], %swap3A_550 {strides = array<i32>} : memref<32x128xf32, #tpu.memory_space<vmem>>, vector<1x16xf32>,
    %broadcast_in_dim3A_551 = arith.constant 0.000000e+00 : f32
    %broadcast_in_dim3A_552 = vector.broadcast %broadcast_in_dim3A_551 : f32 to vector<16xf32>
    %swap3A_553 = arith.constant 8 : i32
    %swap3A_554 = arith.index_cast %swap3A_553 : i32 to index
    %swap3A_555 = arith.constant 80 : index
    %swap3A_556 = tpu.vector_load %arg9[%swap3A_554, %swap3A_555] {strides = array<i32>} : memref<32x128xf32, #tpu.memory_space<vmem>>, vector<1x16xf32>,
    %swap3A_557 = vector.shape_cast %swap3A_556 : vector<1x16xf32> to vector<16xf32>
    %swap3A_558 = vector.shape_cast %broadcast_in_dim3A_552 : vector<16xf32> to vector<1x16xf32>
    tpu.vector_store %arg9[%swap3A_554, %swap3A_555], %swap3A_558 {strides = array<i32>} : memref<32x128xf32, #tpu.memory_space<vmem>>, vector<1x16xf32>,
    %broadcast_in_dim3A_559 = arith.constant 0.000000e+00 : f32
    %broadcast_in_dim3A_560 = vector.broadcast %broadcast_in_dim3A_559 : f32 to vector<16xf32>
    %swap3A_561 = arith.constant 8 : i32
    %swap3A_562 = arith.index_cast %swap3A_561 : i32 to index
    %swap3A_563 = arith.constant 96 : index
    %swap3A_564 = tpu.vector_load %arg9[%swap3A_562, %swap3A_563] {strides = array<i32>} : memref<32x128xf32, #tpu.memory_space<vmem>>, vector<1x16xf32>,
    %swap3A_565 = vector.shape_cast %swap3A_564 : vector<1x16xf32> to vector<16xf32>
    %swap3A_566 = vector.shape_cast %broadcast_in_dim3A_560 : vector<16xf32> to vector<1x16xf32>
    tpu.vector_store %arg9[%swap3A_562, %swap3A_563], %swap3A_566 {strides = array<i32>} : memref<32x128xf32, #tpu.memory_space<vmem>>, vector<1x16xf32>,
    %broadcast_in_dim3A_567 = arith.constant 0.000000e+00 : f32
    %broadcast_in_dim3A_568 = vector.broadcast %broadcast_in_dim3A_567 : f32 to vector<16xf32>
    %swap3A_569 = arith.constant 8 : i32
    %swap3A_570 = arith.index_cast %swap3A_569 : i32 to index
    %swap3A_571 = arith.constant 112 : index
    %swap3A_572 = tpu.vector_load %arg9[%swap3A_570, %swap3A_571] {strides = array<i32>} : memref<32x128xf32, #tpu.memory_space<vmem>>, vector<1x16xf32>,
    %swap3A_573 = vector.shape_cast %swap3A_572 : vector<1x16xf32> to vector<16xf32>
    %swap3A_574 = vector.shape_cast %broadcast_in_dim3A_568 : vector<16xf32> to vector<1x16xf32>
    tpu.vector_store %arg9[%swap3A_570, %swap3A_571], %swap3A_574 {strides = array<i32>} : memref<32x128xf32, #tpu.memory_space<vmem>>, vector<1x16xf32>,
    %broadcast_in_dim3A_575 = arith.constant 0.000000e+00 : f32
    %broadcast_in_dim3A_576 = vector.broadcast %broadcast_in_dim3A_575 : f32 to vector<16xf32>
    %swap3A_577 = arith.constant 9 : i32
    %swap3A_578 = arith.index_cast %swap3A_577 : i32 to index
    %swap3A_579 = arith.constant 0 : index
    %swap3A_580 = tpu.vector_load %arg9[%swap3A_578, %swap3A_579] {strides = array<i32>} : memref<32x128xf32, #tpu.memory_space<vmem>>, vector<1x16xf32>,
    %swap3A_581 = vector.shape_cast %swap3A_580 : vector<1x16xf32> to vector<16xf32>
    %swap3A_582 = vector.shape_cast %broadcast_in_dim3A_576 : vector<16xf32> to vector<1x16xf32>
    tpu.vector_store %arg9[%swap3A_578, %swap3A_579], %swap3A_582 {strides = array<i32>} : memref<32x128xf32, #tpu.memory_space<vmem>>, vector<1x16xf32>,
    %broadcast_in_dim3A_583 = arith.constant 0.000000e+00 : f32
    %broadcast_in_dim3A_584 = vector.broadcast %broadcast_in_dim3A_583 : f32 to vector<16xf32>
    %swap3A_585 = arith.constant 9 : i32
    %swap3A_586 = arith.index_cast %swap3A_585 : i32 to index
    %swap3A_587 = arith.constant 16 : index
    %swap3A_588 = tpu.vector_load %arg9[%swap3A_586, %swap3A_587] {strides = array<i32>} : memref<32x128xf32, #tpu.memory_space<vmem>>, vector<1x16xf32>,
    %swap3A_589 = vector.shape_cast %swap3A_588 : vector<1x16xf32> to vector<16xf32>
    %swap3A_590 = vector.shape_cast %broadcast_in_dim3A_584 : vector<16xf32> to vector<1x16xf32>
    tpu.vector_store %arg9[%swap3A_586, %swap3A_587], %swap3A_590 {strides = array<i32>} : memref<32x128xf32, #tpu.memory_space<vmem>>, vector<1x16xf32>,
    %broadcast_in_dim3A_591 = arith.constant 0.000000e+00 : f32
    %broadcast_in_dim3A_592 = vector.broadcast %broadcast_in_dim3A_591 : f32 to vector<16xf32>
    %swap3A_593 = arith.constant 9 : i32
    %swap3A_594 = arith.index_cast %swap3A_593 : i32 to index
    %swap3A_595 = arith.constant 32 : index
    %swap3A_596 = tpu.vector_load %arg9[%swap3A_594, %swap3A_595] {strides = array<i32>} : memref<32x128xf32, #tpu.memory_space<vmem>>, vector<1x16xf32>,
    %swap3A_597 = vector.shape_cast %swap3A_596 : vector<1x16xf32> to vector<16xf32>
    %swap3A_598 = vector.shape_cast %broadcast_in_dim3A_592 : vector<16xf32> to vector<1x16xf32>
    tpu.vector_store %arg9[%swap3A_594, %swap3A_595], %swap3A_598 {strides = array<i32>} : memref<32x128xf32, #tpu.memory_space<vmem>>, vector<1x16xf32>,
    %broadcast_in_dim3A_599 = arith.constant 0.000000e+00 : f32
    %broadcast_in_dim3A_600 = vector.broadcast %broadcast_in_dim3A_599 : f32 to vector<16xf32>
    %swap3A_601 = arith.constant 9 : i32
    %swap3A_602 = arith.index_cast %swap3A_601 : i32 to index
    %swap3A_603 = arith.constant 48 : index
    %swap3A_604 = tpu.vector_load %arg9[%swap3A_602, %swap3A_603] {strides = array<i32>} : memref<32x128xf32, #tpu.memory_space<vmem>>, vector<1x16xf32>,
    %swap3A_605 = vector.shape_cast %swap3A_604 : vector<1x16xf32> to vector<16xf32>
    %swap3A_606 = vector.shape_cast %broadcast_in_dim3A_600 : vector<16xf32> to vector<1x16xf32>
    tpu.vector_store %arg9[%swap3A_602, %swap3A_603], %swap3A_606 {strides = array<i32>} : memref<32x128xf32, #tpu.memory_space<vmem>>, vector<1x16xf32>,
    %broadcast_in_dim3A_607 = arith.constant 0.000000e+00 : f32
    %broadcast_in_dim3A_608 = vector.broadcast %broadcast_in_dim3A_607 : f32 to vector<16xf32>
    %swap3A_609 = arith.constant 9 : i32
    %swap3A_610 = arith.index_cast %swap3A_609 : i32 to index
    %swap3A_611 = arith.constant 64 : index
    %swap3A_612 = tpu.vector_load %arg9[%swap3A_610, %swap3A_611] {strides = array<i32>} : memref<32x128xf32, #tpu.memory_space<vmem>>, vector<1x16xf32>,
    %swap3A_613 = vector.shape_cast %swap3A_612 : vector<1x16xf32> to vector<16xf32>
    %swap3A_614 = vector.shape_cast %broadcast_in_dim3A_608 : vector<16xf32> to vector<1x16xf32>
    tpu.vector_store %arg9[%swap3A_610, %swap3A_611], %swap3A_614 {strides = array<i32>} : memref<32x128xf32, #tpu.memory_space<vmem>>, vector<1x16xf32>,
    %broadcast_in_dim3A_615 = arith.constant 0.000000e+00 : f32
    %broadcast_in_dim3A_616 = vector.broadcast %broadcast_in_dim3A_615 : f32 to vector<16xf32>
    %swap3A_617 = arith.constant 9 : i32
    %swap3A_618 = arith.index_cast %swap3A_617 : i32 to index
    %swap3A_619 = arith.constant 80 : index
    %swap3A_620 = tpu.vector_load %arg9[%swap3A_618, %swap3A_619] {strides = array<i32>} : memref<32x128xf32, #tpu.memory_space<vmem>>, vector<1x16xf32>,
    %swap3A_621 = vector.shape_cast %swap3A_620 : vector<1x16xf32> to vector<16xf32>
    %swap3A_622 = vector.shape_cast %broadcast_in_dim3A_616 : vector<16xf32> to vector<1x16xf32>
    tpu.vector_store %arg9[%swap3A_618, %swap3A_619], %swap3A_622 {strides = array<i32>} : memref<32x128xf32, #tpu.memory_space<vmem>>, vector<1x16xf32>,
    %broadcast_in_dim3A_623 = arith.constant 0.000000e+00 : f32
    %broadcast_in_dim3A_624 = vector.broadcast %broadcast_in_dim3A_623 : f32 to vector<16xf32>
    %swap3A_625 = arith.constant 9 : i32
    %swap3A_626 = arith.index_cast %swap3A_625 : i32 to index
    %swap3A_627 = arith.constant 96 : index
    %swap3A_628 = tpu.vector_load %arg9[%swap3A_626, %swap3A_627] {strides = array<i32>} : memref<32x128xf32, #tpu.memory_space<vmem>>, vector<1x16xf32>,
    %swap3A_629 = vector.shape_cast %swap3A_628 : vector<1x16xf32> to vector<16xf32>
    %swap3A_630 = vector.shape_cast %broadcast_in_dim3A_624 : vector<16xf32> to vector<1x16xf32>
    tpu.vector_store %arg9[%swap3A_626, %swap3A_627], %swap3A_630 {strides = array<i32>} : memref<32x128xf32, #tpu.memory_space<vmem>>, vector<1x16xf32>,
    %broadcast_in_dim3A_631 = arith.constant 0.000000e+00 : f32
    %broadcast_in_dim3A_632 = vector.broadcast %broadcast_in_dim3A_631 : f32 to vector<16xf32>
    %swap3A_633 = arith.constant 9 : i32
    %swap3A_634 = arith.index_cast %swap3A_633 : i32 to index
    %swap3A_635 = arith.constant 112 : index
    %swap3A_636 = tpu.vector_load %arg9[%swap3A_634, %swap3A_635] {strides = array<i32>} : memref<32x128xf32, #tpu.memory_space<vmem>>, vector<1x16xf32>,
    %swap3A_637 = vector.shape_cast %swap3A_636 : vector<1x16xf32> to vector<16xf32>
    %swap3A_638 = vector.shape_cast %broadcast_in_dim3A_632 : vector<16xf32> to vector<1x16xf32>
    tpu.vector_store %arg9[%swap3A_634, %swap3A_635], %swap3A_638 {strides = array<i32>} : memref<32x128xf32, #tpu.memory_space<vmem>>, vector<1x16xf32>,
    %broadcast_in_dim3A_639 = arith.constant 0.000000e+00 : f32
    %broadcast_in_dim3A_640 = vector.broadcast %broadcast_in_dim3A_639 : f32 to vector<16xf32>
    %swap3A_641 = arith.constant 10 : i32
    %swap3A_642 = arith.index_cast %swap3A_641 : i32 to index
    %swap3A_643 = arith.constant 0 : index
    %swap3A_644 = tpu.vector_load %arg9[%swap3A_642, %swap3A_643] {strides = array<i32>} : memref<32x128xf32, #tpu.memory_space<vmem>>, vector<1x16xf32>,
    %swap3A_645 = vector.shape_cast %swap3A_644 : vector<1x16xf32> to vector<16xf32>
    %swap3A_646 = vector.shape_cast %broadcast_in_dim3A_640 : vector<16xf32> to vector<1x16xf32>
    tpu.vector_store %arg9[%swap3A_642, %swap3A_643], %swap3A_646 {strides = array<i32>} : memref<32x128xf32, #tpu.memory_space<vmem>>, vector<1x16xf32>,
    %broadcast_in_dim3A_647 = arith.constant 0.000000e+00 : f32
    %broadcast_in_dim3A_648 = vector.broadcast %broadcast_in_dim3A_647 : f32 to vector<16xf32>
    %swap3A_649 = arith.constant 10 : i32
    %swap3A_650 = arith.index_cast %swap3A_649 : i32 to index
    %swap3A_651 = arith.constant 16 : index
    %swap3A_652 = tpu.vector_load %arg9[%swap3A_650, %swap3A_651] {strides = array<i32>} : memref<32x128xf32, #tpu.memory_space<vmem>>, vector<1x16xf32>,
    %swap3A_653 = vector.shape_cast %swap3A_652 : vector<1x16xf32> to vector<16xf32>
    %swap3A_654 = vector.shape_cast %broadcast_in_dim3A_648 : vector<16xf32> to vector<1x16xf32>
    tpu.vector_store %arg9[%swap3A_650, %swap3A_651], %swap3A_654 {strides = array<i32>} : memref<32x128xf32, #tpu.memory_space<vmem>>, vector<1x16xf32>,
    %broadcast_in_dim3A_655 = arith.constant 0.000000e+00 : f32
    %broadcast_in_dim3A_656 = vector.broadcast %broadcast_in_dim3A_655 : f32 to vector<16xf32>
    %swap3A_657 = arith.constant 10 : i32
    %swap3A_658 = arith.index_cast %swap3A_657 : i32 to index
    %swap3A_659 = arith.constant 32 : index
    %swap3A_660 = tpu.vector_load %arg9[%swap3A_658, %swap3A_659] {strides = array<i32>} : memref<32x128xf32, #tpu.memory_space<vmem>>, vector<1x16xf32>,
    %swap3A_661 = vector.shape_cast %swap3A_660 : vector<1x16xf32> to vector<16xf32>
    %swap3A_662 = vector.shape_cast %broadcast_in_dim3A_656 : vector<16xf32> to vector<1x16xf32>
    tpu.vector_store %arg9[%swap3A_658, %swap3A_659], %swap3A_662 {strides = array<i32>} : memref<32x128xf32, #tpu.memory_space<vmem>>, vector<1x16xf32>,
    %broadcast_in_dim3A_663 = arith.constant 0.000000e+00 : f32
    %broadcast_in_dim3A_664 = vector.broadcast %broadcast_in_dim3A_663 : f32 to vector<16xf32>
    %swap3A_665 = arith.constant 10 : i32
    %swap3A_666 = arith.index_cast %swap3A_665 : i32 to index
    %swap3A_667 = arith.constant 48 : index
    %swap3A_668 = tpu.vector_load %arg9[%swap3A_666, %swap3A_667] {strides = array<i32>} : memref<32x128xf32, #tpu.memory_space<vmem>>, vector<1x16xf32>,
    %swap3A_669 = vector.shape_cast %swap3A_668 : vector<1x16xf32> to vector<16xf32>
    %swap3A_670 = vector.shape_cast %broadcast_in_dim3A_664 : vector<16xf32> to vector<1x16xf32>
    tpu.vector_store %arg9[%swap3A_666, %swap3A_667], %swap3A_670 {strides = array<i32>} : memref<32x128xf32, #tpu.memory_space<vmem>>, vector<1x16xf32>,
    %broadcast_in_dim3A_671 = arith.constant 0.000000e+00 : f32
    %broadcast_in_dim3A_672 = vector.broadcast %broadcast_in_dim3A_671 : f32 to vector<16xf32>
    %swap3A_673 = arith.constant 10 : i32
    %swap3A_674 = arith.index_cast %swap3A_673 : i32 to index
    %swap3A_675 = arith.constant 64 : index
    %swap3A_676 = tpu.vector_load %arg9[%swap3A_674, %swap3A_675] {strides = array<i32>} : memref<32x128xf32, #tpu.memory_space<vmem>>, vector<1x16xf32>,
    %swap3A_677 = vector.shape_cast %swap3A_676 : vector<1x16xf32> to vector<16xf32>
    %swap3A_678 = vector.shape_cast %broadcast_in_dim3A_672 : vector<16xf32> to vector<1x16xf32>
    tpu.vector_store %arg9[%swap3A_674, %swap3A_675], %swap3A_678 {strides = array<i32>} : memref<32x128xf32, #tpu.memory_space<vmem>>, vector<1x16xf32>,
    %broadcast_in_dim3A_679 = arith.constant 0.000000e+00 : f32
    %broadcast_in_dim3A_680 = vector.broadcast %broadcast_in_dim3A_679 : f32 to vector<16xf32>
    %swap3A_681 = arith.constant 10 : i32
    %swap3A_682 = arith.index_cast %swap3A_681 : i32 to index
    %swap3A_683 = arith.constant 80 : index
    %swap3A_684 = tpu.vector_load %arg9[%swap3A_682, %swap3A_683] {strides = array<i32>} : memref<32x128xf32, #tpu.memory_space<vmem>>, vector<1x16xf32>,
    %swap3A_685 = vector.shape_cast %swap3A_684 : vector<1x16xf32> to vector<16xf32>
    %swap3A_686 = vector.shape_cast %broadcast_in_dim3A_680 : vector<16xf32> to vector<1x16xf32>
    tpu.vector_store %arg9[%swap3A_682, %swap3A_683], %swap3A_686 {strides = array<i32>} : memref<32x128xf32, #tpu.memory_space<vmem>>, vector<1x16xf32>,
    %broadcast_in_dim3A_687 = arith.constant 0.000000e+00 : f32
    %broadcast_in_dim3A_688 = vector.broadcast %broadcast_in_dim3A_687 : f32 to vector<16xf32>
    %swap3A_689 = arith.constant 10 : i32
    %swap3A_690 = arith.index_cast %swap3A_689 : i32 to index
    %swap3A_691 = arith.constant 96 : index
    %swap3A_692 = tpu.vector_load %arg9[%swap3A_690, %swap3A_691] {strides = array<i32>} : memref<32x128xf32, #tpu.memory_space<vmem>>, vector<1x16xf32>,
    %swap3A_693 = vector.shape_cast %swap3A_692 : vector<1x16xf32> to vector<16xf32>
    %swap3A_694 = vector.shape_cast %broadcast_in_dim3A_688 : vector<16xf32> to vector<1x16xf32>
    tpu.vector_store %arg9[%swap3A_690, %swap3A_691], %swap3A_694 {strides = array<i32>} : memref<32x128xf32, #tpu.memory_space<vmem>>, vector<1x16xf32>,
    %broadcast_in_dim3A_695 = arith.constant 0.000000e+00 : f32
    %broadcast_in_dim3A_696 = vector.broadcast %broadcast_in_dim3A_695 : f32 to vector<16xf32>
    %swap3A_697 = arith.constant 10 : i32
    %swap3A_698 = arith.index_cast %swap3A_697 : i32 to index
    %swap3A_699 = arith.constant 112 : index
    %swap3A_700 = tpu.vector_load %arg9[%swap3A_698, %swap3A_699] {strides = array<i32>} : memref<32x128xf32, #tpu.memory_space<vmem>>, vector<1x16xf32>,
    %swap3A_701 = vector.shape_cast %swap3A_700 : vector<1x16xf32> to vector<16xf32>
    %swap3A_702 = vector.shape_cast %broadcast_in_dim3A_696 : vector<16xf32> to vector<1x16xf32>
    tpu.vector_store %arg9[%swap3A_698, %swap3A_699], %swap3A_702 {strides = array<i32>} : memref<32x128xf32, #tpu.memory_space<vmem>>, vector<1x16xf32>,
    %broadcast_in_dim3A_703 = arith.constant 0.000000e+00 : f32
    %broadcast_in_dim3A_704 = vector.broadcast %broadcast_in_dim3A_703 : f32 to vector<16xf32>
    %swap3A_705 = arith.constant 11 : i32
    %swap3A_706 = arith.index_cast %swap3A_705 : i32 to index
    %swap3A_707 = arith.constant 0 : index
    %swap3A_708 = tpu.vector_load %arg9[%swap3A_706, %swap3A_707] {strides = array<i32>} : memref<32x128xf32, #tpu.memory_space<vmem>>, vector<1x16xf32>,
    %swap3A_709 = vector.shape_cast %swap3A_708 : vector<1x16xf32> to vector<16xf32>
    %swap3A_710 = vector.shape_cast %broadcast_in_dim3A_704 : vector<16xf32> to vector<1x16xf32>
    tpu.vector_store %arg9[%swap3A_706, %swap3A_707], %swap3A_710 {strides = array<i32>} : memref<32x128xf32, #tpu.memory_space<vmem>>, vector<1x16xf32>,
    %broadcast_in_dim3A_711 = arith.constant 0.000000e+00 : f32
    %broadcast_in_dim3A_712 = vector.broadcast %broadcast_in_dim3A_711 : f32 to vector<16xf32>
    %swap3A_713 = arith.constant 11 : i32
    %swap3A_714 = arith.index_cast %swap3A_713 : i32 to index
    %swap3A_715 = arith.constant 16 : index
    %swap3A_716 = tpu.vector_load %arg9[%swap3A_714, %swap3A_715] {strides = array<i32>} : memref<32x128xf32, #tpu.memory_space<vmem>>, vector<1x16xf32>,
    %swap3A_717 = vector.shape_cast %swap3A_716 : vector<1x16xf32> to vector<16xf32>
    %swap3A_718 = vector.shape_cast %broadcast_in_dim3A_712 : vector<16xf32> to vector<1x16xf32>
    tpu.vector_store %arg9[%swap3A_714, %swap3A_715], %swap3A_718 {strides = array<i32>} : memref<32x128xf32, #tpu.memory_space<vmem>>, vector<1x16xf32>,
    %broadcast_in_dim3A_719 = arith.constant 0.000000e+00 : f32
    %broadcast_in_dim3A_720 = vector.broadcast %broadcast_in_dim3A_719 : f32 to vector<16xf32>
    %swap3A_721 = arith.constant 11 : i32
    %swap3A_722 = arith.index_cast %swap3A_721 : i32 to index
    %swap3A_723 = arith.constant 32 : index
    %swap3A_724 = tpu.vector_load %arg9[%swap3A_722, %swap3A_723] {strides = array<i32>} : memref<32x128xf32, #tpu.memory_space<vmem>>, vector<1x16xf32>,
    %swap3A_725 = vector.shape_cast %swap3A_724 : vector<1x16xf32> to vector<16xf32>
    %swap3A_726 = vector.shape_cast %broadcast_in_dim3A_720 : vector<16xf32> to vector<1x16xf32>
    tpu.vector_store %arg9[%swap3A_722, %swap3A_723], %swap3A_726 {strides = array<i32>} : memref<32x128xf32, #tpu.memory_space<vmem>>, vector<1x16xf32>,
    %broadcast_in_dim3A_727 = arith.constant 0.000000e+00 : f32
    %broadcast_in_dim3A_728 = vector.broadcast %broadcast_in_dim3A_727 : f32 to vector<16xf32>
    %swap3A_729 = arith.constant 11 : i32
    %swap3A_730 = arith.index_cast %swap3A_729 : i32 to index
    %swap3A_731 = arith.constant 48 : index
    %swap3A_732 = tpu.vector_load %arg9[%swap3A_730, %swap3A_731] {strides = array<i32>} : memref<32x128xf32, #tpu.memory_space<vmem>>, vector<1x16xf32>,
    %swap3A_733 = vector.shape_cast %swap3A_732 : vector<1x16xf32> to vector<16xf32>
    %swap3A_734 = vector.shape_cast %broadcast_in_dim3A_728 : vector<16xf32> to vector<1x16xf32>
    tpu.vector_store %arg9[%swap3A_730, %swap3A_731], %swap3A_734 {strides = array<i32>} : memref<32x128xf32, #tpu.memory_space<vmem>>, vector<1x16xf32>,
    %broadcast_in_dim3A_735 = arith.constant 0.000000e+00 : f32
    %broadcast_in_dim3A_736 = vector.broadcast %broadcast_in_dim3A_735 : f32 to vector<16xf32>
    %swap3A_737 = arith.constant 11 : i32
    %swap3A_738 = arith.index_cast %swap3A_737 : i32 to index
    %swap3A_739 = arith.constant 64 : index
    %swap3A_740 = tpu.vector_load %arg9[%swap3A_738, %swap3A_739] {strides = array<i32>} : memref<32x128xf32, #tpu.memory_space<vmem>>, vector<1x16xf32>,
    %swap3A_741 = vector.shape_cast %swap3A_740 : vector<1x16xf32> to vector<16xf32>
    %swap3A_742 = vector.shape_cast %broadcast_in_dim3A_736 : vector<16xf32> to vector<1x16xf32>
    tpu.vector_store %arg9[%swap3A_738, %swap3A_739], %swap3A_742 {strides = array<i32>} : memref<32x128xf32, #tpu.memory_space<vmem>>, vector<1x16xf32>,
    %broadcast_in_dim3A_743 = arith.constant 0.000000e+00 : f32
    %broadcast_in_dim3A_744 = vector.broadcast %broadcast_in_dim3A_743 : f32 to vector<16xf32>
    %swap3A_745 = arith.constant 11 : i32
    %swap3A_746 = arith.index_cast %swap3A_745 : i32 to index
    %swap3A_747 = arith.constant 80 : index
    %swap3A_748 = tpu.vector_load %arg9[%swap3A_746, %swap3A_747] {strides = array<i32>} : memref<32x128xf32, #tpu.memory_space<vmem>>, vector<1x16xf32>,
    %swap3A_749 = vector.shape_cast %swap3A_748 : vector<1x16xf32> to vector<16xf32>
    %swap3A_750 = vector.shape_cast %broadcast_in_dim3A_744 : vector<16xf32> to vector<1x16xf32>
    tpu.vector_store %arg9[%swap3A_746, %swap3A_747], %swap3A_750 {strides = array<i32>} : memref<32x128xf32, #tpu.memory_space<vmem>>, vector<1x16xf32>,
    %broadcast_in_dim3A_751 = arith.constant 0.000000e+00 : f32
    %broadcast_in_dim3A_752 = vector.broadcast %broadcast_in_dim3A_751 : f32 to vector<16xf32>
    %swap3A_753 = arith.constant 11 : i32
    %swap3A_754 = arith.index_cast %swap3A_753 : i32 to index
    %swap3A_755 = arith.constant 96 : index
    %swap3A_756 = tpu.vector_load %arg9[%swap3A_754, %swap3A_755] {strides = array<i32>} : memref<32x128xf32, #tpu.memory_space<vmem>>, vector<1x16xf32>,
    %swap3A_757 = vector.shape_cast %swap3A_756 : vector<1x16xf32> to vector<16xf32>
    %swap3A_758 = vector.shape_cast %broadcast_in_dim3A_752 : vector<16xf32> to vector<1x16xf32>
    tpu.vector_store %arg9[%swap3A_754, %swap3A_755], %swap3A_758 {strides = array<i32>} : memref<32x128xf32, #tpu.memory_space<vmem>>, vector<1x16xf32>,
    %broadcast_in_dim3A_759 = arith.constant 0.000000e+00 : f32
    %broadcast_in_dim3A_760 = vector.broadcast %broadcast_in_dim3A_759 : f32 to vector<16xf32>
    %swap3A_761 = arith.constant 11 : i32
    %swap3A_762 = arith.index_cast %swap3A_761 : i32 to index
    %swap3A_763 = arith.constant 112 : index
    %swap3A_764 = tpu.vector_load %arg9[%swap3A_762, %swap3A_763] {strides = array<i32>} : memref<32x128xf32, #tpu.memory_space<vmem>>, vector<1x16xf32>,
    %swap3A_765 = vector.shape_cast %swap3A_764 : vector<1x16xf32> to vector<16xf32>
    %swap3A_766 = vector.shape_cast %broadcast_in_dim3A_760 : vector<16xf32> to vector<1x16xf32>
    tpu.vector_store %arg9[%swap3A_762, %swap3A_763], %swap3A_766 {strides = array<i32>} : memref<32x128xf32, #tpu.memory_space<vmem>>, vector<1x16xf32>,
    %broadcast_in_dim3A_767 = arith.constant 0.000000e+00 : f32
    %broadcast_in_dim3A_768 = vector.broadcast %broadcast_in_dim3A_767 : f32 to vector<16xf32>
    %swap3A_769 = arith.constant 12 : i32
    %swap3A_770 = arith.index_cast %swap3A_769 : i32 to index
    %swap3A_771 = arith.constant 0 : index
    %swap3A_772 = tpu.vector_load %arg9[%swap3A_770, %swap3A_771] {strides = array<i32>} : memref<32x128xf32, #tpu.memory_space<vmem>>, vector<1x16xf32>,
    %swap3A_773 = vector.shape_cast %swap3A_772 : vector<1x16xf32> to vector<16xf32>
    %swap3A_774 = vector.shape_cast %broadcast_in_dim3A_768 : vector<16xf32> to vector<1x16xf32>
    tpu.vector_store %arg9[%swap3A_770, %swap3A_771], %swap3A_774 {strides = array<i32>} : memref<32x128xf32, #tpu.memory_space<vmem>>, vector<1x16xf32>,
    %broadcast_in_dim3A_775 = arith.constant 0.000000e+00 : f32
    %broadcast_in_dim3A_776 = vector.broadcast %broadcast_in_dim3A_775 : f32 to vector<16xf32>
    %swap3A_777 = arith.constant 12 : i32
    %swap3A_778 = arith.index_cast %swap3A_777 : i32 to index
    %swap3A_779 = arith.constant 16 : index
    %swap3A_780 = tpu.vector_load %arg9[%swap3A_778, %swap3A_779] {strides = array<i32>} : memref<32x128xf32, #tpu.memory_space<vmem>>, vector<1x16xf32>,
    %swap3A_781 = vector.shape_cast %swap3A_780 : vector<1x16xf32> to vector<16xf32>
    %swap3A_782 = vector.shape_cast %broadcast_in_dim3A_776 : vector<16xf32> to vector<1x16xf32>
    tpu.vector_store %arg9[%swap3A_778, %swap3A_779], %swap3A_782 {strides = array<i32>} : memref<32x128xf32, #tpu.memory_space<vmem>>, vector<1x16xf32>,
    %broadcast_in_dim3A_783 = arith.constant 0.000000e+00 : f32
    %broadcast_in_dim3A_784 = vector.broadcast %broadcast_in_dim3A_783 : f32 to vector<16xf32>
    %swap3A_785 = arith.constant 12 : i32
    %swap3A_786 = arith.index_cast %swap3A_785 : i32 to index
    %swap3A_787 = arith.constant 32 : index
    %swap3A_788 = tpu.vector_load %arg9[%swap3A_786, %swap3A_787] {strides = array<i32>} : memref<32x128xf32, #tpu.memory_space<vmem>>, vector<1x16xf32>,
    %swap3A_789 = vector.shape_cast %swap3A_788 : vector<1x16xf32> to vector<16xf32>
    %swap3A_790 = vector.shape_cast %broadcast_in_dim3A_784 : vector<16xf32> to vector<1x16xf32>
    tpu.vector_store %arg9[%swap3A_786, %swap3A_787], %swap3A_790 {strides = array<i32>} : memref<32x128xf32, #tpu.memory_space<vmem>>, vector<1x16xf32>,
    %broadcast_in_dim3A_791 = arith.constant 0.000000e+00 : f32
    %broadcast_in_dim3A_792 = vector.broadcast %broadcast_in_dim3A_791 : f32 to vector<16xf32>
    %swap3A_793 = arith.constant 12 : i32
    %swap3A_794 = arith.index_cast %swap3A_793 : i32 to index
    %swap3A_795 = arith.constant 48 : index
    %swap3A_796 = tpu.vector_load %arg9[%swap3A_794, %swap3A_795] {strides = array<i32>} : memref<32x128xf32, #tpu.memory_space<vmem>>, vector<1x16xf32>,
    %swap3A_797 = vector.shape_cast %swap3A_796 : vector<1x16xf32> to vector<16xf32>
    %swap3A_798 = vector.shape_cast %broadcast_in_dim3A_792 : vector<16xf32> to vector<1x16xf32>
    tpu.vector_store %arg9[%swap3A_794, %swap3A_795], %swap3A_798 {strides = array<i32>} : memref<32x128xf32, #tpu.memory_space<vmem>>, vector<1x16xf32>,
    %broadcast_in_dim3A_799 = arith.constant 0.000000e+00 : f32
    %broadcast_in_dim3A_800 = vector.broadcast %broadcast_in_dim3A_799 : f32 to vector<16xf32>
    %swap3A_801 = arith.constant 12 : i32
    %swap3A_802 = arith.index_cast %swap3A_801 : i32 to index
    %swap3A_803 = arith.constant 64 : index
    %swap3A_804 = tpu.vector_load %arg9[%swap3A_802, %swap3A_803] {strides = array<i32>} : memref<32x128xf32, #tpu.memory_space<vmem>>, vector<1x16xf32>,
    %swap3A_805 = vector.shape_cast %swap3A_804 : vector<1x16xf32> to vector<16xf32>
    %swap3A_806 = vector.shape_cast %broadcast_in_dim3A_800 : vector<16xf32> to vector<1x16xf32>
    tpu.vector_store %arg9[%swap3A_802, %swap3A_803], %swap3A_806 {strides = array<i32>} : memref<32x128xf32, #tpu.memory_space<vmem>>, vector<1x16xf32>,
    %broadcast_in_dim3A_807 = arith.constant 0.000000e+00 : f32
    %broadcast_in_dim3A_808 = vector.broadcast %broadcast_in_dim3A_807 : f32 to vector<16xf32>
    %swap3A_809 = arith.constant 12 : i32
    %swap3A_810 = arith.index_cast %swap3A_809 : i32 to index
    %swap3A_811 = arith.constant 80 : index
    %swap3A_812 = tpu.vector_load %arg9[%swap3A_810, %swap3A_811] {strides = array<i32>} : memref<32x128xf32, #tpu.memory_space<vmem>>, vector<1x16xf32>,
    %swap3A_813 = vector.shape_cast %swap3A_812 : vector<1x16xf32> to vector<16xf32>
    %swap3A_814 = vector.shape_cast %broadcast_in_dim3A_808 : vector<16xf32> to vector<1x16xf32>
    tpu.vector_store %arg9[%swap3A_810, %swap3A_811], %swap3A_814 {strides = array<i32>} : memref<32x128xf32, #tpu.memory_space<vmem>>, vector<1x16xf32>,
    %broadcast_in_dim3A_815 = arith.constant 0.000000e+00 : f32
    %broadcast_in_dim3A_816 = vector.broadcast %broadcast_in_dim3A_815 : f32 to vector<16xf32>
    %swap3A_817 = arith.constant 12 : i32
    %swap3A_818 = arith.index_cast %swap3A_817 : i32 to index
    %swap3A_819 = arith.constant 96 : index
    %swap3A_820 = tpu.vector_load %arg9[%swap3A_818, %swap3A_819] {strides = array<i32>} : memref<32x128xf32, #tpu.memory_space<vmem>>, vector<1x16xf32>,
    %swap3A_821 = vector.shape_cast %swap3A_820 : vector<1x16xf32> to vector<16xf32>
    %swap3A_822 = vector.shape_cast %broadcast_in_dim3A_816 : vector<16xf32> to vector<1x16xf32>
    tpu.vector_store %arg9[%swap3A_818, %swap3A_819], %swap3A_822 {strides = array<i32>} : memref<32x128xf32, #tpu.memory_space<vmem>>, vector<1x16xf32>,
    %broadcast_in_dim3A_823 = arith.constant 0.000000e+00 : f32
    %broadcast_in_dim3A_824 = vector.broadcast %broadcast_in_dim3A_823 : f32 to vector<16xf32>
    %swap3A_825 = arith.constant 12 : i32
    %swap3A_826 = arith.index_cast %swap3A_825 : i32 to index
    %swap3A_827 = arith.constant 112 : index
    %swap3A_828 = tpu.vector_load %arg9[%swap3A_826, %swap3A_827] {strides = array<i32>} : memref<32x128xf32, #tpu.memory_space<vmem>>, vector<1x16xf32>,
    %swap3A_829 = vector.shape_cast %swap3A_828 : vector<1x16xf32> to vector<16xf32>
    %swap3A_830 = vector.shape_cast %broadcast_in_dim3A_824 : vector<16xf32> to vector<1x16xf32>
    tpu.vector_store %arg9[%swap3A_826, %swap3A_827], %swap3A_830 {strides = array<i32>} : memref<32x128xf32, #tpu.memory_space<vmem>>, vector<1x16xf32>,
    %broadcast_in_dim3A_831 = arith.constant 0.000000e+00 : f32
    %broadcast_in_dim3A_832 = vector.broadcast %broadcast_in_dim3A_831 : f32 to vector<16xf32>
    %swap3A_833 = arith.constant 13 : i32
    %swap3A_834 = arith.index_cast %swap3A_833 : i32 to index
    %swap3A_835 = arith.constant 0 : index
    %swap3A_836 = tpu.vector_load %arg9[%swap3A_834, %swap3A_835] {strides = array<i32>} : memref<32x128xf32, #tpu.memory_space<vmem>>, vector<1x16xf32>,
    %swap3A_837 = vector.shape_cast %swap3A_836 : vector<1x16xf32> to vector<16xf32>
    %swap3A_838 = vector.shape_cast %broadcast_in_dim3A_832 : vector<16xf32> to vector<1x16xf32>
    tpu.vector_store %arg9[%swap3A_834, %swap3A_835], %swap3A_838 {strides = array<i32>} : memref<32x128xf32, #tpu.memory_space<vmem>>, vector<1x16xf32>,
    %broadcast_in_dim3A_839 = arith.constant 0.000000e+00 : f32
    %broadcast_in_dim3A_840 = vector.broadcast %broadcast_in_dim3A_839 : f32 to vector<16xf32>
    %swap3A_841 = arith.constant 13 : i32
    %swap3A_842 = arith.index_cast %swap3A_841 : i32 to index
    %swap3A_843 = arith.constant 16 : index
    %swap3A_844 = tpu.vector_load %arg9[%swap3A_842, %swap3A_843] {strides = array<i32>} : memref<32x128xf32, #tpu.memory_space<vmem>>, vector<1x16xf32>,
    %swap3A_845 = vector.shape_cast %swap3A_844 : vector<1x16xf32> to vector<16xf32>
    %swap3A_846 = vector.shape_cast %broadcast_in_dim3A_840 : vector<16xf32> to vector<1x16xf32>
    tpu.vector_store %arg9[%swap3A_842, %swap3A_843], %swap3A_846 {strides = array<i32>} : memref<32x128xf32, #tpu.memory_space<vmem>>, vector<1x16xf32>,
    %broadcast_in_dim3A_847 = arith.constant 0.000000e+00 : f32
    %broadcast_in_dim3A_848 = vector.broadcast %broadcast_in_dim3A_847 : f32 to vector<16xf32>
    %swap3A_849 = arith.constant 13 : i32
    %swap3A_850 = arith.index_cast %swap3A_849 : i32 to index
    %swap3A_851 = arith.constant 32 : index
    %swap3A_852 = tpu.vector_load %arg9[%swap3A_850, %swap3A_851] {strides = array<i32>} : memref<32x128xf32, #tpu.memory_space<vmem>>, vector<1x16xf32>,
    %swap3A_853 = vector.shape_cast %swap3A_852 : vector<1x16xf32> to vector<16xf32>
    %swap3A_854 = vector.shape_cast %broadcast_in_dim3A_848 : vector<16xf32> to vector<1x16xf32>
    tpu.vector_store %arg9[%swap3A_850, %swap3A_851], %swap3A_854 {strides = array<i32>} : memref<32x128xf32, #tpu.memory_space<vmem>>, vector<1x16xf32>,
    %broadcast_in_dim3A_855 = arith.constant 0.000000e+00 : f32
    %broadcast_in_dim3A_856 = vector.broadcast %broadcast_in_dim3A_855 : f32 to vector<16xf32>
    %swap3A_857 = arith.constant 13 : i32
    %swap3A_858 = arith.index_cast %swap3A_857 : i32 to index
    %swap3A_859 = arith.constant 48 : index
    %swap3A_860 = tpu.vector_load %arg9[%swap3A_858, %swap3A_859] {strides = array<i32>} : memref<32x128xf32, #tpu.memory_space<vmem>>, vector<1x16xf32>,
    %swap3A_861 = vector.shape_cast %swap3A_860 : vector<1x16xf32> to vector<16xf32>
    %swap3A_862 = vector.shape_cast %broadcast_in_dim3A_856 : vector<16xf32> to vector<1x16xf32>
    tpu.vector_store %arg9[%swap3A_858, %swap3A_859], %swap3A_862 {strides = array<i32>} : memref<32x128xf32, #tpu.memory_space<vmem>>, vector<1x16xf32>,
    %broadcast_in_dim3A_863 = arith.constant 0.000000e+00 : f32
    %broadcast_in_dim3A_864 = vector.broadcast %broadcast_in_dim3A_863 : f32 to vector<16xf32>
    %swap3A_865 = arith.constant 13 : i32
    %swap3A_866 = arith.index_cast %swap3A_865 : i32 to index
    %swap3A_867 = arith.constant 64 : index
    %swap3A_868 = tpu.vector_load %arg9[%swap3A_866, %swap3A_867] {strides = array<i32>} : memref<32x128xf32, #tpu.memory_space<vmem>>, vector<1x16xf32>,
    %swap3A_869 = vector.shape_cast %swap3A_868 : vector<1x16xf32> to vector<16xf32>
    %swap3A_870 = vector.shape_cast %broadcast_in_dim3A_864 : vector<16xf32> to vector<1x16xf32>
    tpu.vector_store %arg9[%swap3A_866, %swap3A_867], %swap3A_870 {strides = array<i32>} : memref<32x128xf32, #tpu.memory_space<vmem>>, vector<1x16xf32>,
    %broadcast_in_dim3A_871 = arith.constant 0.000000e+00 : f32
    %broadcast_in_dim3A_872 = vector.broadcast %broadcast_in_dim3A_871 : f32 to vector<16xf32>
    %swap3A_873 = arith.constant 13 : i32
    %swap3A_874 = arith.index_cast %swap3A_873 : i32 to index
    %swap3A_875 = arith.constant 80 : index
    %swap3A_876 = tpu.vector_load %arg9[%swap3A_874, %swap3A_875] {strides = array<i32>} : memref<32x128xf32, #tpu.memory_space<vmem>>, vector<1x16xf32>,
    %swap3A_877 = vector.shape_cast %swap3A_876 : vector<1x16xf32> to vector<16xf32>
    %swap3A_878 = vector.shape_cast %broadcast_in_dim3A_872 : vector<16xf32> to vector<1x16xf32>
    tpu.vector_store %arg9[%swap3A_874, %swap3A_875], %swap3A_878 {strides = array<i32>} : memref<32x128xf32, #tpu.memory_space<vmem>>, vector<1x16xf32>,
    %broadcast_in_dim3A_879 = arith.constant 0.000000e+00 : f32
    %broadcast_in_dim3A_880 = vector.broadcast %broadcast_in_dim3A_879 : f32 to vector<16xf32>
    %swap3A_881 = arith.constant 13 : i32
    %swap3A_882 = arith.index_cast %swap3A_881 : i32 to index
    %swap3A_883 = arith.constant 96 : index
    %swap3A_884 = tpu.vector_load %arg9[%swap3A_882, %swap3A_883] {strides = array<i32>} : memref<32x128xf32, #tpu.memory_space<vmem>>, vector<1x16xf32>,
    %swap3A_885 = vector.shape_cast %swap3A_884 : vector<1x16xf32> to vector<16xf32>
    %swap3A_886 = vector.shape_cast %broadcast_in_dim3A_880 : vector<16xf32> to vector<1x16xf32>
    tpu.vector_store %arg9[%swap3A_882, %swap3A_883], %swap3A_886 {strides = array<i32>} : memref<32x128xf32, #tpu.memory_space<vmem>>, vector<1x16xf32>,
    %broadcast_in_dim3A_887 = arith.constant 0.000000e+00 : f32
    %broadcast_in_dim3A_888 = vector.broadcast %broadcast_in_dim3A_887 : f32 to vector<16xf32>
    %swap3A_889 = arith.constant 13 : i32
    %swap3A_890 = arith.index_cast %swap3A_889 : i32 to index
    %swap3A_891 = arith.constant 112 : index
    %swap3A_892 = tpu.vector_load %arg9[%swap3A_890, %swap3A_891] {strides = array<i32>} : memref<32x128xf32, #tpu.memory_space<vmem>>, vector<1x16xf32>,
    %swap3A_893 = vector.shape_cast %swap3A_892 : vector<1x16xf32> to vector<16xf32>
    %swap3A_894 = vector.shape_cast %broadcast_in_dim3A_888 : vector<16xf32> to vector<1x16xf32>
    tpu.vector_store %arg9[%swap3A_890, %swap3A_891], %swap3A_894 {strides = array<i32>} : memref<32x128xf32, #tpu.memory_space<vmem>>, vector<1x16xf32>,
    %broadcast_in_dim3A_895 = arith.constant 0.000000e+00 : f32
    %broadcast_in_dim3A_896 = vector.broadcast %broadcast_in_dim3A_895 : f32 to vector<16xf32>
    %swap3A_897 = arith.constant 14 : i32
    %swap3A_898 = arith.index_cast %swap3A_897 : i32 to index
    %swap3A_899 = arith.constant 0 : index
    %swap3A_900 = tpu.vector_load %arg9[%swap3A_898, %swap3A_899] {strides = array<i32>} : memref<32x128xf32, #tpu.memory_space<vmem>>, vector<1x16xf32>,
    %swap3A_901 = vector.shape_cast %swap3A_900 : vector<1x16xf32> to vector<16xf32>
    %swap3A_902 = vector.shape_cast %broadcast_in_dim3A_896 : vector<16xf32> to vector<1x16xf32>
    tpu.vector_store %arg9[%swap3A_898, %swap3A_899], %swap3A_902 {strides = array<i32>} : memref<32x128xf32, #tpu.memory_space<vmem>>, vector<1x16xf32>,
    %broadcast_in_dim3A_903 = arith.constant 0.000000e+00 : f32
    %broadcast_in_dim3A_904 = vector.broadcast %broadcast_in_dim3A_903 : f32 to vector<16xf32>
    %swap3A_905 = arith.constant 14 : i32
    %swap3A_906 = arith.index_cast %swap3A_905 : i32 to index
    %swap3A_907 = arith.constant 16 : index
    %swap3A_908 = tpu.vector_load %arg9[%swap3A_906, %swap3A_907] {strides = array<i32>} : memref<32x128xf32, #tpu.memory_space<vmem>>, vector<1x16xf32>,
    %swap3A_909 = vector.shape_cast %swap3A_908 : vector<1x16xf32> to vector<16xf32>
    %swap3A_910 = vector.shape_cast %broadcast_in_dim3A_904 : vector<16xf32> to vector<1x16xf32>
    tpu.vector_store %arg9[%swap3A_906, %swap3A_907], %swap3A_910 {strides = array<i32>} : memref<32x128xf32, #tpu.memory_space<vmem>>, vector<1x16xf32>,
    %broadcast_in_dim3A_911 = arith.constant 0.000000e+00 : f32
    %broadcast_in_dim3A_912 = vector.broadcast %broadcast_in_dim3A_911 : f32 to vector<16xf32>
    %swap3A_913 = arith.constant 14 : i32
    %swap3A_914 = arith.index_cast %swap3A_913 : i32 to index
    %swap3A_915 = arith.constant 32 : index
    %swap3A_916 = tpu.vector_load %arg9[%swap3A_914, %swap3A_915] {strides = array<i32>} : memref<32x128xf32, #tpu.memory_space<vmem>>, vector<1x16xf32>,
    %swap3A_917 = vector.shape_cast %swap3A_916 : vector<1x16xf32> to vector<16xf32>
    %swap3A_918 = vector.shape_cast %broadcast_in_dim3A_912 : vector<16xf32> to vector<1x16xf32>
    tpu.vector_store %arg9[%swap3A_914, %swap3A_915], %swap3A_918 {strides = array<i32>} : memref<32x128xf32, #tpu.memory_space<vmem>>, vector<1x16xf32>,
    %broadcast_in_dim3A_919 = arith.constant 0.000000e+00 : f32
    %broadcast_in_dim3A_920 = vector.broadcast %broadcast_in_dim3A_919 : f32 to vector<16xf32>
    %swap3A_921 = arith.constant 14 : i32
    %swap3A_922 = arith.index_cast %swap3A_921 : i32 to index
    %swap3A_923 = arith.constant 48 : index
    %swap3A_924 = tpu.vector_load %arg9[%swap3A_922, %swap3A_923] {strides = array<i32>} : memref<32x128xf32, #tpu.memory_space<vmem>>, vector<1x16xf32>,
    %swap3A_925 = vector.shape_cast %swap3A_924 : vector<1x16xf32> to vector<16xf32>
    %swap3A_926 = vector.shape_cast %broadcast_in_dim3A_920 : vector<16xf32> to vector<1x16xf32>
    tpu.vector_store %arg9[%swap3A_922, %swap3A_923], %swap3A_926 {strides = array<i32>} : memref<32x128xf32, #tpu.memory_space<vmem>>, vector<1x16xf32>,
    %broadcast_in_dim3A_927 = arith.constant 0.000000e+00 : f32
    %broadcast_in_dim3A_928 = vector.broadcast %broadcast_in_dim3A_927 : f32 to vector<16xf32>
    %swap3A_929 = arith.constant 14 : i32
    %swap3A_930 = arith.index_cast %swap3A_929 : i32 to index
    %swap3A_931 = arith.constant 64 : index
    %swap3A_932 = tpu.vector_load %arg9[%swap3A_930, %swap3A_931] {strides = array<i32>} : memref<32x128xf32, #tpu.memory_space<vmem>>, vector<1x16xf32>,
    %swap3A_933 = vector.shape_cast %swap3A_932 : vector<1x16xf32> to vector<16xf32>
    %swap3A_934 = vector.shape_cast %broadcast_in_dim3A_928 : vector<16xf32> to vector<1x16xf32>
    tpu.vector_store %arg9[%swap3A_930, %swap3A_931], %swap3A_934 {strides = array<i32>} : memref<32x128xf32, #tpu.memory_space<vmem>>, vector<1x16xf32>,
    %broadcast_in_dim3A_935 = arith.constant 0.000000e+00 : f32
    %broadcast_in_dim3A_936 = vector.broadcast %broadcast_in_dim3A_935 : f32 to vector<16xf32>
    %swap3A_937 = arith.constant 14 : i32
    %swap3A_938 = arith.index_cast %swap3A_937 : i32 to index
    %swap3A_939 = arith.constant 80 : index
    %swap3A_940 = tpu.vector_load %arg9[%swap3A_938, %swap3A_939] {strides = array<i32>} : memref<32x128xf32, #tpu.memory_space<vmem>>, vector<1x16xf32>,
    %swap3A_941 = vector.shape_cast %swap3A_940 : vector<1x16xf32> to vector<16xf32>
    %swap3A_942 = vector.shape_cast %broadcast_in_dim3A_936 : vector<16xf32> to vector<1x16xf32>
    tpu.vector_store %arg9[%swap3A_938, %swap3A_939], %swap3A_942 {strides = array<i32>} : memref<32x128xf32, #tpu.memory_space<vmem>>, vector<1x16xf32>,
    %broadcast_in_dim3A_943 = arith.constant 0.000000e+00 : f32
    %broadcast_in_dim3A_944 = vector.broadcast %broadcast_in_dim3A_943 : f32 to vector<16xf32>
    %swap3A_945 = arith.constant 14 : i32
    %swap3A_946 = arith.index_cast %swap3A_945 : i32 to index
    %swap3A_947 = arith.constant 96 : index
    %swap3A_948 = tpu.vector_load %arg9[%swap3A_946, %swap3A_947] {strides = array<i32>} : memref<32x128xf32, #tpu.memory_space<vmem>>, vector<1x16xf32>,
    %swap3A_949 = vector.shape_cast %swap3A_948 : vector<1x16xf32> to vector<16xf32>
    %swap3A_950 = vector.shape_cast %broadcast_in_dim3A_944 : vector<16xf32> to vector<1x16xf32>
    tpu.vector_store %arg9[%swap3A_946, %swap3A_947], %swap3A_950 {strides = array<i32>} : memref<32x128xf32, #tpu.memory_space<vmem>>, vector<1x16xf32>,
    %broadcast_in_dim3A_951 = arith.constant 0.000000e+00 : f32
    %broadcast_in_dim3A_952 = vector.broadcast %broadcast_in_dim3A_951 : f32 to vector<16xf32>
    %swap3A_953 = arith.constant 14 : i32
    %swap3A_954 = arith.index_cast %swap3A_953 : i32 to index
    %swap3A_955 = arith.constant 112 : index
    %swap3A_956 = tpu.vector_load %arg9[%swap3A_954, %swap3A_955] {strides = array<i32>} : memref<32x128xf32, #tpu.memory_space<vmem>>, vector<1x16xf32>,
    %swap3A_957 = vector.shape_cast %swap3A_956 : vector<1x16xf32> to vector<16xf32>
    %swap3A_958 = vector.shape_cast %broadcast_in_dim3A_952 : vector<16xf32> to vector<1x16xf32>
    tpu.vector_store %arg9[%swap3A_954, %swap3A_955], %swap3A_958 {strides = array<i32>} : memref<32x128xf32, #tpu.memory_space<vmem>>, vector<1x16xf32>,
    %broadcast_in_dim3A_959 = arith.constant 0.000000e+00 : f32
    %broadcast_in_dim3A_960 = vector.broadcast %broadcast_in_dim3A_959 : f32 to vector<16xf32>
    %swap3A_961 = arith.constant 15 : i32
    %swap3A_962 = arith.index_cast %swap3A_961 : i32 to index
    %swap3A_963 = arith.constant 0 : index
    %swap3A_964 = tpu.vector_load %arg9[%swap3A_962, %swap3A_963] {strides = array<i32>} : memref<32x128xf32, #tpu.memory_space<vmem>>, vector<1x16xf32>,
    %swap3A_965 = vector.shape_cast %swap3A_964 : vector<1x16xf32> to vector<16xf32>
    %swap3A_966 = vector.shape_cast %broadcast_in_dim3A_960 : vector<16xf32> to vector<1x16xf32>
    tpu.vector_store %arg9[%swap3A_962, %swap3A_963], %swap3A_966 {strides = array<i32>} : memref<32x128xf32, #tpu.memory_space<vmem>>, vector<1x16xf32>,
    %broadcast_in_dim3A_967 = arith.constant 0.000000e+00 : f32
    %broadcast_in_dim3A_968 = vector.broadcast %broadcast_in_dim3A_967 : f32 to vector<16xf32>
    %swap3A_969 = arith.constant 15 : i32
    %swap3A_970 = arith.index_cast %swap3A_969 : i32 to index
    %swap3A_971 = arith.constant 16 : index
    %swap3A_972 = tpu.vector_load %arg9[%swap3A_970, %swap3A_971] {strides = array<i32>} : memref<32x128xf32, #tpu.memory_space<vmem>>, vector<1x16xf32>,
    %swap3A_973 = vector.shape_cast %swap3A_972 : vector<1x16xf32> to vector<16xf32>
    %swap3A_974 = vector.shape_cast %broadcast_in_dim3A_968 : vector<16xf32> to vector<1x16xf32>
    tpu.vector_store %arg9[%swap3A_970, %swap3A_971], %swap3A_974 {strides = array<i32>} : memref<32x128xf32, #tpu.memory_space<vmem>>, vector<1x16xf32>,
    %broadcast_in_dim3A_975 = arith.constant 0.000000e+00 : f32
    %broadcast_in_dim3A_976 = vector.broadcast %broadcast_in_dim3A_975 : f32 to vector<16xf32>
    %swap3A_977 = arith.constant 15 : i32
    %swap3A_978 = arith.index_cast %swap3A_977 : i32 to index
    %swap3A_979 = arith.constant 32 : index
    %swap3A_980 = tpu.vector_load %arg9[%swap3A_978, %swap3A_979] {strides = array<i32>} : memref<32x128xf32, #tpu.memory_space<vmem>>, vector<1x16xf32>,
    %swap3A_981 = vector.shape_cast %swap3A_980 : vector<1x16xf32> to vector<16xf32>
    %swap3A_982 = vector.shape_cast %broadcast_in_dim3A_976 : vector<16xf32> to vector<1x16xf32>
    tpu.vector_store %arg9[%swap3A_978, %swap3A_979], %swap3A_982 {strides = array<i32>} : memref<32x128xf32, #tpu.memory_space<vmem>>, vector<1x16xf32>,
    %broadcast_in_dim3A_983 = arith.constant 0.000000e+00 : f32
    %broadcast_in_dim3A_984 = vector.broadcast %broadcast_in_dim3A_983 : f32 to vector<16xf32>
    %swap3A_985 = arith.constant 15 : i32
    %swap3A_986 = arith.index_cast %swap3A_985 : i32 to index
    %swap3A_987 = arith.constant 48 : index
    %swap3A_988 = tpu.vector_load %arg9[%swap3A_986, %swap3A_987] {strides = array<i32>} : memref<32x128xf32, #tpu.memory_space<vmem>>, vector<1x16xf32>,
    %swap3A_989 = vector.shape_cast %swap3A_988 : vector<1x16xf32> to vector<16xf32>
    %swap3A_990 = vector.shape_cast %broadcast_in_dim3A_984 : vector<16xf32> to vector<1x16xf32>
    tpu.vector_store %arg9[%swap3A_986, %swap3A_987], %swap3A_990 {strides = array<i32>} : memref<32x128xf32, #tpu.memory_space<vmem>>, vector<1x16xf32>,
    %broadcast_in_dim3A_991 = arith.constant 0.000000e+00 : f32
    %broadcast_in_dim3A_992 = vector.broadcast %broadcast_in_dim3A_991 : f32 to vector<16xf32>
    %swap3A_993 = arith.constant 15 : i32
    %swap3A_994 = arith.index_cast %swap3A_993 : i32 to index
    %swap3A_995 = arith.constant 64 : index
    %swap3A_996 = tpu.vector_load %arg9[%swap3A_994, %swap3A_995] {strides = array<i32>} : memref<32x128xf32, #tpu.memory_space<vmem>>, vector<1x16xf32>,
    %swap3A_997 = vector.shape_cast %swap3A_996 : vector<1x16xf32> to vector<16xf32>
    %swap3A_998 = vector.shape_cast %broadcast_in_dim3A_992 : vector<16xf32> to vector<1x16xf32>
    tpu.vector_store %arg9[%swap3A_994, %swap3A_995], %swap3A_998 {strides = array<i32>} : memref<32x128xf32, #tpu.memory_space<vmem>>, vector<1x16xf32>,
    %broadcast_in_dim3A_999 = arith.constant 0.000000e+00 : f32
    %broadcast_in_dim3A_1000 = vector.broadcast %broadcast_in_dim3A_999 : f32 to vector<16xf32>
    %swap3A_1001 = arith.constant 15 : i32
    %swap3A_1002 = arith.index_cast %swap3A_1001 : i32 to index
    %swap3A_1003 = arith.constant 80 : index
    %swap3A_1004 = tpu.vector_load %arg9[%swap3A_1002, %swap3A_1003] {strides = array<i32>} : memref<32x128xf32, #tpu.memory_space<vmem>>, vector<1x16xf32>,
    %swap3A_1005 = vector.shape_cast %swap3A_1004 : vector<1x16xf32> to vector<16xf32>
    %swap3A_1006 = vector.shape_cast %broadcast_in_dim3A_1000 : vector<16xf32> to vector<1x16xf32>
    tpu.vector_store %arg9[%swap3A_1002, %swap3A_1003], %swap3A_1006 {strides = array<i32>} : memref<32x128xf32, #tpu.memory_space<vmem>>, vector<1x16xf32>,
    %broadcast_in_dim3A_1007 = arith.constant 0.000000e+00 : f32
    %broadcast_in_dim3A_1008 = vector.broadcast %broadcast_in_dim3A_1007 : f32 to vector<16xf32>
    %swap3A_1009 = arith.constant 15 : i32
    %swap3A_1010 = arith.index_cast %swap3A_1009 : i32 to index
    %swap3A_1011 = arith.constant 96 : index
    %swap3A_1012 = tpu.vector_load %arg9[%swap3A_1010, %swap3A_1011] {strides = array<i32>} : memref<32x128xf32, #tpu.memory_space<vmem>>, vector<1x16xf32>,
    %swap3A_1013 = vector.shape_cast %swap3A_1012 : vector<1x16xf32> to vector<16xf32>
    %swap3A_1014 = vector.shape_cast %broadcast_in_dim3A_1008 : vector<16xf32> to vector<1x16xf32>
    tpu.vector_store %arg9[%swap3A_1010, %swap3A_1011], %swap3A_1014 {strides = array<i32>} : memref<32x128xf32, #tpu.memory_space<vmem>>, vector<1x16xf32>,
    %broadcast_in_dim3A_1015 = arith.constant 0.000000e+00 : f32
    %broadcast_in_dim3A_1016 = vector.broadcast %broadcast_in_dim3A_1015 : f32 to vector<16xf32>
    %swap3A_1017 = arith.constant 15 : i32
    %swap3A_1018 = arith.index_cast %swap3A_1017 : i32 to index
    %swap3A_1019 = arith.constant 112 : index
    %swap3A_1020 = tpu.vector_load %arg9[%swap3A_1018, %swap3A_1019] {strides = array<i32>} : memref<32x128xf32, #tpu.memory_space<vmem>>, vector<1x16xf32>,
    %swap3A_1021 = vector.shape_cast %swap3A_1020 : vector<1x16xf32> to vector<16xf32>
    %swap3A_1022 = vector.shape_cast %broadcast_in_dim3A_1016 : vector<16xf32> to vector<1x16xf32>
    tpu.vector_store %arg9[%swap3A_1018, %swap3A_1019], %swap3A_1022 {strides = array<i32>} : memref<32x128xf32, #tpu.memory_space<vmem>>, vector<1x16xf32>,
    %broadcast_in_dim3A_1023 = arith.constant 0.000000e+00 : f32
    %broadcast_in_dim3A_1024 = vector.broadcast %broadcast_in_dim3A_1023 : f32 to vector<16xf32>
    %swap3A_1025 = arith.constant 16 : i32
    %swap3A_1026 = arith.index_cast %swap3A_1025 : i32 to index
    %swap3A_1027 = arith.constant 0 : index
    %swap3A_1028 = tpu.vector_load %arg9[%swap3A_1026, %swap3A_1027] {strides = array<i32>} : memref<32x128xf32, #tpu.memory_space<vmem>>, vector<1x16xf32>,
    %swap3A_1029 = vector.shape_cast %swap3A_1028 : vector<1x16xf32> to vector<16xf32>
    %swap3A_1030 = vector.shape_cast %broadcast_in_dim3A_1024 : vector<16xf32> to vector<1x16xf32>
    tpu.vector_store %arg9[%swap3A_1026, %swap3A_1027], %swap3A_1030 {strides = array<i32>} : memref<32x128xf32, #tpu.memory_space<vmem>>, vector<1x16xf32>,
    %broadcast_in_dim3A_1031 = arith.constant 0.000000e+00 : f32
    %broadcast_in_dim3A_1032 = vector.broadcast %broadcast_in_dim3A_1031 : f32 to vector<16xf32>
    %swap3A_1033 = arith.constant 16 : i32
    %swap3A_1034 = arith.index_cast %swap3A_1033 : i32 to index
    %swap3A_1035 = arith.constant 16 : index
    %swap3A_1036 = tpu.vector_load %arg9[%swap3A_1034, %swap3A_1035] {strides = array<i32>} : memref<32x128xf32, #tpu.memory_space<vmem>>, vector<1x16xf32>,
    %swap3A_1037 = vector.shape_cast %swap3A_1036 : vector<1x16xf32> to vector<16xf32>
    %swap3A_1038 = vector.shape_cast %broadcast_in_dim3A_1032 : vector<16xf32> to vector<1x16xf32>
    tpu.vector_store %arg9[%swap3A_1034, %swap3A_1035], %swap3A_1038 {strides = array<i32>} : memref<32x128xf32, #tpu.memory_space<vmem>>, vector<1x16xf32>,
    %broadcast_in_dim3A_1039 = arith.constant 0.000000e+00 : f32
    %broadcast_in_dim3A_1040 = vector.broadcast %broadcast_in_dim3A_1039 : f32 to vector<16xf32>
    %swap3A_1041 = arith.constant 16 : i32
    %swap3A_1042 = arith.index_cast %swap3A_1041 : i32 to index
    %swap3A_1043 = arith.constant 32 : index
    %swap3A_1044 = tpu.vector_load %arg9[%swap3A_1042, %swap3A_1043] {strides = array<i32>} : memref<32x128xf32, #tpu.memory_space<vmem>>, vector<1x16xf32>,
    %swap3A_1045 = vector.shape_cast %swap3A_1044 : vector<1x16xf32> to vector<16xf32>
    %swap3A_1046 = vector.shape_cast %broadcast_in_dim3A_1040 : vector<16xf32> to vector<1x16xf32>
    tpu.vector_store %arg9[%swap3A_1042, %swap3A_1043], %swap3A_1046 {strides = array<i32>} : memref<32x128xf32, #tpu.memory_space<vmem>>, vector<1x16xf32>,
    %broadcast_in_dim3A_1047 = arith.constant 0.000000e+00 : f32
    %broadcast_in_dim3A_1048 = vector.broadcast %broadcast_in_dim3A_1047 : f32 to vector<16xf32>
    %swap3A_1049 = arith.constant 16 : i32
    %swap3A_1050 = arith.index_cast %swap3A_1049 : i32 to index
    %swap3A_1051 = arith.constant 48 : index
    %swap3A_1052 = tpu.vector_load %arg9[%swap3A_1050, %swap3A_1051] {strides = array<i32>} : memref<32x128xf32, #tpu.memory_space<vmem>>, vector<1x16xf32>,
    %swap3A_1053 = vector.shape_cast %swap3A_1052 : vector<1x16xf32> to vector<16xf32>
    %swap3A_1054 = vector.shape_cast %broadcast_in_dim3A_1048 : vector<16xf32> to vector<1x16xf32>
    tpu.vector_store %arg9[%swap3A_1050, %swap3A_1051], %swap3A_1054 {strides = array<i32>} : memref<32x128xf32, #tpu.memory_space<vmem>>, vector<1x16xf32>,
    %broadcast_in_dim3A_1055 = arith.constant 0.000000e+00 : f32
    %broadcast_in_dim3A_1056 = vector.broadcast %broadcast_in_dim3A_1055 : f32 to vector<16xf32>
    %swap3A_1057 = arith.constant 16 : i32
    %swap3A_1058 = arith.index_cast %swap3A_1057 : i32 to index
    %swap3A_1059 = arith.constant 64 : index
    %swap3A_1060 = tpu.vector_load %arg9[%swap3A_1058, %swap3A_1059] {strides = array<i32>} : memref<32x128xf32, #tpu.memory_space<vmem>>, vector<1x16xf32>,
    %swap3A_1061 = vector.shape_cast %swap3A_1060 : vector<1x16xf32> to vector<16xf32>
    %swap3A_1062 = vector.shape_cast %broadcast_in_dim3A_1056 : vector<16xf32> to vector<1x16xf32>
    tpu.vector_store %arg9[%swap3A_1058, %swap3A_1059], %swap3A_1062 {strides = array<i32>} : memref<32x128xf32, #tpu.memory_space<vmem>>, vector<1x16xf32>,
    %broadcast_in_dim3A_1063 = arith.constant 0.000000e+00 : f32
    %broadcast_in_dim3A_1064 = vector.broadcast %broadcast_in_dim3A_1063 : f32 to vector<16xf32>
    %swap3A_1065 = arith.constant 16 : i32
    %swap3A_1066 = arith.index_cast %swap3A_1065 : i32 to index
    %swap3A_1067 = arith.constant 80 : index
    %swap3A_1068 = tpu.vector_load %arg9[%swap3A_1066, %swap3A_1067] {strides = array<i32>} : memref<32x128xf32, #tpu.memory_space<vmem>>, vector<1x16xf32>,
    %swap3A_1069 = vector.shape_cast %swap3A_1068 : vector<1x16xf32> to vector<16xf32>
    %swap3A_1070 = vector.shape_cast %broadcast_in_dim3A_1064 : vector<16xf32> to vector<1x16xf32>
    tpu.vector_store %arg9[%swap3A_1066, %swap3A_1067], %swap3A_1070 {strides = array<i32>} : memref<32x128xf32, #tpu.memory_space<vmem>>, vector<1x16xf32>,
    %broadcast_in_dim3A_1071 = arith.constant 0.000000e+00 : f32
    %broadcast_in_dim3A_1072 = vector.broadcast %broadcast_in_dim3A_1071 : f32 to vector<16xf32>
    %swap3A_1073 = arith.constant 16 : i32
    %swap3A_1074 = arith.index_cast %swap3A_1073 : i32 to index
    %swap3A_1075 = arith.constant 96 : index
    %swap3A_1076 = tpu.vector_load %arg9[%swap3A_1074, %swap3A_1075] {strides = array<i32>} : memref<32x128xf32, #tpu.memory_space<vmem>>, vector<1x16xf32>,
    %swap3A_1077 = vector.shape_cast %swap3A_1076 : vector<1x16xf32> to vector<16xf32>
    %swap3A_1078 = vector.shape_cast %broadcast_in_dim3A_1072 : vector<16xf32> to vector<1x16xf32>
    tpu.vector_store %arg9[%swap3A_1074, %swap3A_1075], %swap3A_1078 {strides = array<i32>} : memref<32x128xf32, #tpu.memory_space<vmem>>, vector<1x16xf32>,
    %broadcast_in_dim3A_1079 = arith.constant 0.000000e+00 : f32
    %broadcast_in_dim3A_1080 = vector.broadcast %broadcast_in_dim3A_1079 : f32 to vector<16xf32>
    %swap3A_1081 = arith.constant 16 : i32
    %swap3A_1082 = arith.index_cast %swap3A_1081 : i32 to index
    %swap3A_1083 = arith.constant 112 : index
    %swap3A_1084 = tpu.vector_load %arg9[%swap3A_1082, %swap3A_1083] {strides = array<i32>} : memref<32x128xf32, #tpu.memory_space<vmem>>, vector<1x16xf32>,
    %swap3A_1085 = vector.shape_cast %swap3A_1084 : vector<1x16xf32> to vector<16xf32>
    %swap3A_1086 = vector.shape_cast %broadcast_in_dim3A_1080 : vector<16xf32> to vector<1x16xf32>
    tpu.vector_store %arg9[%swap3A_1082, %swap3A_1083], %swap3A_1086 {strides = array<i32>} : memref<32x128xf32, #tpu.memory_space<vmem>>, vector<1x16xf32>,
    %broadcast_in_dim3A_1087 = arith.constant 0.000000e+00 : f32
    %broadcast_in_dim3A_1088 = vector.broadcast %broadcast_in_dim3A_1087 : f32 to vector<16xf32>
    %swap3A_1089 = arith.constant 17 : i32
    %swap3A_1090 = arith.index_cast %swap3A_1089 : i32 to index
    %swap3A_1091 = arith.constant 0 : index
    %swap3A_1092 = tpu.vector_load %arg9[%swap3A_1090, %swap3A_1091] {strides = array<i32>} : memref<32x128xf32, #tpu.memory_space<vmem>>, vector<1x16xf32>,
    %swap3A_1093 = vector.shape_cast %swap3A_1092 : vector<1x16xf32> to vector<16xf32>
    %swap3A_1094 = vector.shape_cast %broadcast_in_dim3A_1088 : vector<16xf32> to vector<1x16xf32>
    tpu.vector_store %arg9[%swap3A_1090, %swap3A_1091], %swap3A_1094 {strides = array<i32>} : memref<32x128xf32, #tpu.memory_space<vmem>>, vector<1x16xf32>,
    %broadcast_in_dim3A_1095 = arith.constant 0.000000e+00 : f32
    %broadcast_in_dim3A_1096 = vector.broadcast %broadcast_in_dim3A_1095 : f32 to vector<16xf32>
    %swap3A_1097 = arith.constant 17 : i32
    %swap3A_1098 = arith.index_cast %swap3A_1097 : i32 to index
    %swap3A_1099 = arith.constant 16 : index
    %swap3A_1100 = tpu.vector_load %arg9[%swap3A_1098, %swap3A_1099] {strides = array<i32>} : memref<32x128xf32, #tpu.memory_space<vmem>>, vector<1x16xf32>,
    %swap3A_1101 = vector.shape_cast %swap3A_1100 : vector<1x16xf32> to vector<16xf32>
    %swap3A_1102 = vector.shape_cast %broadcast_in_dim3A_1096 : vector<16xf32> to vector<1x16xf32>
    tpu.vector_store %arg9[%swap3A_1098, %swap3A_1099], %swap3A_1102 {strides = array<i32>} : memref<32x128xf32, #tpu.memory_space<vmem>>, vector<1x16xf32>,
    %broadcast_in_dim3A_1103 = arith.constant 0.000000e+00 : f32
    %broadcast_in_dim3A_1104 = vector.broadcast %broadcast_in_dim3A_1103 : f32 to vector<16xf32>
    %swap3A_1105 = arith.constant 17 : i32
    %swap3A_1106 = arith.index_cast %swap3A_1105 : i32 to index
    %swap3A_1107 = arith.constant 32 : index
    %swap3A_1108 = tpu.vector_load %arg9[%swap3A_1106, %swap3A_1107] {strides = array<i32>} : memref<32x128xf32, #tpu.memory_space<vmem>>, vector<1x16xf32>,
    %swap3A_1109 = vector.shape_cast %swap3A_1108 : vector<1x16xf32> to vector<16xf32>
    %swap3A_1110 = vector.shape_cast %broadcast_in_dim3A_1104 : vector<16xf32> to vector<1x16xf32>
    tpu.vector_store %arg9[%swap3A_1106, %swap3A_1107], %swap3A_1110 {strides = array<i32>} : memref<32x128xf32, #tpu.memory_space<vmem>>, vector<1x16xf32>,
    %broadcast_in_dim3A_1111 = arith.constant 0.000000e+00 : f32
    %broadcast_in_dim3A_1112 = vector.broadcast %broadcast_in_dim3A_1111 : f32 to vector<16xf32>
    %swap3A_1113 = arith.constant 17 : i32
    %swap3A_1114 = arith.index_cast %swap3A_1113 : i32 to index
    %swap3A_1115 = arith.constant 48 : index
    %swap3A_1116 = tpu.vector_load %arg9[%swap3A_1114, %swap3A_1115] {strides = array<i32>} : memref<32x128xf32, #tpu.memory_space<vmem>>, vector<1x16xf32>,
    %swap3A_1117 = vector.shape_cast %swap3A_1116 : vector<1x16xf32> to vector<16xf32>
    %swap3A_1118 = vector.shape_cast %broadcast_in_dim3A_1112 : vector<16xf32> to vector<1x16xf32>
    tpu.vector_store %arg9[%swap3A_1114, %swap3A_1115], %swap3A_1118 {strides = array<i32>} : memref<32x128xf32, #tpu.memory_space<vmem>>, vector<1x16xf32>,
    %broadcast_in_dim3A_1119 = arith.constant 0.000000e+00 : f32
    %broadcast_in_dim3A_1120 = vector.broadcast %broadcast_in_dim3A_1119 : f32 to vector<16xf32>
    %swap3A_1121 = arith.constant 17 : i32
    %swap3A_1122 = arith.index_cast %swap3A_1121 : i32 to index
    %swap3A_1123 = arith.constant 64 : index
    %swap3A_1124 = tpu.vector_load %arg9[%swap3A_1122, %swap3A_1123] {strides = array<i32>} : memref<32x128xf32, #tpu.memory_space<vmem>>, vector<1x16xf32>,
    %swap3A_1125 = vector.shape_cast %swap3A_1124 : vector<1x16xf32> to vector<16xf32>
    %swap3A_1126 = vector.shape_cast %broadcast_in_dim3A_1120 : vector<16xf32> to vector<1x16xf32>
    tpu.vector_store %arg9[%swap3A_1122, %swap3A_1123], %swap3A_1126 {strides = array<i32>} : memref<32x128xf32, #tpu.memory_space<vmem>>, vector<1x16xf32>,
    %broadcast_in_dim3A_1127 = arith.constant 0.000000e+00 : f32
    %broadcast_in_dim3A_1128 = vector.broadcast %broadcast_in_dim3A_1127 : f32 to vector<16xf32>
    %swap3A_1129 = arith.constant 17 : i32
    %swap3A_1130 = arith.index_cast %swap3A_1129 : i32 to index
    %swap3A_1131 = arith.constant 80 : index
    %swap3A_1132 = tpu.vector_load %arg9[%swap3A_1130, %swap3A_1131] {strides = array<i32>} : memref<32x128xf32, #tpu.memory_space<vmem>>, vector<1x16xf32>,
    %swap3A_1133 = vector.shape_cast %swap3A_1132 : vector<1x16xf32> to vector<16xf32>
    %swap3A_1134 = vector.shape_cast %broadcast_in_dim3A_1128 : vector<16xf32> to vector<1x16xf32>
    tpu.vector_store %arg9[%swap3A_1130, %swap3A_1131], %swap3A_1134 {strides = array<i32>} : memref<32x128xf32, #tpu.memory_space<vmem>>, vector<1x16xf32>,
    %broadcast_in_dim3A_1135 = arith.constant 0.000000e+00 : f32
    %broadcast_in_dim3A_1136 = vector.broadcast %broadcast_in_dim3A_1135 : f32 to vector<16xf32>
    %swap3A_1137 = arith.constant 17 : i32
    %swap3A_1138 = arith.index_cast %swap3A_1137 : i32 to index
    %swap3A_1139 = arith.constant 96 : index
    %swap3A_1140 = tpu.vector_load %arg9[%swap3A_1138, %swap3A_1139] {strides = array<i32>} : memref<32x128xf32, #tpu.memory_space<vmem>>, vector<1x16xf32>,
    %swap3A_1141 = vector.shape_cast %swap3A_1140 : vector<1x16xf32> to vector<16xf32>
    %swap3A_1142 = vector.shape_cast %broadcast_in_dim3A_1136 : vector<16xf32> to vector<1x16xf32>
    tpu.vector_store %arg9[%swap3A_1138, %swap3A_1139], %swap3A_1142 {strides = array<i32>} : memref<32x128xf32, #tpu.memory_space<vmem>>, vector<1x16xf32>,
    %broadcast_in_dim3A_1143 = arith.constant 0.000000e+00 : f32
    %broadcast_in_dim3A_1144 = vector.broadcast %broadcast_in_dim3A_1143 : f32 to vector<16xf32>
    %swap3A_1145 = arith.constant 17 : i32
    %swap3A_1146 = arith.index_cast %swap3A_1145 : i32 to index
    %swap3A_1147 = arith.constant 112 : index
    %swap3A_1148 = tpu.vector_load %arg9[%swap3A_1146, %swap3A_1147] {strides = array<i32>} : memref<32x128xf32, #tpu.memory_space<vmem>>, vector<1x16xf32>,
    %swap3A_1149 = vector.shape_cast %swap3A_1148 : vector<1x16xf32> to vector<16xf32>
    %swap3A_1150 = vector.shape_cast %broadcast_in_dim3A_1144 : vector<16xf32> to vector<1x16xf32>
    tpu.vector_store %arg9[%swap3A_1146, %swap3A_1147], %swap3A_1150 {strides = array<i32>} : memref<32x128xf32, #tpu.memory_space<vmem>>, vector<1x16xf32>,
    %broadcast_in_dim3A_1151 = arith.constant 0.000000e+00 : f32
    %broadcast_in_dim3A_1152 = vector.broadcast %broadcast_in_dim3A_1151 : f32 to vector<16xf32>
    %swap3A_1153 = arith.constant 18 : i32
    %swap3A_1154 = arith.index_cast %swap3A_1153 : i32 to index
    %swap3A_1155 = arith.constant 0 : index
    %swap3A_1156 = tpu.vector_load %arg9[%swap3A_1154, %swap3A_1155] {strides = array<i32>} : memref<32x128xf32, #tpu.memory_space<vmem>>, vector<1x16xf32>,
    %swap3A_1157 = vector.shape_cast %swap3A_1156 : vector<1x16xf32> to vector<16xf32>
    %swap3A_1158 = vector.shape_cast %broadcast_in_dim3A_1152 : vector<16xf32> to vector<1x16xf32>
    tpu.vector_store %arg9[%swap3A_1154, %swap3A_1155], %swap3A_1158 {strides = array<i32>} : memref<32x128xf32, #tpu.memory_space<vmem>>, vector<1x16xf32>,
    %broadcast_in_dim3A_1159 = arith.constant 0.000000e+00 : f32
    %broadcast_in_dim3A_1160 = vector.broadcast %broadcast_in_dim3A_1159 : f32 to vector<16xf32>
    %swap3A_1161 = arith.constant 18 : i32
    %swap3A_1162 = arith.index_cast %swap3A_1161 : i32 to index
    %swap3A_1163 = arith.constant 16 : index
    %swap3A_1164 = tpu.vector_load %arg9[%swap3A_1162, %swap3A_1163] {strides = array<i32>} : memref<32x128xf32, #tpu.memory_space<vmem>>, vector<1x16xf32>,
    %swap3A_1165 = vector.shape_cast %swap3A_1164 : vector<1x16xf32> to vector<16xf32>
    %swap3A_1166 = vector.shape_cast %broadcast_in_dim3A_1160 : vector<16xf32> to vector<1x16xf32>
    tpu.vector_store %arg9[%swap3A_1162, %swap3A_1163], %swap3A_1166 {strides = array<i32>} : memref<32x128xf32, #tpu.memory_space<vmem>>, vector<1x16xf32>,
    %broadcast_in_dim3A_1167 = arith.constant 0.000000e+00 : f32
    %broadcast_in_dim3A_1168 = vector.broadcast %broadcast_in_dim3A_1167 : f32 to vector<16xf32>
    %swap3A_1169 = arith.constant 18 : i32
    %swap3A_1170 = arith.index_cast %swap3A_1169 : i32 to index
    %swap3A_1171 = arith.constant 32 : index
    %swap3A_1172 = tpu.vector_load %arg9[%swap3A_1170, %swap3A_1171] {strides = array<i32>} : memref<32x128xf32, #tpu.memory_space<vmem>>, vector<1x16xf32>,
    %swap3A_1173 = vector.shape_cast %swap3A_1172 : vector<1x16xf32> to vector<16xf32>
    %swap3A_1174 = vector.shape_cast %broadcast_in_dim3A_1168 : vector<16xf32> to vector<1x16xf32>
    tpu.vector_store %arg9[%swap3A_1170, %swap3A_1171], %swap3A_1174 {strides = array<i32>} : memref<32x128xf32, #tpu.memory_space<vmem>>, vector<1x16xf32>,
    %broadcast_in_dim3A_1175 = arith.constant 0.000000e+00 : f32
    %broadcast_in_dim3A_1176 = vector.broadcast %broadcast_in_dim3A_1175 : f32 to vector<16xf32>
    %swap3A_1177 = arith.constant 18 : i32
    %swap3A_1178 = arith.index_cast %swap3A_1177 : i32 to index
    %swap3A_1179 = arith.constant 48 : index
    %swap3A_1180 = tpu.vector_load %arg9[%swap3A_1178, %swap3A_1179] {strides = array<i32>} : memref<32x128xf32, #tpu.memory_space<vmem>>, vector<1x16xf32>,
    %swap3A_1181 = vector.shape_cast %swap3A_1180 : vector<1x16xf32> to vector<16xf32>
    %swap3A_1182 = vector.shape_cast %broadcast_in_dim3A_1176 : vector<16xf32> to vector<1x16xf32>
    tpu.vector_store %arg9[%swap3A_1178, %swap3A_1179], %swap3A_1182 {strides = array<i32>} : memref<32x128xf32, #tpu.memory_space<vmem>>, vector<1x16xf32>,
    %broadcast_in_dim3A_1183 = arith.constant 0.000000e+00 : f32
    %broadcast_in_dim3A_1184 = vector.broadcast %broadcast_in_dim3A_1183 : f32 to vector<16xf32>
    %swap3A_1185 = arith.constant 18 : i32
    %swap3A_1186 = arith.index_cast %swap3A_1185 : i32 to index
    %swap3A_1187 = arith.constant 64 : index
    %swap3A_1188 = tpu.vector_load %arg9[%swap3A_1186, %swap3A_1187] {strides = array<i32>} : memref<32x128xf32, #tpu.memory_space<vmem>>, vector<1x16xf32>,
    %swap3A_1189 = vector.shape_cast %swap3A_1188 : vector<1x16xf32> to vector<16xf32>
    %swap3A_1190 = vector.shape_cast %broadcast_in_dim3A_1184 : vector<16xf32> to vector<1x16xf32>
    tpu.vector_store %arg9[%swap3A_1186, %swap3A_1187], %swap3A_1190 {strides = array<i32>} : memref<32x128xf32, #tpu.memory_space<vmem>>, vector<1x16xf32>,
    %broadcast_in_dim3A_1191 = arith.constant 0.000000e+00 : f32
    %broadcast_in_dim3A_1192 = vector.broadcast %broadcast_in_dim3A_1191 : f32 to vector<16xf32>
    %swap3A_1193 = arith.constant 18 : i32
    %swap3A_1194 = arith.index_cast %swap3A_1193 : i32 to index
    %swap3A_1195 = arith.constant 80 : index
    %swap3A_1196 = tpu.vector_load %arg9[%swap3A_1194, %swap3A_1195] {strides = array<i32>} : memref<32x128xf32, #tpu.memory_space<vmem>>, vector<1x16xf32>,
    %swap3A_1197 = vector.shape_cast %swap3A_1196 : vector<1x16xf32> to vector<16xf32>
    %swap3A_1198 = vector.shape_cast %broadcast_in_dim3A_1192 : vector<16xf32> to vector<1x16xf32>
    tpu.vector_store %arg9[%swap3A_1194, %swap3A_1195], %swap3A_1198 {strides = array<i32>} : memref<32x128xf32, #tpu.memory_space<vmem>>, vector<1x16xf32>,
    %broadcast_in_dim3A_1199 = arith.constant 0.000000e+00 : f32
    %broadcast_in_dim3A_1200 = vector.broadcast %broadcast_in_dim3A_1199 : f32 to vector<16xf32>
    %swap3A_1201 = arith.constant 18 : i32
    %swap3A_1202 = arith.index_cast %swap3A_1201 : i32 to index
    %swap3A_1203 = arith.constant 96 : index
    %swap3A_1204 = tpu.vector_load %arg9[%swap3A_1202, %swap3A_1203] {strides = array<i32>} : memref<32x128xf32, #tpu.memory_space<vmem>>, vector<1x16xf32>,
    %swap3A_1205 = vector.shape_cast %swap3A_1204 : vector<1x16xf32> to vector<16xf32>
    %swap3A_1206 = vector.shape_cast %broadcast_in_dim3A_1200 : vector<16xf32> to vector<1x16xf32>
    tpu.vector_store %arg9[%swap3A_1202, %swap3A_1203], %swap3A_1206 {strides = array<i32>} : memref<32x128xf32, #tpu.memory_space<vmem>>, vector<1x16xf32>,
    %broadcast_in_dim3A_1207 = arith.constant 0.000000e+00 : f32
    %broadcast_in_dim3A_1208 = vector.broadcast %broadcast_in_dim3A_1207 : f32 to vector<16xf32>
    %swap3A_1209 = arith.constant 18 : i32
    %swap3A_1210 = arith.index_cast %swap3A_1209 : i32 to index
    %swap3A_1211 = arith.constant 112 : index
    %swap3A_1212 = tpu.vector_load %arg9[%swap3A_1210, %swap3A_1211] {strides = array<i32>} : memref<32x128xf32, #tpu.memory_space<vmem>>, vector<1x16xf32>,
    %swap3A_1213 = vector.shape_cast %swap3A_1212 : vector<1x16xf32> to vector<16xf32>
    %swap3A_1214 = vector.shape_cast %broadcast_in_dim3A_1208 : vector<16xf32> to vector<1x16xf32>
    tpu.vector_store %arg9[%swap3A_1210, %swap3A_1211], %swap3A_1214 {strides = array<i32>} : memref<32x128xf32, #tpu.memory_space<vmem>>, vector<1x16xf32>,
    %broadcast_in_dim3A_1215 = arith.constant 0.000000e+00 : f32
    %broadcast_in_dim3A_1216 = vector.broadcast %broadcast_in_dim3A_1215 : f32 to vector<16xf32>
    %swap3A_1217 = arith.constant 19 : i32
    %swap3A_1218 = arith.index_cast %swap3A_1217 : i32 to index
    %swap3A_1219 = arith.constant 0 : index
    %swap3A_1220 = tpu.vector_load %arg9[%swap3A_1218, %swap3A_1219] {strides = array<i32>} : memref<32x128xf32, #tpu.memory_space<vmem>>, vector<1x16xf32>,
    %swap3A_1221 = vector.shape_cast %swap3A_1220 : vector<1x16xf32> to vector<16xf32>
    %swap3A_1222 = vector.shape_cast %broadcast_in_dim3A_1216 : vector<16xf32> to vector<1x16xf32>
    tpu.vector_store %arg9[%swap3A_1218, %swap3A_1219], %swap3A_1222 {strides = array<i32>} : memref<32x128xf32, #tpu.memory_space<vmem>>, vector<1x16xf32>,
    %broadcast_in_dim3A_1223 = arith.constant 0.000000e+00 : f32
    %broadcast_in_dim3A_1224 = vector.broadcast %broadcast_in_dim3A_1223 : f32 to vector<16xf32>
    %swap3A_1225 = arith.constant 19 : i32
    %swap3A_1226 = arith.index_cast %swap3A_1225 : i32 to index
    %swap3A_1227 = arith.constant 16 : index
    %swap3A_1228 = tpu.vector_load %arg9[%swap3A_1226, %swap3A_1227] {strides = array<i32>} : memref<32x128xf32, #tpu.memory_space<vmem>>, vector<1x16xf32>,
    %swap3A_1229 = vector.shape_cast %swap3A_1228 : vector<1x16xf32> to vector<16xf32>
    %swap3A_1230 = vector.shape_cast %broadcast_in_dim3A_1224 : vector<16xf32> to vector<1x16xf32>
    tpu.vector_store %arg9[%swap3A_1226, %swap3A_1227], %swap3A_1230 {strides = array<i32>} : memref<32x128xf32, #tpu.memory_space<vmem>>, vector<1x16xf32>,
    %broadcast_in_dim3A_1231 = arith.constant 0.000000e+00 : f32
    %broadcast_in_dim3A_1232 = vector.broadcast %broadcast_in_dim3A_1231 : f32 to vector<16xf32>
    %swap3A_1233 = arith.constant 19 : i32
    %swap3A_1234 = arith.index_cast %swap3A_1233 : i32 to index
    %swap3A_1235 = arith.constant 32 : index
    %swap3A_1236 = tpu.vector_load %arg9[%swap3A_1234, %swap3A_1235] {strides = array<i32>} : memref<32x128xf32, #tpu.memory_space<vmem>>, vector<1x16xf32>,
    %swap3A_1237 = vector.shape_cast %swap3A_1236 : vector<1x16xf32> to vector<16xf32>
    %swap3A_1238 = vector.shape_cast %broadcast_in_dim3A_1232 : vector<16xf32> to vector<1x16xf32>
    tpu.vector_store %arg9[%swap3A_1234, %swap3A_1235], %swap3A_1238 {strides = array<i32>} : memref<32x128xf32, #tpu.memory_space<vmem>>, vector<1x16xf32>,
    %broadcast_in_dim3A_1239 = arith.constant 0.000000e+00 : f32
    %broadcast_in_dim3A_1240 = vector.broadcast %broadcast_in_dim3A_1239 : f32 to vector<16xf32>
    %swap3A_1241 = arith.constant 19 : i32
    %swap3A_1242 = arith.index_cast %swap3A_1241 : i32 to index
    %swap3A_1243 = arith.constant 48 : index
    %swap3A_1244 = tpu.vector_load %arg9[%swap3A_1242, %swap3A_1243] {strides = array<i32>} : memref<32x128xf32, #tpu.memory_space<vmem>>, vector<1x16xf32>,
    %swap3A_1245 = vector.shape_cast %swap3A_1244 : vector<1x16xf32> to vector<16xf32>
    %swap3A_1246 = vector.shape_cast %broadcast_in_dim3A_1240 : vector<16xf32> to vector<1x16xf32>
    tpu.vector_store %arg9[%swap3A_1242, %swap3A_1243], %swap3A_1246 {strides = array<i32>} : memref<32x128xf32, #tpu.memory_space<vmem>>, vector<1x16xf32>,
    %broadcast_in_dim3A_1247 = arith.constant 0.000000e+00 : f32
    %broadcast_in_dim3A_1248 = vector.broadcast %broadcast_in_dim3A_1247 : f32 to vector<16xf32>
    %swap3A_1249 = arith.constant 19 : i32
    %swap3A_1250 = arith.index_cast %swap3A_1249 : i32 to index
    %swap3A_1251 = arith.constant 64 : index
    %swap3A_1252 = tpu.vector_load %arg9[%swap3A_1250, %swap3A_1251] {strides = array<i32>} : memref<32x128xf32, #tpu.memory_space<vmem>>, vector<1x16xf32>,
    %swap3A_1253 = vector.shape_cast %swap3A_1252 : vector<1x16xf32> to vector<16xf32>
    %swap3A_1254 = vector.shape_cast %broadcast_in_dim3A_1248 : vector<16xf32> to vector<1x16xf32>
    tpu.vector_store %arg9[%swap3A_1250, %swap3A_1251], %swap3A_1254 {strides = array<i32>} : memref<32x128xf32, #tpu.memory_space<vmem>>, vector<1x16xf32>,
    %broadcast_in_dim3A_1255 = arith.constant 0.000000e+00 : f32
    %broadcast_in_dim3A_1256 = vector.broadcast %broadcast_in_dim3A_1255 : f32 to vector<16xf32>
    %swap3A_1257 = arith.constant 19 : i32
    %swap3A_1258 = arith.index_cast %swap3A_1257 : i32 to index
    %swap3A_1259 = arith.constant 80 : index
    %swap3A_1260 = tpu.vector_load %arg9[%swap3A_1258, %swap3A_1259] {strides = array<i32>} : memref<32x128xf32, #tpu.memory_space<vmem>>, vector<1x16xf32>,
    %swap3A_1261 = vector.shape_cast %swap3A_1260 : vector<1x16xf32> to vector<16xf32>
    %swap3A_1262 = vector.shape_cast %broadcast_in_dim3A_1256 : vector<16xf32> to vector<1x16xf32>
    tpu.vector_store %arg9[%swap3A_1258, %swap3A_1259], %swap3A_1262 {strides = array<i32>} : memref<32x128xf32, #tpu.memory_space<vmem>>, vector<1x16xf32>,
    %broadcast_in_dim3A_1263 = arith.constant 0.000000e+00 : f32
    %broadcast_in_dim3A_1264 = vector.broadcast %broadcast_in_dim3A_1263 : f32 to vector<16xf32>
    %swap3A_1265 = arith.constant 19 : i32
    %swap3A_1266 = arith.index_cast %swap3A_1265 : i32 to index
    %swap3A_1267 = arith.constant 96 : index
    %swap3A_1268 = tpu.vector_load %arg9[%swap3A_1266, %swap3A_1267] {strides = array<i32>} : memref<32x128xf32, #tpu.memory_space<vmem>>, vector<1x16xf32>,
    %swap3A_1269 = vector.shape_cast %swap3A_1268 : vector<1x16xf32> to vector<16xf32>
    %swap3A_1270 = vector.shape_cast %broadcast_in_dim3A_1264 : vector<16xf32> to vector<1x16xf32>
    tpu.vector_store %arg9[%swap3A_1266, %swap3A_1267], %swap3A_1270 {strides = array<i32>} : memref<32x128xf32, #tpu.memory_space<vmem>>, vector<1x16xf32>,
    %broadcast_in_dim3A_1271 = arith.constant 0.000000e+00 : f32
    %broadcast_in_dim3A_1272 = vector.broadcast %broadcast_in_dim3A_1271 : f32 to vector<16xf32>
    %swap3A_1273 = arith.constant 19 : i32
    %swap3A_1274 = arith.index_cast %swap3A_1273 : i32 to index
    %swap3A_1275 = arith.constant 112 : index
    %swap3A_1276 = tpu.vector_load %arg9[%swap3A_1274, %swap3A_1275] {strides = array<i32>} : memref<32x128xf32, #tpu.memory_space<vmem>>, vector<1x16xf32>,
    %swap3A_1277 = vector.shape_cast %swap3A_1276 : vector<1x16xf32> to vector<16xf32>
    %swap3A_1278 = vector.shape_cast %broadcast_in_dim3A_1272 : vector<16xf32> to vector<1x16xf32>
    tpu.vector_store %arg9[%swap3A_1274, %swap3A_1275], %swap3A_1278 {strides = array<i32>} : memref<32x128xf32, #tpu.memory_space<vmem>>, vector<1x16xf32>,
    %broadcast_in_dim3A_1279 = arith.constant 0.000000e+00 : f32
    %broadcast_in_dim3A_1280 = vector.broadcast %broadcast_in_dim3A_1279 : f32 to vector<16xf32>
    %swap3A_1281 = arith.constant 20 : i32
    %swap3A_1282 = arith.index_cast %swap3A_1281 : i32 to index
    %swap3A_1283 = arith.constant 0 : index
    %swap3A_1284 = tpu.vector_load %arg9[%swap3A_1282, %swap3A_1283] {strides = array<i32>} : memref<32x128xf32, #tpu.memory_space<vmem>>, vector<1x16xf32>,
    %swap3A_1285 = vector.shape_cast %swap3A_1284 : vector<1x16xf32> to vector<16xf32>
    %swap3A_1286 = vector.shape_cast %broadcast_in_dim3A_1280 : vector<16xf32> to vector<1x16xf32>
    tpu.vector_store %arg9[%swap3A_1282, %swap3A_1283], %swap3A_1286 {strides = array<i32>} : memref<32x128xf32, #tpu.memory_space<vmem>>, vector<1x16xf32>,
    %broadcast_in_dim3A_1287 = arith.constant 0.000000e+00 : f32
    %broadcast_in_dim3A_1288 = vector.broadcast %broadcast_in_dim3A_1287 : f32 to vector<16xf32>
    %swap3A_1289 = arith.constant 20 : i32
    %swap3A_1290 = arith.index_cast %swap3A_1289 : i32 to index
    %swap3A_1291 = arith.constant 16 : index
    %swap3A_1292 = tpu.vector_load %arg9[%swap3A_1290, %swap3A_1291] {strides = array<i32>} : memref<32x128xf32, #tpu.memory_space<vmem>>, vector<1x16xf32>,
    %swap3A_1293 = vector.shape_cast %swap3A_1292 : vector<1x16xf32> to vector<16xf32>
    %swap3A_1294 = vector.shape_cast %broadcast_in_dim3A_1288 : vector<16xf32> to vector<1x16xf32>
    tpu.vector_store %arg9[%swap3A_1290, %swap3A_1291], %swap3A_1294 {strides = array<i32>} : memref<32x128xf32, #tpu.memory_space<vmem>>, vector<1x16xf32>,
    %broadcast_in_dim3A_1295 = arith.constant 0.000000e+00 : f32
    %broadcast_in_dim3A_1296 = vector.broadcast %broadcast_in_dim3A_1295 : f32 to vector<16xf32>
    %swap3A_1297 = arith.constant 20 : i32
    %swap3A_1298 = arith.index_cast %swap3A_1297 : i32 to index
    %swap3A_1299 = arith.constant 32 : index
    %swap3A_1300 = tpu.vector_load %arg9[%swap3A_1298, %swap3A_1299] {strides = array<i32>} : memref<32x128xf32, #tpu.memory_space<vmem>>, vector<1x16xf32>,
    %swap3A_1301 = vector.shape_cast %swap3A_1300 : vector<1x16xf32> to vector<16xf32>
    %swap3A_1302 = vector.shape_cast %broadcast_in_dim3A_1296 : vector<16xf32> to vector<1x16xf32>
    tpu.vector_store %arg9[%swap3A_1298, %swap3A_1299], %swap3A_1302 {strides = array<i32>} : memref<32x128xf32, #tpu.memory_space<vmem>>, vector<1x16xf32>,
    %broadcast_in_dim3A_1303 = arith.constant 0.000000e+00 : f32
    %broadcast_in_dim3A_1304 = vector.broadcast %broadcast_in_dim3A_1303 : f32 to vector<16xf32>
    %swap3A_1305 = arith.constant 20 : i32
    %swap3A_1306 = arith.index_cast %swap3A_1305 : i32 to index
    %swap3A_1307 = arith.constant 48 : index
    %swap3A_1308 = tpu.vector_load %arg9[%swap3A_1306, %swap3A_1307] {strides = array<i32>} : memref<32x128xf32, #tpu.memory_space<vmem>>, vector<1x16xf32>,
    %swap3A_1309 = vector.shape_cast %swap3A_1308 : vector<1x16xf32> to vector<16xf32>
    %swap3A_1310 = vector.shape_cast %broadcast_in_dim3A_1304 : vector<16xf32> to vector<1x16xf32>
    tpu.vector_store %arg9[%swap3A_1306, %swap3A_1307], %swap3A_1310 {strides = array<i32>} : memref<32x128xf32, #tpu.memory_space<vmem>>, vector<1x16xf32>,
    %broadcast_in_dim3A_1311 = arith.constant 0.000000e+00 : f32
    %broadcast_in_dim3A_1312 = vector.broadcast %broadcast_in_dim3A_1311 : f32 to vector<16xf32>
    %swap3A_1313 = arith.constant 20 : i32
    %swap3A_1314 = arith.index_cast %swap3A_1313 : i32 to index
    %swap3A_1315 = arith.constant 64 : index
    %swap3A_1316 = tpu.vector_load %arg9[%swap3A_1314, %swap3A_1315] {strides = array<i32>} : memref<32x128xf32, #tpu.memory_space<vmem>>, vector<1x16xf32>,
    %swap3A_1317 = vector.shape_cast %swap3A_1316 : vector<1x16xf32> to vector<16xf32>
    %swap3A_1318 = vector.shape_cast %broadcast_in_dim3A_1312 : vector<16xf32> to vector<1x16xf32>
    tpu.vector_store %arg9[%swap3A_1314, %swap3A_1315], %swap3A_1318 {strides = array<i32>} : memref<32x128xf32, #tpu.memory_space<vmem>>, vector<1x16xf32>,
    %broadcast_in_dim3A_1319 = arith.constant 0.000000e+00 : f32
    %broadcast_in_dim3A_1320 = vector.broadcast %broadcast_in_dim3A_1319 : f32 to vector<16xf32>
    %swap3A_1321 = arith.constant 20 : i32
    %swap3A_1322 = arith.index_cast %swap3A_1321 : i32 to index
    %swap3A_1323 = arith.constant 80 : index
    %swap3A_1324 = tpu.vector_load %arg9[%swap3A_1322, %swap3A_1323] {strides = array<i32>} : memref<32x128xf32, #tpu.memory_space<vmem>>, vector<1x16xf32>,
    %swap3A_1325 = vector.shape_cast %swap3A_1324 : vector<1x16xf32> to vector<16xf32>
    %swap3A_1326 = vector.shape_cast %broadcast_in_dim3A_1320 : vector<16xf32> to vector<1x16xf32>
    tpu.vector_store %arg9[%swap3A_1322, %swap3A_1323], %swap3A_1326 {strides = array<i32>} : memref<32x128xf32, #tpu.memory_space<vmem>>, vector<1x16xf32>,
    %broadcast_in_dim3A_1327 = arith.constant 0.000000e+00 : f32
    %broadcast_in_dim3A_1328 = vector.broadcast %broadcast_in_dim3A_1327 : f32 to vector<16xf32>
    %swap3A_1329 = arith.constant 20 : i32
    %swap3A_1330 = arith.index_cast %swap3A_1329 : i32 to index
    %swap3A_1331 = arith.constant 96 : index
    %swap3A_1332 = tpu.vector_load %arg9[%swap3A_1330, %swap3A_1331] {strides = array<i32>} : memref<32x128xf32, #tpu.memory_space<vmem>>, vector<1x16xf32>,
    %swap3A_1333 = vector.shape_cast %swap3A_1332 : vector<1x16xf32> to vector<16xf32>
    %swap3A_1334 = vector.shape_cast %broadcast_in_dim3A_1328 : vector<16xf32> to vector<1x16xf32>
    tpu.vector_store %arg9[%swap3A_1330, %swap3A_1331], %swap3A_1334 {strides = array<i32>} : memref<32x128xf32, #tpu.memory_space<vmem>>, vector<1x16xf32>,
    %broadcast_in_dim3A_1335 = arith.constant 0.000000e+00 : f32
    %broadcast_in_dim3A_1336 = vector.broadcast %broadcast_in_dim3A_1335 : f32 to vector<16xf32>
    %swap3A_1337 = arith.constant 20 : i32
    %swap3A_1338 = arith.index_cast %swap3A_1337 : i32 to index
    %swap3A_1339 = arith.constant 112 : index
    %swap3A_1340 = tpu.vector_load %arg9[%swap3A_1338, %swap3A_1339] {strides = array<i32>} : memref<32x128xf32, #tpu.memory_space<vmem>>, vector<1x16xf32>,
    %swap3A_1341 = vector.shape_cast %swap3A_1340 : vector<1x16xf32> to vector<16xf32>
    %swap3A_1342 = vector.shape_cast %broadcast_in_dim3A_1336 : vector<16xf32> to vector<1x16xf32>
    tpu.vector_store %arg9[%swap3A_1338, %swap3A_1339], %swap3A_1342 {strides = array<i32>} : memref<32x128xf32, #tpu.memory_space<vmem>>, vector<1x16xf32>,
    %broadcast_in_dim3A_1343 = arith.constant 0.000000e+00 : f32
    %broadcast_in_dim3A_1344 = vector.broadcast %broadcast_in_dim3A_1343 : f32 to vector<16xf32>
    %swap3A_1345 = arith.constant 21 : i32
    %swap3A_1346 = arith.index_cast %swap3A_1345 : i32 to index
    %swap3A_1347 = arith.constant 0 : index
    %swap3A_1348 = tpu.vector_load %arg9[%swap3A_1346, %swap3A_1347] {strides = array<i32>} : memref<32x128xf32, #tpu.memory_space<vmem>>, vector<1x16xf32>,
    %swap3A_1349 = vector.shape_cast %swap3A_1348 : vector<1x16xf32> to vector<16xf32>
    %swap3A_1350 = vector.shape_cast %broadcast_in_dim3A_1344 : vector<16xf32> to vector<1x16xf32>
    tpu.vector_store %arg9[%swap3A_1346, %swap3A_1347], %swap3A_1350 {strides = array<i32>} : memref<32x128xf32, #tpu.memory_space<vmem>>, vector<1x16xf32>,
    %broadcast_in_dim3A_1351 = arith.constant 0.000000e+00 : f32
    %broadcast_in_dim3A_1352 = vector.broadcast %broadcast_in_dim3A_1351 : f32 to vector<16xf32>
    %swap3A_1353 = arith.constant 21 : i32
    %swap3A_1354 = arith.index_cast %swap3A_1353 : i32 to index
    %swap3A_1355 = arith.constant 16 : index
    %swap3A_1356 = tpu.vector_load %arg9[%swap3A_1354, %swap3A_1355] {strides = array<i32>} : memref<32x128xf32, #tpu.memory_space<vmem>>, vector<1x16xf32>,
    %swap3A_1357 = vector.shape_cast %swap3A_1356 : vector<1x16xf32> to vector<16xf32>
    %swap3A_1358 = vector.shape_cast %broadcast_in_dim3A_1352 : vector<16xf32> to vector<1x16xf32>
    tpu.vector_store %arg9[%swap3A_1354, %swap3A_1355], %swap3A_1358 {strides = array<i32>} : memref<32x128xf32, #tpu.memory_space<vmem>>, vector<1x16xf32>,
    %broadcast_in_dim3A_1359 = arith.constant 0.000000e+00 : f32
    %broadcast_in_dim3A_1360 = vector.broadcast %broadcast_in_dim3A_1359 : f32 to vector<16xf32>
    %swap3A_1361 = arith.constant 21 : i32
    %swap3A_1362 = arith.index_cast %swap3A_1361 : i32 to index
    %swap3A_1363 = arith.constant 32 : index
    %swap3A_1364 = tpu.vector_load %arg9[%swap3A_1362, %swap3A_1363] {strides = array<i32>} : memref<32x128xf32, #tpu.memory_space<vmem>>, vector<1x16xf32>,
    %swap3A_1365 = vector.shape_cast %swap3A_1364 : vector<1x16xf32> to vector<16xf32>
    %swap3A_1366 = vector.shape_cast %broadcast_in_dim3A_1360 : vector<16xf32> to vector<1x16xf32>
    tpu.vector_store %arg9[%swap3A_1362, %swap3A_1363], %swap3A_1366 {strides = array<i32>} : memref<32x128xf32, #tpu.memory_space<vmem>>, vector<1x16xf32>,
    %broadcast_in_dim3A_1367 = arith.constant 0.000000e+00 : f32
    %broadcast_in_dim3A_1368 = vector.broadcast %broadcast_in_dim3A_1367 : f32 to vector<16xf32>
    %swap3A_1369 = arith.constant 21 : i32
    %swap3A_1370 = arith.index_cast %swap3A_1369 : i32 to index
    %swap3A_1371 = arith.constant 48 : index
    %swap3A_1372 = tpu.vector_load %arg9[%swap3A_1370, %swap3A_1371] {strides = array<i32>} : memref<32x128xf32, #tpu.memory_space<vmem>>, vector<1x16xf32>,
    %swap3A_1373 = vector.shape_cast %swap3A_1372 : vector<1x16xf32> to vector<16xf32>
    %swap3A_1374 = vector.shape_cast %broadcast_in_dim3A_1368 : vector<16xf32> to vector<1x16xf32>
    tpu.vector_store %arg9[%swap3A_1370, %swap3A_1371], %swap3A_1374 {strides = array<i32>} : memref<32x128xf32, #tpu.memory_space<vmem>>, vector<1x16xf32>,
    %broadcast_in_dim3A_1375 = arith.constant 0.000000e+00 : f32
    %broadcast_in_dim3A_1376 = vector.broadcast %broadcast_in_dim3A_1375 : f32 to vector<16xf32>
    %swap3A_1377 = arith.constant 21 : i32
    %swap3A_1378 = arith.index_cast %swap3A_1377 : i32 to index
    %swap3A_1379 = arith.constant 64 : index
    %swap3A_1380 = tpu.vector_load %arg9[%swap3A_1378, %swap3A_1379] {strides = array<i32>} : memref<32x128xf32, #tpu.memory_space<vmem>>, vector<1x16xf32>,
    %swap3A_1381 = vector.shape_cast %swap3A_1380 : vector<1x16xf32> to vector<16xf32>
    %swap3A_1382 = vector.shape_cast %broadcast_in_dim3A_1376 : vector<16xf32> to vector<1x16xf32>
    tpu.vector_store %arg9[%swap3A_1378, %swap3A_1379], %swap3A_1382 {strides = array<i32>} : memref<32x128xf32, #tpu.memory_space<vmem>>, vector<1x16xf32>,
    %broadcast_in_dim3A_1383 = arith.constant 0.000000e+00 : f32
    %broadcast_in_dim3A_1384 = vector.broadcast %broadcast_in_dim3A_1383 : f32 to vector<16xf32>
    %swap3A_1385 = arith.constant 21 : i32
    %swap3A_1386 = arith.index_cast %swap3A_1385 : i32 to index
    %swap3A_1387 = arith.constant 80 : index
    %swap3A_1388 = tpu.vector_load %arg9[%swap3A_1386, %swap3A_1387] {strides = array<i32>} : memref<32x128xf32, #tpu.memory_space<vmem>>, vector<1x16xf32>,
    %swap3A_1389 = vector.shape_cast %swap3A_1388 : vector<1x16xf32> to vector<16xf32>
    %swap3A_1390 = vector.shape_cast %broadcast_in_dim3A_1384 : vector<16xf32> to vector<1x16xf32>
    tpu.vector_store %arg9[%swap3A_1386, %swap3A_1387], %swap3A_1390 {strides = array<i32>} : memref<32x128xf32, #tpu.memory_space<vmem>>, vector<1x16xf32>,
    %broadcast_in_dim3A_1391 = arith.constant 0.000000e+00 : f32
    %broadcast_in_dim3A_1392 = vector.broadcast %broadcast_in_dim3A_1391 : f32 to vector<16xf32>
    %swap3A_1393 = arith.constant 21 : i32
    %swap3A_1394 = arith.index_cast %swap3A_1393 : i32 to index
    %swap3A_1395 = arith.constant 96 : index
    %swap3A_1396 = tpu.vector_load %arg9[%swap3A_1394, %swap3A_1395] {strides = array<i32>} : memref<32x128xf32, #tpu.memory_space<vmem>>, vector<1x16xf32>,
    %swap3A_1397 = vector.shape_cast %swap3A_1396 : vector<1x16xf32> to vector<16xf32>
    %swap3A_1398 = vector.shape_cast %broadcast_in_dim3A_1392 : vector<16xf32> to vector<1x16xf32>
    tpu.vector_store %arg9[%swap3A_1394, %swap3A_1395], %swap3A_1398 {strides = array<i32>} : memref<32x128xf32, #tpu.memory_space<vmem>>, vector<1x16xf32>,
    %broadcast_in_dim3A_1399 = arith.constant 0.000000e+00 : f32
    %broadcast_in_dim3A_1400 = vector.broadcast %broadcast_in_dim3A_1399 : f32 to vector<16xf32>
    %swap3A_1401 = arith.constant 21 : i32
    %swap3A_1402 = arith.index_cast %swap3A_1401 : i32 to index
    %swap3A_1403 = arith.constant 112 : index
    %swap3A_1404 = tpu.vector_load %arg9[%swap3A_1402, %swap3A_1403] {strides = array<i32>} : memref<32x128xf32, #tpu.memory_space<vmem>>, vector<1x16xf32>,
    %swap3A_1405 = vector.shape_cast %swap3A_1404 : vector<1x16xf32> to vector<16xf32>
    %swap3A_1406 = vector.shape_cast %broadcast_in_dim3A_1400 : vector<16xf32> to vector<1x16xf32>
    tpu.vector_store %arg9[%swap3A_1402, %swap3A_1403], %swap3A_1406 {strides = array<i32>} : memref<32x128xf32, #tpu.memory_space<vmem>>, vector<1x16xf32>,
    %broadcast_in_dim3A_1407 = arith.constant 0.000000e+00 : f32
    %broadcast_in_dim3A_1408 = vector.broadcast %broadcast_in_dim3A_1407 : f32 to vector<16xf32>
    %swap3A_1409 = arith.constant 22 : i32
    %swap3A_1410 = arith.index_cast %swap3A_1409 : i32 to index
    %swap3A_1411 = arith.constant 0 : index
    %swap3A_1412 = tpu.vector_load %arg9[%swap3A_1410, %swap3A_1411] {strides = array<i32>} : memref<32x128xf32, #tpu.memory_space<vmem>>, vector<1x16xf32>,
    %swap3A_1413 = vector.shape_cast %swap3A_1412 : vector<1x16xf32> to vector<16xf32>
    %swap3A_1414 = vector.shape_cast %broadcast_in_dim3A_1408 : vector<16xf32> to vector<1x16xf32>
    tpu.vector_store %arg9[%swap3A_1410, %swap3A_1411], %swap3A_1414 {strides = array<i32>} : memref<32x128xf32, #tpu.memory_space<vmem>>, vector<1x16xf32>,
    %broadcast_in_dim3A_1415 = arith.constant 0.000000e+00 : f32
    %broadcast_in_dim3A_1416 = vector.broadcast %broadcast_in_dim3A_1415 : f32 to vector<16xf32>
    %swap3A_1417 = arith.constant 22 : i32
    %swap3A_1418 = arith.index_cast %swap3A_1417 : i32 to index
    %swap3A_1419 = arith.constant 16 : index
    %swap3A_1420 = tpu.vector_load %arg9[%swap3A_1418, %swap3A_1419] {strides = array<i32>} : memref<32x128xf32, #tpu.memory_space<vmem>>, vector<1x16xf32>,
    %swap3A_1421 = vector.shape_cast %swap3A_1420 : vector<1x16xf32> to vector<16xf32>
    %swap3A_1422 = vector.shape_cast %broadcast_in_dim3A_1416 : vector<16xf32> to vector<1x16xf32>
    tpu.vector_store %arg9[%swap3A_1418, %swap3A_1419], %swap3A_1422 {strides = array<i32>} : memref<32x128xf32, #tpu.memory_space<vmem>>, vector<1x16xf32>,
    %broadcast_in_dim3A_1423 = arith.constant 0.000000e+00 : f32
    %broadcast_in_dim3A_1424 = vector.broadcast %broadcast_in_dim3A_1423 : f32 to vector<16xf32>
    %swap3A_1425 = arith.constant 22 : i32
    %swap3A_1426 = arith.index_cast %swap3A_1425 : i32 to index
    %swap3A_1427 = arith.constant 32 : index
    %swap3A_1428 = tpu.vector_load %arg9[%swap3A_1426, %swap3A_1427] {strides = array<i32>} : memref<32x128xf32, #tpu.memory_space<vmem>>, vector<1x16xf32>,
    %swap3A_1429 = vector.shape_cast %swap3A_1428 : vector<1x16xf32> to vector<16xf32>
    %swap3A_1430 = vector.shape_cast %broadcast_in_dim3A_1424 : vector<16xf32> to vector<1x16xf32>
    tpu.vector_store %arg9[%swap3A_1426, %swap3A_1427], %swap3A_1430 {strides = array<i32>} : memref<32x128xf32, #tpu.memory_space<vmem>>, vector<1x16xf32>,
    %broadcast_in_dim3A_1431 = arith.constant 0.000000e+00 : f32
    %broadcast_in_dim3A_1432 = vector.broadcast %broadcast_in_dim3A_1431 : f32 to vector<16xf32>
    %swap3A_1433 = arith.constant 22 : i32
    %swap3A_1434 = arith.index_cast %swap3A_1433 : i32 to index
    %swap3A_1435 = arith.constant 48 : index
    %swap3A_1436 = tpu.vector_load %arg9[%swap3A_1434, %swap3A_1435] {strides = array<i32>} : memref<32x128xf32, #tpu.memory_space<vmem>>, vector<1x16xf32>,
    %swap3A_1437 = vector.shape_cast %swap3A_1436 : vector<1x16xf32> to vector<16xf32>
    %swap3A_1438 = vector.shape_cast %broadcast_in_dim3A_1432 : vector<16xf32> to vector<1x16xf32>
    tpu.vector_store %arg9[%swap3A_1434, %swap3A_1435], %swap3A_1438 {strides = array<i32>} : memref<32x128xf32, #tpu.memory_space<vmem>>, vector<1x16xf32>,
    %broadcast_in_dim3A_1439 = arith.constant 0.000000e+00 : f32
    %broadcast_in_dim3A_1440 = vector.broadcast %broadcast_in_dim3A_1439 : f32 to vector<16xf32>
    %swap3A_1441 = arith.constant 22 : i32
    %swap3A_1442 = arith.index_cast %swap3A_1441 : i32 to index
    %swap3A_1443 = arith.constant 64 : index
    %swap3A_1444 = tpu.vector_load %arg9[%swap3A_1442, %swap3A_1443] {strides = array<i32>} : memref<32x128xf32, #tpu.memory_space<vmem>>, vector<1x16xf32>,
    %swap3A_1445 = vector.shape_cast %swap3A_1444 : vector<1x16xf32> to vector<16xf32>
    %swap3A_1446 = vector.shape_cast %broadcast_in_dim3A_1440 : vector<16xf32> to vector<1x16xf32>
    tpu.vector_store %arg9[%swap3A_1442, %swap3A_1443], %swap3A_1446 {strides = array<i32>} : memref<32x128xf32, #tpu.memory_space<vmem>>, vector<1x16xf32>,
    %broadcast_in_dim3A_1447 = arith.constant 0.000000e+00 : f32
    %broadcast_in_dim3A_1448 = vector.broadcast %broadcast_in_dim3A_1447 : f32 to vector<16xf32>
    %swap3A_1449 = arith.constant 22 : i32
    %swap3A_1450 = arith.index_cast %swap3A_1449 : i32 to index
    %swap3A_1451 = arith.constant 80 : index
    %swap3A_1452 = tpu.vector_load %arg9[%swap3A_1450, %swap3A_1451] {strides = array<i32>} : memref<32x128xf32, #tpu.memory_space<vmem>>, vector<1x16xf32>,
    %swap3A_1453 = vector.shape_cast %swap3A_1452 : vector<1x16xf32> to vector<16xf32>
    %swap3A_1454 = vector.shape_cast %broadcast_in_dim3A_1448 : vector<16xf32> to vector<1x16xf32>
    tpu.vector_store %arg9[%swap3A_1450, %swap3A_1451], %swap3A_1454 {strides = array<i32>} : memref<32x128xf32, #tpu.memory_space<vmem>>, vector<1x16xf32>,
    %broadcast_in_dim3A_1455 = arith.constant 0.000000e+00 : f32
    %broadcast_in_dim3A_1456 = vector.broadcast %broadcast_in_dim3A_1455 : f32 to vector<16xf32>
    %swap3A_1457 = arith.constant 22 : i32
    %swap3A_1458 = arith.index_cast %swap3A_1457 : i32 to index
    %swap3A_1459 = arith.constant 96 : index
    %swap3A_1460 = tpu.vector_load %arg9[%swap3A_1458, %swap3A_1459] {strides = array<i32>} : memref<32x128xf32, #tpu.memory_space<vmem>>, vector<1x16xf32>,
    %swap3A_1461 = vector.shape_cast %swap3A_1460 : vector<1x16xf32> to vector<16xf32>
    %swap3A_1462 = vector.shape_cast %broadcast_in_dim3A_1456 : vector<16xf32> to vector<1x16xf32>
    tpu.vector_store %arg9[%swap3A_1458, %swap3A_1459], %swap3A_1462 {strides = array<i32>} : memref<32x128xf32, #tpu.memory_space<vmem>>, vector<1x16xf32>,
    %broadcast_in_dim3A_1463 = arith.constant 0.000000e+00 : f32
    %broadcast_in_dim3A_1464 = vector.broadcast %broadcast_in_dim3A_1463 : f32 to vector<16xf32>
    %swap3A_1465 = arith.constant 22 : i32
    %swap3A_1466 = arith.index_cast %swap3A_1465 : i32 to index
    %swap3A_1467 = arith.constant 112 : index
    %swap3A_1468 = tpu.vector_load %arg9[%swap3A_1466, %swap3A_1467] {strides = array<i32>} : memref<32x128xf32, #tpu.memory_space<vmem>>, vector<1x16xf32>,
    %swap3A_1469 = vector.shape_cast %swap3A_1468 : vector<1x16xf32> to vector<16xf32>
    %swap3A_1470 = vector.shape_cast %broadcast_in_dim3A_1464 : vector<16xf32> to vector<1x16xf32>
    tpu.vector_store %arg9[%swap3A_1466, %swap3A_1467], %swap3A_1470 {strides = array<i32>} : memref<32x128xf32, #tpu.memory_space<vmem>>, vector<1x16xf32>,
    %broadcast_in_dim3A_1471 = arith.constant 0.000000e+00 : f32
    %broadcast_in_dim3A_1472 = vector.broadcast %broadcast_in_dim3A_1471 : f32 to vector<16xf32>
    %swap3A_1473 = arith.constant 23 : i32
    %swap3A_1474 = arith.index_cast %swap3A_1473 : i32 to index
    %swap3A_1475 = arith.constant 0 : index
    %swap3A_1476 = tpu.vector_load %arg9[%swap3A_1474, %swap3A_1475] {strides = array<i32>} : memref<32x128xf32, #tpu.memory_space<vmem>>, vector<1x16xf32>,
    %swap3A_1477 = vector.shape_cast %swap3A_1476 : vector<1x16xf32> to vector<16xf32>
    %swap3A_1478 = vector.shape_cast %broadcast_in_dim3A_1472 : vector<16xf32> to vector<1x16xf32>
    tpu.vector_store %arg9[%swap3A_1474, %swap3A_1475], %swap3A_1478 {strides = array<i32>} : memref<32x128xf32, #tpu.memory_space<vmem>>, vector<1x16xf32>,
    %broadcast_in_dim3A_1479 = arith.constant 0.000000e+00 : f32
    %broadcast_in_dim3A_1480 = vector.broadcast %broadcast_in_dim3A_1479 : f32 to vector<16xf32>
    %swap3A_1481 = arith.constant 23 : i32
    %swap3A_1482 = arith.index_cast %swap3A_1481 : i32 to index
    %swap3A_1483 = arith.constant 16 : index
    %swap3A_1484 = tpu.vector_load %arg9[%swap3A_1482, %swap3A_1483] {strides = array<i32>} : memref<32x128xf32, #tpu.memory_space<vmem>>, vector<1x16xf32>,
    %swap3A_1485 = vector.shape_cast %swap3A_1484 : vector<1x16xf32> to vector<16xf32>
    %swap3A_1486 = vector.shape_cast %broadcast_in_dim3A_1480 : vector<16xf32> to vector<1x16xf32>
    tpu.vector_store %arg9[%swap3A_1482, %swap3A_1483], %swap3A_1486 {strides = array<i32>} : memref<32x128xf32, #tpu.memory_space<vmem>>, vector<1x16xf32>,
    %broadcast_in_dim3A_1487 = arith.constant 0.000000e+00 : f32
    %broadcast_in_dim3A_1488 = vector.broadcast %broadcast_in_dim3A_1487 : f32 to vector<16xf32>
    %swap3A_1489 = arith.constant 23 : i32
    %swap3A_1490 = arith.index_cast %swap3A_1489 : i32 to index
    %swap3A_1491 = arith.constant 32 : index
    %swap3A_1492 = tpu.vector_load %arg9[%swap3A_1490, %swap3A_1491] {strides = array<i32>} : memref<32x128xf32, #tpu.memory_space<vmem>>, vector<1x16xf32>,
    %swap3A_1493 = vector.shape_cast %swap3A_1492 : vector<1x16xf32> to vector<16xf32>
    %swap3A_1494 = vector.shape_cast %broadcast_in_dim3A_1488 : vector<16xf32> to vector<1x16xf32>
    tpu.vector_store %arg9[%swap3A_1490, %swap3A_1491], %swap3A_1494 {strides = array<i32>} : memref<32x128xf32, #tpu.memory_space<vmem>>, vector<1x16xf32>,
    %broadcast_in_dim3A_1495 = arith.constant 0.000000e+00 : f32
    %broadcast_in_dim3A_1496 = vector.broadcast %broadcast_in_dim3A_1495 : f32 to vector<16xf32>
    %swap3A_1497 = arith.constant 23 : i32
    %swap3A_1498 = arith.index_cast %swap3A_1497 : i32 to index
    %swap3A_1499 = arith.constant 48 : index
    %swap3A_1500 = tpu.vector_load %arg9[%swap3A_1498, %swap3A_1499] {strides = array<i32>} : memref<32x128xf32, #tpu.memory_space<vmem>>, vector<1x16xf32>,
    %swap3A_1501 = vector.shape_cast %swap3A_1500 : vector<1x16xf32> to vector<16xf32>
    %swap3A_1502 = vector.shape_cast %broadcast_in_dim3A_1496 : vector<16xf32> to vector<1x16xf32>
    tpu.vector_store %arg9[%swap3A_1498, %swap3A_1499], %swap3A_1502 {strides = array<i32>} : memref<32x128xf32, #tpu.memory_space<vmem>>, vector<1x16xf32>,
    %broadcast_in_dim3A_1503 = arith.constant 0.000000e+00 : f32
    %broadcast_in_dim3A_1504 = vector.broadcast %broadcast_in_dim3A_1503 : f32 to vector<16xf32>
    %swap3A_1505 = arith.constant 23 : i32
    %swap3A_1506 = arith.index_cast %swap3A_1505 : i32 to index
    %swap3A_1507 = arith.constant 64 : index
    %swap3A_1508 = tpu.vector_load %arg9[%swap3A_1506, %swap3A_1507] {strides = array<i32>} : memref<32x128xf32, #tpu.memory_space<vmem>>, vector<1x16xf32>,
    %swap3A_1509 = vector.shape_cast %swap3A_1508 : vector<1x16xf32> to vector<16xf32>
    %swap3A_1510 = vector.shape_cast %broadcast_in_dim3A_1504 : vector<16xf32> to vector<1x16xf32>
    tpu.vector_store %arg9[%swap3A_1506, %swap3A_1507], %swap3A_1510 {strides = array<i32>} : memref<32x128xf32, #tpu.memory_space<vmem>>, vector<1x16xf32>,
    %broadcast_in_dim3A_1511 = arith.constant 0.000000e+00 : f32
    %broadcast_in_dim3A_1512 = vector.broadcast %broadcast_in_dim3A_1511 : f32 to vector<16xf32>
    %swap3A_1513 = arith.constant 23 : i32
    %swap3A_1514 = arith.index_cast %swap3A_1513 : i32 to index
    %swap3A_1515 = arith.constant 80 : index
    %swap3A_1516 = tpu.vector_load %arg9[%swap3A_1514, %swap3A_1515] {strides = array<i32>} : memref<32x128xf32, #tpu.memory_space<vmem>>, vector<1x16xf32>,
    %swap3A_1517 = vector.shape_cast %swap3A_1516 : vector<1x16xf32> to vector<16xf32>
    %swap3A_1518 = vector.shape_cast %broadcast_in_dim3A_1512 : vector<16xf32> to vector<1x16xf32>
    tpu.vector_store %arg9[%swap3A_1514, %swap3A_1515], %swap3A_1518 {strides = array<i32>} : memref<32x128xf32, #tpu.memory_space<vmem>>, vector<1x16xf32>,
    %broadcast_in_dim3A_1519 = arith.constant 0.000000e+00 : f32
    %broadcast_in_dim3A_1520 = vector.broadcast %broadcast_in_dim3A_1519 : f32 to vector<16xf32>
    %swap3A_1521 = arith.constant 23 : i32
    %swap3A_1522 = arith.index_cast %swap3A_1521 : i32 to index
    %swap3A_1523 = arith.constant 96 : index
    %swap3A_1524 = tpu.vector_load %arg9[%swap3A_1522, %swap3A_1523] {strides = array<i32>} : memref<32x128xf32, #tpu.memory_space<vmem>>, vector<1x16xf32>,
    %swap3A_1525 = vector.shape_cast %swap3A_1524 : vector<1x16xf32> to vector<16xf32>
    %swap3A_1526 = vector.shape_cast %broadcast_in_dim3A_1520 : vector<16xf32> to vector<1x16xf32>
    tpu.vector_store %arg9[%swap3A_1522, %swap3A_1523], %swap3A_1526 {strides = array<i32>} : memref<32x128xf32, #tpu.memory_space<vmem>>, vector<1x16xf32>,
    %broadcast_in_dim3A_1527 = arith.constant 0.000000e+00 : f32
    %broadcast_in_dim3A_1528 = vector.broadcast %broadcast_in_dim3A_1527 : f32 to vector<16xf32>
    %swap3A_1529 = arith.constant 23 : i32
    %swap3A_1530 = arith.index_cast %swap3A_1529 : i32 to index
    %swap3A_1531 = arith.constant 112 : index
    %swap3A_1532 = tpu.vector_load %arg9[%swap3A_1530, %swap3A_1531] {strides = array<i32>} : memref<32x128xf32, #tpu.memory_space<vmem>>, vector<1x16xf32>,
    %swap3A_1533 = vector.shape_cast %swap3A_1532 : vector<1x16xf32> to vector<16xf32>
    %swap3A_1534 = vector.shape_cast %broadcast_in_dim3A_1528 : vector<16xf32> to vector<1x16xf32>
    tpu.vector_store %arg9[%swap3A_1530, %swap3A_1531], %swap3A_1534 {strides = array<i32>} : memref<32x128xf32, #tpu.memory_space<vmem>>, vector<1x16xf32>,
    %broadcast_in_dim3A_1535 = arith.constant 0.000000e+00 : f32
    %broadcast_in_dim3A_1536 = vector.broadcast %broadcast_in_dim3A_1535 : f32 to vector<16xf32>
    %swap3A_1537 = arith.constant 24 : i32
    %swap3A_1538 = arith.index_cast %swap3A_1537 : i32 to index
    %swap3A_1539 = arith.constant 0 : index
    %swap3A_1540 = tpu.vector_load %arg9[%swap3A_1538, %swap3A_1539] {strides = array<i32>} : memref<32x128xf32, #tpu.memory_space<vmem>>, vector<1x16xf32>,
    %swap3A_1541 = vector.shape_cast %swap3A_1540 : vector<1x16xf32> to vector<16xf32>
    %swap3A_1542 = vector.shape_cast %broadcast_in_dim3A_1536 : vector<16xf32> to vector<1x16xf32>
    tpu.vector_store %arg9[%swap3A_1538, %swap3A_1539], %swap3A_1542 {strides = array<i32>} : memref<32x128xf32, #tpu.memory_space<vmem>>, vector<1x16xf32>,
    %broadcast_in_dim3A_1543 = arith.constant 0.000000e+00 : f32
    %broadcast_in_dim3A_1544 = vector.broadcast %broadcast_in_dim3A_1543 : f32 to vector<16xf32>
    %swap3A_1545 = arith.constant 24 : i32
    %swap3A_1546 = arith.index_cast %swap3A_1545 : i32 to index
    %swap3A_1547 = arith.constant 16 : index
    %swap3A_1548 = tpu.vector_load %arg9[%swap3A_1546, %swap3A_1547] {strides = array<i32>} : memref<32x128xf32, #tpu.memory_space<vmem>>, vector<1x16xf32>,
    %swap3A_1549 = vector.shape_cast %swap3A_1548 : vector<1x16xf32> to vector<16xf32>
    %swap3A_1550 = vector.shape_cast %broadcast_in_dim3A_1544 : vector<16xf32> to vector<1x16xf32>
    tpu.vector_store %arg9[%swap3A_1546, %swap3A_1547], %swap3A_1550 {strides = array<i32>} : memref<32x128xf32, #tpu.memory_space<vmem>>, vector<1x16xf32>,
    %broadcast_in_dim3A_1551 = arith.constant 0.000000e+00 : f32
    %broadcast_in_dim3A_1552 = vector.broadcast %broadcast_in_dim3A_1551 : f32 to vector<16xf32>
    %swap3A_1553 = arith.constant 24 : i32
    %swap3A_1554 = arith.index_cast %swap3A_1553 : i32 to index
    %swap3A_1555 = arith.constant 32 : index
    %swap3A_1556 = tpu.vector_load %arg9[%swap3A_1554, %swap3A_1555] {strides = array<i32>} : memref<32x128xf32, #tpu.memory_space<vmem>>, vector<1x16xf32>,
    %swap3A_1557 = vector.shape_cast %swap3A_1556 : vector<1x16xf32> to vector<16xf32>
    %swap3A_1558 = vector.shape_cast %broadcast_in_dim3A_1552 : vector<16xf32> to vector<1x16xf32>
    tpu.vector_store %arg9[%swap3A_1554, %swap3A_1555], %swap3A_1558 {strides = array<i32>} : memref<32x128xf32, #tpu.memory_space<vmem>>, vector<1x16xf32>,
    %broadcast_in_dim3A_1559 = arith.constant 0.000000e+00 : f32
    %broadcast_in_dim3A_1560 = vector.broadcast %broadcast_in_dim3A_1559 : f32 to vector<16xf32>
    %swap3A_1561 = arith.constant 24 : i32
    %swap3A_1562 = arith.index_cast %swap3A_1561 : i32 to index
    %swap3A_1563 = arith.constant 48 : index
    %swap3A_1564 = tpu.vector_load %arg9[%swap3A_1562, %swap3A_1563] {strides = array<i32>} : memref<32x128xf32, #tpu.memory_space<vmem>>, vector<1x16xf32>,
    %swap3A_1565 = vector.shape_cast %swap3A_1564 : vector<1x16xf32> to vector<16xf32>
    %swap3A_1566 = vector.shape_cast %broadcast_in_dim3A_1560 : vector<16xf32> to vector<1x16xf32>
    tpu.vector_store %arg9[%swap3A_1562, %swap3A_1563], %swap3A_1566 {strides = array<i32>} : memref<32x128xf32, #tpu.memory_space<vmem>>, vector<1x16xf32>,
    %broadcast_in_dim3A_1567 = arith.constant 0.000000e+00 : f32
    %broadcast_in_dim3A_1568 = vector.broadcast %broadcast_in_dim3A_1567 : f32 to vector<16xf32>
    %swap3A_1569 = arith.constant 24 : i32
    %swap3A_1570 = arith.index_cast %swap3A_1569 : i32 to index
    %swap3A_1571 = arith.constant 64 : index
    %swap3A_1572 = tpu.vector_load %arg9[%swap3A_1570, %swap3A_1571] {strides = array<i32>} : memref<32x128xf32, #tpu.memory_space<vmem>>, vector<1x16xf32>,
    %swap3A_1573 = vector.shape_cast %swap3A_1572 : vector<1x16xf32> to vector<16xf32>
    %swap3A_1574 = vector.shape_cast %broadcast_in_dim3A_1568 : vector<16xf32> to vector<1x16xf32>
    tpu.vector_store %arg9[%swap3A_1570, %swap3A_1571], %swap3A_1574 {strides = array<i32>} : memref<32x128xf32, #tpu.memory_space<vmem>>, vector<1x16xf32>,
    %broadcast_in_dim3A_1575 = arith.constant 0.000000e+00 : f32
    %broadcast_in_dim3A_1576 = vector.broadcast %broadcast_in_dim3A_1575 : f32 to vector<16xf32>
    %swap3A_1577 = arith.constant 24 : i32
    %swap3A_1578 = arith.index_cast %swap3A_1577 : i32 to index
    %swap3A_1579 = arith.constant 80 : index
    %swap3A_1580 = tpu.vector_load %arg9[%swap3A_1578, %swap3A_1579] {strides = array<i32>} : memref<32x128xf32, #tpu.memory_space<vmem>>, vector<1x16xf32>,
    %swap3A_1581 = vector.shape_cast %swap3A_1580 : vector<1x16xf32> to vector<16xf32>
    %swap3A_1582 = vector.shape_cast %broadcast_in_dim3A_1576 : vector<16xf32> to vector<1x16xf32>
    tpu.vector_store %arg9[%swap3A_1578, %swap3A_1579], %swap3A_1582 {strides = array<i32>} : memref<32x128xf32, #tpu.memory_space<vmem>>, vector<1x16xf32>,
    %broadcast_in_dim3A_1583 = arith.constant 0.000000e+00 : f32
    %broadcast_in_dim3A_1584 = vector.broadcast %broadcast_in_dim3A_1583 : f32 to vector<16xf32>
    %swap3A_1585 = arith.constant 24 : i32
    %swap3A_1586 = arith.index_cast %swap3A_1585 : i32 to index
    %swap3A_1587 = arith.constant 96 : index
    %swap3A_1588 = tpu.vector_load %arg9[%swap3A_1586, %swap3A_1587] {strides = array<i32>} : memref<32x128xf32, #tpu.memory_space<vmem>>, vector<1x16xf32>,
    %swap3A_1589 = vector.shape_cast %swap3A_1588 : vector<1x16xf32> to vector<16xf32>
    %swap3A_1590 = vector.shape_cast %broadcast_in_dim3A_1584 : vector<16xf32> to vector<1x16xf32>
    tpu.vector_store %arg9[%swap3A_1586, %swap3A_1587], %swap3A_1590 {strides = array<i32>} : memref<32x128xf32, #tpu.memory_space<vmem>>, vector<1x16xf32>,
    %broadcast_in_dim3A_1591 = arith.constant 0.000000e+00 : f32
    %broadcast_in_dim3A_1592 = vector.broadcast %broadcast_in_dim3A_1591 : f32 to vector<16xf32>
    %swap3A_1593 = arith.constant 24 : i32
    %swap3A_1594 = arith.index_cast %swap3A_1593 : i32 to index
    %swap3A_1595 = arith.constant 112 : index
    %swap3A_1596 = tpu.vector_load %arg9[%swap3A_1594, %swap3A_1595] {strides = array<i32>} : memref<32x128xf32, #tpu.memory_space<vmem>>, vector<1x16xf32>,
    %swap3A_1597 = vector.shape_cast %swap3A_1596 : vector<1x16xf32> to vector<16xf32>
    %swap3A_1598 = vector.shape_cast %broadcast_in_dim3A_1592 : vector<16xf32> to vector<1x16xf32>
    tpu.vector_store %arg9[%swap3A_1594, %swap3A_1595], %swap3A_1598 {strides = array<i32>} : memref<32x128xf32, #tpu.memory_space<vmem>>, vector<1x16xf32>,
    %broadcast_in_dim3A_1599 = arith.constant 0.000000e+00 : f32
    %broadcast_in_dim3A_1600 = vector.broadcast %broadcast_in_dim3A_1599 : f32 to vector<16xf32>
    %swap3A_1601 = arith.constant 25 : i32
    %swap3A_1602 = arith.index_cast %swap3A_1601 : i32 to index
    %swap3A_1603 = arith.constant 0 : index
    %swap3A_1604 = tpu.vector_load %arg9[%swap3A_1602, %swap3A_1603] {strides = array<i32>} : memref<32x128xf32, #tpu.memory_space<vmem>>, vector<1x16xf32>,
    %swap3A_1605 = vector.shape_cast %swap3A_1604 : vector<1x16xf32> to vector<16xf32>
    %swap3A_1606 = vector.shape_cast %broadcast_in_dim3A_1600 : vector<16xf32> to vector<1x16xf32>
    tpu.vector_store %arg9[%swap3A_1602, %swap3A_1603], %swap3A_1606 {strides = array<i32>} : memref<32x128xf32, #tpu.memory_space<vmem>>, vector<1x16xf32>,
    %broadcast_in_dim3A_1607 = arith.constant 0.000000e+00 : f32
    %broadcast_in_dim3A_1608 = vector.broadcast %broadcast_in_dim3A_1607 : f32 to vector<16xf32>
    %swap3A_1609 = arith.constant 25 : i32
    %swap3A_1610 = arith.index_cast %swap3A_1609 : i32 to index
    %swap3A_1611 = arith.constant 16 : index
    %swap3A_1612 = tpu.vector_load %arg9[%swap3A_1610, %swap3A_1611] {strides = array<i32>} : memref<32x128xf32, #tpu.memory_space<vmem>>, vector<1x16xf32>,
    %swap3A_1613 = vector.shape_cast %swap3A_1612 : vector<1x16xf32> to vector<16xf32>
    %swap3A_1614 = vector.shape_cast %broadcast_in_dim3A_1608 : vector<16xf32> to vector<1x16xf32>
    tpu.vector_store %arg9[%swap3A_1610, %swap3A_1611], %swap3A_1614 {strides = array<i32>} : memref<32x128xf32, #tpu.memory_space<vmem>>, vector<1x16xf32>,
    %broadcast_in_dim3A_1615 = arith.constant 0.000000e+00 : f32
    %broadcast_in_dim3A_1616 = vector.broadcast %broadcast_in_dim3A_1615 : f32 to vector<16xf32>
    %swap3A_1617 = arith.constant 25 : i32
    %swap3A_1618 = arith.index_cast %swap3A_1617 : i32 to index
    %swap3A_1619 = arith.constant 32 : index
    %swap3A_1620 = tpu.vector_load %arg9[%swap3A_1618, %swap3A_1619] {strides = array<i32>} : memref<32x128xf32, #tpu.memory_space<vmem>>, vector<1x16xf32>,
    %swap3A_1621 = vector.shape_cast %swap3A_1620 : vector<1x16xf32> to vector<16xf32>
    %swap3A_1622 = vector.shape_cast %broadcast_in_dim3A_1616 : vector<16xf32> to vector<1x16xf32>
    tpu.vector_store %arg9[%swap3A_1618, %swap3A_1619], %swap3A_1622 {strides = array<i32>} : memref<32x128xf32, #tpu.memory_space<vmem>>, vector<1x16xf32>,
    %broadcast_in_dim3A_1623 = arith.constant 0.000000e+00 : f32
    %broadcast_in_dim3A_1624 = vector.broadcast %broadcast_in_dim3A_1623 : f32 to vector<16xf32>
    %swap3A_1625 = arith.constant 25 : i32
    %swap3A_1626 = arith.index_cast %swap3A_1625 : i32 to index
    %swap3A_1627 = arith.constant 48 : index
    %swap3A_1628 = tpu.vector_load %arg9[%swap3A_1626, %swap3A_1627] {strides = array<i32>} : memref<32x128xf32, #tpu.memory_space<vmem>>, vector<1x16xf32>,
    %swap3A_1629 = vector.shape_cast %swap3A_1628 : vector<1x16xf32> to vector<16xf32>
    %swap3A_1630 = vector.shape_cast %broadcast_in_dim3A_1624 : vector<16xf32> to vector<1x16xf32>
    tpu.vector_store %arg9[%swap3A_1626, %swap3A_1627], %swap3A_1630 {strides = array<i32>} : memref<32x128xf32, #tpu.memory_space<vmem>>, vector<1x16xf32>,
    %broadcast_in_dim3A_1631 = arith.constant 0.000000e+00 : f32
    %broadcast_in_dim3A_1632 = vector.broadcast %broadcast_in_dim3A_1631 : f32 to vector<16xf32>
    %swap3A_1633 = arith.constant 25 : i32
    %swap3A_1634 = arith.index_cast %swap3A_1633 : i32 to index
    %swap3A_1635 = arith.constant 64 : index
    %swap3A_1636 = tpu.vector_load %arg9[%swap3A_1634, %swap3A_1635] {strides = array<i32>} : memref<32x128xf32, #tpu.memory_space<vmem>>, vector<1x16xf32>,
    %swap3A_1637 = vector.shape_cast %swap3A_1636 : vector<1x16xf32> to vector<16xf32>
    %swap3A_1638 = vector.shape_cast %broadcast_in_dim3A_1632 : vector<16xf32> to vector<1x16xf32>
    tpu.vector_store %arg9[%swap3A_1634, %swap3A_1635], %swap3A_1638 {strides = array<i32>} : memref<32x128xf32, #tpu.memory_space<vmem>>, vector<1x16xf32>,
    %broadcast_in_dim3A_1639 = arith.constant 0.000000e+00 : f32
    %broadcast_in_dim3A_1640 = vector.broadcast %broadcast_in_dim3A_1639 : f32 to vector<16xf32>
    %swap3A_1641 = arith.constant 25 : i32
    %swap3A_1642 = arith.index_cast %swap3A_1641 : i32 to index
    %swap3A_1643 = arith.constant 80 : index
    %swap3A_1644 = tpu.vector_load %arg9[%swap3A_1642, %swap3A_1643] {strides = array<i32>} : memref<32x128xf32, #tpu.memory_space<vmem>>, vector<1x16xf32>,
    %swap3A_1645 = vector.shape_cast %swap3A_1644 : vector<1x16xf32> to vector<16xf32>
    %swap3A_1646 = vector.shape_cast %broadcast_in_dim3A_1640 : vector<16xf32> to vector<1x16xf32>
    tpu.vector_store %arg9[%swap3A_1642, %swap3A_1643], %swap3A_1646 {strides = array<i32>} : memref<32x128xf32, #tpu.memory_space<vmem>>, vector<1x16xf32>,
    %broadcast_in_dim3A_1647 = arith.constant 0.000000e+00 : f32
    %broadcast_in_dim3A_1648 = vector.broadcast %broadcast_in_dim3A_1647 : f32 to vector<16xf32>
    %swap3A_1649 = arith.constant 25 : i32
    %swap3A_1650 = arith.index_cast %swap3A_1649 : i32 to index
    %swap3A_1651 = arith.constant 96 : index
    %swap3A_1652 = tpu.vector_load %arg9[%swap3A_1650, %swap3A_1651] {strides = array<i32>} : memref<32x128xf32, #tpu.memory_space<vmem>>, vector<1x16xf32>,
    %swap3A_1653 = vector.shape_cast %swap3A_1652 : vector<1x16xf32> to vector<16xf32>
    %swap3A_1654 = vector.shape_cast %broadcast_in_dim3A_1648 : vector<16xf32> to vector<1x16xf32>
    tpu.vector_store %arg9[%swap3A_1650, %swap3A_1651], %swap3A_1654 {strides = array<i32>} : memref<32x128xf32, #tpu.memory_space<vmem>>, vector<1x16xf32>,
    %broadcast_in_dim3A_1655 = arith.constant 0.000000e+00 : f32
    %broadcast_in_dim3A_1656 = vector.broadcast %broadcast_in_dim3A_1655 : f32 to vector<16xf32>
    %swap3A_1657 = arith.constant 25 : i32
    %swap3A_1658 = arith.index_cast %swap3A_1657 : i32 to index
    %swap3A_1659 = arith.constant 112 : index
    %swap3A_1660 = tpu.vector_load %arg9[%swap3A_1658, %swap3A_1659] {strides = array<i32>} : memref<32x128xf32, #tpu.memory_space<vmem>>, vector<1x16xf32>,
    %swap3A_1661 = vector.shape_cast %swap3A_1660 : vector<1x16xf32> to vector<16xf32>
    %swap3A_1662 = vector.shape_cast %broadcast_in_dim3A_1656 : vector<16xf32> to vector<1x16xf32>
    tpu.vector_store %arg9[%swap3A_1658, %swap3A_1659], %swap3A_1662 {strides = array<i32>} : memref<32x128xf32, #tpu.memory_space<vmem>>, vector<1x16xf32>,
    %broadcast_in_dim3A_1663 = arith.constant 0.000000e+00 : f32
    %broadcast_in_dim3A_1664 = vector.broadcast %broadcast_in_dim3A_1663 : f32 to vector<16xf32>
    %swap3A_1665 = arith.constant 26 : i32
    %swap3A_1666 = arith.index_cast %swap3A_1665 : i32 to index
    %swap3A_1667 = arith.constant 0 : index
    %swap3A_1668 = tpu.vector_load %arg9[%swap3A_1666, %swap3A_1667] {strides = array<i32>} : memref<32x128xf32, #tpu.memory_space<vmem>>, vector<1x16xf32>,
    %swap3A_1669 = vector.shape_cast %swap3A_1668 : vector<1x16xf32> to vector<16xf32>
    %swap3A_1670 = vector.shape_cast %broadcast_in_dim3A_1664 : vector<16xf32> to vector<1x16xf32>
    tpu.vector_store %arg9[%swap3A_1666, %swap3A_1667], %swap3A_1670 {strides = array<i32>} : memref<32x128xf32, #tpu.memory_space<vmem>>, vector<1x16xf32>,
    %broadcast_in_dim3A_1671 = arith.constant 0.000000e+00 : f32
    %broadcast_in_dim3A_1672 = vector.broadcast %broadcast_in_dim3A_1671 : f32 to vector<16xf32>
    %swap3A_1673 = arith.constant 26 : i32
    %swap3A_1674 = arith.index_cast %swap3A_1673 : i32 to index
    %swap3A_1675 = arith.constant 16 : index
    %swap3A_1676 = tpu.vector_load %arg9[%swap3A_1674, %swap3A_1675] {strides = array<i32>} : memref<32x128xf32, #tpu.memory_space<vmem>>, vector<1x16xf32>,
    %swap3A_1677 = vector.shape_cast %swap3A_1676 : vector<1x16xf32> to vector<16xf32>
    %swap3A_1678 = vector.shape_cast %broadcast_in_dim3A_1672 : vector<16xf32> to vector<1x16xf32>
    tpu.vector_store %arg9[%swap3A_1674, %swap3A_1675], %swap3A_1678 {strides = array<i32>} : memref<32x128xf32, #tpu.memory_space<vmem>>, vector<1x16xf32>,
    %broadcast_in_dim3A_1679 = arith.constant 0.000000e+00 : f32
    %broadcast_in_dim3A_1680 = vector.broadcast %broadcast_in_dim3A_1679 : f32 to vector<16xf32>
    %swap3A_1681 = arith.constant 26 : i32
    %swap3A_1682 = arith.index_cast %swap3A_1681 : i32 to index
    %swap3A_1683 = arith.constant 32 : index
    %swap3A_1684 = tpu.vector_load %arg9[%swap3A_1682, %swap3A_1683] {strides = array<i32>} : memref<32x128xf32, #tpu.memory_space<vmem>>, vector<1x16xf32>,
    %swap3A_1685 = vector.shape_cast %swap3A_1684 : vector<1x16xf32> to vector<16xf32>
    %swap3A_1686 = vector.shape_cast %broadcast_in_dim3A_1680 : vector<16xf32> to vector<1x16xf32>
    tpu.vector_store %arg9[%swap3A_1682, %swap3A_1683], %swap3A_1686 {strides = array<i32>} : memref<32x128xf32, #tpu.memory_space<vmem>>, vector<1x16xf32>,
    %broadcast_in_dim3A_1687 = arith.constant 0.000000e+00 : f32
    %broadcast_in_dim3A_1688 = vector.broadcast %broadcast_in_dim3A_1687 : f32 to vector<16xf32>
    %swap3A_1689 = arith.constant 26 : i32
    %swap3A_1690 = arith.index_cast %swap3A_1689 : i32 to index
    %swap3A_1691 = arith.constant 48 : index
    %swap3A_1692 = tpu.vector_load %arg9[%swap3A_1690, %swap3A_1691] {strides = array<i32>} : memref<32x128xf32, #tpu.memory_space<vmem>>, vector<1x16xf32>,
    %swap3A_1693 = vector.shape_cast %swap3A_1692 : vector<1x16xf32> to vector<16xf32>
    %swap3A_1694 = vector.shape_cast %broadcast_in_dim3A_1688 : vector<16xf32> to vector<1x16xf32>
    tpu.vector_store %arg9[%swap3A_1690, %swap3A_1691], %swap3A_1694 {strides = array<i32>} : memref<32x128xf32, #tpu.memory_space<vmem>>, vector<1x16xf32>,
    %broadcast_in_dim3A_1695 = arith.constant 0.000000e+00 : f32
    %broadcast_in_dim3A_1696 = vector.broadcast %broadcast_in_dim3A_1695 : f32 to vector<16xf32>
    %swap3A_1697 = arith.constant 26 : i32
    %swap3A_1698 = arith.index_cast %swap3A_1697 : i32 to index
    %swap3A_1699 = arith.constant 64 : index
    %swap3A_1700 = tpu.vector_load %arg9[%swap3A_1698, %swap3A_1699] {strides = array<i32>} : memref<32x128xf32, #tpu.memory_space<vmem>>, vector<1x16xf32>,
    %swap3A_1701 = vector.shape_cast %swap3A_1700 : vector<1x16xf32> to vector<16xf32>
    %swap3A_1702 = vector.shape_cast %broadcast_in_dim3A_1696 : vector<16xf32> to vector<1x16xf32>
    tpu.vector_store %arg9[%swap3A_1698, %swap3A_1699], %swap3A_1702 {strides = array<i32>} : memref<32x128xf32, #tpu.memory_space<vmem>>, vector<1x16xf32>,
    %broadcast_in_dim3A_1703 = arith.constant 0.000000e+00 : f32
    %broadcast_in_dim3A_1704 = vector.broadcast %broadcast_in_dim3A_1703 : f32 to vector<16xf32>
    %swap3A_1705 = arith.constant 26 : i32
    %swap3A_1706 = arith.index_cast %swap3A_1705 : i32 to index
    %swap3A_1707 = arith.constant 80 : index
    %swap3A_1708 = tpu.vector_load %arg9[%swap3A_1706, %swap3A_1707] {strides = array<i32>} : memref<32x128xf32, #tpu.memory_space<vmem>>, vector<1x16xf32>,
    %swap3A_1709 = vector.shape_cast %swap3A_1708 : vector<1x16xf32> to vector<16xf32>
    %swap3A_1710 = vector.shape_cast %broadcast_in_dim3A_1704 : vector<16xf32> to vector<1x16xf32>
    tpu.vector_store %arg9[%swap3A_1706, %swap3A_1707], %swap3A_1710 {strides = array<i32>} : memref<32x128xf32, #tpu.memory_space<vmem>>, vector<1x16xf32>,
    %broadcast_in_dim3A_1711 = arith.constant 0.000000e+00 : f32
    %broadcast_in_dim3A_1712 = vector.broadcast %broadcast_in_dim3A_1711 : f32 to vector<16xf32>
    %swap3A_1713 = arith.constant 26 : i32
    %swap3A_1714 = arith.index_cast %swap3A_1713 : i32 to index
    %swap3A_1715 = arith.constant 96 : index
    %swap3A_1716 = tpu.vector_load %arg9[%swap3A_1714, %swap3A_1715] {strides = array<i32>} : memref<32x128xf32, #tpu.memory_space<vmem>>, vector<1x16xf32>,
    %swap3A_1717 = vector.shape_cast %swap3A_1716 : vector<1x16xf32> to vector<16xf32>
    %swap3A_1718 = vector.shape_cast %broadcast_in_dim3A_1712 : vector<16xf32> to vector<1x16xf32>
    tpu.vector_store %arg9[%swap3A_1714, %swap3A_1715], %swap3A_1718 {strides = array<i32>} : memref<32x128xf32, #tpu.memory_space<vmem>>, vector<1x16xf32>,
    %broadcast_in_dim3A_1719 = arith.constant 0.000000e+00 : f32
    %broadcast_in_dim3A_1720 = vector.broadcast %broadcast_in_dim3A_1719 : f32 to vector<16xf32>
    %swap3A_1721 = arith.constant 26 : i32
    %swap3A_1722 = arith.index_cast %swap3A_1721 : i32 to index
    %swap3A_1723 = arith.constant 112 : index
    %swap3A_1724 = tpu.vector_load %arg9[%swap3A_1722, %swap3A_1723] {strides = array<i32>} : memref<32x128xf32, #tpu.memory_space<vmem>>, vector<1x16xf32>,
    %swap3A_1725 = vector.shape_cast %swap3A_1724 : vector<1x16xf32> to vector<16xf32>
    %swap3A_1726 = vector.shape_cast %broadcast_in_dim3A_1720 : vector<16xf32> to vector<1x16xf32>
    tpu.vector_store %arg9[%swap3A_1722, %swap3A_1723], %swap3A_1726 {strides = array<i32>} : memref<32x128xf32, #tpu.memory_space<vmem>>, vector<1x16xf32>,
    %broadcast_in_dim3A_1727 = arith.constant 0.000000e+00 : f32
    %broadcast_in_dim3A_1728 = vector.broadcast %broadcast_in_dim3A_1727 : f32 to vector<16xf32>
    %swap3A_1729 = arith.constant 27 : i32
    %swap3A_1730 = arith.index_cast %swap3A_1729 : i32 to index
    %swap3A_1731 = arith.constant 0 : index
    %swap3A_1732 = tpu.vector_load %arg9[%swap3A_1730, %swap3A_1731] {strides = array<i32>} : memref<32x128xf32, #tpu.memory_space<vmem>>, vector<1x16xf32>,
    %swap3A_1733 = vector.shape_cast %swap3A_1732 : vector<1x16xf32> to vector<16xf32>
    %swap3A_1734 = vector.shape_cast %broadcast_in_dim3A_1728 : vector<16xf32> to vector<1x16xf32>
    tpu.vector_store %arg9[%swap3A_1730, %swap3A_1731], %swap3A_1734 {strides = array<i32>} : memref<32x128xf32, #tpu.memory_space<vmem>>, vector<1x16xf32>,
    %broadcast_in_dim3A_1735 = arith.constant 0.000000e+00 : f32
    %broadcast_in_dim3A_1736 = vector.broadcast %broadcast_in_dim3A_1735 : f32 to vector<16xf32>
    %swap3A_1737 = arith.constant 27 : i32
    %swap3A_1738 = arith.index_cast %swap3A_1737 : i32 to index
    %swap3A_1739 = arith.constant 16 : index
    %swap3A_1740 = tpu.vector_load %arg9[%swap3A_1738, %swap3A_1739] {strides = array<i32>} : memref<32x128xf32, #tpu.memory_space<vmem>>, vector<1x16xf32>,
    %swap3A_1741 = vector.shape_cast %swap3A_1740 : vector<1x16xf32> to vector<16xf32>
    %swap3A_1742 = vector.shape_cast %broadcast_in_dim3A_1736 : vector<16xf32> to vector<1x16xf32>
    tpu.vector_store %arg9[%swap3A_1738, %swap3A_1739], %swap3A_1742 {strides = array<i32>} : memref<32x128xf32, #tpu.memory_space<vmem>>, vector<1x16xf32>,
    %broadcast_in_dim3A_1743 = arith.constant 0.000000e+00 : f32
    %broadcast_in_dim3A_1744 = vector.broadcast %broadcast_in_dim3A_1743 : f32 to vector<16xf32>
    %swap3A_1745 = arith.constant 27 : i32
    %swap3A_1746 = arith.index_cast %swap3A_1745 : i32 to index
    %swap3A_1747 = arith.constant 32 : index
    %swap3A_1748 = tpu.vector_load %arg9[%swap3A_1746, %swap3A_1747] {strides = array<i32>} : memref<32x128xf32, #tpu.memory_space<vmem>>, vector<1x16xf32>,
    %swap3A_1749 = vector.shape_cast %swap3A_1748 : vector<1x16xf32> to vector<16xf32>
    %swap3A_1750 = vector.shape_cast %broadcast_in_dim3A_1744 : vector<16xf32> to vector<1x16xf32>
    tpu.vector_store %arg9[%swap3A_1746, %swap3A_1747], %swap3A_1750 {strides = array<i32>} : memref<32x128xf32, #tpu.memory_space<vmem>>, vector<1x16xf32>,
    %broadcast_in_dim3A_1751 = arith.constant 0.000000e+00 : f32
    %broadcast_in_dim3A_1752 = vector.broadcast %broadcast_in_dim3A_1751 : f32 to vector<16xf32>
    %swap3A_1753 = arith.constant 27 : i32
    %swap3A_1754 = arith.index_cast %swap3A_1753 : i32 to index
    %swap3A_1755 = arith.constant 48 : index
    %swap3A_1756 = tpu.vector_load %arg9[%swap3A_1754, %swap3A_1755] {strides = array<i32>} : memref<32x128xf32, #tpu.memory_space<vmem>>, vector<1x16xf32>,
    %swap3A_1757 = vector.shape_cast %swap3A_1756 : vector<1x16xf32> to vector<16xf32>
    %swap3A_1758 = vector.shape_cast %broadcast_in_dim3A_1752 : vector<16xf32> to vector<1x16xf32>
    tpu.vector_store %arg9[%swap3A_1754, %swap3A_1755], %swap3A_1758 {strides = array<i32>} : memref<32x128xf32, #tpu.memory_space<vmem>>, vector<1x16xf32>,
    %broadcast_in_dim3A_1759 = arith.constant 0.000000e+00 : f32
    %broadcast_in_dim3A_1760 = vector.broadcast %broadcast_in_dim3A_1759 : f32 to vector<16xf32>
    %swap3A_1761 = arith.constant 27 : i32
    %swap3A_1762 = arith.index_cast %swap3A_1761 : i32 to index
    %swap3A_1763 = arith.constant 64 : index
    %swap3A_1764 = tpu.vector_load %arg9[%swap3A_1762, %swap3A_1763] {strides = array<i32>} : memref<32x128xf32, #tpu.memory_space<vmem>>, vector<1x16xf32>,
    %swap3A_1765 = vector.shape_cast %swap3A_1764 : vector<1x16xf32> to vector<16xf32>
    %swap3A_1766 = vector.shape_cast %broadcast_in_dim3A_1760 : vector<16xf32> to vector<1x16xf32>
    tpu.vector_store %arg9[%swap3A_1762, %swap3A_1763], %swap3A_1766 {strides = array<i32>} : memref<32x128xf32, #tpu.memory_space<vmem>>, vector<1x16xf32>,
    %broadcast_in_dim3A_1767 = arith.constant 0.000000e+00 : f32
    %broadcast_in_dim3A_1768 = vector.broadcast %broadcast_in_dim3A_1767 : f32 to vector<16xf32>
    %swap3A_1769 = arith.constant 27 : i32
    %swap3A_1770 = arith.index_cast %swap3A_1769 : i32 to index
    %swap3A_1771 = arith.constant 80 : index
    %swap3A_1772 = tpu.vector_load %arg9[%swap3A_1770, %swap3A_1771] {strides = array<i32>} : memref<32x128xf32, #tpu.memory_space<vmem>>, vector<1x16xf32>,
    %swap3A_1773 = vector.shape_cast %swap3A_1772 : vector<1x16xf32> to vector<16xf32>
    %swap3A_1774 = vector.shape_cast %broadcast_in_dim3A_1768 : vector<16xf32> to vector<1x16xf32>
    tpu.vector_store %arg9[%swap3A_1770, %swap3A_1771], %swap3A_1774 {strides = array<i32>} : memref<32x128xf32, #tpu.memory_space<vmem>>, vector<1x16xf32>,
    %broadcast_in_dim3A_1775 = arith.constant 0.000000e+00 : f32
    %broadcast_in_dim3A_1776 = vector.broadcast %broadcast_in_dim3A_1775 : f32 to vector<16xf32>
    %swap3A_1777 = arith.constant 27 : i32
    %swap3A_1778 = arith.index_cast %swap3A_1777 : i32 to index
    %swap3A_1779 = arith.constant 96 : index
    %swap3A_1780 = tpu.vector_load %arg9[%swap3A_1778, %swap3A_1779] {strides = array<i32>} : memref<32x128xf32, #tpu.memory_space<vmem>>, vector<1x16xf32>,
    %swap3A_1781 = vector.shape_cast %swap3A_1780 : vector<1x16xf32> to vector<16xf32>
    %swap3A_1782 = vector.shape_cast %broadcast_in_dim3A_1776 : vector<16xf32> to vector<1x16xf32>
    tpu.vector_store %arg9[%swap3A_1778, %swap3A_1779], %swap3A_1782 {strides = array<i32>} : memref<32x128xf32, #tpu.memory_space<vmem>>, vector<1x16xf32>,
    %broadcast_in_dim3A_1783 = arith.constant 0.000000e+00 : f32
    %broadcast_in_dim3A_1784 = vector.broadcast %broadcast_in_dim3A_1783 : f32 to vector<16xf32>
    %swap3A_1785 = arith.constant 27 : i32
    %swap3A_1786 = arith.index_cast %swap3A_1785 : i32 to index
    %swap3A_1787 = arith.constant 112 : index
    %swap3A_1788 = tpu.vector_load %arg9[%swap3A_1786, %swap3A_1787] {strides = array<i32>} : memref<32x128xf32, #tpu.memory_space<vmem>>, vector<1x16xf32>,
    %swap3A_1789 = vector.shape_cast %swap3A_1788 : vector<1x16xf32> to vector<16xf32>
    %swap3A_1790 = vector.shape_cast %broadcast_in_dim3A_1784 : vector<16xf32> to vector<1x16xf32>
    tpu.vector_store %arg9[%swap3A_1786, %swap3A_1787], %swap3A_1790 {strides = array<i32>} : memref<32x128xf32, #tpu.memory_space<vmem>>, vector<1x16xf32>,
    %broadcast_in_dim3A_1791 = arith.constant 0.000000e+00 : f32
    %broadcast_in_dim3A_1792 = vector.broadcast %broadcast_in_dim3A_1791 : f32 to vector<16xf32>
    %swap3A_1793 = arith.constant 28 : i32
    %swap3A_1794 = arith.index_cast %swap3A_1793 : i32 to index
    %swap3A_1795 = arith.constant 0 : index
    %swap3A_1796 = tpu.vector_load %arg9[%swap3A_1794, %swap3A_1795] {strides = array<i32>} : memref<32x128xf32, #tpu.memory_space<vmem>>, vector<1x16xf32>,
    %swap3A_1797 = vector.shape_cast %swap3A_1796 : vector<1x16xf32> to vector<16xf32>
    %swap3A_1798 = vector.shape_cast %broadcast_in_dim3A_1792 : vector<16xf32> to vector<1x16xf32>
    tpu.vector_store %arg9[%swap3A_1794, %swap3A_1795], %swap3A_1798 {strides = array<i32>} : memref<32x128xf32, #tpu.memory_space<vmem>>, vector<1x16xf32>,
    %broadcast_in_dim3A_1799 = arith.constant 0.000000e+00 : f32
    %broadcast_in_dim3A_1800 = vector.broadcast %broadcast_in_dim3A_1799 : f32 to vector<16xf32>
    %swap3A_1801 = arith.constant 28 : i32
    %swap3A_1802 = arith.index_cast %swap3A_1801 : i32 to index
    %swap3A_1803 = arith.constant 16 : index
    %swap3A_1804 = tpu.vector_load %arg9[%swap3A_1802, %swap3A_1803] {strides = array<i32>} : memref<32x128xf32, #tpu.memory_space<vmem>>, vector<1x16xf32>,
    %swap3A_1805 = vector.shape_cast %swap3A_1804 : vector<1x16xf32> to vector<16xf32>
    %swap3A_1806 = vector.shape_cast %broadcast_in_dim3A_1800 : vector<16xf32> to vector<1x16xf32>
    tpu.vector_store %arg9[%swap3A_1802, %swap3A_1803], %swap3A_1806 {strides = array<i32>} : memref<32x128xf32, #tpu.memory_space<vmem>>, vector<1x16xf32>,
    %broadcast_in_dim3A_1807 = arith.constant 0.000000e+00 : f32
    %broadcast_in_dim3A_1808 = vector.broadcast %broadcast_in_dim3A_1807 : f32 to vector<16xf32>
    %swap3A_1809 = arith.constant 28 : i32
    %swap3A_1810 = arith.index_cast %swap3A_1809 : i32 to index
    %swap3A_1811 = arith.constant 32 : index
    %swap3A_1812 = tpu.vector_load %arg9[%swap3A_1810, %swap3A_1811] {strides = array<i32>} : memref<32x128xf32, #tpu.memory_space<vmem>>, vector<1x16xf32>,
    %swap3A_1813 = vector.shape_cast %swap3A_1812 : vector<1x16xf32> to vector<16xf32>
    %swap3A_1814 = vector.shape_cast %broadcast_in_dim3A_1808 : vector<16xf32> to vector<1x16xf32>
    tpu.vector_store %arg9[%swap3A_1810, %swap3A_1811], %swap3A_1814 {strides = array<i32>} : memref<32x128xf32, #tpu.memory_space<vmem>>, vector<1x16xf32>,
    %broadcast_in_dim3A_1815 = arith.constant 0.000000e+00 : f32
    %broadcast_in_dim3A_1816 = vector.broadcast %broadcast_in_dim3A_1815 : f32 to vector<16xf32>
    %swap3A_1817 = arith.constant 28 : i32
    %swap3A_1818 = arith.index_cast %swap3A_1817 : i32 to index
    %swap3A_1819 = arith.constant 48 : index
    %swap3A_1820 = tpu.vector_load %arg9[%swap3A_1818, %swap3A_1819] {strides = array<i32>} : memref<32x128xf32, #tpu.memory_space<vmem>>, vector<1x16xf32>,
    %swap3A_1821 = vector.shape_cast %swap3A_1820 : vector<1x16xf32> to vector<16xf32>
    %swap3A_1822 = vector.shape_cast %broadcast_in_dim3A_1816 : vector<16xf32> to vector<1x16xf32>
    tpu.vector_store %arg9[%swap3A_1818, %swap3A_1819], %swap3A_1822 {strides = array<i32>} : memref<32x128xf32, #tpu.memory_space<vmem>>, vector<1x16xf32>,
    %broadcast_in_dim3A_1823 = arith.constant 0.000000e+00 : f32
    %broadcast_in_dim3A_1824 = vector.broadcast %broadcast_in_dim3A_1823 : f32 to vector<16xf32>
    %swap3A_1825 = arith.constant 28 : i32
    %swap3A_1826 = arith.index_cast %swap3A_1825 : i32 to index
    %swap3A_1827 = arith.constant 64 : index
    %swap3A_1828 = tpu.vector_load %arg9[%swap3A_1826, %swap3A_1827] {strides = array<i32>} : memref<32x128xf32, #tpu.memory_space<vmem>>, vector<1x16xf32>,
    %swap3A_1829 = vector.shape_cast %swap3A_1828 : vector<1x16xf32> to vector<16xf32>
    %swap3A_1830 = vector.shape_cast %broadcast_in_dim3A_1824 : vector<16xf32> to vector<1x16xf32>
    tpu.vector_store %arg9[%swap3A_1826, %swap3A_1827], %swap3A_1830 {strides = array<i32>} : memref<32x128xf32, #tpu.memory_space<vmem>>, vector<1x16xf32>,
    %broadcast_in_dim3A_1831 = arith.constant 0.000000e+00 : f32
    %broadcast_in_dim3A_1832 = vector.broadcast %broadcast_in_dim3A_1831 : f32 to vector<16xf32>
    %swap3A_1833 = arith.constant 28 : i32
    %swap3A_1834 = arith.index_cast %swap3A_1833 : i32 to index
    %swap3A_1835 = arith.constant 80 : index
    %swap3A_1836 = tpu.vector_load %arg9[%swap3A_1834, %swap3A_1835] {strides = array<i32>} : memref<32x128xf32, #tpu.memory_space<vmem>>, vector<1x16xf32>,
    %swap3A_1837 = vector.shape_cast %swap3A_1836 : vector<1x16xf32> to vector<16xf32>
    %swap3A_1838 = vector.shape_cast %broadcast_in_dim3A_1832 : vector<16xf32> to vector<1x16xf32>
    tpu.vector_store %arg9[%swap3A_1834, %swap3A_1835], %swap3A_1838 {strides = array<i32>} : memref<32x128xf32, #tpu.memory_space<vmem>>, vector<1x16xf32>,
    %broadcast_in_dim3A_1839 = arith.constant 0.000000e+00 : f32
    %broadcast_in_dim3A_1840 = vector.broadcast %broadcast_in_dim3A_1839 : f32 to vector<16xf32>
    %swap3A_1841 = arith.constant 28 : i32
    %swap3A_1842 = arith.index_cast %swap3A_1841 : i32 to index
    %swap3A_1843 = arith.constant 96 : index
    %swap3A_1844 = tpu.vector_load %arg9[%swap3A_1842, %swap3A_1843] {strides = array<i32>} : memref<32x128xf32, #tpu.memory_space<vmem>>, vector<1x16xf32>,
    %swap3A_1845 = vector.shape_cast %swap3A_1844 : vector<1x16xf32> to vector<16xf32>
    %swap3A_1846 = vector.shape_cast %broadcast_in_dim3A_1840 : vector<16xf32> to vector<1x16xf32>
    tpu.vector_store %arg9[%swap3A_1842, %swap3A_1843], %swap3A_1846 {strides = array<i32>} : memref<32x128xf32, #tpu.memory_space<vmem>>, vector<1x16xf32>,
    %broadcast_in_dim3A_1847 = arith.constant 0.000000e+00 : f32
    %broadcast_in_dim3A_1848 = vector.broadcast %broadcast_in_dim3A_1847 : f32 to vector<16xf32>
    %swap3A_1849 = arith.constant 28 : i32
    %swap3A_1850 = arith.index_cast %swap3A_1849 : i32 to index
    %swap3A_1851 = arith.constant 112 : index
    %swap3A_1852 = tpu.vector_load %arg9[%swap3A_1850, %swap3A_1851] {strides = array<i32>} : memref<32x128xf32, #tpu.memory_space<vmem>>, vector<1x16xf32>,
    %swap3A_1853 = vector.shape_cast %swap3A_1852 : vector<1x16xf32> to vector<16xf32>
    %swap3A_1854 = vector.shape_cast %broadcast_in_dim3A_1848 : vector<16xf32> to vector<1x16xf32>
    tpu.vector_store %arg9[%swap3A_1850, %swap3A_1851], %swap3A_1854 {strides = array<i32>} : memref<32x128xf32, #tpu.memory_space<vmem>>, vector<1x16xf32>,
    %broadcast_in_dim3A_1855 = arith.constant 0.000000e+00 : f32
    %broadcast_in_dim3A_1856 = vector.broadcast %broadcast_in_dim3A_1855 : f32 to vector<16xf32>
    %swap3A_1857 = arith.constant 29 : i32
    %swap3A_1858 = arith.index_cast %swap3A_1857 : i32 to index
    %swap3A_1859 = arith.constant 0 : index
    %swap3A_1860 = tpu.vector_load %arg9[%swap3A_1858, %swap3A_1859] {strides = array<i32>} : memref<32x128xf32, #tpu.memory_space<vmem>>, vector<1x16xf32>,
    %swap3A_1861 = vector.shape_cast %swap3A_1860 : vector<1x16xf32> to vector<16xf32>
    %swap3A_1862 = vector.shape_cast %broadcast_in_dim3A_1856 : vector<16xf32> to vector<1x16xf32>
    tpu.vector_store %arg9[%swap3A_1858, %swap3A_1859], %swap3A_1862 {strides = array<i32>} : memref<32x128xf32, #tpu.memory_space<vmem>>, vector<1x16xf32>,
    %broadcast_in_dim3A_1863 = arith.constant 0.000000e+00 : f32
    %broadcast_in_dim3A_1864 = vector.broadcast %broadcast_in_dim3A_1863 : f32 to vector<16xf32>
    %swap3A_1865 = arith.constant 29 : i32
    %swap3A_1866 = arith.index_cast %swap3A_1865 : i32 to index
    %swap3A_1867 = arith.constant 16 : index
    %swap3A_1868 = tpu.vector_load %arg9[%swap3A_1866, %swap3A_1867] {strides = array<i32>} : memref<32x128xf32, #tpu.memory_space<vmem>>, vector<1x16xf32>,
    %swap3A_1869 = vector.shape_cast %swap3A_1868 : vector<1x16xf32> to vector<16xf32>
    %swap3A_1870 = vector.shape_cast %broadcast_in_dim3A_1864 : vector<16xf32> to vector<1x16xf32>
    tpu.vector_store %arg9[%swap3A_1866, %swap3A_1867], %swap3A_1870 {strides = array<i32>} : memref<32x128xf32, #tpu.memory_space<vmem>>, vector<1x16xf32>,
    %broadcast_in_dim3A_1871 = arith.constant 0.000000e+00 : f32
    %broadcast_in_dim3A_1872 = vector.broadcast %broadcast_in_dim3A_1871 : f32 to vector<16xf32>
    %swap3A_1873 = arith.constant 29 : i32
    %swap3A_1874 = arith.index_cast %swap3A_1873 : i32 to index
    %swap3A_1875 = arith.constant 32 : index
    %swap3A_1876 = tpu.vector_load %arg9[%swap3A_1874, %swap3A_1875] {strides = array<i32>} : memref<32x128xf32, #tpu.memory_space<vmem>>, vector<1x16xf32>,
    %swap3A_1877 = vector.shape_cast %swap3A_1876 : vector<1x16xf32> to vector<16xf32>
    %swap3A_1878 = vector.shape_cast %broadcast_in_dim3A_1872 : vector<16xf32> to vector<1x16xf32>
    tpu.vector_store %arg9[%swap3A_1874, %swap3A_1875], %swap3A_1878 {strides = array<i32>} : memref<32x128xf32, #tpu.memory_space<vmem>>, vector<1x16xf32>,
    %broadcast_in_dim3A_1879 = arith.constant 0.000000e+00 : f32
    %broadcast_in_dim3A_1880 = vector.broadcast %broadcast_in_dim3A_1879 : f32 to vector<16xf32>
    %swap3A_1881 = arith.constant 29 : i32
    %swap3A_1882 = arith.index_cast %swap3A_1881 : i32 to index
    %swap3A_1883 = arith.constant 48 : index
    %swap3A_1884 = tpu.vector_load %arg9[%swap3A_1882, %swap3A_1883] {strides = array<i32>} : memref<32x128xf32, #tpu.memory_space<vmem>>, vector<1x16xf32>,
    %swap3A_1885 = vector.shape_cast %swap3A_1884 : vector<1x16xf32> to vector<16xf32>
    %swap3A_1886 = vector.shape_cast %broadcast_in_dim3A_1880 : vector<16xf32> to vector<1x16xf32>
    tpu.vector_store %arg9[%swap3A_1882, %swap3A_1883], %swap3A_1886 {strides = array<i32>} : memref<32x128xf32, #tpu.memory_space<vmem>>, vector<1x16xf32>,
    %broadcast_in_dim3A_1887 = arith.constant 0.000000e+00 : f32
    %broadcast_in_dim3A_1888 = vector.broadcast %broadcast_in_dim3A_1887 : f32 to vector<16xf32>
    %swap3A_1889 = arith.constant 29 : i32
    %swap3A_1890 = arith.index_cast %swap3A_1889 : i32 to index
    %swap3A_1891 = arith.constant 64 : index
    %swap3A_1892 = tpu.vector_load %arg9[%swap3A_1890, %swap3A_1891] {strides = array<i32>} : memref<32x128xf32, #tpu.memory_space<vmem>>, vector<1x16xf32>,
    %swap3A_1893 = vector.shape_cast %swap3A_1892 : vector<1x16xf32> to vector<16xf32>
    %swap3A_1894 = vector.shape_cast %broadcast_in_dim3A_1888 : vector<16xf32> to vector<1x16xf32>
    tpu.vector_store %arg9[%swap3A_1890, %swap3A_1891], %swap3A_1894 {strides = array<i32>} : memref<32x128xf32, #tpu.memory_space<vmem>>, vector<1x16xf32>,
    %broadcast_in_dim3A_1895 = arith.constant 0.000000e+00 : f32
    %broadcast_in_dim3A_1896 = vector.broadcast %broadcast_in_dim3A_1895 : f32 to vector<16xf32>
    %swap3A_1897 = arith.constant 29 : i32
    %swap3A_1898 = arith.index_cast %swap3A_1897 : i32 to index
    %swap3A_1899 = arith.constant 80 : index
    %swap3A_1900 = tpu.vector_load %arg9[%swap3A_1898, %swap3A_1899] {strides = array<i32>} : memref<32x128xf32, #tpu.memory_space<vmem>>, vector<1x16xf32>,
    %swap3A_1901 = vector.shape_cast %swap3A_1900 : vector<1x16xf32> to vector<16xf32>
    %swap3A_1902 = vector.shape_cast %broadcast_in_dim3A_1896 : vector<16xf32> to vector<1x16xf32>
    tpu.vector_store %arg9[%swap3A_1898, %swap3A_1899], %swap3A_1902 {strides = array<i32>} : memref<32x128xf32, #tpu.memory_space<vmem>>, vector<1x16xf32>,
    %broadcast_in_dim3A_1903 = arith.constant 0.000000e+00 : f32
    %broadcast_in_dim3A_1904 = vector.broadcast %broadcast_in_dim3A_1903 : f32 to vector<16xf32>
    %swap3A_1905 = arith.constant 29 : i32
    %swap3A_1906 = arith.index_cast %swap3A_1905 : i32 to index
    %swap3A_1907 = arith.constant 96 : index
    %swap3A_1908 = tpu.vector_load %arg9[%swap3A_1906, %swap3A_1907] {strides = array<i32>} : memref<32x128xf32, #tpu.memory_space<vmem>>, vector<1x16xf32>,
    %swap3A_1909 = vector.shape_cast %swap3A_1908 : vector<1x16xf32> to vector<16xf32>
    %swap3A_1910 = vector.shape_cast %broadcast_in_dim3A_1904 : vector<16xf32> to vector<1x16xf32>
    tpu.vector_store %arg9[%swap3A_1906, %swap3A_1907], %swap3A_1910 {strides = array<i32>} : memref<32x128xf32, #tpu.memory_space<vmem>>, vector<1x16xf32>,
    %broadcast_in_dim3A_1911 = arith.constant 0.000000e+00 : f32
    %broadcast_in_dim3A_1912 = vector.broadcast %broadcast_in_dim3A_1911 : f32 to vector<16xf32>
    %swap3A_1913 = arith.constant 29 : i32
    %swap3A_1914 = arith.index_cast %swap3A_1913 : i32 to index
    %swap3A_1915 = arith.constant 112 : index
    %swap3A_1916 = tpu.vector_load %arg9[%swap3A_1914, %swap3A_1915] {strides = array<i32>} : memref<32x128xf32, #tpu.memory_space<vmem>>, vector<1x16xf32>,
    %swap3A_1917 = vector.shape_cast %swap3A_1916 : vector<1x16xf32> to vector<16xf32>
    %swap3A_1918 = vector.shape_cast %broadcast_in_dim3A_1912 : vector<16xf32> to vector<1x16xf32>
    tpu.vector_store %arg9[%swap3A_1914, %swap3A_1915], %swap3A_1918 {strides = array<i32>} : memref<32x128xf32, #tpu.memory_space<vmem>>, vector<1x16xf32>,
    %broadcast_in_dim3A_1919 = arith.constant 0.000000e+00 : f32
    %broadcast_in_dim3A_1920 = vector.broadcast %broadcast_in_dim3A_1919 : f32 to vector<16xf32>
    %swap3A_1921 = arith.constant 30 : i32
    %swap3A_1922 = arith.index_cast %swap3A_1921 : i32 to index
    %swap3A_1923 = arith.constant 0 : index
    %swap3A_1924 = tpu.vector_load %arg9[%swap3A_1922, %swap3A_1923] {strides = array<i32>} : memref<32x128xf32, #tpu.memory_space<vmem>>, vector<1x16xf32>,
    %swap3A_1925 = vector.shape_cast %swap3A_1924 : vector<1x16xf32> to vector<16xf32>
    %swap3A_1926 = vector.shape_cast %broadcast_in_dim3A_1920 : vector<16xf32> to vector<1x16xf32>
    tpu.vector_store %arg9[%swap3A_1922, %swap3A_1923], %swap3A_1926 {strides = array<i32>} : memref<32x128xf32, #tpu.memory_space<vmem>>, vector<1x16xf32>,
    %broadcast_in_dim3A_1927 = arith.constant 0.000000e+00 : f32
    %broadcast_in_dim3A_1928 = vector.broadcast %broadcast_in_dim3A_1927 : f32 to vector<16xf32>
    %swap3A_1929 = arith.constant 30 : i32
    %swap3A_1930 = arith.index_cast %swap3A_1929 : i32 to index
    %swap3A_1931 = arith.constant 16 : index
    %swap3A_1932 = tpu.vector_load %arg9[%swap3A_1930, %swap3A_1931] {strides = array<i32>} : memref<32x128xf32, #tpu.memory_space<vmem>>, vector<1x16xf32>,
    %swap3A_1933 = vector.shape_cast %swap3A_1932 : vector<1x16xf32> to vector<16xf32>
    %swap3A_1934 = vector.shape_cast %broadcast_in_dim3A_1928 : vector<16xf32> to vector<1x16xf32>
    tpu.vector_store %arg9[%swap3A_1930, %swap3A_1931], %swap3A_1934 {strides = array<i32>} : memref<32x128xf32, #tpu.memory_space<vmem>>, vector<1x16xf32>,
    %broadcast_in_dim3A_1935 = arith.constant 0.000000e+00 : f32
    %broadcast_in_dim3A_1936 = vector.broadcast %broadcast_in_dim3A_1935 : f32 to vector<16xf32>
    %swap3A_1937 = arith.constant 30 : i32
    %swap3A_1938 = arith.index_cast %swap3A_1937 : i32 to index
    %swap3A_1939 = arith.constant 32 : index
    %swap3A_1940 = tpu.vector_load %arg9[%swap3A_1938, %swap3A_1939] {strides = array<i32>} : memref<32x128xf32, #tpu.memory_space<vmem>>, vector<1x16xf32>,
    %swap3A_1941 = vector.shape_cast %swap3A_1940 : vector<1x16xf32> to vector<16xf32>
    %swap3A_1942 = vector.shape_cast %broadcast_in_dim3A_1936 : vector<16xf32> to vector<1x16xf32>
    tpu.vector_store %arg9[%swap3A_1938, %swap3A_1939], %swap3A_1942 {strides = array<i32>} : memref<32x128xf32, #tpu.memory_space<vmem>>, vector<1x16xf32>,
    %broadcast_in_dim3A_1943 = arith.constant 0.000000e+00 : f32
    %broadcast_in_dim3A_1944 = vector.broadcast %broadcast_in_dim3A_1943 : f32 to vector<16xf32>
    %swap3A_1945 = arith.constant 30 : i32
    %swap3A_1946 = arith.index_cast %swap3A_1945 : i32 to index
    %swap3A_1947 = arith.constant 48 : index
    %swap3A_1948 = tpu.vector_load %arg9[%swap3A_1946, %swap3A_1947] {strides = array<i32>} : memref<32x128xf32, #tpu.memory_space<vmem>>, vector<1x16xf32>,
    %swap3A_1949 = vector.shape_cast %swap3A_1948 : vector<1x16xf32> to vector<16xf32>
    %swap3A_1950 = vector.shape_cast %broadcast_in_dim3A_1944 : vector<16xf32> to vector<1x16xf32>
    tpu.vector_store %arg9[%swap3A_1946, %swap3A_1947], %swap3A_1950 {strides = array<i32>} : memref<32x128xf32, #tpu.memory_space<vmem>>, vector<1x16xf32>,
    %broadcast_in_dim3A_1951 = arith.constant 0.000000e+00 : f32
    %broadcast_in_dim3A_1952 = vector.broadcast %broadcast_in_dim3A_1951 : f32 to vector<16xf32>
    %swap3A_1953 = arith.constant 30 : i32
    %swap3A_1954 = arith.index_cast %swap3A_1953 : i32 to index
    %swap3A_1955 = arith.constant 64 : index
    %swap3A_1956 = tpu.vector_load %arg9[%swap3A_1954, %swap3A_1955] {strides = array<i32>} : memref<32x128xf32, #tpu.memory_space<vmem>>, vector<1x16xf32>,
    %swap3A_1957 = vector.shape_cast %swap3A_1956 : vector<1x16xf32> to vector<16xf32>
    %swap3A_1958 = vector.shape_cast %broadcast_in_dim3A_1952 : vector<16xf32> to vector<1x16xf32>
    tpu.vector_store %arg9[%swap3A_1954, %swap3A_1955], %swap3A_1958 {strides = array<i32>} : memref<32x128xf32, #tpu.memory_space<vmem>>, vector<1x16xf32>,
    %broadcast_in_dim3A_1959 = arith.constant 0.000000e+00 : f32
    %broadcast_in_dim3A_1960 = vector.broadcast %broadcast_in_dim3A_1959 : f32 to vector<16xf32>
    %swap3A_1961 = arith.constant 30 : i32
    %swap3A_1962 = arith.index_cast %swap3A_1961 : i32 to index
    %swap3A_1963 = arith.constant 80 : index
    %swap3A_1964 = tpu.vector_load %arg9[%swap3A_1962, %swap3A_1963] {strides = array<i32>} : memref<32x128xf32, #tpu.memory_space<vmem>>, vector<1x16xf32>,
    %swap3A_1965 = vector.shape_cast %swap3A_1964 : vector<1x16xf32> to vector<16xf32>
    %swap3A_1966 = vector.shape_cast %broadcast_in_dim3A_1960 : vector<16xf32> to vector<1x16xf32>
    tpu.vector_store %arg9[%swap3A_1962, %swap3A_1963], %swap3A_1966 {strides = array<i32>} : memref<32x128xf32, #tpu.memory_space<vmem>>, vector<1x16xf32>,
    %broadcast_in_dim3A_1967 = arith.constant 0.000000e+00 : f32
    %broadcast_in_dim3A_1968 = vector.broadcast %broadcast_in_dim3A_1967 : f32 to vector<16xf32>
    %swap3A_1969 = arith.constant 30 : i32
    %swap3A_1970 = arith.index_cast %swap3A_1969 : i32 to index
    %swap3A_1971 = arith.constant 96 : index
    %swap3A_1972 = tpu.vector_load %arg9[%swap3A_1970, %swap3A_1971] {strides = array<i32>} : memref<32x128xf32, #tpu.memory_space<vmem>>, vector<1x16xf32>,
    %swap3A_1973 = vector.shape_cast %swap3A_1972 : vector<1x16xf32> to vector<16xf32>
    %swap3A_1974 = vector.shape_cast %broadcast_in_dim3A_1968 : vector<16xf32> to vector<1x16xf32>
    tpu.vector_store %arg9[%swap3A_1970, %swap3A_1971], %swap3A_1974 {strides = array<i32>} : memref<32x128xf32, #tpu.memory_space<vmem>>, vector<1x16xf32>,
    %broadcast_in_dim3A_1975 = arith.constant 0.000000e+00 : f32
    %broadcast_in_dim3A_1976 = vector.broadcast %broadcast_in_dim3A_1975 : f32 to vector<16xf32>
    %swap3A_1977 = arith.constant 30 : i32
    %swap3A_1978 = arith.index_cast %swap3A_1977 : i32 to index
    %swap3A_1979 = arith.constant 112 : index
    %swap3A_1980 = tpu.vector_load %arg9[%swap3A_1978, %swap3A_1979] {strides = array<i32>} : memref<32x128xf32, #tpu.memory_space<vmem>>, vector<1x16xf32>,
    %swap3A_1981 = vector.shape_cast %swap3A_1980 : vector<1x16xf32> to vector<16xf32>
    %swap3A_1982 = vector.shape_cast %broadcast_in_dim3A_1976 : vector<16xf32> to vector<1x16xf32>
    tpu.vector_store %arg9[%swap3A_1978, %swap3A_1979], %swap3A_1982 {strides = array<i32>} : memref<32x128xf32, #tpu.memory_space<vmem>>, vector<1x16xf32>,
    %broadcast_in_dim3A_1983 = arith.constant 0.000000e+00 : f32
    %broadcast_in_dim3A_1984 = vector.broadcast %broadcast_in_dim3A_1983 : f32 to vector<16xf32>
    %swap3A_1985 = arith.constant 31 : i32
    %swap3A_1986 = arith.index_cast %swap3A_1985 : i32 to index
    %swap3A_1987 = arith.constant 0 : index
    %swap3A_1988 = tpu.vector_load %arg9[%swap3A_1986, %swap3A_1987] {strides = array<i32>} : memref<32x128xf32, #tpu.memory_space<vmem>>, vector<1x16xf32>,
    %swap3A_1989 = vector.shape_cast %swap3A_1988 : vector<1x16xf32> to vector<16xf32>
    %swap3A_1990 = vector.shape_cast %broadcast_in_dim3A_1984 : vector<16xf32> to vector<1x16xf32>
    tpu.vector_store %arg9[%swap3A_1986, %swap3A_1987], %swap3A_1990 {strides = array<i32>} : memref<32x128xf32, #tpu.memory_space<vmem>>, vector<1x16xf32>,
    %broadcast_in_dim3A_1991 = arith.constant 0.000000e+00 : f32
    %broadcast_in_dim3A_1992 = vector.broadcast %broadcast_in_dim3A_1991 : f32 to vector<16xf32>
    %swap3A_1993 = arith.constant 31 : i32
    %swap3A_1994 = arith.index_cast %swap3A_1993 : i32 to index
    %swap3A_1995 = arith.constant 16 : index
    %swap3A_1996 = tpu.vector_load %arg9[%swap3A_1994, %swap3A_1995] {strides = array<i32>} : memref<32x128xf32, #tpu.memory_space<vmem>>, vector<1x16xf32>,
    %swap3A_1997 = vector.shape_cast %swap3A_1996 : vector<1x16xf32> to vector<16xf32>
    %swap3A_1998 = vector.shape_cast %broadcast_in_dim3A_1992 : vector<16xf32> to vector<1x16xf32>
    tpu.vector_store %arg9[%swap3A_1994, %swap3A_1995], %swap3A_1998 {strides = array<i32>} : memref<32x128xf32, #tpu.memory_space<vmem>>, vector<1x16xf32>,
    %broadcast_in_dim3A_1999 = arith.constant 0.000000e+00 : f32
    %broadcast_in_dim3A_2000 = vector.broadcast %broadcast_in_dim3A_1999 : f32 to vector<16xf32>
    %swap3A_2001 = arith.constant 31 : i32
    %swap3A_2002 = arith.index_cast %swap3A_2001 : i32 to index
    %swap3A_2003 = arith.constant 32 : index
    %swap3A_2004 = tpu.vector_load %arg9[%swap3A_2002, %swap3A_2003] {strides = array<i32>} : memref<32x128xf32, #tpu.memory_space<vmem>>, vector<1x16xf32>,
    %swap3A_2005 = vector.shape_cast %swap3A_2004 : vector<1x16xf32> to vector<16xf32>
    %swap3A_2006 = vector.shape_cast %broadcast_in_dim3A_2000 : vector<16xf32> to vector<1x16xf32>
    tpu.vector_store %arg9[%swap3A_2002, %swap3A_2003], %swap3A_2006 {strides = array<i32>} : memref<32x128xf32, #tpu.memory_space<vmem>>, vector<1x16xf32>,
    %broadcast_in_dim3A_2007 = arith.constant 0.000000e+00 : f32
    %broadcast_in_dim3A_2008 = vector.broadcast %broadcast_in_dim3A_2007 : f32 to vector<16xf32>
    %swap3A_2009 = arith.constant 31 : i32
    %swap3A_2010 = arith.index_cast %swap3A_2009 : i32 to index
    %swap3A_2011 = arith.constant 48 : index
    %swap3A_2012 = tpu.vector_load %arg9[%swap3A_2010, %swap3A_2011] {strides = array<i32>} : memref<32x128xf32, #tpu.memory_space<vmem>>, vector<1x16xf32>,
    %swap3A_2013 = vector.shape_cast %swap3A_2012 : vector<1x16xf32> to vector<16xf32>
    %swap3A_2014 = vector.shape_cast %broadcast_in_dim3A_2008 : vector<16xf32> to vector<1x16xf32>
    tpu.vector_store %arg9[%swap3A_2010, %swap3A_2011], %swap3A_2014 {strides = array<i32>} : memref<32x128xf32, #tpu.memory_space<vmem>>, vector<1x16xf32>,
    %broadcast_in_dim3A_2015 = arith.constant 0.000000e+00 : f32
    %broadcast_in_dim3A_2016 = vector.broadcast %broadcast_in_dim3A_2015 : f32 to vector<16xf32>
    %swap3A_2017 = arith.constant 31 : i32
    %swap3A_2018 = arith.index_cast %swap3A_2017 : i32 to index
    %swap3A_2019 = arith.constant 64 : index
    %swap3A_2020 = tpu.vector_load %arg9[%swap3A_2018, %swap3A_2019] {strides = array<i32>} : memref<32x128xf32, #tpu.memory_space<vmem>>, vector<1x16xf32>,
    %swap3A_2021 = vector.shape_cast %swap3A_2020 : vector<1x16xf32> to vector<16xf32>
    %swap3A_2022 = vector.shape_cast %broadcast_in_dim3A_2016 : vector<16xf32> to vector<1x16xf32>
    tpu.vector_store %arg9[%swap3A_2018, %swap3A_2019], %swap3A_2022 {strides = array<i32>} : memref<32x128xf32, #tpu.memory_space<vmem>>, vector<1x16xf32>,
    %broadcast_in_dim3A_2023 = arith.constant 0.000000e+00 : f32
    %broadcast_in_dim3A_2024 = vector.broadcast %broadcast_in_dim3A_2023 : f32 to vector<16xf32>
    %swap3A_2025 = arith.constant 31 : i32
    %swap3A_2026 = arith.index_cast %swap3A_2025 : i32 to index
    %swap3A_2027 = arith.constant 80 : index
    %swap3A_2028 = tpu.vector_load %arg9[%swap3A_2026, %swap3A_2027] {strides = array<i32>} : memref<32x128xf32, #tpu.memory_space<vmem>>, vector<1x16xf32>,
    %swap3A_2029 = vector.shape_cast %swap3A_2028 : vector<1x16xf32> to vector<16xf32>
    %swap3A_2030 = vector.shape_cast %broadcast_in_dim3A_2024 : vector<16xf32> to vector<1x16xf32>
    tpu.vector_store %arg9[%swap3A_2026, %swap3A_2027], %swap3A_2030 {strides = array<i32>} : memref<32x128xf32, #tpu.memory_space<vmem>>, vector<1x16xf32>,
    %broadcast_in_dim3A_2031 = arith.constant 0.000000e+00 : f32
    %broadcast_in_dim3A_2032 = vector.broadcast %broadcast_in_dim3A_2031 : f32 to vector<16xf32>
    %swap3A_2033 = arith.constant 31 : i32
    %swap3A_2034 = arith.index_cast %swap3A_2033 : i32 to index
    %swap3A_2035 = arith.constant 96 : index
    %swap3A_2036 = tpu.vector_load %arg9[%swap3A_2034, %swap3A_2035] {strides = array<i32>} : memref<32x128xf32, #tpu.memory_space<vmem>>, vector<1x16xf32>,
    %swap3A_2037 = vector.shape_cast %swap3A_2036 : vector<1x16xf32> to vector<16xf32>
    %swap3A_2038 = vector.shape_cast %broadcast_in_dim3A_2032 : vector<16xf32> to vector<1x16xf32>
    tpu.vector_store %arg9[%swap3A_2034, %swap3A_2035], %swap3A_2038 {strides = array<i32>} : memref<32x128xf32, #tpu.memory_space<vmem>>, vector<1x16xf32>,
    %broadcast_in_dim3A_2039 = arith.constant 0.000000e+00 : f32
    %broadcast_in_dim3A_2040 = vector.broadcast %broadcast_in_dim3A_2039 : f32 to vector<16xf32>
    %swap3A_2041 = arith.constant 31 : i32
    %swap3A_2042 = arith.index_cast %swap3A_2041 : i32 to index
    %swap3A_2043 = arith.constant 112 : index
    %swap3A_2044 = tpu.vector_load %arg9[%swap3A_2042, %swap3A_2043] {strides = array<i32>} : memref<32x128xf32, #tpu.memory_space<vmem>>, vector<1x16xf32>,
    %swap3A_2045 = vector.shape_cast %swap3A_2044 : vector<1x16xf32> to vector<16xf32>
    %swap3A_2046 = vector.shape_cast %broadcast_in_dim3A_2040 : vector<16xf32> to vector<1x16xf32>
    tpu.vector_store %arg9[%swap3A_2042, %swap3A_2043], %swap3A_2046 {strides = array<i32>} : memref<32x128xf32, #tpu.memory_space<vmem>>, vector<1x16xf32>,
    %mul3A_2047 = arith.constant 32 : i32
    %mul3A_2048 = arith.muli %arg1, %mul3A_2047 : i32
    "tpu.region"() ({
      %run_scoped3A_2088 = tpu.sem_alloc : memref<!tpu.dma_semaphore, #tpu.memory_space<semaphore_mem>>
      %dma_start3A_2089 = arith.constant 0 : i32
      %dma_start3A_2090 = tpu.memref_slice %arg10[%mul3A_2048, %dma_start3A_2089] : memref<512x128xf32, #tpu.memory_space<vmem_shared>> -> memref<32x128xf32, #tpu.memory_space<vmem_shared>>
      %dma_start3A_2091 = arith.constant 0 : i32
      %dma_start3A_2092 = tpu.memref_slice %arg10[%mul3A_2048, %dma_start3A_2091] : memref<512x128xf32, #tpu.memory_space<vmem_shared>> -> memref<32x128xf32, #tpu.memory_space<vmem_shared>>
      tpu.enqueue_dma source(%arg9 : memref<32x128xf32, #tpu.memory_space<vmem>>) target(%dma_start3A_2092 : memref<32x128xf32, #tpu.memory_space<vmem_shared>>) target_semaphore(%run_scoped3A_2088 : memref<!tpu.dma_semaphore, #tpu.memory_space<semaphore_mem>>)
      %dma_wait3A_2093 = arith.constant 0 : i32
      %dma_wait3A_2094 = tpu.memref_slice %arg10[%mul3A_2048, %dma_wait3A_2093] : memref<512x128xf32, #tpu.memory_space<vmem_shared>> -> memref<32x128xf32, #tpu.memory_space<vmem_shared>>
      %dma_wait3A_2095 = arith.constant 0 : i32
      %dma_wait3A_2096 = tpu.memref_slice %arg10[%mul3A_2048, %dma_wait3A_2095] : memref<512x128xf32, #tpu.memory_space<vmem_shared>> -> memref<32x128xf32, #tpu.memory_space<vmem_shared>>
      tpu.wait_dma2 semaphore(%run_scoped3A_2088 : memref<!tpu.dma_semaphore, #tpu.memory_space<semaphore_mem>>) src(%arg9 : memref<32x128xf32, #tpu.memory_space<vmem>>) dst(%dma_wait3A_2096 : memref<32x128xf32, #tpu.memory_space<vmem_shared>>)
      tpu.yield
    }) : () -> ()
    %mul3A_2049 = arith.constant 2 : i32
    %mul3A_2050 = arith.muli %add3A, %mul3A_2049 : i32
    "tpu.region"() ({
      %run_scoped3A_2088 = tpu.sem_alloc : memref<!tpu.dma_semaphore, #tpu.memory_space<semaphore_mem>>
      %dma_start3A_2089 = arith.constant 0 : i32
      %dma_start3A_2090 = tpu.memref_slice %arg3[%mul3A_2050, %dma_start3A_2089] : memref<64x128xi32, #tpu.memory_space<hbm>> -> memref<2x128xi32, #tpu.memory_space<hbm>>
      %dma_start3A_2091 = arith.constant 0 : i32
      %dma_start3A_2092 = tpu.memref_slice %arg3[%mul3A_2050, %dma_start3A_2091] : memref<64x128xi32, #tpu.memory_space<hbm>> -> memref<2x128xi32, #tpu.memory_space<hbm>>
      tpu.enqueue_dma source(%dma_start3A_2092 : memref<2x128xi32, #tpu.memory_space<hbm>>) target(%arg6 : memref<2x128xi32, #tpu.memory_space<vmem>>) target_semaphore(%run_scoped3A_2088 : memref<!tpu.dma_semaphore, #tpu.memory_space<semaphore_mem>>)
      %dma_wait3A_2093 = arith.constant 0 : i32
      %dma_wait3A_2094 = tpu.memref_slice %arg3[%mul3A_2050, %dma_wait3A_2093] : memref<64x128xi32, #tpu.memory_space<hbm>> -> memref<2x128xi32, #tpu.memory_space<hbm>>
      %dma_wait3A_2095 = arith.constant 0 : i32
      %dma_wait3A_2096 = tpu.memref_slice %arg3[%mul3A_2050, %dma_wait3A_2095] : memref<64x128xi32, #tpu.memory_space<hbm>> -> memref<2x128xi32, #tpu.memory_space<hbm>>
      tpu.wait_dma2 semaphore(%run_scoped3A_2088 : memref<!tpu.dma_semaphore, #tpu.memory_space<semaphore_mem>>) src(%dma_wait3A_2096 : memref<2x128xi32, #tpu.memory_space<hbm>>) dst(%arg6 : memref<2x128xi32, #tpu.memory_space<vmem>>)
      tpu.yield
    }) : () -> ()
    %mul3A_2051 = arith.constant 2 : i32
    %mul3A_2052 = arith.muli %add3A, %mul3A_2051 : i32
    "tpu.region"() ({
      %run_scoped3A_2088 = tpu.sem_alloc : memref<!tpu.dma_semaphore, #tpu.memory_space<semaphore_mem>>
      %dma_start3A_2089 = arith.constant 0 : i32
      %dma_start3A_2090 = tpu.memref_slice %arg4[%mul3A_2052, %dma_start3A_2089] : memref<64x128xi32, #tpu.memory_space<hbm>> -> memref<2x128xi32, #tpu.memory_space<hbm>>
      %dma_start3A_2091 = arith.constant 0 : i32
      %dma_start3A_2092 = tpu.memref_slice %arg4[%mul3A_2052, %dma_start3A_2091] : memref<64x128xi32, #tpu.memory_space<hbm>> -> memref<2x128xi32, #tpu.memory_space<hbm>>
      tpu.enqueue_dma source(%dma_start3A_2092 : memref<2x128xi32, #tpu.memory_space<hbm>>) target(%arg7 : memref<2x128xi32, #tpu.memory_space<vmem>>) target_semaphore(%run_scoped3A_2088 : memref<!tpu.dma_semaphore, #tpu.memory_space<semaphore_mem>>)
      %dma_wait3A_2093 = arith.constant 0 : i32
      %dma_wait3A_2094 = tpu.memref_slice %arg4[%mul3A_2052, %dma_wait3A_2093] : memref<64x128xi32, #tpu.memory_space<hbm>> -> memref<2x128xi32, #tpu.memory_space<hbm>>
      %dma_wait3A_2095 = arith.constant 0 : i32
      %dma_wait3A_2096 = tpu.memref_slice %arg4[%mul3A_2052, %dma_wait3A_2095] : memref<64x128xi32, #tpu.memory_space<hbm>> -> memref<2x128xi32, #tpu.memory_space<hbm>>
      tpu.wait_dma2 semaphore(%run_scoped3A_2088 : memref<!tpu.dma_semaphore, #tpu.memory_space<semaphore_mem>>) src(%dma_wait3A_2096 : memref<2x128xi32, #tpu.memory_space<hbm>>) dst(%arg7 : memref<2x128xi32, #tpu.memory_space<vmem>>)
      tpu.yield
    }) : () -> ()
    %barrier3A = arith.constant 0 : index
    tpu.barrier barrier_id(%barrier3A)
    %dma_start3A = arith.constant 0 : i32
    %dma_start3A_2053 = arith.constant 0 : i32
    %dma_start3A_2054 = tpu.memref_slice %arg6[%dma_start3A, %dma_start3A_2053] : memref<2x128xi32, #tpu.memory_space<vmem>> -> memref<1x128xi32, #tpu.memory_space<vmem>>
    %dma_start3A_2055 = tpu.memref_squeeze %dma_start3A_2054 : memref<1x128xi32, #tpu.memory_space<vmem>> -> memref<128xi32, #tpu.memory_space<vmem>>
    %dma_start3A_2056 = arith.constant 0 : i32
    %dma_start3A_2057 = arith.constant 0 : i32
    %dma_start3A_2058 = tpu.memref_slice %arg2[%dma_start3A_2056, %dma_start3A_2057] : memref<512x128xf32, #tpu.memory_space<hbm>> -> memref<512x128xf32, #tpu.memory_space<hbm>>
    tpu.enqueue_indirect_dma source(%dma_start3A_2058 : memref<512x128xf32, #tpu.memory_space<hbm>>) target(%arg8 : memref<128x128xf32, #tpu.memory_space<vmem>>) offsets(%dma_start3A_2055 : memref<128xi32, #tpu.memory_space<vmem>>) semaphore(%arg11 : memref<!tpu.dma_semaphore, #tpu.memory_space<semaphore_mem>>)
    %dma_wait3A = arith.constant 0 : i32
    %dma_wait3A_2059 = arith.constant 0 : i32
    %dma_wait3A_2060 = tpu.memref_slice %arg6[%dma_wait3A, %dma_wait3A_2059] : memref<2x128xi32, #tpu.memory_space<vmem>> -> memref<1x128xi32, #tpu.memory_space<vmem>>
    %dma_wait3A_2061 = tpu.memref_squeeze %dma_wait3A_2060 : memref<1x128xi32, #tpu.memory_space<vmem>> -> memref<128xi32, #tpu.memory_space<vmem>>
    %dma_wait3A_2062 = arith.constant 0 : i32
    %dma_wait3A_2063 = arith.constant 0 : i32
    %dma_wait3A_2064 = tpu.memref_slice %arg2[%dma_wait3A_2062, %dma_wait3A_2063] : memref<512x128xf32, #tpu.memory_space<hbm>> -> memref<512x128xf32, #tpu.memory_space<hbm>>
    tpu.wait_indirect_dma semaphore(%arg11 : memref<!tpu.dma_semaphore, #tpu.memory_space<semaphore_mem>>) src(%dma_wait3A_2064 : memref<512x128xf32, #tpu.memory_space<hbm>>) dst(%arg8 : memref<128x128xf32, #tpu.memory_space<vmem>>)
    %run_scoped3A = arith.constant 0 : i32
    "tpu.region"() ({
      %run_scoped3A_2088 = tpu.sem_alloc : memref<!tpu.dma_semaphore, #tpu.memory_space<semaphore_mem>>
      %dma_start3A_2089 = arith.constant 0 : i32
      %dma_start3A_2090 = tpu.memref_slice %arg7[%run_scoped3A, %dma_start3A_2089] : memref<2x128xi32, #tpu.memory_space<vmem>> -> memref<1x128xi32, #tpu.memory_space<vmem>>
      %dma_start3A_2091 = tpu.memref_squeeze %dma_start3A_2090 : memref<1x128xi32, #tpu.memory_space<vmem>> -> memref<128xi32, #tpu.memory_space<vmem>>
      %dma_start3A_2092 = arith.constant 0 : i32
      %dma_start3A_2093 = arith.constant 0 : i32
      %dma_start3A_2094 = tpu.memref_slice %arg10[%dma_start3A_2092, %dma_start3A_2093] : memref<512x128xf32, #tpu.memory_space<vmem_shared>> -> memref<512x128xf32, #tpu.memory_space<vmem_shared>>
      tpu.enqueue_indirect_dma source(%arg8 : memref<128x128xf32, #tpu.memory_space<vmem>>) target(%dma_start3A_2094 : memref<512x128xf32, #tpu.memory_space<vmem_shared>>) offsets(%dma_start3A_2091 : memref<128xi32, #tpu.memory_space<vmem>>) semaphore(%run_scoped3A_2088 : memref<!tpu.dma_semaphore, #tpu.memory_space<semaphore_mem>>) {add = true}
      %dma_wait3A_2095 = arith.constant 0 : i32
      %dma_wait3A_2096 = tpu.memref_slice %arg7[%run_scoped3A, %dma_wait3A_2095] : memref<2x128xi32, #tpu.memory_space<vmem>> -> memref<1x128xi32, #tpu.memory_space<vmem>>
      %dma_wait3A_2097 = tpu.memref_squeeze %dma_wait3A_2096 : memref<1x128xi32, #tpu.memory_space<vmem>> -> memref<128xi32, #tpu.memory_space<vmem>>
      %dma_wait3A_2098 = arith.constant 0 : i32
      %dma_wait3A_2099 = arith.constant 0 : i32
      %dma_wait3A_2100 = tpu.memref_slice %arg10[%dma_wait3A_2098, %dma_wait3A_2099] : memref<512x128xf32, #tpu.memory_space<vmem_shared>> -> memref<512x128xf32, #tpu.memory_space<vmem_shared>>
      tpu.wait_indirect_dma semaphore(%run_scoped3A_2088 : memref<!tpu.dma_semaphore, #tpu.memory_space<semaphore_mem>>) src(%arg8 : memref<128x128xf32, #tpu.memory_space<vmem>>) dst(%dma_wait3A_2100 : memref<512x128xf32, #tpu.memory_space<vmem_shared>>)
      tpu.yield
    }) : () -> ()
    %dma_start3A_2065 = arith.constant 1 : i32
    %dma_start3A_2066 = arith.constant 0 : i32
    %dma_start3A_2067 = tpu.memref_slice %arg6[%dma_start3A_2065, %dma_start3A_2066] : memref<2x128xi32, #tpu.memory_space<vmem>> -> memref<1x128xi32, #tpu.memory_space<vmem>>
    %dma_start3A_2068 = tpu.memref_squeeze %dma_start3A_2067 : memref<1x128xi32, #tpu.memory_space<vmem>> -> memref<128xi32, #tpu.memory_space<vmem>>
    %dma_start3A_2069 = arith.constant 0 : i32
    %dma_start3A_2070 = arith.constant 0 : i32
    %dma_start3A_2071 = tpu.memref_slice %arg2[%dma_start3A_2069, %dma_start3A_2070] : memref<512x128xf32, #tpu.memory_space<hbm>> -> memref<512x128xf32, #tpu.memory_space<hbm>>
    tpu.enqueue_indirect_dma source(%dma_start3A_2071 : memref<512x128xf32, #tpu.memory_space<hbm>>) target(%arg8 : memref<128x128xf32, #tpu.memory_space<vmem>>) offsets(%dma_start3A_2068 : memref<128xi32, #tpu.memory_space<vmem>>) semaphore(%arg11 : memref<!tpu.dma_semaphore, #tpu.memory_space<semaphore_mem>>)
    %dma_wait3A_2072 = arith.constant 1 : i32
    %dma_wait3A_2073 = arith.constant 0 : i32
    %dma_wait3A_2074 = tpu.memref_slice %arg6[%dma_wait3A_2072, %dma_wait3A_2073] : memref<2x128xi32, #tpu.memory_space<vmem>> -> memref<1x128xi32, #tpu.memory_space<vmem>>
    %dma_wait3A_2075 = tpu.memref_squeeze %dma_wait3A_2074 : memref<1x128xi32, #tpu.memory_space<vmem>> -> memref<128xi32, #tpu.memory_space<vmem>>
    %dma_wait3A_2076 = arith.constant 0 : i32
    %dma_wait3A_2077 = arith.constant 0 : i32
    %dma_wait3A_2078 = tpu.memref_slice %arg2[%dma_wait3A_2076, %dma_wait3A_2077] : memref<512x128xf32, #tpu.memory_space<hbm>> -> memref<512x128xf32, #tpu.memory_space<hbm>>
    tpu.wait_indirect_dma semaphore(%arg11 : memref<!tpu.dma_semaphore, #tpu.memory_space<semaphore_mem>>) src(%dma_wait3A_2078 : memref<512x128xf32, #tpu.memory_space<hbm>>) dst(%arg8 : memref<128x128xf32, #tpu.memory_space<vmem>>)
    %run_scoped3A_2079 = arith.constant 1 : i32
    "tpu.region"() ({
      %run_scoped3A_2088 = tpu.sem_alloc : memref<!tpu.dma_semaphore, #tpu.memory_space<semaphore_mem>>
      %dma_start3A_2089 = arith.constant 0 : i32
      %dma_start3A_2090 = tpu.memref_slice %arg7[%run_scoped3A_2079, %dma_start3A_2089] : memref<2x128xi32, #tpu.memory_space<vmem>> -> memref<1x128xi32, #tpu.memory_space<vmem>>
      %dma_start3A_2091 = tpu.memref_squeeze %dma_start3A_2090 : memref<1x128xi32, #tpu.memory_space<vmem>> -> memref<128xi32, #tpu.memory_space<vmem>>
      %dma_start3A_2092 = arith.constant 0 : i32
      %dma_start3A_2093 = arith.constant 0 : i32
      %dma_start3A_2094 = tpu.memref_slice %arg10[%dma_start3A_2092, %dma_start3A_2093] : memref<512x128xf32, #tpu.memory_space<vmem_shared>> -> memref<512x128xf32, #tpu.memory_space<vmem_shared>>
      tpu.enqueue_indirect_dma source(%arg8 : memref<128x128xf32, #tpu.memory_space<vmem>>) target(%dma_start3A_2094 : memref<512x128xf32, #tpu.memory_space<vmem_shared>>) offsets(%dma_start3A_2091 : memref<128xi32, #tpu.memory_space<vmem>>) semaphore(%run_scoped3A_2088 : memref<!tpu.dma_semaphore, #tpu.memory_space<semaphore_mem>>) {add = true}
      %dma_wait3A_2095 = arith.constant 0 : i32
      %dma_wait3A_2096 = tpu.memref_slice %arg7[%run_scoped3A_2079, %dma_wait3A_2095] : memref<2x128xi32, #tpu.memory_space<vmem>> -> memref<1x128xi32, #tpu.memory_space<vmem>>
      %dma_wait3A_2097 = tpu.memref_squeeze %dma_wait3A_2096 : memref<1x128xi32, #tpu.memory_space<vmem>> -> memref<128xi32, #tpu.memory_space<vmem>>
      %dma_wait3A_2098 = arith.constant 0 : i32
      %dma_wait3A_2099 = arith.constant 0 : i32
      %dma_wait3A_2100 = tpu.memref_slice %arg10[%dma_wait3A_2098, %dma_wait3A_2099] : memref<512x128xf32, #tpu.memory_space<vmem_shared>> -> memref<512x128xf32, #tpu.memory_space<vmem_shared>>
      tpu.wait_indirect_dma semaphore(%run_scoped3A_2088 : memref<!tpu.dma_semaphore, #tpu.memory_space<semaphore_mem>>) src(%arg8 : memref<128x128xf32, #tpu.memory_space<vmem>>) dst(%dma_wait3A_2100 : memref<512x128xf32, #tpu.memory_space<vmem_shared>>)
      tpu.yield
    }) : () -> ()
    %barrier3A_2080 = arith.constant 0 : index
    tpu.barrier barrier_id(%barrier3A_2080)
    %mul3A_2081 = arith.constant 32 : i32
    %mul3A_2082 = arith.muli %arg1, %mul3A_2081 : i32
    %mul3A_2083 = arith.constant 512 : i32
    %mul3A_2084 = arith.muli %arg0, %mul3A_2083 : i32
    %mul3A_2085 = arith.constant 32 : i32
    %mul3A_2086 = arith.muli %arg1, %mul3A_2085 : i32
    %add3A_2087 = arith.addi %mul3A_2084, %mul3A_2086 : i32
    "tpu.region"() ({
      %run_scoped3A_2088 = tpu.sem_alloc : memref<!tpu.dma_semaphore, #tpu.memory_space<semaphore_mem>>
      %dma_start3A_2089 = arith.constant 0 : i32
      %dma_start3A_2090 = tpu.memref_slice %arg5[%add3A_2087, %dma_start3A_2089] : memref<1024x128xf32, #tpu.memory_space<hbm>> -> memref<32x128xf32, #tpu.memory_space<hbm>>
      %dma_start3A_2091 = arith.constant 0 : i32
      %dma_start3A_2092 = tpu.memref_slice %arg10[%mul3A_2082, %dma_start3A_2091] : memref<512x128xf32, #tpu.memory_space<vmem_shared>> -> memref<32x128xf32, #tpu.memory_space<vmem_shared>>
      tpu.enqueue_dma source(%dma_start3A_2092 : memref<32x128xf32, #tpu.memory_space<vmem_shared>>) target(%dma_start3A_2090 : memref<32x128xf32, #tpu.memory_space<hbm>>) target_semaphore(%run_scoped3A_2088 : memref<!tpu.dma_semaphore, #tpu.memory_space<semaphore_mem>>)
      %dma_wait3A_2093 = arith.constant 0 : i32
      %dma_wait3A_2094 = tpu.memref_slice %arg5[%add3A_2087, %dma_wait3A_2093] : memref<1024x128xf32, #tpu.memory_space<hbm>> -> memref<32x128xf32, #tpu.memory_space<hbm>>
      %dma_wait3A_2095 = arith.constant 0 : i32
      %dma_wait3A_2096 = tpu.memref_slice %arg10[%mul3A_2082, %dma_wait3A_2095] : memref<512x128xf32, #tpu.memory_space<vmem_shared>> -> memref<32x128xf32, #tpu.memory_space<vmem_shared>>
      tpu.wait_dma2 semaphore(%run_scoped3A_2088 : memref<!tpu.dma_semaphore, #tpu.memory_space<semaphore_mem>>) src(%dma_wait3A_2096 : memref<32x128xf32, #tpu.memory_space<vmem_shared>>) dst(%dma_wait3A_2094 : memref<32x128xf32, #tpu.memory_space<hbm>>)
      tpu.yield
    }) : () -> ()
    return
  }
}

#map = affine_map<(d0, d1) -> (0, 0)>
module attributes {stable_mosaic.version = 14 : i64} {
  func.func @k(%arg0: i32, %arg1: i32, %arg2: memref<256x128xf32, #tpu.memory_space<hbm>>, %arg3: memref<32x128xi32, #tpu.memory_space<hbm>>, %arg4: memref<32x128xi32, #tpu.memory_space<hbm>>, %arg5: memref<512x128xf32, #tpu.memory_space<hbm>>, %arg6: memref<1x128xi32, #tpu.memory_space<vmem>>, %arg7: memref<1x128xi32, #tpu.memory_space<vmem>>, %arg8: memref<128x128xf32, #tpu.memory_space<vmem>>, %arg9: memref<16x128xf32, #tpu.memory_space<vmem>>, %arg10: memref<256x128xf32, #tpu.memory_space<vmem_shared>>, %arg11: memref<!tpu.dma_semaphore, #tpu.memory_space<semaphore_mem>>) attributes {dimension_semantics = [#tpu.dimension_semantics<core_parallel>, #tpu.dimension_semantics<subcore_parallel>], iteration_bounds = array<i64: 2, 16>, scalar_prefetch = 0 : i64, scratch_operands = 6 : i64, tpu.core_type = #tpu.core_type<sc_vector_subcore>, window_params = [{transform_indices = #map}, {transform_indices = #map}, {transform_indices = #map}, {transform_indices = #map}]} {
    %mul3A = arith.constant 2 : i32
    %mul3A_0 = arith.muli %arg1, %mul3A : i32
    %add3A = arith.addi %mul3A_0, %arg0 : i32
    %broadcast_in_dim3A = arith.constant 0.000000e+00 : f32
    %broadcast_in_dim3A_1 = vector.broadcast %broadcast_in_dim3A : f32 to vector<16xf32>
    %swap3A = arith.constant 0 : i32
    %swap3A_2 = arith.index_cast %swap3A : i32 to index
    %swap3A_3 = arith.constant 0 : index
    %swap3A_4 = tpu.vector_load %arg9[%swap3A_2, %swap3A_3] {strides = array<i32>} : memref<16x128xf32, #tpu.memory_space<vmem>>, vector<1x16xf32>,
    %swap3A_5 = vector.shape_cast %swap3A_4 : vector<1x16xf32> to vector<16xf32>
    %swap3A_6 = vector.shape_cast %broadcast_in_dim3A_1 : vector<16xf32> to vector<1x16xf32>
    tpu.vector_store %arg9[%swap3A_2, %swap3A_3], %swap3A_6 {strides = array<i32>} : memref<16x128xf32, #tpu.memory_space<vmem>>, vector<1x16xf32>,
    %broadcast_in_dim3A_7 = arith.constant 0.000000e+00 : f32
    %broadcast_in_dim3A_8 = vector.broadcast %broadcast_in_dim3A_7 : f32 to vector<16xf32>
    %swap3A_9 = arith.constant 0 : i32
    %swap3A_10 = arith.index_cast %swap3A_9 : i32 to index
    %swap3A_11 = arith.constant 16 : index
    %swap3A_12 = tpu.vector_load %arg9[%swap3A_10, %swap3A_11] {strides = array<i32>} : memref<16x128xf32, #tpu.memory_space<vmem>>, vector<1x16xf32>,
    %swap3A_13 = vector.shape_cast %swap3A_12 : vector<1x16xf32> to vector<16xf32>
    %swap3A_14 = vector.shape_cast %broadcast_in_dim3A_8 : vector<16xf32> to vector<1x16xf32>
    tpu.vector_store %arg9[%swap3A_10, %swap3A_11], %swap3A_14 {strides = array<i32>} : memref<16x128xf32, #tpu.memory_space<vmem>>, vector<1x16xf32>,
    %broadcast_in_dim3A_15 = arith.constant 0.000000e+00 : f32
    %broadcast_in_dim3A_16 = vector.broadcast %broadcast_in_dim3A_15 : f32 to vector<16xf32>
    %swap3A_17 = arith.constant 0 : i32
    %swap3A_18 = arith.index_cast %swap3A_17 : i32 to index
    %swap3A_19 = arith.constant 32 : index
    %swap3A_20 = tpu.vector_load %arg9[%swap3A_18, %swap3A_19] {strides = array<i32>} : memref<16x128xf32, #tpu.memory_space<vmem>>, vector<1x16xf32>,
    %swap3A_21 = vector.shape_cast %swap3A_20 : vector<1x16xf32> to vector<16xf32>
    %swap3A_22 = vector.shape_cast %broadcast_in_dim3A_16 : vector<16xf32> to vector<1x16xf32>
    tpu.vector_store %arg9[%swap3A_18, %swap3A_19], %swap3A_22 {strides = array<i32>} : memref<16x128xf32, #tpu.memory_space<vmem>>, vector<1x16xf32>,
    %broadcast_in_dim3A_23 = arith.constant 0.000000e+00 : f32
    %broadcast_in_dim3A_24 = vector.broadcast %broadcast_in_dim3A_23 : f32 to vector<16xf32>
    %swap3A_25 = arith.constant 0 : i32
    %swap3A_26 = arith.index_cast %swap3A_25 : i32 to index
    %swap3A_27 = arith.constant 48 : index
    %swap3A_28 = tpu.vector_load %arg9[%swap3A_26, %swap3A_27] {strides = array<i32>} : memref<16x128xf32, #tpu.memory_space<vmem>>, vector<1x16xf32>,
    %swap3A_29 = vector.shape_cast %swap3A_28 : vector<1x16xf32> to vector<16xf32>
    %swap3A_30 = vector.shape_cast %broadcast_in_dim3A_24 : vector<16xf32> to vector<1x16xf32>
    tpu.vector_store %arg9[%swap3A_26, %swap3A_27], %swap3A_30 {strides = array<i32>} : memref<16x128xf32, #tpu.memory_space<vmem>>, vector<1x16xf32>,
    %broadcast_in_dim3A_31 = arith.constant 0.000000e+00 : f32
    %broadcast_in_dim3A_32 = vector.broadcast %broadcast_in_dim3A_31 : f32 to vector<16xf32>
    %swap3A_33 = arith.constant 0 : i32
    %swap3A_34 = arith.index_cast %swap3A_33 : i32 to index
    %swap3A_35 = arith.constant 64 : index
    %swap3A_36 = tpu.vector_load %arg9[%swap3A_34, %swap3A_35] {strides = array<i32>} : memref<16x128xf32, #tpu.memory_space<vmem>>, vector<1x16xf32>,
    %swap3A_37 = vector.shape_cast %swap3A_36 : vector<1x16xf32> to vector<16xf32>
    %swap3A_38 = vector.shape_cast %broadcast_in_dim3A_32 : vector<16xf32> to vector<1x16xf32>
    tpu.vector_store %arg9[%swap3A_34, %swap3A_35], %swap3A_38 {strides = array<i32>} : memref<16x128xf32, #tpu.memory_space<vmem>>, vector<1x16xf32>,
    %broadcast_in_dim3A_39 = arith.constant 0.000000e+00 : f32
    %broadcast_in_dim3A_40 = vector.broadcast %broadcast_in_dim3A_39 : f32 to vector<16xf32>
    %swap3A_41 = arith.constant 0 : i32
    %swap3A_42 = arith.index_cast %swap3A_41 : i32 to index
    %swap3A_43 = arith.constant 80 : index
    %swap3A_44 = tpu.vector_load %arg9[%swap3A_42, %swap3A_43] {strides = array<i32>} : memref<16x128xf32, #tpu.memory_space<vmem>>, vector<1x16xf32>,
    %swap3A_45 = vector.shape_cast %swap3A_44 : vector<1x16xf32> to vector<16xf32>
    %swap3A_46 = vector.shape_cast %broadcast_in_dim3A_40 : vector<16xf32> to vector<1x16xf32>
    tpu.vector_store %arg9[%swap3A_42, %swap3A_43], %swap3A_46 {strides = array<i32>} : memref<16x128xf32, #tpu.memory_space<vmem>>, vector<1x16xf32>,
    %broadcast_in_dim3A_47 = arith.constant 0.000000e+00 : f32
    %broadcast_in_dim3A_48 = vector.broadcast %broadcast_in_dim3A_47 : f32 to vector<16xf32>
    %swap3A_49 = arith.constant 0 : i32
    %swap3A_50 = arith.index_cast %swap3A_49 : i32 to index
    %swap3A_51 = arith.constant 96 : index
    %swap3A_52 = tpu.vector_load %arg9[%swap3A_50, %swap3A_51] {strides = array<i32>} : memref<16x128xf32, #tpu.memory_space<vmem>>, vector<1x16xf32>,
    %swap3A_53 = vector.shape_cast %swap3A_52 : vector<1x16xf32> to vector<16xf32>
    %swap3A_54 = vector.shape_cast %broadcast_in_dim3A_48 : vector<16xf32> to vector<1x16xf32>
    tpu.vector_store %arg9[%swap3A_50, %swap3A_51], %swap3A_54 {strides = array<i32>} : memref<16x128xf32, #tpu.memory_space<vmem>>, vector<1x16xf32>,
    %broadcast_in_dim3A_55 = arith.constant 0.000000e+00 : f32
    %broadcast_in_dim3A_56 = vector.broadcast %broadcast_in_dim3A_55 : f32 to vector<16xf32>
    %swap3A_57 = arith.constant 0 : i32
    %swap3A_58 = arith.index_cast %swap3A_57 : i32 to index
    %swap3A_59 = arith.constant 112 : index
    %swap3A_60 = tpu.vector_load %arg9[%swap3A_58, %swap3A_59] {strides = array<i32>} : memref<16x128xf32, #tpu.memory_space<vmem>>, vector<1x16xf32>,
    %swap3A_61 = vector.shape_cast %swap3A_60 : vector<1x16xf32> to vector<16xf32>
    %swap3A_62 = vector.shape_cast %broadcast_in_dim3A_56 : vector<16xf32> to vector<1x16xf32>
    tpu.vector_store %arg9[%swap3A_58, %swap3A_59], %swap3A_62 {strides = array<i32>} : memref<16x128xf32, #tpu.memory_space<vmem>>, vector<1x16xf32>,
    %broadcast_in_dim3A_63 = arith.constant 0.000000e+00 : f32
    %broadcast_in_dim3A_64 = vector.broadcast %broadcast_in_dim3A_63 : f32 to vector<16xf32>
    %swap3A_65 = arith.constant 1 : i32
    %swap3A_66 = arith.index_cast %swap3A_65 : i32 to index
    %swap3A_67 = arith.constant 0 : index
    %swap3A_68 = tpu.vector_load %arg9[%swap3A_66, %swap3A_67] {strides = array<i32>} : memref<16x128xf32, #tpu.memory_space<vmem>>, vector<1x16xf32>,
    %swap3A_69 = vector.shape_cast %swap3A_68 : vector<1x16xf32> to vector<16xf32>
    %swap3A_70 = vector.shape_cast %broadcast_in_dim3A_64 : vector<16xf32> to vector<1x16xf32>
    tpu.vector_store %arg9[%swap3A_66, %swap3A_67], %swap3A_70 {strides = array<i32>} : memref<16x128xf32, #tpu.memory_space<vmem>>, vector<1x16xf32>,
    %broadcast_in_dim3A_71 = arith.constant 0.000000e+00 : f32
    %broadcast_in_dim3A_72 = vector.broadcast %broadcast_in_dim3A_71 : f32 to vector<16xf32>
    %swap3A_73 = arith.constant 1 : i32
    %swap3A_74 = arith.index_cast %swap3A_73 : i32 to index
    %swap3A_75 = arith.constant 16 : index
    %swap3A_76 = tpu.vector_load %arg9[%swap3A_74, %swap3A_75] {strides = array<i32>} : memref<16x128xf32, #tpu.memory_space<vmem>>, vector<1x16xf32>,
    %swap3A_77 = vector.shape_cast %swap3A_76 : vector<1x16xf32> to vector<16xf32>
    %swap3A_78 = vector.shape_cast %broadcast_in_dim3A_72 : vector<16xf32> to vector<1x16xf32>
    tpu.vector_store %arg9[%swap3A_74, %swap3A_75], %swap3A_78 {strides = array<i32>} : memref<16x128xf32, #tpu.memory_space<vmem>>, vector<1x16xf32>,
    %broadcast_in_dim3A_79 = arith.constant 0.000000e+00 : f32
    %broadcast_in_dim3A_80 = vector.broadcast %broadcast_in_dim3A_79 : f32 to vector<16xf32>
    %swap3A_81 = arith.constant 1 : i32
    %swap3A_82 = arith.index_cast %swap3A_81 : i32 to index
    %swap3A_83 = arith.constant 32 : index
    %swap3A_84 = tpu.vector_load %arg9[%swap3A_82, %swap3A_83] {strides = array<i32>} : memref<16x128xf32, #tpu.memory_space<vmem>>, vector<1x16xf32>,
    %swap3A_85 = vector.shape_cast %swap3A_84 : vector<1x16xf32> to vector<16xf32>
    %swap3A_86 = vector.shape_cast %broadcast_in_dim3A_80 : vector<16xf32> to vector<1x16xf32>
    tpu.vector_store %arg9[%swap3A_82, %swap3A_83], %swap3A_86 {strides = array<i32>} : memref<16x128xf32, #tpu.memory_space<vmem>>, vector<1x16xf32>,
    %broadcast_in_dim3A_87 = arith.constant 0.000000e+00 : f32
    %broadcast_in_dim3A_88 = vector.broadcast %broadcast_in_dim3A_87 : f32 to vector<16xf32>
    %swap3A_89 = arith.constant 1 : i32
    %swap3A_90 = arith.index_cast %swap3A_89 : i32 to index
    %swap3A_91 = arith.constant 48 : index
    %swap3A_92 = tpu.vector_load %arg9[%swap3A_90, %swap3A_91] {strides = array<i32>} : memref<16x128xf32, #tpu.memory_space<vmem>>, vector<1x16xf32>,
    %swap3A_93 = vector.shape_cast %swap3A_92 : vector<1x16xf32> to vector<16xf32>
    %swap3A_94 = vector.shape_cast %broadcast_in_dim3A_88 : vector<16xf32> to vector<1x16xf32>
    tpu.vector_store %arg9[%swap3A_90, %swap3A_91], %swap3A_94 {strides = array<i32>} : memref<16x128xf32, #tpu.memory_space<vmem>>, vector<1x16xf32>,
    %broadcast_in_dim3A_95 = arith.constant 0.000000e+00 : f32
    %broadcast_in_dim3A_96 = vector.broadcast %broadcast_in_dim3A_95 : f32 to vector<16xf32>
    %swap3A_97 = arith.constant 1 : i32
    %swap3A_98 = arith.index_cast %swap3A_97 : i32 to index
    %swap3A_99 = arith.constant 64 : index
    %swap3A_100 = tpu.vector_load %arg9[%swap3A_98, %swap3A_99] {strides = array<i32>} : memref<16x128xf32, #tpu.memory_space<vmem>>, vector<1x16xf32>,
    %swap3A_101 = vector.shape_cast %swap3A_100 : vector<1x16xf32> to vector<16xf32>
    %swap3A_102 = vector.shape_cast %broadcast_in_dim3A_96 : vector<16xf32> to vector<1x16xf32>
    tpu.vector_store %arg9[%swap3A_98, %swap3A_99], %swap3A_102 {strides = array<i32>} : memref<16x128xf32, #tpu.memory_space<vmem>>, vector<1x16xf32>,
    %broadcast_in_dim3A_103 = arith.constant 0.000000e+00 : f32
    %broadcast_in_dim3A_104 = vector.broadcast %broadcast_in_dim3A_103 : f32 to vector<16xf32>
    %swap3A_105 = arith.constant 1 : i32
    %swap3A_106 = arith.index_cast %swap3A_105 : i32 to index
    %swap3A_107 = arith.constant 80 : index
    %swap3A_108 = tpu.vector_load %arg9[%swap3A_106, %swap3A_107] {strides = array<i32>} : memref<16x128xf32, #tpu.memory_space<vmem>>, vector<1x16xf32>,
    %swap3A_109 = vector.shape_cast %swap3A_108 : vector<1x16xf32> to vector<16xf32>
    %swap3A_110 = vector.shape_cast %broadcast_in_dim3A_104 : vector<16xf32> to vector<1x16xf32>
    tpu.vector_store %arg9[%swap3A_106, %swap3A_107], %swap3A_110 {strides = array<i32>} : memref<16x128xf32, #tpu.memory_space<vmem>>, vector<1x16xf32>,
    %broadcast_in_dim3A_111 = arith.constant 0.000000e+00 : f32
    %broadcast_in_dim3A_112 = vector.broadcast %broadcast_in_dim3A_111 : f32 to vector<16xf32>
    %swap3A_113 = arith.constant 1 : i32
    %swap3A_114 = arith.index_cast %swap3A_113 : i32 to index
    %swap3A_115 = arith.constant 96 : index
    %swap3A_116 = tpu.vector_load %arg9[%swap3A_114, %swap3A_115] {strides = array<i32>} : memref<16x128xf32, #tpu.memory_space<vmem>>, vector<1x16xf32>,
    %swap3A_117 = vector.shape_cast %swap3A_116 : vector<1x16xf32> to vector<16xf32>
    %swap3A_118 = vector.shape_cast %broadcast_in_dim3A_112 : vector<16xf32> to vector<1x16xf32>
    tpu.vector_store %arg9[%swap3A_114, %swap3A_115], %swap3A_118 {strides = array<i32>} : memref<16x128xf32, #tpu.memory_space<vmem>>, vector<1x16xf32>,
    %broadcast_in_dim3A_119 = arith.constant 0.000000e+00 : f32
    %broadcast_in_dim3A_120 = vector.broadcast %broadcast_in_dim3A_119 : f32 to vector<16xf32>
    %swap3A_121 = arith.constant 1 : i32
    %swap3A_122 = arith.index_cast %swap3A_121 : i32 to index
    %swap3A_123 = arith.constant 112 : index
    %swap3A_124 = tpu.vector_load %arg9[%swap3A_122, %swap3A_123] {strides = array<i32>} : memref<16x128xf32, #tpu.memory_space<vmem>>, vector<1x16xf32>,
    %swap3A_125 = vector.shape_cast %swap3A_124 : vector<1x16xf32> to vector<16xf32>
    %swap3A_126 = vector.shape_cast %broadcast_in_dim3A_120 : vector<16xf32> to vector<1x16xf32>
    tpu.vector_store %arg9[%swap3A_122, %swap3A_123], %swap3A_126 {strides = array<i32>} : memref<16x128xf32, #tpu.memory_space<vmem>>, vector<1x16xf32>,
    %broadcast_in_dim3A_127 = arith.constant 0.000000e+00 : f32
    %broadcast_in_dim3A_128 = vector.broadcast %broadcast_in_dim3A_127 : f32 to vector<16xf32>
    %swap3A_129 = arith.constant 2 : i32
    %swap3A_130 = arith.index_cast %swap3A_129 : i32 to index
    %swap3A_131 = arith.constant 0 : index
    %swap3A_132 = tpu.vector_load %arg9[%swap3A_130, %swap3A_131] {strides = array<i32>} : memref<16x128xf32, #tpu.memory_space<vmem>>, vector<1x16xf32>,
    %swap3A_133 = vector.shape_cast %swap3A_132 : vector<1x16xf32> to vector<16xf32>
    %swap3A_134 = vector.shape_cast %broadcast_in_dim3A_128 : vector<16xf32> to vector<1x16xf32>
    tpu.vector_store %arg9[%swap3A_130, %swap3A_131], %swap3A_134 {strides = array<i32>} : memref<16x128xf32, #tpu.memory_space<vmem>>, vector<1x16xf32>,
    %broadcast_in_dim3A_135 = arith.constant 0.000000e+00 : f32
    %broadcast_in_dim3A_136 = vector.broadcast %broadcast_in_dim3A_135 : f32 to vector<16xf32>
    %swap3A_137 = arith.constant 2 : i32
    %swap3A_138 = arith.index_cast %swap3A_137 : i32 to index
    %swap3A_139 = arith.constant 16 : index
    %swap3A_140 = tpu.vector_load %arg9[%swap3A_138, %swap3A_139] {strides = array<i32>} : memref<16x128xf32, #tpu.memory_space<vmem>>, vector<1x16xf32>,
    %swap3A_141 = vector.shape_cast %swap3A_140 : vector<1x16xf32> to vector<16xf32>
    %swap3A_142 = vector.shape_cast %broadcast_in_dim3A_136 : vector<16xf32> to vector<1x16xf32>
    tpu.vector_store %arg9[%swap3A_138, %swap3A_139], %swap3A_142 {strides = array<i32>} : memref<16x128xf32, #tpu.memory_space<vmem>>, vector<1x16xf32>,
    %broadcast_in_dim3A_143 = arith.constant 0.000000e+00 : f32
    %broadcast_in_dim3A_144 = vector.broadcast %broadcast_in_dim3A_143 : f32 to vector<16xf32>
    %swap3A_145 = arith.constant 2 : i32
    %swap3A_146 = arith.index_cast %swap3A_145 : i32 to index
    %swap3A_147 = arith.constant 32 : index
    %swap3A_148 = tpu.vector_load %arg9[%swap3A_146, %swap3A_147] {strides = array<i32>} : memref<16x128xf32, #tpu.memory_space<vmem>>, vector<1x16xf32>,
    %swap3A_149 = vector.shape_cast %swap3A_148 : vector<1x16xf32> to vector<16xf32>
    %swap3A_150 = vector.shape_cast %broadcast_in_dim3A_144 : vector<16xf32> to vector<1x16xf32>
    tpu.vector_store %arg9[%swap3A_146, %swap3A_147], %swap3A_150 {strides = array<i32>} : memref<16x128xf32, #tpu.memory_space<vmem>>, vector<1x16xf32>,
    %broadcast_in_dim3A_151 = arith.constant 0.000000e+00 : f32
    %broadcast_in_dim3A_152 = vector.broadcast %broadcast_in_dim3A_151 : f32 to vector<16xf32>
    %swap3A_153 = arith.constant 2 : i32
    %swap3A_154 = arith.index_cast %swap3A_153 : i32 to index
    %swap3A_155 = arith.constant 48 : index
    %swap3A_156 = tpu.vector_load %arg9[%swap3A_154, %swap3A_155] {strides = array<i32>} : memref<16x128xf32, #tpu.memory_space<vmem>>, vector<1x16xf32>,
    %swap3A_157 = vector.shape_cast %swap3A_156 : vector<1x16xf32> to vector<16xf32>
    %swap3A_158 = vector.shape_cast %broadcast_in_dim3A_152 : vector<16xf32> to vector<1x16xf32>
    tpu.vector_store %arg9[%swap3A_154, %swap3A_155], %swap3A_158 {strides = array<i32>} : memref<16x128xf32, #tpu.memory_space<vmem>>, vector<1x16xf32>,
    %broadcast_in_dim3A_159 = arith.constant 0.000000e+00 : f32
    %broadcast_in_dim3A_160 = vector.broadcast %broadcast_in_dim3A_159 : f32 to vector<16xf32>
    %swap3A_161 = arith.constant 2 : i32
    %swap3A_162 = arith.index_cast %swap3A_161 : i32 to index
    %swap3A_163 = arith.constant 64 : index
    %swap3A_164 = tpu.vector_load %arg9[%swap3A_162, %swap3A_163] {strides = array<i32>} : memref<16x128xf32, #tpu.memory_space<vmem>>, vector<1x16xf32>,
    %swap3A_165 = vector.shape_cast %swap3A_164 : vector<1x16xf32> to vector<16xf32>
    %swap3A_166 = vector.shape_cast %broadcast_in_dim3A_160 : vector<16xf32> to vector<1x16xf32>
    tpu.vector_store %arg9[%swap3A_162, %swap3A_163], %swap3A_166 {strides = array<i32>} : memref<16x128xf32, #tpu.memory_space<vmem>>, vector<1x16xf32>,
    %broadcast_in_dim3A_167 = arith.constant 0.000000e+00 : f32
    %broadcast_in_dim3A_168 = vector.broadcast %broadcast_in_dim3A_167 : f32 to vector<16xf32>
    %swap3A_169 = arith.constant 2 : i32
    %swap3A_170 = arith.index_cast %swap3A_169 : i32 to index
    %swap3A_171 = arith.constant 80 : index
    %swap3A_172 = tpu.vector_load %arg9[%swap3A_170, %swap3A_171] {strides = array<i32>} : memref<16x128xf32, #tpu.memory_space<vmem>>, vector<1x16xf32>,
    %swap3A_173 = vector.shape_cast %swap3A_172 : vector<1x16xf32> to vector<16xf32>
    %swap3A_174 = vector.shape_cast %broadcast_in_dim3A_168 : vector<16xf32> to vector<1x16xf32>
    tpu.vector_store %arg9[%swap3A_170, %swap3A_171], %swap3A_174 {strides = array<i32>} : memref<16x128xf32, #tpu.memory_space<vmem>>, vector<1x16xf32>,
    %broadcast_in_dim3A_175 = arith.constant 0.000000e+00 : f32
    %broadcast_in_dim3A_176 = vector.broadcast %broadcast_in_dim3A_175 : f32 to vector<16xf32>
    %swap3A_177 = arith.constant 2 : i32
    %swap3A_178 = arith.index_cast %swap3A_177 : i32 to index
    %swap3A_179 = arith.constant 96 : index
    %swap3A_180 = tpu.vector_load %arg9[%swap3A_178, %swap3A_179] {strides = array<i32>} : memref<16x128xf32, #tpu.memory_space<vmem>>, vector<1x16xf32>,
    %swap3A_181 = vector.shape_cast %swap3A_180 : vector<1x16xf32> to vector<16xf32>
    %swap3A_182 = vector.shape_cast %broadcast_in_dim3A_176 : vector<16xf32> to vector<1x16xf32>
    tpu.vector_store %arg9[%swap3A_178, %swap3A_179], %swap3A_182 {strides = array<i32>} : memref<16x128xf32, #tpu.memory_space<vmem>>, vector<1x16xf32>,
    %broadcast_in_dim3A_183 = arith.constant 0.000000e+00 : f32
    %broadcast_in_dim3A_184 = vector.broadcast %broadcast_in_dim3A_183 : f32 to vector<16xf32>
    %swap3A_185 = arith.constant 2 : i32
    %swap3A_186 = arith.index_cast %swap3A_185 : i32 to index
    %swap3A_187 = arith.constant 112 : index
    %swap3A_188 = tpu.vector_load %arg9[%swap3A_186, %swap3A_187] {strides = array<i32>} : memref<16x128xf32, #tpu.memory_space<vmem>>, vector<1x16xf32>,
    %swap3A_189 = vector.shape_cast %swap3A_188 : vector<1x16xf32> to vector<16xf32>
    %swap3A_190 = vector.shape_cast %broadcast_in_dim3A_184 : vector<16xf32> to vector<1x16xf32>
    tpu.vector_store %arg9[%swap3A_186, %swap3A_187], %swap3A_190 {strides = array<i32>} : memref<16x128xf32, #tpu.memory_space<vmem>>, vector<1x16xf32>,
    %broadcast_in_dim3A_191 = arith.constant 0.000000e+00 : f32
    %broadcast_in_dim3A_192 = vector.broadcast %broadcast_in_dim3A_191 : f32 to vector<16xf32>
    %swap3A_193 = arith.constant 3 : i32
    %swap3A_194 = arith.index_cast %swap3A_193 : i32 to index
    %swap3A_195 = arith.constant 0 : index
    %swap3A_196 = tpu.vector_load %arg9[%swap3A_194, %swap3A_195] {strides = array<i32>} : memref<16x128xf32, #tpu.memory_space<vmem>>, vector<1x16xf32>,
    %swap3A_197 = vector.shape_cast %swap3A_196 : vector<1x16xf32> to vector<16xf32>
    %swap3A_198 = vector.shape_cast %broadcast_in_dim3A_192 : vector<16xf32> to vector<1x16xf32>
    tpu.vector_store %arg9[%swap3A_194, %swap3A_195], %swap3A_198 {strides = array<i32>} : memref<16x128xf32, #tpu.memory_space<vmem>>, vector<1x16xf32>,
    %broadcast_in_dim3A_199 = arith.constant 0.000000e+00 : f32
    %broadcast_in_dim3A_200 = vector.broadcast %broadcast_in_dim3A_199 : f32 to vector<16xf32>
    %swap3A_201 = arith.constant 3 : i32
    %swap3A_202 = arith.index_cast %swap3A_201 : i32 to index
    %swap3A_203 = arith.constant 16 : index
    %swap3A_204 = tpu.vector_load %arg9[%swap3A_202, %swap3A_203] {strides = array<i32>} : memref<16x128xf32, #tpu.memory_space<vmem>>, vector<1x16xf32>,
    %swap3A_205 = vector.shape_cast %swap3A_204 : vector<1x16xf32> to vector<16xf32>
    %swap3A_206 = vector.shape_cast %broadcast_in_dim3A_200 : vector<16xf32> to vector<1x16xf32>
    tpu.vector_store %arg9[%swap3A_202, %swap3A_203], %swap3A_206 {strides = array<i32>} : memref<16x128xf32, #tpu.memory_space<vmem>>, vector<1x16xf32>,
    %broadcast_in_dim3A_207 = arith.constant 0.000000e+00 : f32
    %broadcast_in_dim3A_208 = vector.broadcast %broadcast_in_dim3A_207 : f32 to vector<16xf32>
    %swap3A_209 = arith.constant 3 : i32
    %swap3A_210 = arith.index_cast %swap3A_209 : i32 to index
    %swap3A_211 = arith.constant 32 : index
    %swap3A_212 = tpu.vector_load %arg9[%swap3A_210, %swap3A_211] {strides = array<i32>} : memref<16x128xf32, #tpu.memory_space<vmem>>, vector<1x16xf32>,
    %swap3A_213 = vector.shape_cast %swap3A_212 : vector<1x16xf32> to vector<16xf32>
    %swap3A_214 = vector.shape_cast %broadcast_in_dim3A_208 : vector<16xf32> to vector<1x16xf32>
    tpu.vector_store %arg9[%swap3A_210, %swap3A_211], %swap3A_214 {strides = array<i32>} : memref<16x128xf32, #tpu.memory_space<vmem>>, vector<1x16xf32>,
    %broadcast_in_dim3A_215 = arith.constant 0.000000e+00 : f32
    %broadcast_in_dim3A_216 = vector.broadcast %broadcast_in_dim3A_215 : f32 to vector<16xf32>
    %swap3A_217 = arith.constant 3 : i32
    %swap3A_218 = arith.index_cast %swap3A_217 : i32 to index
    %swap3A_219 = arith.constant 48 : index
    %swap3A_220 = tpu.vector_load %arg9[%swap3A_218, %swap3A_219] {strides = array<i32>} : memref<16x128xf32, #tpu.memory_space<vmem>>, vector<1x16xf32>,
    %swap3A_221 = vector.shape_cast %swap3A_220 : vector<1x16xf32> to vector<16xf32>
    %swap3A_222 = vector.shape_cast %broadcast_in_dim3A_216 : vector<16xf32> to vector<1x16xf32>
    tpu.vector_store %arg9[%swap3A_218, %swap3A_219], %swap3A_222 {strides = array<i32>} : memref<16x128xf32, #tpu.memory_space<vmem>>, vector<1x16xf32>,
    %broadcast_in_dim3A_223 = arith.constant 0.000000e+00 : f32
    %broadcast_in_dim3A_224 = vector.broadcast %broadcast_in_dim3A_223 : f32 to vector<16xf32>
    %swap3A_225 = arith.constant 3 : i32
    %swap3A_226 = arith.index_cast %swap3A_225 : i32 to index
    %swap3A_227 = arith.constant 64 : index
    %swap3A_228 = tpu.vector_load %arg9[%swap3A_226, %swap3A_227] {strides = array<i32>} : memref<16x128xf32, #tpu.memory_space<vmem>>, vector<1x16xf32>,
    %swap3A_229 = vector.shape_cast %swap3A_228 : vector<1x16xf32> to vector<16xf32>
    %swap3A_230 = vector.shape_cast %broadcast_in_dim3A_224 : vector<16xf32> to vector<1x16xf32>
    tpu.vector_store %arg9[%swap3A_226, %swap3A_227], %swap3A_230 {strides = array<i32>} : memref<16x128xf32, #tpu.memory_space<vmem>>, vector<1x16xf32>,
    %broadcast_in_dim3A_231 = arith.constant 0.000000e+00 : f32
    %broadcast_in_dim3A_232 = vector.broadcast %broadcast_in_dim3A_231 : f32 to vector<16xf32>
    %swap3A_233 = arith.constant 3 : i32
    %swap3A_234 = arith.index_cast %swap3A_233 : i32 to index
    %swap3A_235 = arith.constant 80 : index
    %swap3A_236 = tpu.vector_load %arg9[%swap3A_234, %swap3A_235] {strides = array<i32>} : memref<16x128xf32, #tpu.memory_space<vmem>>, vector<1x16xf32>,
    %swap3A_237 = vector.shape_cast %swap3A_236 : vector<1x16xf32> to vector<16xf32>
    %swap3A_238 = vector.shape_cast %broadcast_in_dim3A_232 : vector<16xf32> to vector<1x16xf32>
    tpu.vector_store %arg9[%swap3A_234, %swap3A_235], %swap3A_238 {strides = array<i32>} : memref<16x128xf32, #tpu.memory_space<vmem>>, vector<1x16xf32>,
    %broadcast_in_dim3A_239 = arith.constant 0.000000e+00 : f32
    %broadcast_in_dim3A_240 = vector.broadcast %broadcast_in_dim3A_239 : f32 to vector<16xf32>
    %swap3A_241 = arith.constant 3 : i32
    %swap3A_242 = arith.index_cast %swap3A_241 : i32 to index
    %swap3A_243 = arith.constant 96 : index
    %swap3A_244 = tpu.vector_load %arg9[%swap3A_242, %swap3A_243] {strides = array<i32>} : memref<16x128xf32, #tpu.memory_space<vmem>>, vector<1x16xf32>,
    %swap3A_245 = vector.shape_cast %swap3A_244 : vector<1x16xf32> to vector<16xf32>
    %swap3A_246 = vector.shape_cast %broadcast_in_dim3A_240 : vector<16xf32> to vector<1x16xf32>
    tpu.vector_store %arg9[%swap3A_242, %swap3A_243], %swap3A_246 {strides = array<i32>} : memref<16x128xf32, #tpu.memory_space<vmem>>, vector<1x16xf32>,
    %broadcast_in_dim3A_247 = arith.constant 0.000000e+00 : f32
    %broadcast_in_dim3A_248 = vector.broadcast %broadcast_in_dim3A_247 : f32 to vector<16xf32>
    %swap3A_249 = arith.constant 3 : i32
    %swap3A_250 = arith.index_cast %swap3A_249 : i32 to index
    %swap3A_251 = arith.constant 112 : index
    %swap3A_252 = tpu.vector_load %arg9[%swap3A_250, %swap3A_251] {strides = array<i32>} : memref<16x128xf32, #tpu.memory_space<vmem>>, vector<1x16xf32>,
    %swap3A_253 = vector.shape_cast %swap3A_252 : vector<1x16xf32> to vector<16xf32>
    %swap3A_254 = vector.shape_cast %broadcast_in_dim3A_248 : vector<16xf32> to vector<1x16xf32>
    tpu.vector_store %arg9[%swap3A_250, %swap3A_251], %swap3A_254 {strides = array<i32>} : memref<16x128xf32, #tpu.memory_space<vmem>>, vector<1x16xf32>,
    %broadcast_in_dim3A_255 = arith.constant 0.000000e+00 : f32
    %broadcast_in_dim3A_256 = vector.broadcast %broadcast_in_dim3A_255 : f32 to vector<16xf32>
    %swap3A_257 = arith.constant 4 : i32
    %swap3A_258 = arith.index_cast %swap3A_257 : i32 to index
    %swap3A_259 = arith.constant 0 : index
    %swap3A_260 = tpu.vector_load %arg9[%swap3A_258, %swap3A_259] {strides = array<i32>} : memref<16x128xf32, #tpu.memory_space<vmem>>, vector<1x16xf32>,
    %swap3A_261 = vector.shape_cast %swap3A_260 : vector<1x16xf32> to vector<16xf32>
    %swap3A_262 = vector.shape_cast %broadcast_in_dim3A_256 : vector<16xf32> to vector<1x16xf32>
    tpu.vector_store %arg9[%swap3A_258, %swap3A_259], %swap3A_262 {strides = array<i32>} : memref<16x128xf32, #tpu.memory_space<vmem>>, vector<1x16xf32>,
    %broadcast_in_dim3A_263 = arith.constant 0.000000e+00 : f32
    %broadcast_in_dim3A_264 = vector.broadcast %broadcast_in_dim3A_263 : f32 to vector<16xf32>
    %swap3A_265 = arith.constant 4 : i32
    %swap3A_266 = arith.index_cast %swap3A_265 : i32 to index
    %swap3A_267 = arith.constant 16 : index
    %swap3A_268 = tpu.vector_load %arg9[%swap3A_266, %swap3A_267] {strides = array<i32>} : memref<16x128xf32, #tpu.memory_space<vmem>>, vector<1x16xf32>,
    %swap3A_269 = vector.shape_cast %swap3A_268 : vector<1x16xf32> to vector<16xf32>
    %swap3A_270 = vector.shape_cast %broadcast_in_dim3A_264 : vector<16xf32> to vector<1x16xf32>
    tpu.vector_store %arg9[%swap3A_266, %swap3A_267], %swap3A_270 {strides = array<i32>} : memref<16x128xf32, #tpu.memory_space<vmem>>, vector<1x16xf32>,
    %broadcast_in_dim3A_271 = arith.constant 0.000000e+00 : f32
    %broadcast_in_dim3A_272 = vector.broadcast %broadcast_in_dim3A_271 : f32 to vector<16xf32>
    %swap3A_273 = arith.constant 4 : i32
    %swap3A_274 = arith.index_cast %swap3A_273 : i32 to index
    %swap3A_275 = arith.constant 32 : index
    %swap3A_276 = tpu.vector_load %arg9[%swap3A_274, %swap3A_275] {strides = array<i32>} : memref<16x128xf32, #tpu.memory_space<vmem>>, vector<1x16xf32>,
    %swap3A_277 = vector.shape_cast %swap3A_276 : vector<1x16xf32> to vector<16xf32>
    %swap3A_278 = vector.shape_cast %broadcast_in_dim3A_272 : vector<16xf32> to vector<1x16xf32>
    tpu.vector_store %arg9[%swap3A_274, %swap3A_275], %swap3A_278 {strides = array<i32>} : memref<16x128xf32, #tpu.memory_space<vmem>>, vector<1x16xf32>,
    %broadcast_in_dim3A_279 = arith.constant 0.000000e+00 : f32
    %broadcast_in_dim3A_280 = vector.broadcast %broadcast_in_dim3A_279 : f32 to vector<16xf32>
    %swap3A_281 = arith.constant 4 : i32
    %swap3A_282 = arith.index_cast %swap3A_281 : i32 to index
    %swap3A_283 = arith.constant 48 : index
    %swap3A_284 = tpu.vector_load %arg9[%swap3A_282, %swap3A_283] {strides = array<i32>} : memref<16x128xf32, #tpu.memory_space<vmem>>, vector<1x16xf32>,
    %swap3A_285 = vector.shape_cast %swap3A_284 : vector<1x16xf32> to vector<16xf32>
    %swap3A_286 = vector.shape_cast %broadcast_in_dim3A_280 : vector<16xf32> to vector<1x16xf32>
    tpu.vector_store %arg9[%swap3A_282, %swap3A_283], %swap3A_286 {strides = array<i32>} : memref<16x128xf32, #tpu.memory_space<vmem>>, vector<1x16xf32>,
    %broadcast_in_dim3A_287 = arith.constant 0.000000e+00 : f32
    %broadcast_in_dim3A_288 = vector.broadcast %broadcast_in_dim3A_287 : f32 to vector<16xf32>
    %swap3A_289 = arith.constant 4 : i32
    %swap3A_290 = arith.index_cast %swap3A_289 : i32 to index
    %swap3A_291 = arith.constant 64 : index
    %swap3A_292 = tpu.vector_load %arg9[%swap3A_290, %swap3A_291] {strides = array<i32>} : memref<16x128xf32, #tpu.memory_space<vmem>>, vector<1x16xf32>,
    %swap3A_293 = vector.shape_cast %swap3A_292 : vector<1x16xf32> to vector<16xf32>
    %swap3A_294 = vector.shape_cast %broadcast_in_dim3A_288 : vector<16xf32> to vector<1x16xf32>
    tpu.vector_store %arg9[%swap3A_290, %swap3A_291], %swap3A_294 {strides = array<i32>} : memref<16x128xf32, #tpu.memory_space<vmem>>, vector<1x16xf32>,
    %broadcast_in_dim3A_295 = arith.constant 0.000000e+00 : f32
    %broadcast_in_dim3A_296 = vector.broadcast %broadcast_in_dim3A_295 : f32 to vector<16xf32>
    %swap3A_297 = arith.constant 4 : i32
    %swap3A_298 = arith.index_cast %swap3A_297 : i32 to index
    %swap3A_299 = arith.constant 80 : index
    %swap3A_300 = tpu.vector_load %arg9[%swap3A_298, %swap3A_299] {strides = array<i32>} : memref<16x128xf32, #tpu.memory_space<vmem>>, vector<1x16xf32>,
    %swap3A_301 = vector.shape_cast %swap3A_300 : vector<1x16xf32> to vector<16xf32>
    %swap3A_302 = vector.shape_cast %broadcast_in_dim3A_296 : vector<16xf32> to vector<1x16xf32>
    tpu.vector_store %arg9[%swap3A_298, %swap3A_299], %swap3A_302 {strides = array<i32>} : memref<16x128xf32, #tpu.memory_space<vmem>>, vector<1x16xf32>,
    %broadcast_in_dim3A_303 = arith.constant 0.000000e+00 : f32
    %broadcast_in_dim3A_304 = vector.broadcast %broadcast_in_dim3A_303 : f32 to vector<16xf32>
    %swap3A_305 = arith.constant 4 : i32
    %swap3A_306 = arith.index_cast %swap3A_305 : i32 to index
    %swap3A_307 = arith.constant 96 : index
    %swap3A_308 = tpu.vector_load %arg9[%swap3A_306, %swap3A_307] {strides = array<i32>} : memref<16x128xf32, #tpu.memory_space<vmem>>, vector<1x16xf32>,
    %swap3A_309 = vector.shape_cast %swap3A_308 : vector<1x16xf32> to vector<16xf32>
    %swap3A_310 = vector.shape_cast %broadcast_in_dim3A_304 : vector<16xf32> to vector<1x16xf32>
    tpu.vector_store %arg9[%swap3A_306, %swap3A_307], %swap3A_310 {strides = array<i32>} : memref<16x128xf32, #tpu.memory_space<vmem>>, vector<1x16xf32>,
    %broadcast_in_dim3A_311 = arith.constant 0.000000e+00 : f32
    %broadcast_in_dim3A_312 = vector.broadcast %broadcast_in_dim3A_311 : f32 to vector<16xf32>
    %swap3A_313 = arith.constant 4 : i32
    %swap3A_314 = arith.index_cast %swap3A_313 : i32 to index
    %swap3A_315 = arith.constant 112 : index
    %swap3A_316 = tpu.vector_load %arg9[%swap3A_314, %swap3A_315] {strides = array<i32>} : memref<16x128xf32, #tpu.memory_space<vmem>>, vector<1x16xf32>,
    %swap3A_317 = vector.shape_cast %swap3A_316 : vector<1x16xf32> to vector<16xf32>
    %swap3A_318 = vector.shape_cast %broadcast_in_dim3A_312 : vector<16xf32> to vector<1x16xf32>
    tpu.vector_store %arg9[%swap3A_314, %swap3A_315], %swap3A_318 {strides = array<i32>} : memref<16x128xf32, #tpu.memory_space<vmem>>, vector<1x16xf32>,
    %broadcast_in_dim3A_319 = arith.constant 0.000000e+00 : f32
    %broadcast_in_dim3A_320 = vector.broadcast %broadcast_in_dim3A_319 : f32 to vector<16xf32>
    %swap3A_321 = arith.constant 5 : i32
    %swap3A_322 = arith.index_cast %swap3A_321 : i32 to index
    %swap3A_323 = arith.constant 0 : index
    %swap3A_324 = tpu.vector_load %arg9[%swap3A_322, %swap3A_323] {strides = array<i32>} : memref<16x128xf32, #tpu.memory_space<vmem>>, vector<1x16xf32>,
    %swap3A_325 = vector.shape_cast %swap3A_324 : vector<1x16xf32> to vector<16xf32>
    %swap3A_326 = vector.shape_cast %broadcast_in_dim3A_320 : vector<16xf32> to vector<1x16xf32>
    tpu.vector_store %arg9[%swap3A_322, %swap3A_323], %swap3A_326 {strides = array<i32>} : memref<16x128xf32, #tpu.memory_space<vmem>>, vector<1x16xf32>,
    %broadcast_in_dim3A_327 = arith.constant 0.000000e+00 : f32
    %broadcast_in_dim3A_328 = vector.broadcast %broadcast_in_dim3A_327 : f32 to vector<16xf32>
    %swap3A_329 = arith.constant 5 : i32
    %swap3A_330 = arith.index_cast %swap3A_329 : i32 to index
    %swap3A_331 = arith.constant 16 : index
    %swap3A_332 = tpu.vector_load %arg9[%swap3A_330, %swap3A_331] {strides = array<i32>} : memref<16x128xf32, #tpu.memory_space<vmem>>, vector<1x16xf32>,
    %swap3A_333 = vector.shape_cast %swap3A_332 : vector<1x16xf32> to vector<16xf32>
    %swap3A_334 = vector.shape_cast %broadcast_in_dim3A_328 : vector<16xf32> to vector<1x16xf32>
    tpu.vector_store %arg9[%swap3A_330, %swap3A_331], %swap3A_334 {strides = array<i32>} : memref<16x128xf32, #tpu.memory_space<vmem>>, vector<1x16xf32>,
    %broadcast_in_dim3A_335 = arith.constant 0.000000e+00 : f32
    %broadcast_in_dim3A_336 = vector.broadcast %broadcast_in_dim3A_335 : f32 to vector<16xf32>
    %swap3A_337 = arith.constant 5 : i32
    %swap3A_338 = arith.index_cast %swap3A_337 : i32 to index
    %swap3A_339 = arith.constant 32 : index
    %swap3A_340 = tpu.vector_load %arg9[%swap3A_338, %swap3A_339] {strides = array<i32>} : memref<16x128xf32, #tpu.memory_space<vmem>>, vector<1x16xf32>,
    %swap3A_341 = vector.shape_cast %swap3A_340 : vector<1x16xf32> to vector<16xf32>
    %swap3A_342 = vector.shape_cast %broadcast_in_dim3A_336 : vector<16xf32> to vector<1x16xf32>
    tpu.vector_store %arg9[%swap3A_338, %swap3A_339], %swap3A_342 {strides = array<i32>} : memref<16x128xf32, #tpu.memory_space<vmem>>, vector<1x16xf32>,
    %broadcast_in_dim3A_343 = arith.constant 0.000000e+00 : f32
    %broadcast_in_dim3A_344 = vector.broadcast %broadcast_in_dim3A_343 : f32 to vector<16xf32>
    %swap3A_345 = arith.constant 5 : i32
    %swap3A_346 = arith.index_cast %swap3A_345 : i32 to index
    %swap3A_347 = arith.constant 48 : index
    %swap3A_348 = tpu.vector_load %arg9[%swap3A_346, %swap3A_347] {strides = array<i32>} : memref<16x128xf32, #tpu.memory_space<vmem>>, vector<1x16xf32>,
    %swap3A_349 = vector.shape_cast %swap3A_348 : vector<1x16xf32> to vector<16xf32>
    %swap3A_350 = vector.shape_cast %broadcast_in_dim3A_344 : vector<16xf32> to vector<1x16xf32>
    tpu.vector_store %arg9[%swap3A_346, %swap3A_347], %swap3A_350 {strides = array<i32>} : memref<16x128xf32, #tpu.memory_space<vmem>>, vector<1x16xf32>,
    %broadcast_in_dim3A_351 = arith.constant 0.000000e+00 : f32
    %broadcast_in_dim3A_352 = vector.broadcast %broadcast_in_dim3A_351 : f32 to vector<16xf32>
    %swap3A_353 = arith.constant 5 : i32
    %swap3A_354 = arith.index_cast %swap3A_353 : i32 to index
    %swap3A_355 = arith.constant 64 : index
    %swap3A_356 = tpu.vector_load %arg9[%swap3A_354, %swap3A_355] {strides = array<i32>} : memref<16x128xf32, #tpu.memory_space<vmem>>, vector<1x16xf32>,
    %swap3A_357 = vector.shape_cast %swap3A_356 : vector<1x16xf32> to vector<16xf32>
    %swap3A_358 = vector.shape_cast %broadcast_in_dim3A_352 : vector<16xf32> to vector<1x16xf32>
    tpu.vector_store %arg9[%swap3A_354, %swap3A_355], %swap3A_358 {strides = array<i32>} : memref<16x128xf32, #tpu.memory_space<vmem>>, vector<1x16xf32>,
    %broadcast_in_dim3A_359 = arith.constant 0.000000e+00 : f32
    %broadcast_in_dim3A_360 = vector.broadcast %broadcast_in_dim3A_359 : f32 to vector<16xf32>
    %swap3A_361 = arith.constant 5 : i32
    %swap3A_362 = arith.index_cast %swap3A_361 : i32 to index
    %swap3A_363 = arith.constant 80 : index
    %swap3A_364 = tpu.vector_load %arg9[%swap3A_362, %swap3A_363] {strides = array<i32>} : memref<16x128xf32, #tpu.memory_space<vmem>>, vector<1x16xf32>,
    %swap3A_365 = vector.shape_cast %swap3A_364 : vector<1x16xf32> to vector<16xf32>
    %swap3A_366 = vector.shape_cast %broadcast_in_dim3A_360 : vector<16xf32> to vector<1x16xf32>
    tpu.vector_store %arg9[%swap3A_362, %swap3A_363], %swap3A_366 {strides = array<i32>} : memref<16x128xf32, #tpu.memory_space<vmem>>, vector<1x16xf32>,
    %broadcast_in_dim3A_367 = arith.constant 0.000000e+00 : f32
    %broadcast_in_dim3A_368 = vector.broadcast %broadcast_in_dim3A_367 : f32 to vector<16xf32>
    %swap3A_369 = arith.constant 5 : i32
    %swap3A_370 = arith.index_cast %swap3A_369 : i32 to index
    %swap3A_371 = arith.constant 96 : index
    %swap3A_372 = tpu.vector_load %arg9[%swap3A_370, %swap3A_371] {strides = array<i32>} : memref<16x128xf32, #tpu.memory_space<vmem>>, vector<1x16xf32>,
    %swap3A_373 = vector.shape_cast %swap3A_372 : vector<1x16xf32> to vector<16xf32>
    %swap3A_374 = vector.shape_cast %broadcast_in_dim3A_368 : vector<16xf32> to vector<1x16xf32>
    tpu.vector_store %arg9[%swap3A_370, %swap3A_371], %swap3A_374 {strides = array<i32>} : memref<16x128xf32, #tpu.memory_space<vmem>>, vector<1x16xf32>,
    %broadcast_in_dim3A_375 = arith.constant 0.000000e+00 : f32
    %broadcast_in_dim3A_376 = vector.broadcast %broadcast_in_dim3A_375 : f32 to vector<16xf32>
    %swap3A_377 = arith.constant 5 : i32
    %swap3A_378 = arith.index_cast %swap3A_377 : i32 to index
    %swap3A_379 = arith.constant 112 : index
    %swap3A_380 = tpu.vector_load %arg9[%swap3A_378, %swap3A_379] {strides = array<i32>} : memref<16x128xf32, #tpu.memory_space<vmem>>, vector<1x16xf32>,
    %swap3A_381 = vector.shape_cast %swap3A_380 : vector<1x16xf32> to vector<16xf32>
    %swap3A_382 = vector.shape_cast %broadcast_in_dim3A_376 : vector<16xf32> to vector<1x16xf32>
    tpu.vector_store %arg9[%swap3A_378, %swap3A_379], %swap3A_382 {strides = array<i32>} : memref<16x128xf32, #tpu.memory_space<vmem>>, vector<1x16xf32>,
    %broadcast_in_dim3A_383 = arith.constant 0.000000e+00 : f32
    %broadcast_in_dim3A_384 = vector.broadcast %broadcast_in_dim3A_383 : f32 to vector<16xf32>
    %swap3A_385 = arith.constant 6 : i32
    %swap3A_386 = arith.index_cast %swap3A_385 : i32 to index
    %swap3A_387 = arith.constant 0 : index
    %swap3A_388 = tpu.vector_load %arg9[%swap3A_386, %swap3A_387] {strides = array<i32>} : memref<16x128xf32, #tpu.memory_space<vmem>>, vector<1x16xf32>,
    %swap3A_389 = vector.shape_cast %swap3A_388 : vector<1x16xf32> to vector<16xf32>
    %swap3A_390 = vector.shape_cast %broadcast_in_dim3A_384 : vector<16xf32> to vector<1x16xf32>
    tpu.vector_store %arg9[%swap3A_386, %swap3A_387], %swap3A_390 {strides = array<i32>} : memref<16x128xf32, #tpu.memory_space<vmem>>, vector<1x16xf32>,
    %broadcast_in_dim3A_391 = arith.constant 0.000000e+00 : f32
    %broadcast_in_dim3A_392 = vector.broadcast %broadcast_in_dim3A_391 : f32 to vector<16xf32>
    %swap3A_393 = arith.constant 6 : i32
    %swap3A_394 = arith.index_cast %swap3A_393 : i32 to index
    %swap3A_395 = arith.constant 16 : index
    %swap3A_396 = tpu.vector_load %arg9[%swap3A_394, %swap3A_395] {strides = array<i32>} : memref<16x128xf32, #tpu.memory_space<vmem>>, vector<1x16xf32>,
    %swap3A_397 = vector.shape_cast %swap3A_396 : vector<1x16xf32> to vector<16xf32>
    %swap3A_398 = vector.shape_cast %broadcast_in_dim3A_392 : vector<16xf32> to vector<1x16xf32>
    tpu.vector_store %arg9[%swap3A_394, %swap3A_395], %swap3A_398 {strides = array<i32>} : memref<16x128xf32, #tpu.memory_space<vmem>>, vector<1x16xf32>,
    %broadcast_in_dim3A_399 = arith.constant 0.000000e+00 : f32
    %broadcast_in_dim3A_400 = vector.broadcast %broadcast_in_dim3A_399 : f32 to vector<16xf32>
    %swap3A_401 = arith.constant 6 : i32
    %swap3A_402 = arith.index_cast %swap3A_401 : i32 to index
    %swap3A_403 = arith.constant 32 : index
    %swap3A_404 = tpu.vector_load %arg9[%swap3A_402, %swap3A_403] {strides = array<i32>} : memref<16x128xf32, #tpu.memory_space<vmem>>, vector<1x16xf32>,
    %swap3A_405 = vector.shape_cast %swap3A_404 : vector<1x16xf32> to vector<16xf32>
    %swap3A_406 = vector.shape_cast %broadcast_in_dim3A_400 : vector<16xf32> to vector<1x16xf32>
    tpu.vector_store %arg9[%swap3A_402, %swap3A_403], %swap3A_406 {strides = array<i32>} : memref<16x128xf32, #tpu.memory_space<vmem>>, vector<1x16xf32>,
    %broadcast_in_dim3A_407 = arith.constant 0.000000e+00 : f32
    %broadcast_in_dim3A_408 = vector.broadcast %broadcast_in_dim3A_407 : f32 to vector<16xf32>
    %swap3A_409 = arith.constant 6 : i32
    %swap3A_410 = arith.index_cast %swap3A_409 : i32 to index
    %swap3A_411 = arith.constant 48 : index
    %swap3A_412 = tpu.vector_load %arg9[%swap3A_410, %swap3A_411] {strides = array<i32>} : memref<16x128xf32, #tpu.memory_space<vmem>>, vector<1x16xf32>,
    %swap3A_413 = vector.shape_cast %swap3A_412 : vector<1x16xf32> to vector<16xf32>
    %swap3A_414 = vector.shape_cast %broadcast_in_dim3A_408 : vector<16xf32> to vector<1x16xf32>
    tpu.vector_store %arg9[%swap3A_410, %swap3A_411], %swap3A_414 {strides = array<i32>} : memref<16x128xf32, #tpu.memory_space<vmem>>, vector<1x16xf32>,
    %broadcast_in_dim3A_415 = arith.constant 0.000000e+00 : f32
    %broadcast_in_dim3A_416 = vector.broadcast %broadcast_in_dim3A_415 : f32 to vector<16xf32>
    %swap3A_417 = arith.constant 6 : i32
    %swap3A_418 = arith.index_cast %swap3A_417 : i32 to index
    %swap3A_419 = arith.constant 64 : index
    %swap3A_420 = tpu.vector_load %arg9[%swap3A_418, %swap3A_419] {strides = array<i32>} : memref<16x128xf32, #tpu.memory_space<vmem>>, vector<1x16xf32>,
    %swap3A_421 = vector.shape_cast %swap3A_420 : vector<1x16xf32> to vector<16xf32>
    %swap3A_422 = vector.shape_cast %broadcast_in_dim3A_416 : vector<16xf32> to vector<1x16xf32>
    tpu.vector_store %arg9[%swap3A_418, %swap3A_419], %swap3A_422 {strides = array<i32>} : memref<16x128xf32, #tpu.memory_space<vmem>>, vector<1x16xf32>,
    %broadcast_in_dim3A_423 = arith.constant 0.000000e+00 : f32
    %broadcast_in_dim3A_424 = vector.broadcast %broadcast_in_dim3A_423 : f32 to vector<16xf32>
    %swap3A_425 = arith.constant 6 : i32
    %swap3A_426 = arith.index_cast %swap3A_425 : i32 to index
    %swap3A_427 = arith.constant 80 : index
    %swap3A_428 = tpu.vector_load %arg9[%swap3A_426, %swap3A_427] {strides = array<i32>} : memref<16x128xf32, #tpu.memory_space<vmem>>, vector<1x16xf32>,
    %swap3A_429 = vector.shape_cast %swap3A_428 : vector<1x16xf32> to vector<16xf32>
    %swap3A_430 = vector.shape_cast %broadcast_in_dim3A_424 : vector<16xf32> to vector<1x16xf32>
    tpu.vector_store %arg9[%swap3A_426, %swap3A_427], %swap3A_430 {strides = array<i32>} : memref<16x128xf32, #tpu.memory_space<vmem>>, vector<1x16xf32>,
    %broadcast_in_dim3A_431 = arith.constant 0.000000e+00 : f32
    %broadcast_in_dim3A_432 = vector.broadcast %broadcast_in_dim3A_431 : f32 to vector<16xf32>
    %swap3A_433 = arith.constant 6 : i32
    %swap3A_434 = arith.index_cast %swap3A_433 : i32 to index
    %swap3A_435 = arith.constant 96 : index
    %swap3A_436 = tpu.vector_load %arg9[%swap3A_434, %swap3A_435] {strides = array<i32>} : memref<16x128xf32, #tpu.memory_space<vmem>>, vector<1x16xf32>,
    %swap3A_437 = vector.shape_cast %swap3A_436 : vector<1x16xf32> to vector<16xf32>
    %swap3A_438 = vector.shape_cast %broadcast_in_dim3A_432 : vector<16xf32> to vector<1x16xf32>
    tpu.vector_store %arg9[%swap3A_434, %swap3A_435], %swap3A_438 {strides = array<i32>} : memref<16x128xf32, #tpu.memory_space<vmem>>, vector<1x16xf32>,
    %broadcast_in_dim3A_439 = arith.constant 0.000000e+00 : f32
    %broadcast_in_dim3A_440 = vector.broadcast %broadcast_in_dim3A_439 : f32 to vector<16xf32>
    %swap3A_441 = arith.constant 6 : i32
    %swap3A_442 = arith.index_cast %swap3A_441 : i32 to index
    %swap3A_443 = arith.constant 112 : index
    %swap3A_444 = tpu.vector_load %arg9[%swap3A_442, %swap3A_443] {strides = array<i32>} : memref<16x128xf32, #tpu.memory_space<vmem>>, vector<1x16xf32>,
    %swap3A_445 = vector.shape_cast %swap3A_444 : vector<1x16xf32> to vector<16xf32>
    %swap3A_446 = vector.shape_cast %broadcast_in_dim3A_440 : vector<16xf32> to vector<1x16xf32>
    tpu.vector_store %arg9[%swap3A_442, %swap3A_443], %swap3A_446 {strides = array<i32>} : memref<16x128xf32, #tpu.memory_space<vmem>>, vector<1x16xf32>,
    %broadcast_in_dim3A_447 = arith.constant 0.000000e+00 : f32
    %broadcast_in_dim3A_448 = vector.broadcast %broadcast_in_dim3A_447 : f32 to vector<16xf32>
    %swap3A_449 = arith.constant 7 : i32
    %swap3A_450 = arith.index_cast %swap3A_449 : i32 to index
    %swap3A_451 = arith.constant 0 : index
    %swap3A_452 = tpu.vector_load %arg9[%swap3A_450, %swap3A_451] {strides = array<i32>} : memref<16x128xf32, #tpu.memory_space<vmem>>, vector<1x16xf32>,
    %swap3A_453 = vector.shape_cast %swap3A_452 : vector<1x16xf32> to vector<16xf32>
    %swap3A_454 = vector.shape_cast %broadcast_in_dim3A_448 : vector<16xf32> to vector<1x16xf32>
    tpu.vector_store %arg9[%swap3A_450, %swap3A_451], %swap3A_454 {strides = array<i32>} : memref<16x128xf32, #tpu.memory_space<vmem>>, vector<1x16xf32>,
    %broadcast_in_dim3A_455 = arith.constant 0.000000e+00 : f32
    %broadcast_in_dim3A_456 = vector.broadcast %broadcast_in_dim3A_455 : f32 to vector<16xf32>
    %swap3A_457 = arith.constant 7 : i32
    %swap3A_458 = arith.index_cast %swap3A_457 : i32 to index
    %swap3A_459 = arith.constant 16 : index
    %swap3A_460 = tpu.vector_load %arg9[%swap3A_458, %swap3A_459] {strides = array<i32>} : memref<16x128xf32, #tpu.memory_space<vmem>>, vector<1x16xf32>,
    %swap3A_461 = vector.shape_cast %swap3A_460 : vector<1x16xf32> to vector<16xf32>
    %swap3A_462 = vector.shape_cast %broadcast_in_dim3A_456 : vector<16xf32> to vector<1x16xf32>
    tpu.vector_store %arg9[%swap3A_458, %swap3A_459], %swap3A_462 {strides = array<i32>} : memref<16x128xf32, #tpu.memory_space<vmem>>, vector<1x16xf32>,
    %broadcast_in_dim3A_463 = arith.constant 0.000000e+00 : f32
    %broadcast_in_dim3A_464 = vector.broadcast %broadcast_in_dim3A_463 : f32 to vector<16xf32>
    %swap3A_465 = arith.constant 7 : i32
    %swap3A_466 = arith.index_cast %swap3A_465 : i32 to index
    %swap3A_467 = arith.constant 32 : index
    %swap3A_468 = tpu.vector_load %arg9[%swap3A_466, %swap3A_467] {strides = array<i32>} : memref<16x128xf32, #tpu.memory_space<vmem>>, vector<1x16xf32>,
    %swap3A_469 = vector.shape_cast %swap3A_468 : vector<1x16xf32> to vector<16xf32>
    %swap3A_470 = vector.shape_cast %broadcast_in_dim3A_464 : vector<16xf32> to vector<1x16xf32>
    tpu.vector_store %arg9[%swap3A_466, %swap3A_467], %swap3A_470 {strides = array<i32>} : memref<16x128xf32, #tpu.memory_space<vmem>>, vector<1x16xf32>,
    %broadcast_in_dim3A_471 = arith.constant 0.000000e+00 : f32
    %broadcast_in_dim3A_472 = vector.broadcast %broadcast_in_dim3A_471 : f32 to vector<16xf32>
    %swap3A_473 = arith.constant 7 : i32
    %swap3A_474 = arith.index_cast %swap3A_473 : i32 to index
    %swap3A_475 = arith.constant 48 : index
    %swap3A_476 = tpu.vector_load %arg9[%swap3A_474, %swap3A_475] {strides = array<i32>} : memref<16x128xf32, #tpu.memory_space<vmem>>, vector<1x16xf32>,
    %swap3A_477 = vector.shape_cast %swap3A_476 : vector<1x16xf32> to vector<16xf32>
    %swap3A_478 = vector.shape_cast %broadcast_in_dim3A_472 : vector<16xf32> to vector<1x16xf32>
    tpu.vector_store %arg9[%swap3A_474, %swap3A_475], %swap3A_478 {strides = array<i32>} : memref<16x128xf32, #tpu.memory_space<vmem>>, vector<1x16xf32>,
    %broadcast_in_dim3A_479 = arith.constant 0.000000e+00 : f32
    %broadcast_in_dim3A_480 = vector.broadcast %broadcast_in_dim3A_479 : f32 to vector<16xf32>
    %swap3A_481 = arith.constant 7 : i32
    %swap3A_482 = arith.index_cast %swap3A_481 : i32 to index
    %swap3A_483 = arith.constant 64 : index
    %swap3A_484 = tpu.vector_load %arg9[%swap3A_482, %swap3A_483] {strides = array<i32>} : memref<16x128xf32, #tpu.memory_space<vmem>>, vector<1x16xf32>,
    %swap3A_485 = vector.shape_cast %swap3A_484 : vector<1x16xf32> to vector<16xf32>
    %swap3A_486 = vector.shape_cast %broadcast_in_dim3A_480 : vector<16xf32> to vector<1x16xf32>
    tpu.vector_store %arg9[%swap3A_482, %swap3A_483], %swap3A_486 {strides = array<i32>} : memref<16x128xf32, #tpu.memory_space<vmem>>, vector<1x16xf32>,
    %broadcast_in_dim3A_487 = arith.constant 0.000000e+00 : f32
    %broadcast_in_dim3A_488 = vector.broadcast %broadcast_in_dim3A_487 : f32 to vector<16xf32>
    %swap3A_489 = arith.constant 7 : i32
    %swap3A_490 = arith.index_cast %swap3A_489 : i32 to index
    %swap3A_491 = arith.constant 80 : index
    %swap3A_492 = tpu.vector_load %arg9[%swap3A_490, %swap3A_491] {strides = array<i32>} : memref<16x128xf32, #tpu.memory_space<vmem>>, vector<1x16xf32>,
    %swap3A_493 = vector.shape_cast %swap3A_492 : vector<1x16xf32> to vector<16xf32>
    %swap3A_494 = vector.shape_cast %broadcast_in_dim3A_488 : vector<16xf32> to vector<1x16xf32>
    tpu.vector_store %arg9[%swap3A_490, %swap3A_491], %swap3A_494 {strides = array<i32>} : memref<16x128xf32, #tpu.memory_space<vmem>>, vector<1x16xf32>,
    %broadcast_in_dim3A_495 = arith.constant 0.000000e+00 : f32
    %broadcast_in_dim3A_496 = vector.broadcast %broadcast_in_dim3A_495 : f32 to vector<16xf32>
    %swap3A_497 = arith.constant 7 : i32
    %swap3A_498 = arith.index_cast %swap3A_497 : i32 to index
    %swap3A_499 = arith.constant 96 : index
    %swap3A_500 = tpu.vector_load %arg9[%swap3A_498, %swap3A_499] {strides = array<i32>} : memref<16x128xf32, #tpu.memory_space<vmem>>, vector<1x16xf32>,
    %swap3A_501 = vector.shape_cast %swap3A_500 : vector<1x16xf32> to vector<16xf32>
    %swap3A_502 = vector.shape_cast %broadcast_in_dim3A_496 : vector<16xf32> to vector<1x16xf32>
    tpu.vector_store %arg9[%swap3A_498, %swap3A_499], %swap3A_502 {strides = array<i32>} : memref<16x128xf32, #tpu.memory_space<vmem>>, vector<1x16xf32>,
    %broadcast_in_dim3A_503 = arith.constant 0.000000e+00 : f32
    %broadcast_in_dim3A_504 = vector.broadcast %broadcast_in_dim3A_503 : f32 to vector<16xf32>
    %swap3A_505 = arith.constant 7 : i32
    %swap3A_506 = arith.index_cast %swap3A_505 : i32 to index
    %swap3A_507 = arith.constant 112 : index
    %swap3A_508 = tpu.vector_load %arg9[%swap3A_506, %swap3A_507] {strides = array<i32>} : memref<16x128xf32, #tpu.memory_space<vmem>>, vector<1x16xf32>,
    %swap3A_509 = vector.shape_cast %swap3A_508 : vector<1x16xf32> to vector<16xf32>
    %swap3A_510 = vector.shape_cast %broadcast_in_dim3A_504 : vector<16xf32> to vector<1x16xf32>
    tpu.vector_store %arg9[%swap3A_506, %swap3A_507], %swap3A_510 {strides = array<i32>} : memref<16x128xf32, #tpu.memory_space<vmem>>, vector<1x16xf32>,
    %broadcast_in_dim3A_511 = arith.constant 0.000000e+00 : f32
    %broadcast_in_dim3A_512 = vector.broadcast %broadcast_in_dim3A_511 : f32 to vector<16xf32>
    %swap3A_513 = arith.constant 8 : i32
    %swap3A_514 = arith.index_cast %swap3A_513 : i32 to index
    %swap3A_515 = arith.constant 0 : index
    %swap3A_516 = tpu.vector_load %arg9[%swap3A_514, %swap3A_515] {strides = array<i32>} : memref<16x128xf32, #tpu.memory_space<vmem>>, vector<1x16xf32>,
    %swap3A_517 = vector.shape_cast %swap3A_516 : vector<1x16xf32> to vector<16xf32>
    %swap3A_518 = vector.shape_cast %broadcast_in_dim3A_512 : vector<16xf32> to vector<1x16xf32>
    tpu.vector_store %arg9[%swap3A_514, %swap3A_515], %swap3A_518 {strides = array<i32>} : memref<16x128xf32, #tpu.memory_space<vmem>>, vector<1x16xf32>,
    %broadcast_in_dim3A_519 = arith.constant 0.000000e+00 : f32
    %broadcast_in_dim3A_520 = vector.broadcast %broadcast_in_dim3A_519 : f32 to vector<16xf32>
    %swap3A_521 = arith.constant 8 : i32
    %swap3A_522 = arith.index_cast %swap3A_521 : i32 to index
    %swap3A_523 = arith.constant 16 : index
    %swap3A_524 = tpu.vector_load %arg9[%swap3A_522, %swap3A_523] {strides = array<i32>} : memref<16x128xf32, #tpu.memory_space<vmem>>, vector<1x16xf32>,
    %swap3A_525 = vector.shape_cast %swap3A_524 : vector<1x16xf32> to vector<16xf32>
    %swap3A_526 = vector.shape_cast %broadcast_in_dim3A_520 : vector<16xf32> to vector<1x16xf32>
    tpu.vector_store %arg9[%swap3A_522, %swap3A_523], %swap3A_526 {strides = array<i32>} : memref<16x128xf32, #tpu.memory_space<vmem>>, vector<1x16xf32>,
    %broadcast_in_dim3A_527 = arith.constant 0.000000e+00 : f32
    %broadcast_in_dim3A_528 = vector.broadcast %broadcast_in_dim3A_527 : f32 to vector<16xf32>
    %swap3A_529 = arith.constant 8 : i32
    %swap3A_530 = arith.index_cast %swap3A_529 : i32 to index
    %swap3A_531 = arith.constant 32 : index
    %swap3A_532 = tpu.vector_load %arg9[%swap3A_530, %swap3A_531] {strides = array<i32>} : memref<16x128xf32, #tpu.memory_space<vmem>>, vector<1x16xf32>,
    %swap3A_533 = vector.shape_cast %swap3A_532 : vector<1x16xf32> to vector<16xf32>
    %swap3A_534 = vector.shape_cast %broadcast_in_dim3A_528 : vector<16xf32> to vector<1x16xf32>
    tpu.vector_store %arg9[%swap3A_530, %swap3A_531], %swap3A_534 {strides = array<i32>} : memref<16x128xf32, #tpu.memory_space<vmem>>, vector<1x16xf32>,
    %broadcast_in_dim3A_535 = arith.constant 0.000000e+00 : f32
    %broadcast_in_dim3A_536 = vector.broadcast %broadcast_in_dim3A_535 : f32 to vector<16xf32>
    %swap3A_537 = arith.constant 8 : i32
    %swap3A_538 = arith.index_cast %swap3A_537 : i32 to index
    %swap3A_539 = arith.constant 48 : index
    %swap3A_540 = tpu.vector_load %arg9[%swap3A_538, %swap3A_539] {strides = array<i32>} : memref<16x128xf32, #tpu.memory_space<vmem>>, vector<1x16xf32>,
    %swap3A_541 = vector.shape_cast %swap3A_540 : vector<1x16xf32> to vector<16xf32>
    %swap3A_542 = vector.shape_cast %broadcast_in_dim3A_536 : vector<16xf32> to vector<1x16xf32>
    tpu.vector_store %arg9[%swap3A_538, %swap3A_539], %swap3A_542 {strides = array<i32>} : memref<16x128xf32, #tpu.memory_space<vmem>>, vector<1x16xf32>,
    %broadcast_in_dim3A_543 = arith.constant 0.000000e+00 : f32
    %broadcast_in_dim3A_544 = vector.broadcast %broadcast_in_dim3A_543 : f32 to vector<16xf32>
    %swap3A_545 = arith.constant 8 : i32
    %swap3A_546 = arith.index_cast %swap3A_545 : i32 to index
    %swap3A_547 = arith.constant 64 : index
    %swap3A_548 = tpu.vector_load %arg9[%swap3A_546, %swap3A_547] {strides = array<i32>} : memref<16x128xf32, #tpu.memory_space<vmem>>, vector<1x16xf32>,
    %swap3A_549 = vector.shape_cast %swap3A_548 : vector<1x16xf32> to vector<16xf32>
    %swap3A_550 = vector.shape_cast %broadcast_in_dim3A_544 : vector<16xf32> to vector<1x16xf32>
    tpu.vector_store %arg9[%swap3A_546, %swap3A_547], %swap3A_550 {strides = array<i32>} : memref<16x128xf32, #tpu.memory_space<vmem>>, vector<1x16xf32>,
    %broadcast_in_dim3A_551 = arith.constant 0.000000e+00 : f32
    %broadcast_in_dim3A_552 = vector.broadcast %broadcast_in_dim3A_551 : f32 to vector<16xf32>
    %swap3A_553 = arith.constant 8 : i32
    %swap3A_554 = arith.index_cast %swap3A_553 : i32 to index
    %swap3A_555 = arith.constant 80 : index
    %swap3A_556 = tpu.vector_load %arg9[%swap3A_554, %swap3A_555] {strides = array<i32>} : memref<16x128xf32, #tpu.memory_space<vmem>>, vector<1x16xf32>,
    %swap3A_557 = vector.shape_cast %swap3A_556 : vector<1x16xf32> to vector<16xf32>
    %swap3A_558 = vector.shape_cast %broadcast_in_dim3A_552 : vector<16xf32> to vector<1x16xf32>
    tpu.vector_store %arg9[%swap3A_554, %swap3A_555], %swap3A_558 {strides = array<i32>} : memref<16x128xf32, #tpu.memory_space<vmem>>, vector<1x16xf32>,
    %broadcast_in_dim3A_559 = arith.constant 0.000000e+00 : f32
    %broadcast_in_dim3A_560 = vector.broadcast %broadcast_in_dim3A_559 : f32 to vector<16xf32>
    %swap3A_561 = arith.constant 8 : i32
    %swap3A_562 = arith.index_cast %swap3A_561 : i32 to index
    %swap3A_563 = arith.constant 96 : index
    %swap3A_564 = tpu.vector_load %arg9[%swap3A_562, %swap3A_563] {strides = array<i32>} : memref<16x128xf32, #tpu.memory_space<vmem>>, vector<1x16xf32>,
    %swap3A_565 = vector.shape_cast %swap3A_564 : vector<1x16xf32> to vector<16xf32>
    %swap3A_566 = vector.shape_cast %broadcast_in_dim3A_560 : vector<16xf32> to vector<1x16xf32>
    tpu.vector_store %arg9[%swap3A_562, %swap3A_563], %swap3A_566 {strides = array<i32>} : memref<16x128xf32, #tpu.memory_space<vmem>>, vector<1x16xf32>,
    %broadcast_in_dim3A_567 = arith.constant 0.000000e+00 : f32
    %broadcast_in_dim3A_568 = vector.broadcast %broadcast_in_dim3A_567 : f32 to vector<16xf32>
    %swap3A_569 = arith.constant 8 : i32
    %swap3A_570 = arith.index_cast %swap3A_569 : i32 to index
    %swap3A_571 = arith.constant 112 : index
    %swap3A_572 = tpu.vector_load %arg9[%swap3A_570, %swap3A_571] {strides = array<i32>} : memref<16x128xf32, #tpu.memory_space<vmem>>, vector<1x16xf32>,
    %swap3A_573 = vector.shape_cast %swap3A_572 : vector<1x16xf32> to vector<16xf32>
    %swap3A_574 = vector.shape_cast %broadcast_in_dim3A_568 : vector<16xf32> to vector<1x16xf32>
    tpu.vector_store %arg9[%swap3A_570, %swap3A_571], %swap3A_574 {strides = array<i32>} : memref<16x128xf32, #tpu.memory_space<vmem>>, vector<1x16xf32>,
    %broadcast_in_dim3A_575 = arith.constant 0.000000e+00 : f32
    %broadcast_in_dim3A_576 = vector.broadcast %broadcast_in_dim3A_575 : f32 to vector<16xf32>
    %swap3A_577 = arith.constant 9 : i32
    %swap3A_578 = arith.index_cast %swap3A_577 : i32 to index
    %swap3A_579 = arith.constant 0 : index
    %swap3A_580 = tpu.vector_load %arg9[%swap3A_578, %swap3A_579] {strides = array<i32>} : memref<16x128xf32, #tpu.memory_space<vmem>>, vector<1x16xf32>,
    %swap3A_581 = vector.shape_cast %swap3A_580 : vector<1x16xf32> to vector<16xf32>
    %swap3A_582 = vector.shape_cast %broadcast_in_dim3A_576 : vector<16xf32> to vector<1x16xf32>
    tpu.vector_store %arg9[%swap3A_578, %swap3A_579], %swap3A_582 {strides = array<i32>} : memref<16x128xf32, #tpu.memory_space<vmem>>, vector<1x16xf32>,
    %broadcast_in_dim3A_583 = arith.constant 0.000000e+00 : f32
    %broadcast_in_dim3A_584 = vector.broadcast %broadcast_in_dim3A_583 : f32 to vector<16xf32>
    %swap3A_585 = arith.constant 9 : i32
    %swap3A_586 = arith.index_cast %swap3A_585 : i32 to index
    %swap3A_587 = arith.constant 16 : index
    %swap3A_588 = tpu.vector_load %arg9[%swap3A_586, %swap3A_587] {strides = array<i32>} : memref<16x128xf32, #tpu.memory_space<vmem>>, vector<1x16xf32>,
    %swap3A_589 = vector.shape_cast %swap3A_588 : vector<1x16xf32> to vector<16xf32>
    %swap3A_590 = vector.shape_cast %broadcast_in_dim3A_584 : vector<16xf32> to vector<1x16xf32>
    tpu.vector_store %arg9[%swap3A_586, %swap3A_587], %swap3A_590 {strides = array<i32>} : memref<16x128xf32, #tpu.memory_space<vmem>>, vector<1x16xf32>,
    %broadcast_in_dim3A_591 = arith.constant 0.000000e+00 : f32
    %broadcast_in_dim3A_592 = vector.broadcast %broadcast_in_dim3A_591 : f32 to vector<16xf32>
    %swap3A_593 = arith.constant 9 : i32
    %swap3A_594 = arith.index_cast %swap3A_593 : i32 to index
    %swap3A_595 = arith.constant 32 : index
    %swap3A_596 = tpu.vector_load %arg9[%swap3A_594, %swap3A_595] {strides = array<i32>} : memref<16x128xf32, #tpu.memory_space<vmem>>, vector<1x16xf32>,
    %swap3A_597 = vector.shape_cast %swap3A_596 : vector<1x16xf32> to vector<16xf32>
    %swap3A_598 = vector.shape_cast %broadcast_in_dim3A_592 : vector<16xf32> to vector<1x16xf32>
    tpu.vector_store %arg9[%swap3A_594, %swap3A_595], %swap3A_598 {strides = array<i32>} : memref<16x128xf32, #tpu.memory_space<vmem>>, vector<1x16xf32>,
    %broadcast_in_dim3A_599 = arith.constant 0.000000e+00 : f32
    %broadcast_in_dim3A_600 = vector.broadcast %broadcast_in_dim3A_599 : f32 to vector<16xf32>
    %swap3A_601 = arith.constant 9 : i32
    %swap3A_602 = arith.index_cast %swap3A_601 : i32 to index
    %swap3A_603 = arith.constant 48 : index
    %swap3A_604 = tpu.vector_load %arg9[%swap3A_602, %swap3A_603] {strides = array<i32>} : memref<16x128xf32, #tpu.memory_space<vmem>>, vector<1x16xf32>,
    %swap3A_605 = vector.shape_cast %swap3A_604 : vector<1x16xf32> to vector<16xf32>
    %swap3A_606 = vector.shape_cast %broadcast_in_dim3A_600 : vector<16xf32> to vector<1x16xf32>
    tpu.vector_store %arg9[%swap3A_602, %swap3A_603], %swap3A_606 {strides = array<i32>} : memref<16x128xf32, #tpu.memory_space<vmem>>, vector<1x16xf32>,
    %broadcast_in_dim3A_607 = arith.constant 0.000000e+00 : f32
    %broadcast_in_dim3A_608 = vector.broadcast %broadcast_in_dim3A_607 : f32 to vector<16xf32>
    %swap3A_609 = arith.constant 9 : i32
    %swap3A_610 = arith.index_cast %swap3A_609 : i32 to index
    %swap3A_611 = arith.constant 64 : index
    %swap3A_612 = tpu.vector_load %arg9[%swap3A_610, %swap3A_611] {strides = array<i32>} : memref<16x128xf32, #tpu.memory_space<vmem>>, vector<1x16xf32>,
    %swap3A_613 = vector.shape_cast %swap3A_612 : vector<1x16xf32> to vector<16xf32>
    %swap3A_614 = vector.shape_cast %broadcast_in_dim3A_608 : vector<16xf32> to vector<1x16xf32>
    tpu.vector_store %arg9[%swap3A_610, %swap3A_611], %swap3A_614 {strides = array<i32>} : memref<16x128xf32, #tpu.memory_space<vmem>>, vector<1x16xf32>,
    %broadcast_in_dim3A_615 = arith.constant 0.000000e+00 : f32
    %broadcast_in_dim3A_616 = vector.broadcast %broadcast_in_dim3A_615 : f32 to vector<16xf32>
    %swap3A_617 = arith.constant 9 : i32
    %swap3A_618 = arith.index_cast %swap3A_617 : i32 to index
    %swap3A_619 = arith.constant 80 : index
    %swap3A_620 = tpu.vector_load %arg9[%swap3A_618, %swap3A_619] {strides = array<i32>} : memref<16x128xf32, #tpu.memory_space<vmem>>, vector<1x16xf32>,
    %swap3A_621 = vector.shape_cast %swap3A_620 : vector<1x16xf32> to vector<16xf32>
    %swap3A_622 = vector.shape_cast %broadcast_in_dim3A_616 : vector<16xf32> to vector<1x16xf32>
    tpu.vector_store %arg9[%swap3A_618, %swap3A_619], %swap3A_622 {strides = array<i32>} : memref<16x128xf32, #tpu.memory_space<vmem>>, vector<1x16xf32>,
    %broadcast_in_dim3A_623 = arith.constant 0.000000e+00 : f32
    %broadcast_in_dim3A_624 = vector.broadcast %broadcast_in_dim3A_623 : f32 to vector<16xf32>
    %swap3A_625 = arith.constant 9 : i32
    %swap3A_626 = arith.index_cast %swap3A_625 : i32 to index
    %swap3A_627 = arith.constant 96 : index
    %swap3A_628 = tpu.vector_load %arg9[%swap3A_626, %swap3A_627] {strides = array<i32>} : memref<16x128xf32, #tpu.memory_space<vmem>>, vector<1x16xf32>,
    %swap3A_629 = vector.shape_cast %swap3A_628 : vector<1x16xf32> to vector<16xf32>
    %swap3A_630 = vector.shape_cast %broadcast_in_dim3A_624 : vector<16xf32> to vector<1x16xf32>
    tpu.vector_store %arg9[%swap3A_626, %swap3A_627], %swap3A_630 {strides = array<i32>} : memref<16x128xf32, #tpu.memory_space<vmem>>, vector<1x16xf32>,
    %broadcast_in_dim3A_631 = arith.constant 0.000000e+00 : f32
    %broadcast_in_dim3A_632 = vector.broadcast %broadcast_in_dim3A_631 : f32 to vector<16xf32>
    %swap3A_633 = arith.constant 9 : i32
    %swap3A_634 = arith.index_cast %swap3A_633 : i32 to index
    %swap3A_635 = arith.constant 112 : index
    %swap3A_636 = tpu.vector_load %arg9[%swap3A_634, %swap3A_635] {strides = array<i32>} : memref<16x128xf32, #tpu.memory_space<vmem>>, vector<1x16xf32>,
    %swap3A_637 = vector.shape_cast %swap3A_636 : vector<1x16xf32> to vector<16xf32>
    %swap3A_638 = vector.shape_cast %broadcast_in_dim3A_632 : vector<16xf32> to vector<1x16xf32>
    tpu.vector_store %arg9[%swap3A_634, %swap3A_635], %swap3A_638 {strides = array<i32>} : memref<16x128xf32, #tpu.memory_space<vmem>>, vector<1x16xf32>,
    %broadcast_in_dim3A_639 = arith.constant 0.000000e+00 : f32
    %broadcast_in_dim3A_640 = vector.broadcast %broadcast_in_dim3A_639 : f32 to vector<16xf32>
    %swap3A_641 = arith.constant 10 : i32
    %swap3A_642 = arith.index_cast %swap3A_641 : i32 to index
    %swap3A_643 = arith.constant 0 : index
    %swap3A_644 = tpu.vector_load %arg9[%swap3A_642, %swap3A_643] {strides = array<i32>} : memref<16x128xf32, #tpu.memory_space<vmem>>, vector<1x16xf32>,
    %swap3A_645 = vector.shape_cast %swap3A_644 : vector<1x16xf32> to vector<16xf32>
    %swap3A_646 = vector.shape_cast %broadcast_in_dim3A_640 : vector<16xf32> to vector<1x16xf32>
    tpu.vector_store %arg9[%swap3A_642, %swap3A_643], %swap3A_646 {strides = array<i32>} : memref<16x128xf32, #tpu.memory_space<vmem>>, vector<1x16xf32>,
    %broadcast_in_dim3A_647 = arith.constant 0.000000e+00 : f32
    %broadcast_in_dim3A_648 = vector.broadcast %broadcast_in_dim3A_647 : f32 to vector<16xf32>
    %swap3A_649 = arith.constant 10 : i32
    %swap3A_650 = arith.index_cast %swap3A_649 : i32 to index
    %swap3A_651 = arith.constant 16 : index
    %swap3A_652 = tpu.vector_load %arg9[%swap3A_650, %swap3A_651] {strides = array<i32>} : memref<16x128xf32, #tpu.memory_space<vmem>>, vector<1x16xf32>,
    %swap3A_653 = vector.shape_cast %swap3A_652 : vector<1x16xf32> to vector<16xf32>
    %swap3A_654 = vector.shape_cast %broadcast_in_dim3A_648 : vector<16xf32> to vector<1x16xf32>
    tpu.vector_store %arg9[%swap3A_650, %swap3A_651], %swap3A_654 {strides = array<i32>} : memref<16x128xf32, #tpu.memory_space<vmem>>, vector<1x16xf32>,
    %broadcast_in_dim3A_655 = arith.constant 0.000000e+00 : f32
    %broadcast_in_dim3A_656 = vector.broadcast %broadcast_in_dim3A_655 : f32 to vector<16xf32>
    %swap3A_657 = arith.constant 10 : i32
    %swap3A_658 = arith.index_cast %swap3A_657 : i32 to index
    %swap3A_659 = arith.constant 32 : index
    %swap3A_660 = tpu.vector_load %arg9[%swap3A_658, %swap3A_659] {strides = array<i32>} : memref<16x128xf32, #tpu.memory_space<vmem>>, vector<1x16xf32>,
    %swap3A_661 = vector.shape_cast %swap3A_660 : vector<1x16xf32> to vector<16xf32>
    %swap3A_662 = vector.shape_cast %broadcast_in_dim3A_656 : vector<16xf32> to vector<1x16xf32>
    tpu.vector_store %arg9[%swap3A_658, %swap3A_659], %swap3A_662 {strides = array<i32>} : memref<16x128xf32, #tpu.memory_space<vmem>>, vector<1x16xf32>,
    %broadcast_in_dim3A_663 = arith.constant 0.000000e+00 : f32
    %broadcast_in_dim3A_664 = vector.broadcast %broadcast_in_dim3A_663 : f32 to vector<16xf32>
    %swap3A_665 = arith.constant 10 : i32
    %swap3A_666 = arith.index_cast %swap3A_665 : i32 to index
    %swap3A_667 = arith.constant 48 : index
    %swap3A_668 = tpu.vector_load %arg9[%swap3A_666, %swap3A_667] {strides = array<i32>} : memref<16x128xf32, #tpu.memory_space<vmem>>, vector<1x16xf32>,
    %swap3A_669 = vector.shape_cast %swap3A_668 : vector<1x16xf32> to vector<16xf32>
    %swap3A_670 = vector.shape_cast %broadcast_in_dim3A_664 : vector<16xf32> to vector<1x16xf32>
    tpu.vector_store %arg9[%swap3A_666, %swap3A_667], %swap3A_670 {strides = array<i32>} : memref<16x128xf32, #tpu.memory_space<vmem>>, vector<1x16xf32>,
    %broadcast_in_dim3A_671 = arith.constant 0.000000e+00 : f32
    %broadcast_in_dim3A_672 = vector.broadcast %broadcast_in_dim3A_671 : f32 to vector<16xf32>
    %swap3A_673 = arith.constant 10 : i32
    %swap3A_674 = arith.index_cast %swap3A_673 : i32 to index
    %swap3A_675 = arith.constant 64 : index
    %swap3A_676 = tpu.vector_load %arg9[%swap3A_674, %swap3A_675] {strides = array<i32>} : memref<16x128xf32, #tpu.memory_space<vmem>>, vector<1x16xf32>,
    %swap3A_677 = vector.shape_cast %swap3A_676 : vector<1x16xf32> to vector<16xf32>
    %swap3A_678 = vector.shape_cast %broadcast_in_dim3A_672 : vector<16xf32> to vector<1x16xf32>
    tpu.vector_store %arg9[%swap3A_674, %swap3A_675], %swap3A_678 {strides = array<i32>} : memref<16x128xf32, #tpu.memory_space<vmem>>, vector<1x16xf32>,
    %broadcast_in_dim3A_679 = arith.constant 0.000000e+00 : f32
    %broadcast_in_dim3A_680 = vector.broadcast %broadcast_in_dim3A_679 : f32 to vector<16xf32>
    %swap3A_681 = arith.constant 10 : i32
    %swap3A_682 = arith.index_cast %swap3A_681 : i32 to index
    %swap3A_683 = arith.constant 80 : index
    %swap3A_684 = tpu.vector_load %arg9[%swap3A_682, %swap3A_683] {strides = array<i32>} : memref<16x128xf32, #tpu.memory_space<vmem>>, vector<1x16xf32>,
    %swap3A_685 = vector.shape_cast %swap3A_684 : vector<1x16xf32> to vector<16xf32>
    %swap3A_686 = vector.shape_cast %broadcast_in_dim3A_680 : vector<16xf32> to vector<1x16xf32>
    tpu.vector_store %arg9[%swap3A_682, %swap3A_683], %swap3A_686 {strides = array<i32>} : memref<16x128xf32, #tpu.memory_space<vmem>>, vector<1x16xf32>,
    %broadcast_in_dim3A_687 = arith.constant 0.000000e+00 : f32
    %broadcast_in_dim3A_688 = vector.broadcast %broadcast_in_dim3A_687 : f32 to vector<16xf32>
    %swap3A_689 = arith.constant 10 : i32
    %swap3A_690 = arith.index_cast %swap3A_689 : i32 to index
    %swap3A_691 = arith.constant 96 : index
    %swap3A_692 = tpu.vector_load %arg9[%swap3A_690, %swap3A_691] {strides = array<i32>} : memref<16x128xf32, #tpu.memory_space<vmem>>, vector<1x16xf32>,
    %swap3A_693 = vector.shape_cast %swap3A_692 : vector<1x16xf32> to vector<16xf32>
    %swap3A_694 = vector.shape_cast %broadcast_in_dim3A_688 : vector<16xf32> to vector<1x16xf32>
    tpu.vector_store %arg9[%swap3A_690, %swap3A_691], %swap3A_694 {strides = array<i32>} : memref<16x128xf32, #tpu.memory_space<vmem>>, vector<1x16xf32>,
    %broadcast_in_dim3A_695 = arith.constant 0.000000e+00 : f32
    %broadcast_in_dim3A_696 = vector.broadcast %broadcast_in_dim3A_695 : f32 to vector<16xf32>
    %swap3A_697 = arith.constant 10 : i32
    %swap3A_698 = arith.index_cast %swap3A_697 : i32 to index
    %swap3A_699 = arith.constant 112 : index
    %swap3A_700 = tpu.vector_load %arg9[%swap3A_698, %swap3A_699] {strides = array<i32>} : memref<16x128xf32, #tpu.memory_space<vmem>>, vector<1x16xf32>,
    %swap3A_701 = vector.shape_cast %swap3A_700 : vector<1x16xf32> to vector<16xf32>
    %swap3A_702 = vector.shape_cast %broadcast_in_dim3A_696 : vector<16xf32> to vector<1x16xf32>
    tpu.vector_store %arg9[%swap3A_698, %swap3A_699], %swap3A_702 {strides = array<i32>} : memref<16x128xf32, #tpu.memory_space<vmem>>, vector<1x16xf32>,
    %broadcast_in_dim3A_703 = arith.constant 0.000000e+00 : f32
    %broadcast_in_dim3A_704 = vector.broadcast %broadcast_in_dim3A_703 : f32 to vector<16xf32>
    %swap3A_705 = arith.constant 11 : i32
    %swap3A_706 = arith.index_cast %swap3A_705 : i32 to index
    %swap3A_707 = arith.constant 0 : index
    %swap3A_708 = tpu.vector_load %arg9[%swap3A_706, %swap3A_707] {strides = array<i32>} : memref<16x128xf32, #tpu.memory_space<vmem>>, vector<1x16xf32>,
    %swap3A_709 = vector.shape_cast %swap3A_708 : vector<1x16xf32> to vector<16xf32>
    %swap3A_710 = vector.shape_cast %broadcast_in_dim3A_704 : vector<16xf32> to vector<1x16xf32>
    tpu.vector_store %arg9[%swap3A_706, %swap3A_707], %swap3A_710 {strides = array<i32>} : memref<16x128xf32, #tpu.memory_space<vmem>>, vector<1x16xf32>,
    %broadcast_in_dim3A_711 = arith.constant 0.000000e+00 : f32
    %broadcast_in_dim3A_712 = vector.broadcast %broadcast_in_dim3A_711 : f32 to vector<16xf32>
    %swap3A_713 = arith.constant 11 : i32
    %swap3A_714 = arith.index_cast %swap3A_713 : i32 to index
    %swap3A_715 = arith.constant 16 : index
    %swap3A_716 = tpu.vector_load %arg9[%swap3A_714, %swap3A_715] {strides = array<i32>} : memref<16x128xf32, #tpu.memory_space<vmem>>, vector<1x16xf32>,
    %swap3A_717 = vector.shape_cast %swap3A_716 : vector<1x16xf32> to vector<16xf32>
    %swap3A_718 = vector.shape_cast %broadcast_in_dim3A_712 : vector<16xf32> to vector<1x16xf32>
    tpu.vector_store %arg9[%swap3A_714, %swap3A_715], %swap3A_718 {strides = array<i32>} : memref<16x128xf32, #tpu.memory_space<vmem>>, vector<1x16xf32>,
    %broadcast_in_dim3A_719 = arith.constant 0.000000e+00 : f32
    %broadcast_in_dim3A_720 = vector.broadcast %broadcast_in_dim3A_719 : f32 to vector<16xf32>
    %swap3A_721 = arith.constant 11 : i32
    %swap3A_722 = arith.index_cast %swap3A_721 : i32 to index
    %swap3A_723 = arith.constant 32 : index
    %swap3A_724 = tpu.vector_load %arg9[%swap3A_722, %swap3A_723] {strides = array<i32>} : memref<16x128xf32, #tpu.memory_space<vmem>>, vector<1x16xf32>,
    %swap3A_725 = vector.shape_cast %swap3A_724 : vector<1x16xf32> to vector<16xf32>
    %swap3A_726 = vector.shape_cast %broadcast_in_dim3A_720 : vector<16xf32> to vector<1x16xf32>
    tpu.vector_store %arg9[%swap3A_722, %swap3A_723], %swap3A_726 {strides = array<i32>} : memref<16x128xf32, #tpu.memory_space<vmem>>, vector<1x16xf32>,
    %broadcast_in_dim3A_727 = arith.constant 0.000000e+00 : f32
    %broadcast_in_dim3A_728 = vector.broadcast %broadcast_in_dim3A_727 : f32 to vector<16xf32>
    %swap3A_729 = arith.constant 11 : i32
    %swap3A_730 = arith.index_cast %swap3A_729 : i32 to index
    %swap3A_731 = arith.constant 48 : index
    %swap3A_732 = tpu.vector_load %arg9[%swap3A_730, %swap3A_731] {strides = array<i32>} : memref<16x128xf32, #tpu.memory_space<vmem>>, vector<1x16xf32>,
    %swap3A_733 = vector.shape_cast %swap3A_732 : vector<1x16xf32> to vector<16xf32>
    %swap3A_734 = vector.shape_cast %broadcast_in_dim3A_728 : vector<16xf32> to vector<1x16xf32>
    tpu.vector_store %arg9[%swap3A_730, %swap3A_731], %swap3A_734 {strides = array<i32>} : memref<16x128xf32, #tpu.memory_space<vmem>>, vector<1x16xf32>,
    %broadcast_in_dim3A_735 = arith.constant 0.000000e+00 : f32
    %broadcast_in_dim3A_736 = vector.broadcast %broadcast_in_dim3A_735 : f32 to vector<16xf32>
    %swap3A_737 = arith.constant 11 : i32
    %swap3A_738 = arith.index_cast %swap3A_737 : i32 to index
    %swap3A_739 = arith.constant 64 : index
    %swap3A_740 = tpu.vector_load %arg9[%swap3A_738, %swap3A_739] {strides = array<i32>} : memref<16x128xf32, #tpu.memory_space<vmem>>, vector<1x16xf32>,
    %swap3A_741 = vector.shape_cast %swap3A_740 : vector<1x16xf32> to vector<16xf32>
    %swap3A_742 = vector.shape_cast %broadcast_in_dim3A_736 : vector<16xf32> to vector<1x16xf32>
    tpu.vector_store %arg9[%swap3A_738, %swap3A_739], %swap3A_742 {strides = array<i32>} : memref<16x128xf32, #tpu.memory_space<vmem>>, vector<1x16xf32>,
    %broadcast_in_dim3A_743 = arith.constant 0.000000e+00 : f32
    %broadcast_in_dim3A_744 = vector.broadcast %broadcast_in_dim3A_743 : f32 to vector<16xf32>
    %swap3A_745 = arith.constant 11 : i32
    %swap3A_746 = arith.index_cast %swap3A_745 : i32 to index
    %swap3A_747 = arith.constant 80 : index
    %swap3A_748 = tpu.vector_load %arg9[%swap3A_746, %swap3A_747] {strides = array<i32>} : memref<16x128xf32, #tpu.memory_space<vmem>>, vector<1x16xf32>,
    %swap3A_749 = vector.shape_cast %swap3A_748 : vector<1x16xf32> to vector<16xf32>
    %swap3A_750 = vector.shape_cast %broadcast_in_dim3A_744 : vector<16xf32> to vector<1x16xf32>
    tpu.vector_store %arg9[%swap3A_746, %swap3A_747], %swap3A_750 {strides = array<i32>} : memref<16x128xf32, #tpu.memory_space<vmem>>, vector<1x16xf32>,
    %broadcast_in_dim3A_751 = arith.constant 0.000000e+00 : f32
    %broadcast_in_dim3A_752 = vector.broadcast %broadcast_in_dim3A_751 : f32 to vector<16xf32>
    %swap3A_753 = arith.constant 11 : i32
    %swap3A_754 = arith.index_cast %swap3A_753 : i32 to index
    %swap3A_755 = arith.constant 96 : index
    %swap3A_756 = tpu.vector_load %arg9[%swap3A_754, %swap3A_755] {strides = array<i32>} : memref<16x128xf32, #tpu.memory_space<vmem>>, vector<1x16xf32>,
    %swap3A_757 = vector.shape_cast %swap3A_756 : vector<1x16xf32> to vector<16xf32>
    %swap3A_758 = vector.shape_cast %broadcast_in_dim3A_752 : vector<16xf32> to vector<1x16xf32>
    tpu.vector_store %arg9[%swap3A_754, %swap3A_755], %swap3A_758 {strides = array<i32>} : memref<16x128xf32, #tpu.memory_space<vmem>>, vector<1x16xf32>,
    %broadcast_in_dim3A_759 = arith.constant 0.000000e+00 : f32
    %broadcast_in_dim3A_760 = vector.broadcast %broadcast_in_dim3A_759 : f32 to vector<16xf32>
    %swap3A_761 = arith.constant 11 : i32
    %swap3A_762 = arith.index_cast %swap3A_761 : i32 to index
    %swap3A_763 = arith.constant 112 : index
    %swap3A_764 = tpu.vector_load %arg9[%swap3A_762, %swap3A_763] {strides = array<i32>} : memref<16x128xf32, #tpu.memory_space<vmem>>, vector<1x16xf32>,
    %swap3A_765 = vector.shape_cast %swap3A_764 : vector<1x16xf32> to vector<16xf32>
    %swap3A_766 = vector.shape_cast %broadcast_in_dim3A_760 : vector<16xf32> to vector<1x16xf32>
    tpu.vector_store %arg9[%swap3A_762, %swap3A_763], %swap3A_766 {strides = array<i32>} : memref<16x128xf32, #tpu.memory_space<vmem>>, vector<1x16xf32>,
    %broadcast_in_dim3A_767 = arith.constant 0.000000e+00 : f32
    %broadcast_in_dim3A_768 = vector.broadcast %broadcast_in_dim3A_767 : f32 to vector<16xf32>
    %swap3A_769 = arith.constant 12 : i32
    %swap3A_770 = arith.index_cast %swap3A_769 : i32 to index
    %swap3A_771 = arith.constant 0 : index
    %swap3A_772 = tpu.vector_load %arg9[%swap3A_770, %swap3A_771] {strides = array<i32>} : memref<16x128xf32, #tpu.memory_space<vmem>>, vector<1x16xf32>,
    %swap3A_773 = vector.shape_cast %swap3A_772 : vector<1x16xf32> to vector<16xf32>
    %swap3A_774 = vector.shape_cast %broadcast_in_dim3A_768 : vector<16xf32> to vector<1x16xf32>
    tpu.vector_store %arg9[%swap3A_770, %swap3A_771], %swap3A_774 {strides = array<i32>} : memref<16x128xf32, #tpu.memory_space<vmem>>, vector<1x16xf32>,
    %broadcast_in_dim3A_775 = arith.constant 0.000000e+00 : f32
    %broadcast_in_dim3A_776 = vector.broadcast %broadcast_in_dim3A_775 : f32 to vector<16xf32>
    %swap3A_777 = arith.constant 12 : i32
    %swap3A_778 = arith.index_cast %swap3A_777 : i32 to index
    %swap3A_779 = arith.constant 16 : index
    %swap3A_780 = tpu.vector_load %arg9[%swap3A_778, %swap3A_779] {strides = array<i32>} : memref<16x128xf32, #tpu.memory_space<vmem>>, vector<1x16xf32>,
    %swap3A_781 = vector.shape_cast %swap3A_780 : vector<1x16xf32> to vector<16xf32>
    %swap3A_782 = vector.shape_cast %broadcast_in_dim3A_776 : vector<16xf32> to vector<1x16xf32>
    tpu.vector_store %arg9[%swap3A_778, %swap3A_779], %swap3A_782 {strides = array<i32>} : memref<16x128xf32, #tpu.memory_space<vmem>>, vector<1x16xf32>,
    %broadcast_in_dim3A_783 = arith.constant 0.000000e+00 : f32
    %broadcast_in_dim3A_784 = vector.broadcast %broadcast_in_dim3A_783 : f32 to vector<16xf32>
    %swap3A_785 = arith.constant 12 : i32
    %swap3A_786 = arith.index_cast %swap3A_785 : i32 to index
    %swap3A_787 = arith.constant 32 : index
    %swap3A_788 = tpu.vector_load %arg9[%swap3A_786, %swap3A_787] {strides = array<i32>} : memref<16x128xf32, #tpu.memory_space<vmem>>, vector<1x16xf32>,
    %swap3A_789 = vector.shape_cast %swap3A_788 : vector<1x16xf32> to vector<16xf32>
    %swap3A_790 = vector.shape_cast %broadcast_in_dim3A_784 : vector<16xf32> to vector<1x16xf32>
    tpu.vector_store %arg9[%swap3A_786, %swap3A_787], %swap3A_790 {strides = array<i32>} : memref<16x128xf32, #tpu.memory_space<vmem>>, vector<1x16xf32>,
    %broadcast_in_dim3A_791 = arith.constant 0.000000e+00 : f32
    %broadcast_in_dim3A_792 = vector.broadcast %broadcast_in_dim3A_791 : f32 to vector<16xf32>
    %swap3A_793 = arith.constant 12 : i32
    %swap3A_794 = arith.index_cast %swap3A_793 : i32 to index
    %swap3A_795 = arith.constant 48 : index
    %swap3A_796 = tpu.vector_load %arg9[%swap3A_794, %swap3A_795] {strides = array<i32>} : memref<16x128xf32, #tpu.memory_space<vmem>>, vector<1x16xf32>,
    %swap3A_797 = vector.shape_cast %swap3A_796 : vector<1x16xf32> to vector<16xf32>
    %swap3A_798 = vector.shape_cast %broadcast_in_dim3A_792 : vector<16xf32> to vector<1x16xf32>
    tpu.vector_store %arg9[%swap3A_794, %swap3A_795], %swap3A_798 {strides = array<i32>} : memref<16x128xf32, #tpu.memory_space<vmem>>, vector<1x16xf32>,
    %broadcast_in_dim3A_799 = arith.constant 0.000000e+00 : f32
    %broadcast_in_dim3A_800 = vector.broadcast %broadcast_in_dim3A_799 : f32 to vector<16xf32>
    %swap3A_801 = arith.constant 12 : i32
    %swap3A_802 = arith.index_cast %swap3A_801 : i32 to index
    %swap3A_803 = arith.constant 64 : index
    %swap3A_804 = tpu.vector_load %arg9[%swap3A_802, %swap3A_803] {strides = array<i32>} : memref<16x128xf32, #tpu.memory_space<vmem>>, vector<1x16xf32>,
    %swap3A_805 = vector.shape_cast %swap3A_804 : vector<1x16xf32> to vector<16xf32>
    %swap3A_806 = vector.shape_cast %broadcast_in_dim3A_800 : vector<16xf32> to vector<1x16xf32>
    tpu.vector_store %arg9[%swap3A_802, %swap3A_803], %swap3A_806 {strides = array<i32>} : memref<16x128xf32, #tpu.memory_space<vmem>>, vector<1x16xf32>,
    %broadcast_in_dim3A_807 = arith.constant 0.000000e+00 : f32
    %broadcast_in_dim3A_808 = vector.broadcast %broadcast_in_dim3A_807 : f32 to vector<16xf32>
    %swap3A_809 = arith.constant 12 : i32
    %swap3A_810 = arith.index_cast %swap3A_809 : i32 to index
    %swap3A_811 = arith.constant 80 : index
    %swap3A_812 = tpu.vector_load %arg9[%swap3A_810, %swap3A_811] {strides = array<i32>} : memref<16x128xf32, #tpu.memory_space<vmem>>, vector<1x16xf32>,
    %swap3A_813 = vector.shape_cast %swap3A_812 : vector<1x16xf32> to vector<16xf32>
    %swap3A_814 = vector.shape_cast %broadcast_in_dim3A_808 : vector<16xf32> to vector<1x16xf32>
    tpu.vector_store %arg9[%swap3A_810, %swap3A_811], %swap3A_814 {strides = array<i32>} : memref<16x128xf32, #tpu.memory_space<vmem>>, vector<1x16xf32>,
    %broadcast_in_dim3A_815 = arith.constant 0.000000e+00 : f32
    %broadcast_in_dim3A_816 = vector.broadcast %broadcast_in_dim3A_815 : f32 to vector<16xf32>
    %swap3A_817 = arith.constant 12 : i32
    %swap3A_818 = arith.index_cast %swap3A_817 : i32 to index
    %swap3A_819 = arith.constant 96 : index
    %swap3A_820 = tpu.vector_load %arg9[%swap3A_818, %swap3A_819] {strides = array<i32>} : memref<16x128xf32, #tpu.memory_space<vmem>>, vector<1x16xf32>,
    %swap3A_821 = vector.shape_cast %swap3A_820 : vector<1x16xf32> to vector<16xf32>
    %swap3A_822 = vector.shape_cast %broadcast_in_dim3A_816 : vector<16xf32> to vector<1x16xf32>
    tpu.vector_store %arg9[%swap3A_818, %swap3A_819], %swap3A_822 {strides = array<i32>} : memref<16x128xf32, #tpu.memory_space<vmem>>, vector<1x16xf32>,
    %broadcast_in_dim3A_823 = arith.constant 0.000000e+00 : f32
    %broadcast_in_dim3A_824 = vector.broadcast %broadcast_in_dim3A_823 : f32 to vector<16xf32>
    %swap3A_825 = arith.constant 12 : i32
    %swap3A_826 = arith.index_cast %swap3A_825 : i32 to index
    %swap3A_827 = arith.constant 112 : index
    %swap3A_828 = tpu.vector_load %arg9[%swap3A_826, %swap3A_827] {strides = array<i32>} : memref<16x128xf32, #tpu.memory_space<vmem>>, vector<1x16xf32>,
    %swap3A_829 = vector.shape_cast %swap3A_828 : vector<1x16xf32> to vector<16xf32>
    %swap3A_830 = vector.shape_cast %broadcast_in_dim3A_824 : vector<16xf32> to vector<1x16xf32>
    tpu.vector_store %arg9[%swap3A_826, %swap3A_827], %swap3A_830 {strides = array<i32>} : memref<16x128xf32, #tpu.memory_space<vmem>>, vector<1x16xf32>,
    %broadcast_in_dim3A_831 = arith.constant 0.000000e+00 : f32
    %broadcast_in_dim3A_832 = vector.broadcast %broadcast_in_dim3A_831 : f32 to vector<16xf32>
    %swap3A_833 = arith.constant 13 : i32
    %swap3A_834 = arith.index_cast %swap3A_833 : i32 to index
    %swap3A_835 = arith.constant 0 : index
    %swap3A_836 = tpu.vector_load %arg9[%swap3A_834, %swap3A_835] {strides = array<i32>} : memref<16x128xf32, #tpu.memory_space<vmem>>, vector<1x16xf32>,
    %swap3A_837 = vector.shape_cast %swap3A_836 : vector<1x16xf32> to vector<16xf32>
    %swap3A_838 = vector.shape_cast %broadcast_in_dim3A_832 : vector<16xf32> to vector<1x16xf32>
    tpu.vector_store %arg9[%swap3A_834, %swap3A_835], %swap3A_838 {strides = array<i32>} : memref<16x128xf32, #tpu.memory_space<vmem>>, vector<1x16xf32>,
    %broadcast_in_dim3A_839 = arith.constant 0.000000e+00 : f32
    %broadcast_in_dim3A_840 = vector.broadcast %broadcast_in_dim3A_839 : f32 to vector<16xf32>
    %swap3A_841 = arith.constant 13 : i32
    %swap3A_842 = arith.index_cast %swap3A_841 : i32 to index
    %swap3A_843 = arith.constant 16 : index
    %swap3A_844 = tpu.vector_load %arg9[%swap3A_842, %swap3A_843] {strides = array<i32>} : memref<16x128xf32, #tpu.memory_space<vmem>>, vector<1x16xf32>,
    %swap3A_845 = vector.shape_cast %swap3A_844 : vector<1x16xf32> to vector<16xf32>
    %swap3A_846 = vector.shape_cast %broadcast_in_dim3A_840 : vector<16xf32> to vector<1x16xf32>
    tpu.vector_store %arg9[%swap3A_842, %swap3A_843], %swap3A_846 {strides = array<i32>} : memref<16x128xf32, #tpu.memory_space<vmem>>, vector<1x16xf32>,
    %broadcast_in_dim3A_847 = arith.constant 0.000000e+00 : f32
    %broadcast_in_dim3A_848 = vector.broadcast %broadcast_in_dim3A_847 : f32 to vector<16xf32>
    %swap3A_849 = arith.constant 13 : i32
    %swap3A_850 = arith.index_cast %swap3A_849 : i32 to index
    %swap3A_851 = arith.constant 32 : index
    %swap3A_852 = tpu.vector_load %arg9[%swap3A_850, %swap3A_851] {strides = array<i32>} : memref<16x128xf32, #tpu.memory_space<vmem>>, vector<1x16xf32>,
    %swap3A_853 = vector.shape_cast %swap3A_852 : vector<1x16xf32> to vector<16xf32>
    %swap3A_854 = vector.shape_cast %broadcast_in_dim3A_848 : vector<16xf32> to vector<1x16xf32>
    tpu.vector_store %arg9[%swap3A_850, %swap3A_851], %swap3A_854 {strides = array<i32>} : memref<16x128xf32, #tpu.memory_space<vmem>>, vector<1x16xf32>,
    %broadcast_in_dim3A_855 = arith.constant 0.000000e+00 : f32
    %broadcast_in_dim3A_856 = vector.broadcast %broadcast_in_dim3A_855 : f32 to vector<16xf32>
    %swap3A_857 = arith.constant 13 : i32
    %swap3A_858 = arith.index_cast %swap3A_857 : i32 to index
    %swap3A_859 = arith.constant 48 : index
    %swap3A_860 = tpu.vector_load %arg9[%swap3A_858, %swap3A_859] {strides = array<i32>} : memref<16x128xf32, #tpu.memory_space<vmem>>, vector<1x16xf32>,
    %swap3A_861 = vector.shape_cast %swap3A_860 : vector<1x16xf32> to vector<16xf32>
    %swap3A_862 = vector.shape_cast %broadcast_in_dim3A_856 : vector<16xf32> to vector<1x16xf32>
    tpu.vector_store %arg9[%swap3A_858, %swap3A_859], %swap3A_862 {strides = array<i32>} : memref<16x128xf32, #tpu.memory_space<vmem>>, vector<1x16xf32>,
    %broadcast_in_dim3A_863 = arith.constant 0.000000e+00 : f32
    %broadcast_in_dim3A_864 = vector.broadcast %broadcast_in_dim3A_863 : f32 to vector<16xf32>
    %swap3A_865 = arith.constant 13 : i32
    %swap3A_866 = arith.index_cast %swap3A_865 : i32 to index
    %swap3A_867 = arith.constant 64 : index
    %swap3A_868 = tpu.vector_load %arg9[%swap3A_866, %swap3A_867] {strides = array<i32>} : memref<16x128xf32, #tpu.memory_space<vmem>>, vector<1x16xf32>,
    %swap3A_869 = vector.shape_cast %swap3A_868 : vector<1x16xf32> to vector<16xf32>
    %swap3A_870 = vector.shape_cast %broadcast_in_dim3A_864 : vector<16xf32> to vector<1x16xf32>
    tpu.vector_store %arg9[%swap3A_866, %swap3A_867], %swap3A_870 {strides = array<i32>} : memref<16x128xf32, #tpu.memory_space<vmem>>, vector<1x16xf32>,
    %broadcast_in_dim3A_871 = arith.constant 0.000000e+00 : f32
    %broadcast_in_dim3A_872 = vector.broadcast %broadcast_in_dim3A_871 : f32 to vector<16xf32>
    %swap3A_873 = arith.constant 13 : i32
    %swap3A_874 = arith.index_cast %swap3A_873 : i32 to index
    %swap3A_875 = arith.constant 80 : index
    %swap3A_876 = tpu.vector_load %arg9[%swap3A_874, %swap3A_875] {strides = array<i32>} : memref<16x128xf32, #tpu.memory_space<vmem>>, vector<1x16xf32>,
    %swap3A_877 = vector.shape_cast %swap3A_876 : vector<1x16xf32> to vector<16xf32>
    %swap3A_878 = vector.shape_cast %broadcast_in_dim3A_872 : vector<16xf32> to vector<1x16xf32>
    tpu.vector_store %arg9[%swap3A_874, %swap3A_875], %swap3A_878 {strides = array<i32>} : memref<16x128xf32, #tpu.memory_space<vmem>>, vector<1x16xf32>,
    %broadcast_in_dim3A_879 = arith.constant 0.000000e+00 : f32
    %broadcast_in_dim3A_880 = vector.broadcast %broadcast_in_dim3A_879 : f32 to vector<16xf32>
    %swap3A_881 = arith.constant 13 : i32
    %swap3A_882 = arith.index_cast %swap3A_881 : i32 to index
    %swap3A_883 = arith.constant 96 : index
    %swap3A_884 = tpu.vector_load %arg9[%swap3A_882, %swap3A_883] {strides = array<i32>} : memref<16x128xf32, #tpu.memory_space<vmem>>, vector<1x16xf32>,
    %swap3A_885 = vector.shape_cast %swap3A_884 : vector<1x16xf32> to vector<16xf32>
    %swap3A_886 = vector.shape_cast %broadcast_in_dim3A_880 : vector<16xf32> to vector<1x16xf32>
    tpu.vector_store %arg9[%swap3A_882, %swap3A_883], %swap3A_886 {strides = array<i32>} : memref<16x128xf32, #tpu.memory_space<vmem>>, vector<1x16xf32>,
    %broadcast_in_dim3A_887 = arith.constant 0.000000e+00 : f32
    %broadcast_in_dim3A_888 = vector.broadcast %broadcast_in_dim3A_887 : f32 to vector<16xf32>
    %swap3A_889 = arith.constant 13 : i32
    %swap3A_890 = arith.index_cast %swap3A_889 : i32 to index
    %swap3A_891 = arith.constant 112 : index
    %swap3A_892 = tpu.vector_load %arg9[%swap3A_890, %swap3A_891] {strides = array<i32>} : memref<16x128xf32, #tpu.memory_space<vmem>>, vector<1x16xf32>,
    %swap3A_893 = vector.shape_cast %swap3A_892 : vector<1x16xf32> to vector<16xf32>
    %swap3A_894 = vector.shape_cast %broadcast_in_dim3A_888 : vector<16xf32> to vector<1x16xf32>
    tpu.vector_store %arg9[%swap3A_890, %swap3A_891], %swap3A_894 {strides = array<i32>} : memref<16x128xf32, #tpu.memory_space<vmem>>, vector<1x16xf32>,
    %broadcast_in_dim3A_895 = arith.constant 0.000000e+00 : f32
    %broadcast_in_dim3A_896 = vector.broadcast %broadcast_in_dim3A_895 : f32 to vector<16xf32>
    %swap3A_897 = arith.constant 14 : i32
    %swap3A_898 = arith.index_cast %swap3A_897 : i32 to index
    %swap3A_899 = arith.constant 0 : index
    %swap3A_900 = tpu.vector_load %arg9[%swap3A_898, %swap3A_899] {strides = array<i32>} : memref<16x128xf32, #tpu.memory_space<vmem>>, vector<1x16xf32>,
    %swap3A_901 = vector.shape_cast %swap3A_900 : vector<1x16xf32> to vector<16xf32>
    %swap3A_902 = vector.shape_cast %broadcast_in_dim3A_896 : vector<16xf32> to vector<1x16xf32>
    tpu.vector_store %arg9[%swap3A_898, %swap3A_899], %swap3A_902 {strides = array<i32>} : memref<16x128xf32, #tpu.memory_space<vmem>>, vector<1x16xf32>,
    %broadcast_in_dim3A_903 = arith.constant 0.000000e+00 : f32
    %broadcast_in_dim3A_904 = vector.broadcast %broadcast_in_dim3A_903 : f32 to vector<16xf32>
    %swap3A_905 = arith.constant 14 : i32
    %swap3A_906 = arith.index_cast %swap3A_905 : i32 to index
    %swap3A_907 = arith.constant 16 : index
    %swap3A_908 = tpu.vector_load %arg9[%swap3A_906, %swap3A_907] {strides = array<i32>} : memref<16x128xf32, #tpu.memory_space<vmem>>, vector<1x16xf32>,
    %swap3A_909 = vector.shape_cast %swap3A_908 : vector<1x16xf32> to vector<16xf32>
    %swap3A_910 = vector.shape_cast %broadcast_in_dim3A_904 : vector<16xf32> to vector<1x16xf32>
    tpu.vector_store %arg9[%swap3A_906, %swap3A_907], %swap3A_910 {strides = array<i32>} : memref<16x128xf32, #tpu.memory_space<vmem>>, vector<1x16xf32>,
    %broadcast_in_dim3A_911 = arith.constant 0.000000e+00 : f32
    %broadcast_in_dim3A_912 = vector.broadcast %broadcast_in_dim3A_911 : f32 to vector<16xf32>
    %swap3A_913 = arith.constant 14 : i32
    %swap3A_914 = arith.index_cast %swap3A_913 : i32 to index
    %swap3A_915 = arith.constant 32 : index
    %swap3A_916 = tpu.vector_load %arg9[%swap3A_914, %swap3A_915] {strides = array<i32>} : memref<16x128xf32, #tpu.memory_space<vmem>>, vector<1x16xf32>,
    %swap3A_917 = vector.shape_cast %swap3A_916 : vector<1x16xf32> to vector<16xf32>
    %swap3A_918 = vector.shape_cast %broadcast_in_dim3A_912 : vector<16xf32> to vector<1x16xf32>
    tpu.vector_store %arg9[%swap3A_914, %swap3A_915], %swap3A_918 {strides = array<i32>} : memref<16x128xf32, #tpu.memory_space<vmem>>, vector<1x16xf32>,
    %broadcast_in_dim3A_919 = arith.constant 0.000000e+00 : f32
    %broadcast_in_dim3A_920 = vector.broadcast %broadcast_in_dim3A_919 : f32 to vector<16xf32>
    %swap3A_921 = arith.constant 14 : i32
    %swap3A_922 = arith.index_cast %swap3A_921 : i32 to index
    %swap3A_923 = arith.constant 48 : index
    %swap3A_924 = tpu.vector_load %arg9[%swap3A_922, %swap3A_923] {strides = array<i32>} : memref<16x128xf32, #tpu.memory_space<vmem>>, vector<1x16xf32>,
    %swap3A_925 = vector.shape_cast %swap3A_924 : vector<1x16xf32> to vector<16xf32>
    %swap3A_926 = vector.shape_cast %broadcast_in_dim3A_920 : vector<16xf32> to vector<1x16xf32>
    tpu.vector_store %arg9[%swap3A_922, %swap3A_923], %swap3A_926 {strides = array<i32>} : memref<16x128xf32, #tpu.memory_space<vmem>>, vector<1x16xf32>,
    %broadcast_in_dim3A_927 = arith.constant 0.000000e+00 : f32
    %broadcast_in_dim3A_928 = vector.broadcast %broadcast_in_dim3A_927 : f32 to vector<16xf32>
    %swap3A_929 = arith.constant 14 : i32
    %swap3A_930 = arith.index_cast %swap3A_929 : i32 to index
    %swap3A_931 = arith.constant 64 : index
    %swap3A_932 = tpu.vector_load %arg9[%swap3A_930, %swap3A_931] {strides = array<i32>} : memref<16x128xf32, #tpu.memory_space<vmem>>, vector<1x16xf32>,
    %swap3A_933 = vector.shape_cast %swap3A_932 : vector<1x16xf32> to vector<16xf32>
    %swap3A_934 = vector.shape_cast %broadcast_in_dim3A_928 : vector<16xf32> to vector<1x16xf32>
    tpu.vector_store %arg9[%swap3A_930, %swap3A_931], %swap3A_934 {strides = array<i32>} : memref<16x128xf32, #tpu.memory_space<vmem>>, vector<1x16xf32>,
    %broadcast_in_dim3A_935 = arith.constant 0.000000e+00 : f32
    %broadcast_in_dim3A_936 = vector.broadcast %broadcast_in_dim3A_935 : f32 to vector<16xf32>
    %swap3A_937 = arith.constant 14 : i32
    %swap3A_938 = arith.index_cast %swap3A_937 : i32 to index
    %swap3A_939 = arith.constant 80 : index
    %swap3A_940 = tpu.vector_load %arg9[%swap3A_938, %swap3A_939] {strides = array<i32>} : memref<16x128xf32, #tpu.memory_space<vmem>>, vector<1x16xf32>,
    %swap3A_941 = vector.shape_cast %swap3A_940 : vector<1x16xf32> to vector<16xf32>
    %swap3A_942 = vector.shape_cast %broadcast_in_dim3A_936 : vector<16xf32> to vector<1x16xf32>
    tpu.vector_store %arg9[%swap3A_938, %swap3A_939], %swap3A_942 {strides = array<i32>} : memref<16x128xf32, #tpu.memory_space<vmem>>, vector<1x16xf32>,
    %broadcast_in_dim3A_943 = arith.constant 0.000000e+00 : f32
    %broadcast_in_dim3A_944 = vector.broadcast %broadcast_in_dim3A_943 : f32 to vector<16xf32>
    %swap3A_945 = arith.constant 14 : i32
    %swap3A_946 = arith.index_cast %swap3A_945 : i32 to index
    %swap3A_947 = arith.constant 96 : index
    %swap3A_948 = tpu.vector_load %arg9[%swap3A_946, %swap3A_947] {strides = array<i32>} : memref<16x128xf32, #tpu.memory_space<vmem>>, vector<1x16xf32>,
    %swap3A_949 = vector.shape_cast %swap3A_948 : vector<1x16xf32> to vector<16xf32>
    %swap3A_950 = vector.shape_cast %broadcast_in_dim3A_944 : vector<16xf32> to vector<1x16xf32>
    tpu.vector_store %arg9[%swap3A_946, %swap3A_947], %swap3A_950 {strides = array<i32>} : memref<16x128xf32, #tpu.memory_space<vmem>>, vector<1x16xf32>,
    %broadcast_in_dim3A_951 = arith.constant 0.000000e+00 : f32
    %broadcast_in_dim3A_952 = vector.broadcast %broadcast_in_dim3A_951 : f32 to vector<16xf32>
    %swap3A_953 = arith.constant 14 : i32
    %swap3A_954 = arith.index_cast %swap3A_953 : i32 to index
    %swap3A_955 = arith.constant 112 : index
    %swap3A_956 = tpu.vector_load %arg9[%swap3A_954, %swap3A_955] {strides = array<i32>} : memref<16x128xf32, #tpu.memory_space<vmem>>, vector<1x16xf32>,
    %swap3A_957 = vector.shape_cast %swap3A_956 : vector<1x16xf32> to vector<16xf32>
    %swap3A_958 = vector.shape_cast %broadcast_in_dim3A_952 : vector<16xf32> to vector<1x16xf32>
    tpu.vector_store %arg9[%swap3A_954, %swap3A_955], %swap3A_958 {strides = array<i32>} : memref<16x128xf32, #tpu.memory_space<vmem>>, vector<1x16xf32>,
    %broadcast_in_dim3A_959 = arith.constant 0.000000e+00 : f32
    %broadcast_in_dim3A_960 = vector.broadcast %broadcast_in_dim3A_959 : f32 to vector<16xf32>
    %swap3A_961 = arith.constant 15 : i32
    %swap3A_962 = arith.index_cast %swap3A_961 : i32 to index
    %swap3A_963 = arith.constant 0 : index
    %swap3A_964 = tpu.vector_load %arg9[%swap3A_962, %swap3A_963] {strides = array<i32>} : memref<16x128xf32, #tpu.memory_space<vmem>>, vector<1x16xf32>,
    %swap3A_965 = vector.shape_cast %swap3A_964 : vector<1x16xf32> to vector<16xf32>
    %swap3A_966 = vector.shape_cast %broadcast_in_dim3A_960 : vector<16xf32> to vector<1x16xf32>
    tpu.vector_store %arg9[%swap3A_962, %swap3A_963], %swap3A_966 {strides = array<i32>} : memref<16x128xf32, #tpu.memory_space<vmem>>, vector<1x16xf32>,
    %broadcast_in_dim3A_967 = arith.constant 0.000000e+00 : f32
    %broadcast_in_dim3A_968 = vector.broadcast %broadcast_in_dim3A_967 : f32 to vector<16xf32>
    %swap3A_969 = arith.constant 15 : i32
    %swap3A_970 = arith.index_cast %swap3A_969 : i32 to index
    %swap3A_971 = arith.constant 16 : index
    %swap3A_972 = tpu.vector_load %arg9[%swap3A_970, %swap3A_971] {strides = array<i32>} : memref<16x128xf32, #tpu.memory_space<vmem>>, vector<1x16xf32>,
    %swap3A_973 = vector.shape_cast %swap3A_972 : vector<1x16xf32> to vector<16xf32>
    %swap3A_974 = vector.shape_cast %broadcast_in_dim3A_968 : vector<16xf32> to vector<1x16xf32>
    tpu.vector_store %arg9[%swap3A_970, %swap3A_971], %swap3A_974 {strides = array<i32>} : memref<16x128xf32, #tpu.memory_space<vmem>>, vector<1x16xf32>,
    %broadcast_in_dim3A_975 = arith.constant 0.000000e+00 : f32
    %broadcast_in_dim3A_976 = vector.broadcast %broadcast_in_dim3A_975 : f32 to vector<16xf32>
    %swap3A_977 = arith.constant 15 : i32
    %swap3A_978 = arith.index_cast %swap3A_977 : i32 to index
    %swap3A_979 = arith.constant 32 : index
    %swap3A_980 = tpu.vector_load %arg9[%swap3A_978, %swap3A_979] {strides = array<i32>} : memref<16x128xf32, #tpu.memory_space<vmem>>, vector<1x16xf32>,
    %swap3A_981 = vector.shape_cast %swap3A_980 : vector<1x16xf32> to vector<16xf32>
    %swap3A_982 = vector.shape_cast %broadcast_in_dim3A_976 : vector<16xf32> to vector<1x16xf32>
    tpu.vector_store %arg9[%swap3A_978, %swap3A_979], %swap3A_982 {strides = array<i32>} : memref<16x128xf32, #tpu.memory_space<vmem>>, vector<1x16xf32>,
    %broadcast_in_dim3A_983 = arith.constant 0.000000e+00 : f32
    %broadcast_in_dim3A_984 = vector.broadcast %broadcast_in_dim3A_983 : f32 to vector<16xf32>
    %swap3A_985 = arith.constant 15 : i32
    %swap3A_986 = arith.index_cast %swap3A_985 : i32 to index
    %swap3A_987 = arith.constant 48 : index
    %swap3A_988 = tpu.vector_load %arg9[%swap3A_986, %swap3A_987] {strides = array<i32>} : memref<16x128xf32, #tpu.memory_space<vmem>>, vector<1x16xf32>,
    %swap3A_989 = vector.shape_cast %swap3A_988 : vector<1x16xf32> to vector<16xf32>
    %swap3A_990 = vector.shape_cast %broadcast_in_dim3A_984 : vector<16xf32> to vector<1x16xf32>
    tpu.vector_store %arg9[%swap3A_986, %swap3A_987], %swap3A_990 {strides = array<i32>} : memref<16x128xf32, #tpu.memory_space<vmem>>, vector<1x16xf32>,
    %broadcast_in_dim3A_991 = arith.constant 0.000000e+00 : f32
    %broadcast_in_dim3A_992 = vector.broadcast %broadcast_in_dim3A_991 : f32 to vector<16xf32>
    %swap3A_993 = arith.constant 15 : i32
    %swap3A_994 = arith.index_cast %swap3A_993 : i32 to index
    %swap3A_995 = arith.constant 64 : index
    %swap3A_996 = tpu.vector_load %arg9[%swap3A_994, %swap3A_995] {strides = array<i32>} : memref<16x128xf32, #tpu.memory_space<vmem>>, vector<1x16xf32>,
    %swap3A_997 = vector.shape_cast %swap3A_996 : vector<1x16xf32> to vector<16xf32>
    %swap3A_998 = vector.shape_cast %broadcast_in_dim3A_992 : vector<16xf32> to vector<1x16xf32>
    tpu.vector_store %arg9[%swap3A_994, %swap3A_995], %swap3A_998 {strides = array<i32>} : memref<16x128xf32, #tpu.memory_space<vmem>>, vector<1x16xf32>,
    %broadcast_in_dim3A_999 = arith.constant 0.000000e+00 : f32
    %broadcast_in_dim3A_1000 = vector.broadcast %broadcast_in_dim3A_999 : f32 to vector<16xf32>
    %swap3A_1001 = arith.constant 15 : i32
    %swap3A_1002 = arith.index_cast %swap3A_1001 : i32 to index
    %swap3A_1003 = arith.constant 80 : index
    %swap3A_1004 = tpu.vector_load %arg9[%swap3A_1002, %swap3A_1003] {strides = array<i32>} : memref<16x128xf32, #tpu.memory_space<vmem>>, vector<1x16xf32>,
    %swap3A_1005 = vector.shape_cast %swap3A_1004 : vector<1x16xf32> to vector<16xf32>
    %swap3A_1006 = vector.shape_cast %broadcast_in_dim3A_1000 : vector<16xf32> to vector<1x16xf32>
    tpu.vector_store %arg9[%swap3A_1002, %swap3A_1003], %swap3A_1006 {strides = array<i32>} : memref<16x128xf32, #tpu.memory_space<vmem>>, vector<1x16xf32>,
    %broadcast_in_dim3A_1007 = arith.constant 0.000000e+00 : f32
    %broadcast_in_dim3A_1008 = vector.broadcast %broadcast_in_dim3A_1007 : f32 to vector<16xf32>
    %swap3A_1009 = arith.constant 15 : i32
    %swap3A_1010 = arith.index_cast %swap3A_1009 : i32 to index
    %swap3A_1011 = arith.constant 96 : index
    %swap3A_1012 = tpu.vector_load %arg9[%swap3A_1010, %swap3A_1011] {strides = array<i32>} : memref<16x128xf32, #tpu.memory_space<vmem>>, vector<1x16xf32>,
    %swap3A_1013 = vector.shape_cast %swap3A_1012 : vector<1x16xf32> to vector<16xf32>
    %swap3A_1014 = vector.shape_cast %broadcast_in_dim3A_1008 : vector<16xf32> to vector<1x16xf32>
    tpu.vector_store %arg9[%swap3A_1010, %swap3A_1011], %swap3A_1014 {strides = array<i32>} : memref<16x128xf32, #tpu.memory_space<vmem>>, vector<1x16xf32>,
    %broadcast_in_dim3A_1015 = arith.constant 0.000000e+00 : f32
    %broadcast_in_dim3A_1016 = vector.broadcast %broadcast_in_dim3A_1015 : f32 to vector<16xf32>
    %swap3A_1017 = arith.constant 15 : i32
    %swap3A_1018 = arith.index_cast %swap3A_1017 : i32 to index
    %swap3A_1019 = arith.constant 112 : index
    %swap3A_1020 = tpu.vector_load %arg9[%swap3A_1018, %swap3A_1019] {strides = array<i32>} : memref<16x128xf32, #tpu.memory_space<vmem>>, vector<1x16xf32>,
    %swap3A_1021 = vector.shape_cast %swap3A_1020 : vector<1x16xf32> to vector<16xf32>
    %swap3A_1022 = vector.shape_cast %broadcast_in_dim3A_1016 : vector<16xf32> to vector<1x16xf32>
    tpu.vector_store %arg9[%swap3A_1018, %swap3A_1019], %swap3A_1022 {strides = array<i32>} : memref<16x128xf32, #tpu.memory_space<vmem>>, vector<1x16xf32>,
    %mul3A_1023 = arith.constant 16 : i32
    %mul3A_1024 = arith.muli %arg1, %mul3A_1023 : i32
    "tpu.region"() ({
      %run_scoped3A_1049 = tpu.sem_alloc : memref<!tpu.dma_semaphore, #tpu.memory_space<semaphore_mem>>
      %dma_start3A_1050 = arith.constant 0 : i32
      %dma_start3A_1051 = tpu.memref_slice %arg10[%mul3A_1024, %dma_start3A_1050] : memref<256x128xf32, #tpu.memory_space<vmem_shared>> -> memref<16x128xf32, #tpu.memory_space<vmem_shared>>
      %dma_start3A_1052 = arith.constant 0 : i32
      %dma_start3A_1053 = tpu.memref_slice %arg10[%mul3A_1024, %dma_start3A_1052] : memref<256x128xf32, #tpu.memory_space<vmem_shared>> -> memref<16x128xf32, #tpu.memory_space<vmem_shared>>
      tpu.enqueue_dma source(%arg9 : memref<16x128xf32, #tpu.memory_space<vmem>>) target(%dma_start3A_1053 : memref<16x128xf32, #tpu.memory_space<vmem_shared>>) target_semaphore(%run_scoped3A_1049 : memref<!tpu.dma_semaphore, #tpu.memory_space<semaphore_mem>>)
      %dma_wait3A_1054 = arith.constant 0 : i32
      %dma_wait3A_1055 = tpu.memref_slice %arg10[%mul3A_1024, %dma_wait3A_1054] : memref<256x128xf32, #tpu.memory_space<vmem_shared>> -> memref<16x128xf32, #tpu.memory_space<vmem_shared>>
      %dma_wait3A_1056 = arith.constant 0 : i32
      %dma_wait3A_1057 = tpu.memref_slice %arg10[%mul3A_1024, %dma_wait3A_1056] : memref<256x128xf32, #tpu.memory_space<vmem_shared>> -> memref<16x128xf32, #tpu.memory_space<vmem_shared>>
      tpu.wait_dma2 semaphore(%run_scoped3A_1049 : memref<!tpu.dma_semaphore, #tpu.memory_space<semaphore_mem>>) src(%arg9 : memref<16x128xf32, #tpu.memory_space<vmem>>) dst(%dma_wait3A_1057 : memref<16x128xf32, #tpu.memory_space<vmem_shared>>)
      tpu.yield
    }) : () -> ()
    %mul3A_1025 = arith.constant 1 : i32
    %mul3A_1026 = arith.muli %add3A, %mul3A_1025 : i32
    "tpu.region"() ({
      %run_scoped3A_1049 = tpu.sem_alloc : memref<!tpu.dma_semaphore, #tpu.memory_space<semaphore_mem>>
      %dma_start3A_1050 = arith.constant 0 : i32
      %dma_start3A_1051 = tpu.memref_slice %arg3[%mul3A_1026, %dma_start3A_1050] : memref<32x128xi32, #tpu.memory_space<hbm>> -> memref<1x128xi32, #tpu.memory_space<hbm>>
      %dma_start3A_1052 = arith.constant 0 : i32
      %dma_start3A_1053 = tpu.memref_slice %arg3[%mul3A_1026, %dma_start3A_1052] : memref<32x128xi32, #tpu.memory_space<hbm>> -> memref<1x128xi32, #tpu.memory_space<hbm>>
      tpu.enqueue_dma source(%dma_start3A_1053 : memref<1x128xi32, #tpu.memory_space<hbm>>) target(%arg6 : memref<1x128xi32, #tpu.memory_space<vmem>>) target_semaphore(%run_scoped3A_1049 : memref<!tpu.dma_semaphore, #tpu.memory_space<semaphore_mem>>)
      %dma_wait3A_1054 = arith.constant 0 : i32
      %dma_wait3A_1055 = tpu.memref_slice %arg3[%mul3A_1026, %dma_wait3A_1054] : memref<32x128xi32, #tpu.memory_space<hbm>> -> memref<1x128xi32, #tpu.memory_space<hbm>>
      %dma_wait3A_1056 = arith.constant 0 : i32
      %dma_wait3A_1057 = tpu.memref_slice %arg3[%mul3A_1026, %dma_wait3A_1056] : memref<32x128xi32, #tpu.memory_space<hbm>> -> memref<1x128xi32, #tpu.memory_space<hbm>>
      tpu.wait_dma2 semaphore(%run_scoped3A_1049 : memref<!tpu.dma_semaphore, #tpu.memory_space<semaphore_mem>>) src(%dma_wait3A_1057 : memref<1x128xi32, #tpu.memory_space<hbm>>) dst(%arg6 : memref<1x128xi32, #tpu.memory_space<vmem>>)
      tpu.yield
    }) : () -> ()
    %mul3A_1027 = arith.constant 1 : i32
    %mul3A_1028 = arith.muli %add3A, %mul3A_1027 : i32
    "tpu.region"() ({
      %run_scoped3A_1049 = tpu.sem_alloc : memref<!tpu.dma_semaphore, #tpu.memory_space<semaphore_mem>>
      %dma_start3A_1050 = arith.constant 0 : i32
      %dma_start3A_1051 = tpu.memref_slice %arg4[%mul3A_1028, %dma_start3A_1050] : memref<32x128xi32, #tpu.memory_space<hbm>> -> memref<1x128xi32, #tpu.memory_space<hbm>>
      %dma_start3A_1052 = arith.constant 0 : i32
      %dma_start3A_1053 = tpu.memref_slice %arg4[%mul3A_1028, %dma_start3A_1052] : memref<32x128xi32, #tpu.memory_space<hbm>> -> memref<1x128xi32, #tpu.memory_space<hbm>>
      tpu.enqueue_dma source(%dma_start3A_1053 : memref<1x128xi32, #tpu.memory_space<hbm>>) target(%arg7 : memref<1x128xi32, #tpu.memory_space<vmem>>) target_semaphore(%run_scoped3A_1049 : memref<!tpu.dma_semaphore, #tpu.memory_space<semaphore_mem>>)
      %dma_wait3A_1054 = arith.constant 0 : i32
      %dma_wait3A_1055 = tpu.memref_slice %arg4[%mul3A_1028, %dma_wait3A_1054] : memref<32x128xi32, #tpu.memory_space<hbm>> -> memref<1x128xi32, #tpu.memory_space<hbm>>
      %dma_wait3A_1056 = arith.constant 0 : i32
      %dma_wait3A_1057 = tpu.memref_slice %arg4[%mul3A_1028, %dma_wait3A_1056] : memref<32x128xi32, #tpu.memory_space<hbm>> -> memref<1x128xi32, #tpu.memory_space<hbm>>
      tpu.wait_dma2 semaphore(%run_scoped3A_1049 : memref<!tpu.dma_semaphore, #tpu.memory_space<semaphore_mem>>) src(%dma_wait3A_1057 : memref<1x128xi32, #tpu.memory_space<hbm>>) dst(%arg7 : memref<1x128xi32, #tpu.memory_space<vmem>>)
      tpu.yield
    }) : () -> ()
    %barrier3A = arith.constant 0 : index
    tpu.barrier barrier_id(%barrier3A)
    %dma_start3A = arith.constant 0 : i32
    %dma_start3A_1029 = arith.constant 0 : i32
    %dma_start3A_1030 = tpu.memref_slice %arg6[%dma_start3A, %dma_start3A_1029] : memref<1x128xi32, #tpu.memory_space<vmem>> -> memref<1x128xi32, #tpu.memory_space<vmem>>
    %dma_start3A_1031 = tpu.memref_squeeze %dma_start3A_1030 : memref<1x128xi32, #tpu.memory_space<vmem>> -> memref<128xi32, #tpu.memory_space<vmem>>
    %dma_start3A_1032 = arith.constant 0 : i32
    %dma_start3A_1033 = arith.constant 0 : i32
    %dma_start3A_1034 = tpu.memref_slice %arg2[%dma_start3A_1032, %dma_start3A_1033] : memref<256x128xf32, #tpu.memory_space<hbm>> -> memref<256x128xf32, #tpu.memory_space<hbm>>
    tpu.enqueue_indirect_dma source(%dma_start3A_1034 : memref<256x128xf32, #tpu.memory_space<hbm>>) target(%arg8 : memref<128x128xf32, #tpu.memory_space<vmem>>) offsets(%dma_start3A_1031 : memref<128xi32, #tpu.memory_space<vmem>>) semaphore(%arg11 : memref<!tpu.dma_semaphore, #tpu.memory_space<semaphore_mem>>)
    %dma_wait3A = arith.constant 0 : i32
    %dma_wait3A_1035 = arith.constant 0 : i32
    %dma_wait3A_1036 = tpu.memref_slice %arg6[%dma_wait3A, %dma_wait3A_1035] : memref<1x128xi32, #tpu.memory_space<vmem>> -> memref<1x128xi32, #tpu.memory_space<vmem>>
    %dma_wait3A_1037 = tpu.memref_squeeze %dma_wait3A_1036 : memref<1x128xi32, #tpu.memory_space<vmem>> -> memref<128xi32, #tpu.memory_space<vmem>>
    %dma_wait3A_1038 = arith.constant 0 : i32
    %dma_wait3A_1039 = arith.constant 0 : i32
    %dma_wait3A_1040 = tpu.memref_slice %arg2[%dma_wait3A_1038, %dma_wait3A_1039] : memref<256x128xf32, #tpu.memory_space<hbm>> -> memref<256x128xf32, #tpu.memory_space<hbm>>
    tpu.wait_indirect_dma semaphore(%arg11 : memref<!tpu.dma_semaphore, #tpu.memory_space<semaphore_mem>>) src(%dma_wait3A_1040 : memref<256x128xf32, #tpu.memory_space<hbm>>) dst(%arg8 : memref<128x128xf32, #tpu.memory_space<vmem>>)
    %run_scoped3A = arith.constant 0 : i32
    "tpu.region"() ({
      %run_scoped3A_1049 = tpu.sem_alloc : memref<!tpu.dma_semaphore, #tpu.memory_space<semaphore_mem>>
      %dma_start3A_1050 = arith.constant 0 : i32
      %dma_start3A_1051 = tpu.memref_slice %arg7[%run_scoped3A, %dma_start3A_1050] : memref<1x128xi32, #tpu.memory_space<vmem>> -> memref<1x128xi32, #tpu.memory_space<vmem>>
      %dma_start3A_1052 = tpu.memref_squeeze %dma_start3A_1051 : memref<1x128xi32, #tpu.memory_space<vmem>> -> memref<128xi32, #tpu.memory_space<vmem>>
      %dma_start3A_1053 = arith.constant 0 : i32
      %dma_start3A_1054 = arith.constant 0 : i32
      %dma_start3A_1055 = tpu.memref_slice %arg10[%dma_start3A_1053, %dma_start3A_1054] : memref<256x128xf32, #tpu.memory_space<vmem_shared>> -> memref<256x128xf32, #tpu.memory_space<vmem_shared>>
      tpu.enqueue_indirect_dma source(%arg8 : memref<128x128xf32, #tpu.memory_space<vmem>>) target(%dma_start3A_1055 : memref<256x128xf32, #tpu.memory_space<vmem_shared>>) offsets(%dma_start3A_1052 : memref<128xi32, #tpu.memory_space<vmem>>) semaphore(%run_scoped3A_1049 : memref<!tpu.dma_semaphore, #tpu.memory_space<semaphore_mem>>) {add = true}
      %dma_wait3A_1056 = arith.constant 0 : i32
      %dma_wait3A_1057 = tpu.memref_slice %arg7[%run_scoped3A, %dma_wait3A_1056] : memref<1x128xi32, #tpu.memory_space<vmem>> -> memref<1x128xi32, #tpu.memory_space<vmem>>
      %dma_wait3A_1058 = tpu.memref_squeeze %dma_wait3A_1057 : memref<1x128xi32, #tpu.memory_space<vmem>> -> memref<128xi32, #tpu.memory_space<vmem>>
      %dma_wait3A_1059 = arith.constant 0 : i32
      %dma_wait3A_1060 = arith.constant 0 : i32
      %dma_wait3A_1061 = tpu.memref_slice %arg10[%dma_wait3A_1059, %dma_wait3A_1060] : memref<256x128xf32, #tpu.memory_space<vmem_shared>> -> memref<256x128xf32, #tpu.memory_space<vmem_shared>>
      tpu.wait_indirect_dma semaphore(%run_scoped3A_1049 : memref<!tpu.dma_semaphore, #tpu.memory_space<semaphore_mem>>) src(%arg8 : memref<128x128xf32, #tpu.memory_space<vmem>>) dst(%dma_wait3A_1061 : memref<256x128xf32, #tpu.memory_space<vmem_shared>>)
      tpu.yield
    }) : () -> ()
    %barrier3A_1041 = arith.constant 0 : index
    tpu.barrier barrier_id(%barrier3A_1041)
    %mul3A_1042 = arith.constant 16 : i32
    %mul3A_1043 = arith.muli %arg1, %mul3A_1042 : i32
    %mul3A_1044 = arith.constant 256 : i32
    %mul3A_1045 = arith.muli %arg0, %mul3A_1044 : i32
    %mul3A_1046 = arith.constant 16 : i32
    %mul3A_1047 = arith.muli %arg1, %mul3A_1046 : i32
    %add3A_1048 = arith.addi %mul3A_1045, %mul3A_1047 : i32
    "tpu.region"() ({
      %run_scoped3A_1049 = tpu.sem_alloc : memref<!tpu.dma_semaphore, #tpu.memory_space<semaphore_mem>>
      %dma_start3A_1050 = arith.constant 0 : i32
      %dma_start3A_1051 = tpu.memref_slice %arg5[%add3A_1048, %dma_start3A_1050] : memref<512x128xf32, #tpu.memory_space<hbm>> -> memref<16x128xf32, #tpu.memory_space<hbm>>
      %dma_start3A_1052 = arith.constant 0 : i32
      %dma_start3A_1053 = tpu.memref_slice %arg10[%mul3A_1043, %dma_start3A_1052] : memref<256x128xf32, #tpu.memory_space<vmem_shared>> -> memref<16x128xf32, #tpu.memory_space<vmem_shared>>
      tpu.enqueue_dma source(%dma_start3A_1053 : memref<16x128xf32, #tpu.memory_space<vmem_shared>>) target(%dma_start3A_1051 : memref<16x128xf32, #tpu.memory_space<hbm>>) target_semaphore(%run_scoped3A_1049 : memref<!tpu.dma_semaphore, #tpu.memory_space<semaphore_mem>>)
      %dma_wait3A_1054 = arith.constant 0 : i32
      %dma_wait3A_1055 = tpu.memref_slice %arg5[%add3A_1048, %dma_wait3A_1054] : memref<512x128xf32, #tpu.memory_space<hbm>> -> memref<16x128xf32, #tpu.memory_space<hbm>>
      %dma_wait3A_1056 = arith.constant 0 : i32
      %dma_wait3A_1057 = tpu.memref_slice %arg10[%mul3A_1043, %dma_wait3A_1056] : memref<256x128xf32, #tpu.memory_space<vmem_shared>> -> memref<16x128xf32, #tpu.memory_space<vmem_shared>>
      tpu.wait_dma2 semaphore(%run_scoped3A_1049 : memref<!tpu.dma_semaphore, #tpu.memory_space<semaphore_mem>>) src(%dma_wait3A_1057 : memref<16x128xf32, #tpu.memory_space<vmem_shared>>) dst(%dma_wait3A_1055 : memref<16x128xf32, #tpu.memory_space<hbm>>)
      tpu.yield
    }) : () -> ()
    return
  }
}

module attributes {stable_mosaic.version = 14 : i64} {
  func.func @_gcn_pre_body(%arg0: memref<512x128xf32, #tpu.memory_space<vmem>>, %arg1: memref<1x8192xi32, #tpu.memory_space<vmem>>, %arg2: memref<128x64xf32, #tpu.memory_space<vmem>>, %arg3: memref<512x128xf32, #tpu.memory_space<vmem>>, %arg4: memref<512x64xf32, #tpu.memory_space<vmem>>, %arg5: memref<512x1xf32, #tpu.memory_space<vmem>>) attributes {dimension_semantics = [], scalar_prefetch = 0 : i64, scratch_operands = 0 : i64, tpu.core_type = #tpu.core_type<tc>} {
    %get3A = arith.constant 0 : index
    %get3A_0 = arith.constant 0 : index
    %get3A_1 = vector.load %arg0[%get3A, %get3A_0] : memref<512x128xf32, #tpu.memory_space<vmem>>, vector<512x128xf32>
    %get3A_2 = arith.constant 0 : index
    %get3A_3 = arith.constant 0 : index
    %get3A_4 = vector.load %arg2[%get3A_2, %get3A_3] : memref<128x64xf32, #tpu.memory_space<vmem>>, vector<128x64xf32>
    %convert_element_type3A = arith.truncf %get3A_1 : vector<512x128xf32> to vector<512x128xbf16>
    %convert_element_type3A_5 = arith.truncf %get3A_4 : vector<128x64xf32> to vector<128x64xbf16>
    %dot_general3A = arith.constant dense<0.000000e+00> : vector<512x64xf32>
    %dot_general3A_6 = tpu.matmul %convert_element_type3A, %convert_element_type3A_5, %dot_general3A {dimension_numbers = #tpu.dot_dimension_numbers<[1], [0], [0], [1], [0, 0, 1, 1], [], []>, transpose_lhs_hint = false} : vector<512x128xbf16>, vector<128x64xbf16>, vector<512x64xf32> -> vector<512x64xf32>
    %broadcast_in_dim3A = arith.constant 0.000000e+00 : f32
    %broadcast_in_dim3A_7 = vector.broadcast %broadcast_in_dim3A : f32 to vector<512x1xf32>
    %get3A_8 = arith.constant 0 : index
    %get3A_9 = arith.constant 0 : index
    %get3A_10 = vector.load %arg1[%get3A_8, %get3A_9] : memref<1x8192xi32, #tpu.memory_space<vmem>>, vector<1x2048xi32>
    %iota3A = tpu.iota {dimensions = array<i32: 0>} : vector<512x2048xi32>
    %eq3A = vector.broadcast %get3A_10 : vector<1x2048xi32> to vector<512x2048xi32>
    %eq3A_11 = arith.cmpi eq, %iota3A, %eq3A : vector<512x2048xi32>
    %convert_element_type3A_12 = arith.extui %eq3A_11 : vector<512x2048xi1> to vector<512x2048xi32>
    %convert_element_type3A_13 = arith.sitofp %convert_element_type3A_12 : vector<512x2048xi32> to vector<512x2048xf32>
    %reduce_sum3A = arith.constant dense<0.000000e+00> : vector<512xf32>
    %reduce_sum3A_14 = vector.multi_reduction <add>, %convert_element_type3A_13, %reduce_sum3A [1] : vector<512x2048xf32> to vector<512xf32>
    %broadcast_in_dim3A_15 = vector.shape_cast %reduce_sum3A_14 : vector<512xf32> to vector<512x1xf32>
    %add3A = arith.addf %broadcast_in_dim3A_7, %broadcast_in_dim3A_15 : vector<512x1xf32>
    %get3A_16 = arith.constant 0 : index
    %get3A_17 = arith.constant 2048 : index
    %get3A_18 = vector.load %arg1[%get3A_16, %get3A_17] : memref<1x8192xi32, #tpu.memory_space<vmem>>, vector<1x2048xi32>
    %iota3A_19 = tpu.iota {dimensions = array<i32: 0>} : vector<512x2048xi32>
    %eq3A_20 = vector.broadcast %get3A_18 : vector<1x2048xi32> to vector<512x2048xi32>
    %eq3A_21 = arith.cmpi eq, %iota3A_19, %eq3A_20 : vector<512x2048xi32>
    %convert_element_type3A_22 = arith.extui %eq3A_21 : vector<512x2048xi1> to vector<512x2048xi32>
    %convert_element_type3A_23 = arith.sitofp %convert_element_type3A_22 : vector<512x2048xi32> to vector<512x2048xf32>
    %reduce_sum3A_24 = arith.constant dense<0.000000e+00> : vector<512xf32>
    %reduce_sum3A_25 = vector.multi_reduction <add>, %convert_element_type3A_23, %reduce_sum3A_24 [1] : vector<512x2048xf32> to vector<512xf32>
    %broadcast_in_dim3A_26 = vector.shape_cast %reduce_sum3A_25 : vector<512xf32> to vector<512x1xf32>
    %add3A_27 = arith.addf %add3A, %broadcast_in_dim3A_26 : vector<512x1xf32>
    %get3A_28 = arith.constant 0 : index
    %get3A_29 = arith.constant 4096 : index
    %get3A_30 = vector.load %arg1[%get3A_28, %get3A_29] : memref<1x8192xi32, #tpu.memory_space<vmem>>, vector<1x2048xi32>
    %iota3A_31 = tpu.iota {dimensions = array<i32: 0>} : vector<512x2048xi32>
    %eq3A_32 = vector.broadcast %get3A_30 : vector<1x2048xi32> to vector<512x2048xi32>
    %eq3A_33 = arith.cmpi eq, %iota3A_31, %eq3A_32 : vector<512x2048xi32>
    %convert_element_type3A_34 = arith.extui %eq3A_33 : vector<512x2048xi1> to vector<512x2048xi32>
    %convert_element_type3A_35 = arith.sitofp %convert_element_type3A_34 : vector<512x2048xi32> to vector<512x2048xf32>
    %reduce_sum3A_36 = arith.constant dense<0.000000e+00> : vector<512xf32>
    %reduce_sum3A_37 = vector.multi_reduction <add>, %convert_element_type3A_35, %reduce_sum3A_36 [1] : vector<512x2048xf32> to vector<512xf32>
    %broadcast_in_dim3A_38 = vector.shape_cast %reduce_sum3A_37 : vector<512xf32> to vector<512x1xf32>
    %add3A_39 = arith.addf %add3A_27, %broadcast_in_dim3A_38 : vector<512x1xf32>
    %get3A_40 = arith.constant 0 : index
    %get3A_41 = arith.constant 6144 : index
    %get3A_42 = vector.load %arg1[%get3A_40, %get3A_41] : memref<1x8192xi32, #tpu.memory_space<vmem>>, vector<1x2048xi32>
    %iota3A_43 = tpu.iota {dimensions = array<i32: 0>} : vector<512x2048xi32>
    %eq3A_44 = vector.broadcast %get3A_42 : vector<1x2048xi32> to vector<512x2048xi32>
    %eq3A_45 = arith.cmpi eq, %iota3A_43, %eq3A_44 : vector<512x2048xi32>
    %convert_element_type3A_46 = arith.extui %eq3A_45 : vector<512x2048xi1> to vector<512x2048xi32>
    %convert_element_type3A_47 = arith.sitofp %convert_element_type3A_46 : vector<512x2048xi32> to vector<512x2048xf32>
    %reduce_sum3A_48 = arith.constant dense<0.000000e+00> : vector<512xf32>
    %reduce_sum3A_49 = vector.multi_reduction <add>, %convert_element_type3A_47, %reduce_sum3A_48 [1] : vector<512x2048xf32> to vector<512xf32>
    %broadcast_in_dim3A_50 = vector.shape_cast %reduce_sum3A_49 : vector<512xf32> to vector<512x1xf32>
    %add3A_51 = arith.addf %add3A_39, %broadcast_in_dim3A_50 : vector<512x1xf32>
    %add3A_52 = arith.constant 1.000000e+00 : f32
    %add3A_53 = vector.broadcast %add3A_52 : f32 to vector<512x1xf32>
    %add3A_54 = arith.addf %add3A_51, %add3A_53 : vector<512x1xf32>
    %rsqrt3A = math.rsqrt %add3A_54 : vector<512x1xf32>
    %mul3A = vector.broadcast %rsqrt3A : vector<512x1xf32> to vector<512x64xf32>
    %mul3A_55 = arith.mulf %dot_general3A_6, %mul3A : vector<512x64xf32>
    %broadcast_in_dim3A_56 = arith.constant 0.000000e+00 : f32
    %broadcast_in_dim3A_57 = vector.broadcast %broadcast_in_dim3A_56 : f32 to vector<512x64xf32>
    %concatenate3A = tpu.concatenate %mul3A_55, %broadcast_in_dim3A_57 in 1 : vector<512x64xf32>, vector<512x64xf32> -> vector<512x128xf32>
    %swap3A = arith.constant 0 : index
    %swap3A_58 = arith.constant 0 : index
    %swap3A_59 = vector.load %arg3[%swap3A, %swap3A_58] : memref<512x128xf32, #tpu.memory_space<vmem>>, vector<512x128xf32>
    tpu.vector_store %arg3[%swap3A, %swap3A_58], %concatenate3A {strides = array<i32>} : memref<512x128xf32, #tpu.memory_space<vmem>>, vector<512x128xf32>,
    %swap3A_60 = arith.constant 0 : index
    %swap3A_61 = arith.constant 0 : index
    %swap3A_62 = vector.load %arg4[%swap3A_60, %swap3A_61] : memref<512x64xf32, #tpu.memory_space<vmem>>, vector<512x64xf32>
    tpu.vector_store %arg4[%swap3A_60, %swap3A_61], %dot_general3A_6 {strides = array<i32>} : memref<512x64xf32, #tpu.memory_space<vmem>>, vector<512x64xf32>,
    %swap3A_63 = arith.constant 0 : index
    %swap3A_64 = arith.constant 0 : index
    %swap3A_65 = vector.load %arg5[%swap3A_63, %swap3A_64] : memref<512x1xf32, #tpu.memory_space<vmem>>, vector<512x1xf32>
    tpu.vector_store %arg5[%swap3A_63, %swap3A_64], %rsqrt3A {strides = array<i32>} : memref<512x1xf32, #tpu.memory_space<vmem>>, vector<512x1xf32>,
    return
  }
}

module attributes {stable_mosaic.version = 14 : i64} {
  func.func @_gcn_pre_body(%arg0: memref<256x128xf32, #tpu.memory_space<vmem>>, %arg1: memref<1x4096xi32, #tpu.memory_space<vmem>>, %arg2: memref<128x64xf32, #tpu.memory_space<vmem>>, %arg3: memref<256x128xf32, #tpu.memory_space<vmem>>, %arg4: memref<256x64xf32, #tpu.memory_space<vmem>>, %arg5: memref<256x1xf32, #tpu.memory_space<vmem>>) attributes {dimension_semantics = [], scalar_prefetch = 0 : i64, scratch_operands = 0 : i64, tpu.core_type = #tpu.core_type<tc>} {
    %get3A = arith.constant 0 : index
    %get3A_0 = arith.constant 0 : index
    %get3A_1 = vector.load %arg0[%get3A, %get3A_0] : memref<256x128xf32, #tpu.memory_space<vmem>>, vector<256x128xf32>
    %get3A_2 = arith.constant 0 : index
    %get3A_3 = arith.constant 0 : index
    %get3A_4 = vector.load %arg2[%get3A_2, %get3A_3] : memref<128x64xf32, #tpu.memory_space<vmem>>, vector<128x64xf32>
    %convert_element_type3A = arith.truncf %get3A_1 : vector<256x128xf32> to vector<256x128xbf16>
    %convert_element_type3A_5 = arith.truncf %get3A_4 : vector<128x64xf32> to vector<128x64xbf16>
    %dot_general3A = arith.constant dense<0.000000e+00> : vector<256x64xf32>
    %dot_general3A_6 = tpu.matmul %convert_element_type3A, %convert_element_type3A_5, %dot_general3A {dimension_numbers = #tpu.dot_dimension_numbers<[1], [0], [0], [1], [0, 0, 1, 1], [], []>, transpose_lhs_hint = false} : vector<256x128xbf16>, vector<128x64xbf16>, vector<256x64xf32> -> vector<256x64xf32>
    %broadcast_in_dim3A = arith.constant 0.000000e+00 : f32
    %broadcast_in_dim3A_7 = vector.broadcast %broadcast_in_dim3A : f32 to vector<256x1xf32>
    %get3A_8 = arith.constant 0 : index
    %get3A_9 = arith.constant 0 : index
    %get3A_10 = vector.load %arg1[%get3A_8, %get3A_9] : memref<1x4096xi32, #tpu.memory_space<vmem>>, vector<1x2048xi32>
    %iota3A = tpu.iota {dimensions = array<i32: 0>} : vector<256x2048xi32>
    %eq3A = vector.broadcast %get3A_10 : vector<1x2048xi32> to vector<256x2048xi32>
    %eq3A_11 = arith.cmpi eq, %iota3A, %eq3A : vector<256x2048xi32>
    %convert_element_type3A_12 = arith.extui %eq3A_11 : vector<256x2048xi1> to vector<256x2048xi32>
    %convert_element_type3A_13 = arith.sitofp %convert_element_type3A_12 : vector<256x2048xi32> to vector<256x2048xf32>
    %reduce_sum3A = arith.constant dense<0.000000e+00> : vector<256xf32>
    %reduce_sum3A_14 = vector.multi_reduction <add>, %convert_element_type3A_13, %reduce_sum3A [1] : vector<256x2048xf32> to vector<256xf32>
    %broadcast_in_dim3A_15 = vector.shape_cast %reduce_sum3A_14 : vector<256xf32> to vector<256x1xf32>
    %add3A = arith.addf %broadcast_in_dim3A_7, %broadcast_in_dim3A_15 : vector<256x1xf32>
    %get3A_16 = arith.constant 0 : index
    %get3A_17 = arith.constant 2048 : index
    %get3A_18 = vector.load %arg1[%get3A_16, %get3A_17] : memref<1x4096xi32, #tpu.memory_space<vmem>>, vector<1x2048xi32>
    %iota3A_19 = tpu.iota {dimensions = array<i32: 0>} : vector<256x2048xi32>
    %eq3A_20 = vector.broadcast %get3A_18 : vector<1x2048xi32> to vector<256x2048xi32>
    %eq3A_21 = arith.cmpi eq, %iota3A_19, %eq3A_20 : vector<256x2048xi32>
    %convert_element_type3A_22 = arith.extui %eq3A_21 : vector<256x2048xi1> to vector<256x2048xi32>
    %convert_element_type3A_23 = arith.sitofp %convert_element_type3A_22 : vector<256x2048xi32> to vector<256x2048xf32>
    %reduce_sum3A_24 = arith.constant dense<0.000000e+00> : vector<256xf32>
    %reduce_sum3A_25 = vector.multi_reduction <add>, %convert_element_type3A_23, %reduce_sum3A_24 [1] : vector<256x2048xf32> to vector<256xf32>
    %broadcast_in_dim3A_26 = vector.shape_cast %reduce_sum3A_25 : vector<256xf32> to vector<256x1xf32>
    %add3A_27 = arith.addf %add3A, %broadcast_in_dim3A_26 : vector<256x1xf32>
    %add3A_28 = arith.constant 1.000000e+00 : f32
    %add3A_29 = vector.broadcast %add3A_28 : f32 to vector<256x1xf32>
    %add3A_30 = arith.addf %add3A_27, %add3A_29 : vector<256x1xf32>
    %rsqrt3A = math.rsqrt %add3A_30 : vector<256x1xf32>
    %mul3A = vector.broadcast %rsqrt3A : vector<256x1xf32> to vector<256x64xf32>
    %mul3A_31 = arith.mulf %dot_general3A_6, %mul3A : vector<256x64xf32>
    %broadcast_in_dim3A_32 = arith.constant 0.000000e+00 : f32
    %broadcast_in_dim3A_33 = vector.broadcast %broadcast_in_dim3A_32 : f32 to vector<256x64xf32>
    %concatenate3A = tpu.concatenate %mul3A_31, %broadcast_in_dim3A_33 in 1 : vector<256x64xf32>, vector<256x64xf32> -> vector<256x128xf32>
    %swap3A = arith.constant 0 : index
    %swap3A_34 = arith.constant 0 : index
    %swap3A_35 = vector.load %arg3[%swap3A, %swap3A_34] : memref<256x128xf32, #tpu.memory_space<vmem>>, vector<256x128xf32>
    tpu.vector_store %arg3[%swap3A, %swap3A_34], %concatenate3A {strides = array<i32>} : memref<256x128xf32, #tpu.memory_space<vmem>>, vector<256x128xf32>,
    %swap3A_36 = arith.constant 0 : index
    %swap3A_37 = arith.constant 0 : index
    %swap3A_38 = vector.load %arg4[%swap3A_36, %swap3A_37] : memref<256x64xf32, #tpu.memory_space<vmem>>, vector<256x64xf32>
    tpu.vector_store %arg4[%swap3A_36, %swap3A_37], %dot_general3A_6 {strides = array<i32>} : memref<256x64xf32, #tpu.memory_space<vmem>>, vector<256x64xf32>,
    %swap3A_39 = arith.constant 0 : index
    %swap3A_40 = arith.constant 0 : index
    %swap3A_41 = vector.load %arg5[%swap3A_39, %swap3A_40] : memref<256x1xf32, #tpu.memory_space<vmem>>, vector<256x1xf32>
    tpu.vector_store %arg5[%swap3A_39, %swap3A_40], %rsqrt3A {strides = array<i32>} : memref<256x1xf32, #tpu.memory_space<vmem>>, vector<256x1xf32>,
    return
  }
}

module attributes {stable_mosaic.version = 14 : i64} {
  func.func @_gcn_post_body(%arg0: memref<1024x128xf32, #tpu.memory_space<vmem>>, %arg1: memref<512x64xf32, #tpu.memory_space<vmem>>, %arg2: memref<512x1xf32, #tpu.memory_space<vmem>>, %arg3: memref<64xf32, #tpu.memory_space<vmem>>, %arg4: memref<64xf32, #tpu.memory_space<vmem>>, %arg5: memref<64xf32, #tpu.memory_space<vmem>>, %arg6: memref<512x64xf32, #tpu.memory_space<vmem>>) attributes {dimension_semantics = [], scalar_prefetch = 0 : i64, scratch_operands = 0 : i64, tpu.core_type = #tpu.core_type<tc>} {
    %get3A = arith.constant 0 : index
    %get3A_0 = arith.constant 0 : index
    %get3A_1 = vector.load %arg2[%get3A, %get3A_0] : memref<512x1xf32, #tpu.memory_space<vmem>>, vector<512x1xf32>
    %get3A_2 = arith.constant 0 : index
    %get3A_3 = arith.constant 0 : index
    %get3A_4 = vector.load %arg1[%get3A_2, %get3A_3] : memref<512x64xf32, #tpu.memory_space<vmem>>, vector<512x64xf32>
    %get3A_5 = arith.constant 0 : index
    %get3A_6 = arith.constant 0 : index
    %get3A_7 = vector.load %arg0[%get3A_5, %get3A_6] : memref<1024x128xf32, #tpu.memory_space<vmem>>, vector<512x64xf32>
    %get3A_8 = arith.constant 512 : index
    %get3A_9 = arith.constant 0 : index
    %get3A_10 = vector.load %arg0[%get3A_8, %get3A_9] : memref<1024x128xf32, #tpu.memory_space<vmem>>, vector<512x64xf32>
    %add3A = arith.addf %get3A_7, %get3A_10 : vector<512x64xf32>
    %mul3A = vector.broadcast %get3A_1 : vector<512x1xf32> to vector<512x64xf32>
    %mul3A_11 = arith.mulf %mul3A, %add3A : vector<512x64xf32>
    %mul3A_12 = arith.mulf %get3A_1, %get3A_1 : vector<512x1xf32>
    %mul3A_13 = vector.broadcast %mul3A_12 : vector<512x1xf32> to vector<512x64xf32>
    %mul3A_14 = arith.mulf %mul3A_13, %get3A_4 : vector<512x64xf32>
    %add3A_15 = arith.addf %mul3A_11, %mul3A_14 : vector<512x64xf32>
    %get3A_16 = arith.constant 0 : index
    %get3A_17 = vector.load %arg3[%get3A_16] : memref<64xf32, #tpu.memory_space<vmem>>, vector<64xf32>
    %broadcast_in_dim3A = vector.shape_cast %get3A_17 : vector<64xf32> to vector<1x64xf32>
    %add3A_18 = vector.broadcast %broadcast_in_dim3A : vector<1x64xf32> to vector<512x64xf32>
    %add3A_19 = arith.addf %add3A_15, %add3A_18 : vector<512x64xf32>
    %get3A_20 = arith.constant 0 : index
    %get3A_21 = vector.load %arg4[%get3A_20] : memref<64xf32, #tpu.memory_space<vmem>>, vector<64xf32>
    %get3A_22 = arith.constant 0 : index
    %get3A_23 = vector.load %arg5[%get3A_22] : memref<64xf32, #tpu.memory_space<vmem>>, vector<64xf32>
    %reduce_sum3A = arith.constant dense<0.000000e+00> : vector<64xf32>
    %reduce_sum3A_24 = vector.multi_reduction <add>, %add3A_19, %reduce_sum3A [0] : vector<512x64xf32> to vector<64xf32>
    %broadcast_in_dim3A_25 = vector.shape_cast %reduce_sum3A_24 : vector<64xf32> to vector<1x64xf32>
    %div3A = arith.constant 5.120000e+02 : f32
    %div3A_26 = vector.broadcast %div3A : f32 to vector<1x64xf32>
    %div3A_27 = arith.divf %broadcast_in_dim3A_25, %div3A_26 : vector<1x64xf32>
    %sub3A = vector.broadcast %div3A_27 : vector<1x64xf32> to vector<512x64xf32>
    %sub3A_28 = arith.subf %add3A_19, %sub3A : vector<512x64xf32>
    %integer_pow3A = arith.mulf %sub3A_28, %sub3A_28 : vector<512x64xf32>
    %reduce_sum3A_29 = arith.constant dense<0.000000e+00> : vector<64xf32>
    %reduce_sum3A_30 = vector.multi_reduction <add>, %integer_pow3A, %reduce_sum3A_29 [0] : vector<512x64xf32> to vector<64xf32>
    %broadcast_in_dim3A_31 = vector.shape_cast %reduce_sum3A_30 : vector<64xf32> to vector<1x64xf32>
    %div3A_32 = arith.constant 5.120000e+02 : f32
    %div3A_33 = vector.broadcast %div3A_32 : f32 to vector<1x64xf32>
    %div3A_34 = arith.divf %broadcast_in_dim3A_31, %div3A_33 : vector<1x64xf32>
    %sub3A_35 = vector.broadcast %div3A_27 : vector<1x64xf32> to vector<512x64xf32>
    %sub3A_36 = arith.subf %add3A_19, %sub3A_35 : vector<512x64xf32>
    %add3A_37 = arith.constant 9.99999974E-6 : f32
    %add3A_38 = vector.broadcast %add3A_37 : f32 to vector<1x64xf32>
    %add3A_39 = arith.addf %div3A_34, %add3A_38 : vector<1x64xf32>
    %rsqrt3A = math.rsqrt %add3A_39 : vector<1x64xf32>
    %mul3A_40 = vector.broadcast %rsqrt3A : vector<1x64xf32> to vector<512x64xf32>
    %mul3A_41 = arith.mulf %sub3A_36, %mul3A_40 : vector<512x64xf32>
    %broadcast_in_dim3A_42 = vector.shape_cast %get3A_21 : vector<64xf32> to vector<1x64xf32>
    %mul3A_43 = vector.broadcast %broadcast_in_dim3A_42 : vector<1x64xf32> to vector<512x64xf32>
    %mul3A_44 = arith.mulf %mul3A_41, %mul3A_43 : vector<512x64xf32>
    %broadcast_in_dim3A_45 = vector.shape_cast %get3A_23 : vector<64xf32> to vector<1x64xf32>
    %add3A_46 = vector.broadcast %broadcast_in_dim3A_45 : vector<1x64xf32> to vector<512x64xf32>
    %add3A_47 = arith.addf %mul3A_44, %add3A_46 : vector<512x64xf32>
    %max3A = arith.constant 0.000000e+00 : f32
    %max3A_48 = vector.broadcast %max3A : f32 to vector<512x64xf32>
    %max3A_49 = arith.maximumf %add3A_47, %max3A_48 : vector<512x64xf32>
    %swap3A = arith.constant 0 : index
    %swap3A_50 = arith.constant 0 : index
    %swap3A_51 = vector.load %arg6[%swap3A, %swap3A_50] : memref<512x64xf32, #tpu.memory_space<vmem>>, vector<512x64xf32>
    tpu.vector_store %arg6[%swap3A, %swap3A_50], %max3A_49 {strides = array<i32>} : memref<512x64xf32, #tpu.memory_space<vmem>>, vector<512x64xf32>,
    return
  }
}

module attributes {stable_mosaic.version = 14 : i64} {
  func.func @_egnn_body(%arg0: memref<512x64xf32, #tpu.memory_space<vmem>>, %arg1: memref<512x3xf32, #tpu.memory_space<vmem>>, %arg2: memref<3x512xf32, #tpu.memory_space<vmem>>, %arg3: memref<129x258xf32, #tpu.memory_space<vmem>>, %arg4: memref<258xf32, #tpu.memory_space<vmem>>, %arg5: memref<258x16xf32, #tpu.memory_space<vmem>>, %arg6: memref<16xf32, #tpu.memory_space<vmem>>, %arg7: memref<16x1xf32, #tpu.memory_space<vmem>>, %arg8: memref<1xf32, #tpu.memory_space<vmem>>, %arg9: memref<512x16xf32, #tpu.memory_space<vmem>>, %arg10: memref<512x258xf32, #tpu.memory_space<vmem>>) attributes {dimension_semantics = [], scalar_prefetch = 0 : i64, scratch_operands = 1 : i64, tpu.core_type = #tpu.core_type<tc>} {
    %get3A = arith.constant 0 : index
    %get3A_0 = arith.constant 0 : index
    %get3A_1 = vector.load %arg0[%get3A, %get3A_0] : memref<512x64xf32, #tpu.memory_space<vmem>>, vector<512x64xf32>
    %get3A_2 = arith.constant 0 : index
    %get3A_3 = arith.constant 0 : index
    %get3A_4 = vector.load %arg2[%get3A_2, %get3A_3] : memref<3x512xf32, #tpu.memory_space<vmem>>, vector<3x512xf32>
    %get3A_5 = arith.constant 128 : index
    %get3A_6 = arith.constant 0 : index
    %get3A_7 = vector.load %arg3[%get3A_5, %get3A_6] : memref<129x258xf32, #tpu.memory_space<vmem>>, vector<1x258xf32>
    %convert_element_type3A = arith.truncf %get3A_7 : vector<1x258xf32> to vector<1x258xbf16>
    %convert_element_type3A_8 = arith.extf %convert_element_type3A : vector<1x258xbf16> to vector<1x258xf32>
    %get3A_9 = arith.constant 0 : index
    %get3A_10 = arith.constant 0 : index
    %get3A_11 = vector.load %arg5[%get3A_9, %get3A_10] : memref<258x16xf32, #tpu.memory_space<vmem>>, vector<258x16xf32>
    %get3A_12 = arith.constant 0 : index
    %get3A_13 = vector.load %arg6[%get3A_12] : memref<16xf32, #tpu.memory_space<vmem>>, vector<16xf32>
    %get3A_14 = arith.constant 0 : index
    %get3A_15 = arith.constant 0 : index
    %get3A_16 = vector.load %arg7[%get3A_14, %get3A_15] : memref<16x1xf32, #tpu.memory_space<vmem>>, vector<16x1xf32>
    %get3A_17 = arith.constant 0 : index
    %get3A_18 = vector.load %arg8[%get3A_17] : memref<1xf32, #tpu.memory_space<vmem>>, vector<1xf32>
    %get3A_19 = arith.constant 0 : index
    %get3A_20 = arith.constant 0 : index
    %get3A_21 = vector.load %arg3[%get3A_19, %get3A_20] : memref<129x258xf32, #tpu.memory_space<vmem>>, vector<64x258xf32>
    %convert_element_type3A_22 = arith.truncf %get3A_1 : vector<512x64xf32> to vector<512x64xbf16>
    %convert_element_type3A_23 = arith.truncf %get3A_21 : vector<64x258xf32> to vector<64x258xbf16>
    %dot_general3A = arith.constant dense<0.000000e+00> : vector<512x258xf32>
    %dot_general3A_24 = tpu.matmul %convert_element_type3A_22, %convert_element_type3A_23, %dot_general3A {dimension_numbers = #tpu.dot_dimension_numbers<[1], [0], [0], [1], [0, 0, 1, 1], [], []>, transpose_lhs_hint = false} : vector<512x64xbf16>, vector<64x258xbf16>, vector<512x258xf32> -> vector<512x258xf32>
    %get3A_25 = arith.constant 0 : index
    %get3A_26 = vector.load %arg4[%get3A_25] : memref<258xf32, #tpu.memory_space<vmem>>, vector<258xf32>
    %broadcast_in_dim3A = vector.shape_cast %get3A_26 : vector<258xf32> to vector<1x258xf32>
    %add3A = vector.broadcast %broadcast_in_dim3A : vector<1x258xf32> to vector<512x258xf32>
    %add3A_27 = arith.addf %dot_general3A_24, %add3A : vector<512x258xf32>
    %swap3A = arith.constant 0 : index
    %swap3A_28 = arith.constant 0 : index
    %swap3A_29 = vector.load %arg10[%swap3A, %swap3A_28] : memref<512x258xf32, #tpu.memory_space<vmem>>, vector<512x258xf32>
    tpu.vector_store %arg10[%swap3A, %swap3A_28], %add3A_27 {strides = array<i32>} : memref<512x258xf32, #tpu.memory_space<vmem>>, vector<512x258xf32>,
    %get3A_30 = arith.constant 64 : index
    %get3A_31 = arith.constant 0 : index
    %get3A_32 = vector.load %arg3[%get3A_30, %get3A_31] : memref<129x258xf32, #tpu.memory_space<vmem>>, vector<64x258xf32>
    %convert_element_type3A_33 = arith.truncf %get3A_1 : vector<512x64xf32> to vector<512x64xbf16>
    %convert_element_type3A_34 = arith.truncf %get3A_32 : vector<64x258xf32> to vector<64x258xbf16>
    %dot_general3A_35 = arith.constant dense<0.000000e+00> : vector<512x258xf32>
    %dot_general3A_36 = tpu.matmul %convert_element_type3A_33, %convert_element_type3A_34, %dot_general3A_35 {dimension_numbers = #tpu.dot_dimension_numbers<[1], [0], [0], [1], [0, 0, 1, 1], [], []>, transpose_lhs_hint = false} : vector<512x64xbf16>, vector<64x258xbf16>, vector<512x258xf32> -> vector<512x258xf32>
    %scan3A = arith.constant 0 : i32
    %scan3A_37 = arith.constant 32 : i32
    %scan3A_38 = arith.addi %scan3A, %scan3A_37 : i32
    %scan3A_39 = arith.constant 1 : i32
    scf.for %scan3A_41 = %scan3A to %scan3A_38 step %scan3A_39  : i32 {
      %mul3A = arith.constant 16 : i32
      %mul3A_42 = arith.muli %scan3A_41, %mul3A : i32
      %get3A_43 = arith.index_cast %mul3A_42 : i32 to index
      %get3A_44 = arith.constant 0 : index
      %get3A_45 = vector.load %arg10[%get3A_43, %get3A_44] : memref<512x258xf32, #tpu.memory_space<vmem>>, vector<16x258xf32>
      %mul3A_46 = arith.constant 16 : i32
      %mul3A_47 = arith.muli %scan3A_41, %mul3A_46 : i32
      %get3A_48 = arith.index_cast %mul3A_47 : i32 to index
      %get3A_49 = arith.constant 0 : index
      %get3A_50 = vector.load %arg1[%get3A_48, %get3A_49] : memref<512x3xf32, #tpu.memory_space<vmem>>, vector<16x3xf32>
      %slice3A = vector.extract_strided_slice %get3A_50 {offsets = [0, 0], sizes = [16, 1], strides = [1, 1]} : vector<16x3xf32> to vector<16x1xf32>
      %slice3A_51 = vector.extract_strided_slice %get3A_4 {offsets = [0, 0], sizes = [1, 512], strides = [1, 1]} : vector<3x512xf32> to vector<1x512xf32>
      %sub3A = vector.broadcast %slice3A : vector<16x1xf32> to vector<16x512xf32>
      %sub3A_52 = vector.broadcast %slice3A_51 : vector<1x512xf32> to vector<16x512xf32>
      %sub3A_53 = arith.subf %sub3A, %sub3A_52 : vector<16x512xf32>
      %slice3A_54 = vector.extract_strided_slice %get3A_50 {offsets = [0, 1], sizes = [16, 1], strides = [1, 1]} : vector<16x3xf32> to vector<16x1xf32>
      %slice3A_55 = vector.extract_strided_slice %get3A_4 {offsets = [1, 0], sizes = [1, 512], strides = [1, 1]} : vector<3x512xf32> to vector<1x512xf32>
      %sub3A_56 = vector.broadcast %slice3A_54 : vector<16x1xf32> to vector<16x512xf32>
      %sub3A_57 = vector.broadcast %slice3A_55 : vector<1x512xf32> to vector<16x512xf32>
      %sub3A_58 = arith.subf %sub3A_56, %sub3A_57 : vector<16x512xf32>
      %slice3A_59 = vector.extract_strided_slice %get3A_50 {offsets = [0, 2], sizes = [16, 1], strides = [1, 1]} : vector<16x3xf32> to vector<16x1xf32>
      %slice3A_60 = vector.extract_strided_slice %get3A_4 {offsets = [2, 0], sizes = [1, 512], strides = [1, 1]} : vector<3x512xf32> to vector<1x512xf32>
      %sub3A_61 = vector.broadcast %slice3A_59 : vector<16x1xf32> to vector<16x512xf32>
      %sub3A_62 = vector.broadcast %slice3A_60 : vector<1x512xf32> to vector<16x512xf32>
      %sub3A_63 = arith.subf %sub3A_61, %sub3A_62 : vector<16x512xf32>
      %mul3A_64 = arith.mulf %sub3A_53, %sub3A_53 : vector<16x512xf32>
      %mul3A_65 = arith.mulf %sub3A_58, %sub3A_58 : vector<16x512xf32>
      %add3A_66 = arith.addf %mul3A_64, %mul3A_65 : vector<16x512xf32>
      %mul3A_67 = arith.mulf %sub3A_63, %sub3A_63 : vector<16x512xf32>
      %add3A_68 = arith.addf %add3A_66, %mul3A_67 : vector<16x512xf32>
      %broadcast_in_dim3A_69 = arith.constant 0.000000e+00 : f32
      %broadcast_in_dim3A_70 = vector.broadcast %broadcast_in_dim3A_69 : f32 to vector<16x16xf32>
      %slice3A_71 = vector.extract_strided_slice %add3A_68 {offsets = [0, 0], sizes = [16, 256], strides = [1, 1]} : vector<16x512xf32> to vector<16x256xf32>
      %convert_element_type3A_72 = arith.truncf %slice3A_71 : vector<16x256xf32> to vector<16x256xbf16>
      %convert_element_type3A_73 = arith.extf %convert_element_type3A_72 : vector<16x256xbf16> to vector<16x256xf32>
      %broadcast_in_dim3A_74 = vector.shape_cast %get3A_45 : vector<16x258xf32> to vector<16x1x258xf32>
      %slice3A_75 = vector.extract_strided_slice %dot_general3A_36 {offsets = [0, 0], sizes = [256, 258], strides = [1, 1]} : vector<512x258xf32> to vector<256x258xf32>
      %broadcast_in_dim3A_76 = vector.shape_cast %slice3A_75 : vector<256x258xf32> to vector<1x256x258xf32>
      %add3A_77 = vector.broadcast %broadcast_in_dim3A_74 : vector<16x1x258xf32> to vector<16x256x258xf32>
      %add3A_78 = vector.broadcast %broadcast_in_dim3A_76 : vector<1x256x258xf32> to vector<16x256x258xf32>
      %add3A_79 = arith.addf %add3A_77, %add3A_78 : vector<16x256x258xf32>
      %broadcast_in_dim3A_80 = vector.shape_cast %convert_element_type3A_73 : vector<16x256xf32> to vector<16x256x1xf32>
      %squeeze3A = vector.shape_cast %convert_element_type3A_8 : vector<1x258xf32> to vector<258xf32>
      %broadcast_in_dim3A_81 = vector.shape_cast %squeeze3A : vector<258xf32> to vector<1x1x258xf32>
      %mul3A_82 = vector.broadcast %broadcast_in_dim3A_80 : vector<16x256x1xf32> to vector<16x256x258xf32>
      %mul3A_83 = vector.broadcast %broadcast_in_dim3A_81 : vector<1x1x258xf32> to vector<16x256x258xf32>
      %mul3A_84 = arith.mulf %mul3A_82, %mul3A_83 : vector<16x256x258xf32>
      %add3A_85 = arith.addf %add3A_79, %mul3A_84 : vector<16x256x258xf32>
      %logistic3A = arith.negf %add3A_85 : vector<16x256x258xf32>
      %logistic3A_86 = math.exp %logistic3A : vector<16x256x258xf32>
      %logistic3A_87 = arith.constant 1.000000e+00 : f32
      %logistic3A_88 = vector.broadcast %logistic3A_87 : f32 to vector<16x256x258xf32>
      %logistic3A_89 = arith.addf %logistic3A_88, %logistic3A_86 : vector<16x256x258xf32>
      %logistic3A_90 = arith.divf %logistic3A_88, %logistic3A_89 : vector<16x256x258xf32>
      %mul3A_91 = arith.mulf %add3A_85, %logistic3A_90 : vector<16x256x258xf32>
      %reshape3A = vector.shape_cast %mul3A_91 : vector<16x256x258xf32> to vector<4096x258xf32>
      %convert_element_type3A_92 = arith.truncf %reshape3A : vector<4096x258xf32> to vector<4096x258xbf16>
      %convert_element_type3A_93 = arith.truncf %get3A_11 : vector<258x16xf32> to vector<258x16xbf16>
      %dot_general3A_94 = arith.constant dense<0.000000e+00> : vector<4096x16xf32>
      %dot_general3A_95 = tpu.matmul %convert_element_type3A_92, %convert_element_type3A_93, %dot_general3A_94 {dimension_numbers = #tpu.dot_dimension_numbers<[1], [0], [0], [1], [0, 0, 1, 1], [], []>, transpose_lhs_hint = false} : vector<4096x258xbf16>, vector<258x16xbf16>, vector<4096x16xf32> -> vector<4096x16xf32>
      %broadcast_in_dim3A_96 = vector.shape_cast %get3A_13 : vector<16xf32> to vector<1x16xf32>
      %add3A_97 = vector.broadcast %broadcast_in_dim3A_96 : vector<1x16xf32> to vector<4096x16xf32>
      %add3A_98 = arith.addf %dot_general3A_95, %add3A_97 : vector<4096x16xf32>
      %logistic3A_99 = arith.negf %add3A_98 : vector<4096x16xf32>
      %logistic3A_100 = math.exp %logistic3A_99 : vector<4096x16xf32>
      %logistic3A_101 = arith.constant 1.000000e+00 : f32
      %logistic3A_102 = vector.broadcast %logistic3A_101 : f32 to vector<4096x16xf32>
      %logistic3A_103 = arith.addf %logistic3A_102, %logistic3A_100 : vector<4096x16xf32>
      %logistic3A_104 = arith.divf %logistic3A_102, %logistic3A_103 : vector<4096x16xf32>
      %mul3A_105 = arith.mulf %add3A_98, %logistic3A_104 : vector<4096x16xf32>
      %convert_element_type3A_106 = arith.truncf %mul3A_105 : vector<4096x16xf32> to vector<4096x16xbf16>
      %convert_element_type3A_107 = arith.truncf %get3A_16 : vector<16x1xf32> to vector<16x1xbf16>
      %dot_general3A_108 = arith.constant dense<0.000000e+00> : vector<4096x1xf32>
      %dot_general3A_109 = tpu.matmul %convert_element_type3A_106, %convert_element_type3A_107, %dot_general3A_108 {dimension_numbers = #tpu.dot_dimension_numbers<[1], [0], [0], [1], [0, 0, 1, 1], [], []>, transpose_lhs_hint = false} : vector<4096x16xbf16>, vector<16x1xbf16>, vector<4096x1xf32> -> vector<4096x1xf32>
      %broadcast_in_dim3A_110 = vector.shape_cast %get3A_18 : vector<1xf32> to vector<1x1xf32>
      %add3A_111 = vector.broadcast %broadcast_in_dim3A_110 : vector<1x1xf32> to vector<4096x1xf32>
      %add3A_112 = arith.addf %dot_general3A_109, %add3A_111 : vector<4096x1xf32>
      %logistic3A_113 = arith.negf %add3A_112 : vector<4096x1xf32>
      %logistic3A_114 = math.exp %logistic3A_113 : vector<4096x1xf32>
      %logistic3A_115 = arith.constant 1.000000e+00 : f32
      %logistic3A_116 = vector.broadcast %logistic3A_115 : f32 to vector<4096x1xf32>
      %logistic3A_117 = arith.addf %logistic3A_116, %logistic3A_114 : vector<4096x1xf32>
      %logistic3A_118 = arith.divf %logistic3A_116, %logistic3A_117 : vector<4096x1xf32>
      %mul3A_119 = vector.broadcast %logistic3A_118 : vector<4096x1xf32> to vector<4096x16xf32>
      %mul3A_120 = arith.mulf %mul3A_105, %mul3A_119 : vector<4096x16xf32>
      %reshape3A_121 = vector.shape_cast %mul3A_120 : vector<4096x16xf32> to vector<16x256x16xf32>
      %reduce_sum3A = arith.constant dense<0.000000e+00> : vector<16x16xf32>
      %reduce_sum3A_122 = vector.multi_reduction <add>, %reshape3A_121, %reduce_sum3A [1] : vector<16x256x16xf32> to vector<16x16xf32>
      %add3A_123 = arith.addf %broadcast_in_dim3A_70, %reduce_sum3A_122 : vector<16x16xf32>
      %slice3A_124 = vector.extract_strided_slice %add3A_68 {offsets = [0, 256], sizes = [16, 256], strides = [1, 1]} : vector<16x512xf32> to vector<16x256xf32>
      %convert_element_type3A_125 = arith.truncf %slice3A_124 : vector<16x256xf32> to vector<16x256xbf16>
      %convert_element_type3A_126 = arith.extf %convert_element_type3A_125 : vector<16x256xbf16> to vector<16x256xf32>
      %broadcast_in_dim3A_127 = vector.shape_cast %get3A_45 : vector<16x258xf32> to vector<16x1x258xf32>
      %slice3A_128 = vector.extract_strided_slice %dot_general3A_36 {offsets = [256, 0], sizes = [256, 258], strides = [1, 1]} : vector<512x258xf32> to vector<256x258xf32>
      %broadcast_in_dim3A_129 = vector.shape_cast %slice3A_128 : vector<256x258xf32> to vector<1x256x258xf32>
      %add3A_130 = vector.broadcast %broadcast_in_dim3A_127 : vector<16x1x258xf32> to vector<16x256x258xf32>
      %add3A_131 = vector.broadcast %broadcast_in_dim3A_129 : vector<1x256x258xf32> to vector<16x256x258xf32>
      %add3A_132 = arith.addf %add3A_130, %add3A_131 : vector<16x256x258xf32>
      %broadcast_in_dim3A_133 = vector.shape_cast %convert_element_type3A_126 : vector<16x256xf32> to vector<16x256x1xf32>
      %squeeze3A_134 = vector.shape_cast %convert_element_type3A_8 : vector<1x258xf32> to vector<258xf32>
      %broadcast_in_dim3A_135 = vector.shape_cast %squeeze3A_134 : vector<258xf32> to vector<1x1x258xf32>
      %mul3A_136 = vector.broadcast %broadcast_in_dim3A_133 : vector<16x256x1xf32> to vector<16x256x258xf32>
      %mul3A_137 = vector.broadcast %broadcast_in_dim3A_135 : vector<1x1x258xf32> to vector<16x256x258xf32>
      %mul3A_138 = arith.mulf %mul3A_136, %mul3A_137 : vector<16x256x258xf32>
      %add3A_139 = arith.addf %add3A_132, %mul3A_138 : vector<16x256x258xf32>
      %logistic3A_140 = arith.negf %add3A_139 : vector<16x256x258xf32>
      %logistic3A_141 = math.exp %logistic3A_140 : vector<16x256x258xf32>
      %logistic3A_142 = arith.constant 1.000000e+00 : f32
      %logistic3A_143 = vector.broadcast %logistic3A_142 : f32 to vector<16x256x258xf32>
      %logistic3A_144 = arith.addf %logistic3A_143, %logistic3A_141 : vector<16x256x258xf32>
      %logistic3A_145 = arith.divf %logistic3A_143, %logistic3A_144 : vector<16x256x258xf32>
      %mul3A_146 = arith.mulf %add3A_139, %logistic3A_145 : vector<16x256x258xf32>
      %reshape3A_147 = vector.shape_cast %mul3A_146 : vector<16x256x258xf32> to vector<4096x258xf32>
      %convert_element_type3A_148 = arith.truncf %reshape3A_147 : vector<4096x258xf32> to vector<4096x258xbf16>
      %convert_element_type3A_149 = arith.truncf %get3A_11 : vector<258x16xf32> to vector<258x16xbf16>
      %dot_general3A_150 = arith.constant dense<0.000000e+00> : vector<4096x16xf32>
      %dot_general3A_151 = tpu.matmul %convert_element_type3A_148, %convert_element_type3A_149, %dot_general3A_150 {dimension_numbers = #tpu.dot_dimension_numbers<[1], [0], [0], [1], [0, 0, 1, 1], [], []>, transpose_lhs_hint = false} : vector<4096x258xbf16>, vector<258x16xbf16>, vector<4096x16xf32> -> vector<4096x16xf32>
      %broadcast_in_dim3A_152 = vector.shape_cast %get3A_13 : vector<16xf32> to vector<1x16xf32>
      %add3A_153 = vector.broadcast %broadcast_in_dim3A_152 : vector<1x16xf32> to vector<4096x16xf32>
      %add3A_154 = arith.addf %dot_general3A_151, %add3A_153 : vector<4096x16xf32>
      %logistic3A_155 = arith.negf %add3A_154 : vector<4096x16xf32>
      %logistic3A_156 = math.exp %logistic3A_155 : vector<4096x16xf32>
      %logistic3A_157 = arith.constant 1.000000e+00 : f32
      %logistic3A_158 = vector.broadcast %logistic3A_157 : f32 to vector<4096x16xf32>
      %logistic3A_159 = arith.addf %logistic3A_158, %logistic3A_156 : vector<4096x16xf32>
      %logistic3A_160 = arith.divf %logistic3A_158, %logistic3A_159 : vector<4096x16xf32>
      %mul3A_161 = arith.mulf %add3A_154, %logistic3A_160 : vector<4096x16xf32>
      %convert_element_type3A_162 = arith.truncf %mul3A_161 : vector<4096x16xf32> to vector<4096x16xbf16>
      %convert_element_type3A_163 = arith.truncf %get3A_16 : vector<16x1xf32> to vector<16x1xbf16>
      %dot_general3A_164 = arith.constant dense<0.000000e+00> : vector<4096x1xf32>
      %dot_general3A_165 = tpu.matmul %convert_element_type3A_162, %convert_element_type3A_163, %dot_general3A_164 {dimension_numbers = #tpu.dot_dimension_numbers<[1], [0], [0], [1], [0, 0, 1, 1], [], []>, transpose_lhs_hint = false} : vector<4096x16xbf16>, vector<16x1xbf16>, vector<4096x1xf32> -> vector<4096x1xf32>
      %broadcast_in_dim3A_166 = vector.shape_cast %get3A_18 : vector<1xf32> to vector<1x1xf32>
      %add3A_167 = vector.broadcast %broadcast_in_dim3A_166 : vector<1x1xf32> to vector<4096x1xf32>
      %add3A_168 = arith.addf %dot_general3A_165, %add3A_167 : vector<4096x1xf32>
      %logistic3A_169 = arith.negf %add3A_168 : vector<4096x1xf32>
      %logistic3A_170 = math.exp %logistic3A_169 : vector<4096x1xf32>
      %logistic3A_171 = arith.constant 1.000000e+00 : f32
      %logistic3A_172 = vector.broadcast %logistic3A_171 : f32 to vector<4096x1xf32>
      %logistic3A_173 = arith.addf %logistic3A_172, %logistic3A_170 : vector<4096x1xf32>
      %logistic3A_174 = arith.divf %logistic3A_172, %logistic3A_173 : vector<4096x1xf32>
      %mul3A_175 = vector.broadcast %logistic3A_174 : vector<4096x1xf32> to vector<4096x16xf32>
      %mul3A_176 = arith.mulf %mul3A_161, %mul3A_175 : vector<4096x16xf32>
      %reshape3A_177 = vector.shape_cast %mul3A_176 : vector<4096x16xf32> to vector<16x256x16xf32>
      %reduce_sum3A_178 = arith.constant dense<0.000000e+00> : vector<16x16xf32>
      %reduce_sum3A_179 = vector.multi_reduction <add>, %reshape3A_177, %reduce_sum3A_178 [1] : vector<16x256x16xf32> to vector<16x16xf32>
      %add3A_180 = arith.addf %add3A_123, %reduce_sum3A_179 : vector<16x16xf32>
      %mul3A_181 = arith.constant 16 : i32
      %mul3A_182 = arith.muli %scan3A_41, %mul3A_181 : i32
      %swap3A_183 = arith.index_cast %mul3A_182 : i32 to index
      %swap3A_184 = arith.constant 0 : index
      %swap3A_185 = vector.load %arg9[%swap3A_183, %swap3A_184] : memref<512x16xf32, #tpu.memory_space<vmem>>, vector<16x16xf32>
      tpu.vector_store %arg9[%swap3A_183, %swap3A_184], %add3A_180 {strides = array<i32>} : memref<512x16xf32, #tpu.memory_space<vmem>>, vector<16x16xf32>,
    }
    %scan3A_40 = arith.constant 32 : i32
    return
  }
}

module attributes {stable_mosaic.version = 14 : i64} {
  func.func @_node_body(%arg0: memref<512x64xf32, #tpu.memory_space<vmem>>, %arg1: memref<512x16xf32, #tpu.memory_space<vmem>>, %arg2: memref<80x128xf32, #tpu.memory_space<vmem>>, %arg3: memref<128xf32, #tpu.memory_space<vmem>>, %arg4: memref<128x64xf32, #tpu.memory_space<vmem>>, %arg5: memref<64xf32, #tpu.memory_space<vmem>>, %arg6: memref<64xf32, #tpu.memory_space<vmem>>, %arg7: memref<64xf32, #tpu.memory_space<vmem>>, %arg8: memref<512x64xf32, #tpu.memory_space<vmem>>) attributes {dimension_semantics = [], scalar_prefetch = 0 : i64, scratch_operands = 0 : i64, tpu.core_type = #tpu.core_type<tc>} {
    %get3A = arith.constant 0 : index
    %get3A_0 = arith.constant 0 : index
    %get3A_1 = vector.load %arg0[%get3A, %get3A_0] : memref<512x64xf32, #tpu.memory_space<vmem>>, vector<512x64xf32>
    %get3A_2 = arith.constant 0 : index
    %get3A_3 = arith.constant 0 : index
    %get3A_4 = vector.load %arg1[%get3A_2, %get3A_3] : memref<512x16xf32, #tpu.memory_space<vmem>>, vector<512x16xf32>
    %concatenate3A = tpu.concatenate %get3A_1, %get3A_4 in 1 : vector<512x64xf32>, vector<512x16xf32> -> vector<512x80xf32>
    %get3A_5 = arith.constant 0 : index
    %get3A_6 = arith.constant 0 : index
    %get3A_7 = vector.load %arg2[%get3A_5, %get3A_6] : memref<80x128xf32, #tpu.memory_space<vmem>>, vector<80x128xf32>
    %convert_element_type3A = arith.truncf %concatenate3A : vector<512x80xf32> to vector<512x80xbf16>
    %convert_element_type3A_8 = arith.truncf %get3A_7 : vector<80x128xf32> to vector<80x128xbf16>
    %dot_general3A = arith.constant dense<0.000000e+00> : vector<512x128xf32>
    %dot_general3A_9 = tpu.matmul %convert_element_type3A, %convert_element_type3A_8, %dot_general3A {dimension_numbers = #tpu.dot_dimension_numbers<[1], [0], [0], [1], [0, 0, 1, 1], [], []>, transpose_lhs_hint = false} : vector<512x80xbf16>, vector<80x128xbf16>, vector<512x128xf32> -> vector<512x128xf32>
    %get3A_10 = arith.constant 0 : index
    %get3A_11 = vector.load %arg3[%get3A_10] : memref<128xf32, #tpu.memory_space<vmem>>, vector<128xf32>
    %broadcast_in_dim3A = vector.shape_cast %get3A_11 : vector<128xf32> to vector<1x128xf32>
    %add3A = vector.broadcast %broadcast_in_dim3A : vector<1x128xf32> to vector<512x128xf32>
    %add3A_12 = arith.addf %dot_general3A_9, %add3A : vector<512x128xf32>
    %logistic3A = arith.negf %add3A_12 : vector<512x128xf32>
    %logistic3A_13 = math.exp %logistic3A : vector<512x128xf32>
    %logistic3A_14 = arith.constant 1.000000e+00 : f32
    %logistic3A_15 = vector.broadcast %logistic3A_14 : f32 to vector<512x128xf32>
    %logistic3A_16 = arith.addf %logistic3A_15, %logistic3A_13 : vector<512x128xf32>
    %logistic3A_17 = arith.divf %logistic3A_15, %logistic3A_16 : vector<512x128xf32>
    %mul3A = arith.mulf %add3A_12, %logistic3A_17 : vector<512x128xf32>
    %get3A_18 = arith.constant 0 : index
    %get3A_19 = arith.constant 0 : index
    %get3A_20 = vector.load %arg4[%get3A_18, %get3A_19] : memref<128x64xf32, #tpu.memory_space<vmem>>, vector<128x64xf32>
    %convert_element_type3A_21 = arith.truncf %mul3A : vector<512x128xf32> to vector<512x128xbf16>
    %convert_element_type3A_22 = arith.truncf %get3A_20 : vector<128x64xf32> to vector<128x64xbf16>
    %dot_general3A_23 = arith.constant dense<0.000000e+00> : vector<512x64xf32>
    %dot_general3A_24 = tpu.matmul %convert_element_type3A_21, %convert_element_type3A_22, %dot_general3A_23 {dimension_numbers = #tpu.dot_dimension_numbers<[1], [0], [0], [1], [0, 0, 1, 1], [], []>, transpose_lhs_hint = false} : vector<512x128xbf16>, vector<128x64xbf16>, vector<512x64xf32> -> vector<512x64xf32>
    %get3A_25 = arith.constant 0 : index
    %get3A_26 = vector.load %arg5[%get3A_25] : memref<64xf32, #tpu.memory_space<vmem>>, vector<64xf32>
    %broadcast_in_dim3A_27 = vector.shape_cast %get3A_26 : vector<64xf32> to vector<1x64xf32>
    %add3A_28 = vector.broadcast %broadcast_in_dim3A_27 : vector<1x64xf32> to vector<512x64xf32>
    %add3A_29 = arith.addf %dot_general3A_24, %add3A_28 : vector<512x64xf32>
    %add3A_30 = arith.addf %add3A_29, %get3A_1 : vector<512x64xf32>
    %get3A_31 = arith.constant 0 : index
    %get3A_32 = vector.load %arg6[%get3A_31] : memref<64xf32, #tpu.memory_space<vmem>>, vector<64xf32>
    %get3A_33 = arith.constant 0 : index
    %get3A_34 = vector.load %arg7[%get3A_33] : memref<64xf32, #tpu.memory_space<vmem>>, vector<64xf32>
    %reduce_sum3A = arith.constant dense<0.000000e+00> : vector<64xf32>
    %reduce_sum3A_35 = vector.multi_reduction <add>, %add3A_30, %reduce_sum3A [0] : vector<512x64xf32> to vector<64xf32>
    %broadcast_in_dim3A_36 = vector.shape_cast %reduce_sum3A_35 : vector<64xf32> to vector<1x64xf32>
    %div3A = arith.constant 5.120000e+02 : f32
    %div3A_37 = vector.broadcast %div3A : f32 to vector<1x64xf32>
    %div3A_38 = arith.divf %broadcast_in_dim3A_36, %div3A_37 : vector<1x64xf32>
    %sub3A = vector.broadcast %div3A_38 : vector<1x64xf32> to vector<512x64xf32>
    %sub3A_39 = arith.subf %add3A_30, %sub3A : vector<512x64xf32>
    %integer_pow3A = arith.mulf %sub3A_39, %sub3A_39 : vector<512x64xf32>
    %reduce_sum3A_40 = arith.constant dense<0.000000e+00> : vector<64xf32>
    %reduce_sum3A_41 = vector.multi_reduction <add>, %integer_pow3A, %reduce_sum3A_40 [0] : vector<512x64xf32> to vector<64xf32>
    %broadcast_in_dim3A_42 = vector.shape_cast %reduce_sum3A_41 : vector<64xf32> to vector<1x64xf32>
    %div3A_43 = arith.constant 5.120000e+02 : f32
    %div3A_44 = vector.broadcast %div3A_43 : f32 to vector<1x64xf32>
    %div3A_45 = arith.divf %broadcast_in_dim3A_42, %div3A_44 : vector<1x64xf32>
    %sub3A_46 = vector.broadcast %div3A_38 : vector<1x64xf32> to vector<512x64xf32>
    %sub3A_47 = arith.subf %add3A_30, %sub3A_46 : vector<512x64xf32>
    %add3A_48 = arith.constant 9.99999974E-6 : f32
    %add3A_49 = vector.broadcast %add3A_48 : f32 to vector<1x64xf32>
    %add3A_50 = arith.addf %div3A_45, %add3A_49 : vector<1x64xf32>
    %rsqrt3A = math.rsqrt %add3A_50 : vector<1x64xf32>
    %mul3A_51 = vector.broadcast %rsqrt3A : vector<1x64xf32> to vector<512x64xf32>
    %mul3A_52 = arith.mulf %sub3A_47, %mul3A_51 : vector<512x64xf32>
    %broadcast_in_dim3A_53 = vector.shape_cast %get3A_32 : vector<64xf32> to vector<1x64xf32>
    %mul3A_54 = vector.broadcast %broadcast_in_dim3A_53 : vector<1x64xf32> to vector<512x64xf32>
    %mul3A_55 = arith.mulf %mul3A_52, %mul3A_54 : vector<512x64xf32>
    %broadcast_in_dim3A_56 = vector.shape_cast %get3A_34 : vector<64xf32> to vector<1x64xf32>
    %add3A_57 = vector.broadcast %broadcast_in_dim3A_56 : vector<1x64xf32> to vector<512x64xf32>
    %add3A_58 = arith.addf %mul3A_55, %add3A_57 : vector<512x64xf32>
    %max3A = arith.constant 0.000000e+00 : f32
    %max3A_59 = vector.broadcast %max3A : f32 to vector<512x64xf32>
    %max3A_60 = arith.maximumf %add3A_58, %max3A_59 : vector<512x64xf32>
    %swap3A = arith.constant 0 : index
    %swap3A_61 = arith.constant 0 : index
    %swap3A_62 = vector.load %arg8[%swap3A, %swap3A_61] : memref<512x64xf32, #tpu.memory_space<vmem>>, vector<512x64xf32>
    tpu.vector_store %arg8[%swap3A, %swap3A_61], %max3A_60 {strides = array<i32>} : memref<512x64xf32, #tpu.memory_space<vmem>>, vector<512x64xf32>,
    return
  }
}

module attributes {stable_mosaic.version = 14 : i64} {
  func.func @_gcn_post_body(%arg0: memref<512x128xf32, #tpu.memory_space<vmem>>, %arg1: memref<256x64xf32, #tpu.memory_space<vmem>>, %arg2: memref<256x1xf32, #tpu.memory_space<vmem>>, %arg3: memref<64xf32, #tpu.memory_space<vmem>>, %arg4: memref<64xf32, #tpu.memory_space<vmem>>, %arg5: memref<64xf32, #tpu.memory_space<vmem>>, %arg6: memref<256x64xf32, #tpu.memory_space<vmem>>) attributes {dimension_semantics = [], scalar_prefetch = 0 : i64, scratch_operands = 0 : i64, tpu.core_type = #tpu.core_type<tc>} {
    %get3A = arith.constant 0 : index
    %get3A_0 = arith.constant 0 : index
    %get3A_1 = vector.load %arg2[%get3A, %get3A_0] : memref<256x1xf32, #tpu.memory_space<vmem>>, vector<256x1xf32>
    %get3A_2 = arith.constant 0 : index
    %get3A_3 = arith.constant 0 : index
    %get3A_4 = vector.load %arg1[%get3A_2, %get3A_3] : memref<256x64xf32, #tpu.memory_space<vmem>>, vector<256x64xf32>
    %get3A_5 = arith.constant 0 : index
    %get3A_6 = arith.constant 0 : index
    %get3A_7 = vector.load %arg0[%get3A_5, %get3A_6] : memref<512x128xf32, #tpu.memory_space<vmem>>, vector<256x64xf32>
    %get3A_8 = arith.constant 256 : index
    %get3A_9 = arith.constant 0 : index
    %get3A_10 = vector.load %arg0[%get3A_8, %get3A_9] : memref<512x128xf32, #tpu.memory_space<vmem>>, vector<256x64xf32>
    %add3A = arith.addf %get3A_7, %get3A_10 : vector<256x64xf32>
    %mul3A = vector.broadcast %get3A_1 : vector<256x1xf32> to vector<256x64xf32>
    %mul3A_11 = arith.mulf %mul3A, %add3A : vector<256x64xf32>
    %mul3A_12 = arith.mulf %get3A_1, %get3A_1 : vector<256x1xf32>
    %mul3A_13 = vector.broadcast %mul3A_12 : vector<256x1xf32> to vector<256x64xf32>
    %mul3A_14 = arith.mulf %mul3A_13, %get3A_4 : vector<256x64xf32>
    %add3A_15 = arith.addf %mul3A_11, %mul3A_14 : vector<256x64xf32>
    %get3A_16 = arith.constant 0 : index
    %get3A_17 = vector.load %arg3[%get3A_16] : memref<64xf32, #tpu.memory_space<vmem>>, vector<64xf32>
    %broadcast_in_dim3A = vector.shape_cast %get3A_17 : vector<64xf32> to vector<1x64xf32>
    %add3A_18 = vector.broadcast %broadcast_in_dim3A : vector<1x64xf32> to vector<256x64xf32>
    %add3A_19 = arith.addf %add3A_15, %add3A_18 : vector<256x64xf32>
    %get3A_20 = arith.constant 0 : index
    %get3A_21 = vector.load %arg4[%get3A_20] : memref<64xf32, #tpu.memory_space<vmem>>, vector<64xf32>
    %get3A_22 = arith.constant 0 : index
    %get3A_23 = vector.load %arg5[%get3A_22] : memref<64xf32, #tpu.memory_space<vmem>>, vector<64xf32>
    %reduce_sum3A = arith.constant dense<0.000000e+00> : vector<64xf32>
    %reduce_sum3A_24 = vector.multi_reduction <add>, %add3A_19, %reduce_sum3A [0] : vector<256x64xf32> to vector<64xf32>
    %broadcast_in_dim3A_25 = vector.shape_cast %reduce_sum3A_24 : vector<64xf32> to vector<1x64xf32>
    %div3A = arith.constant 2.560000e+02 : f32
    %div3A_26 = vector.broadcast %div3A : f32 to vector<1x64xf32>
    %div3A_27 = arith.divf %broadcast_in_dim3A_25, %div3A_26 : vector<1x64xf32>
    %sub3A = vector.broadcast %div3A_27 : vector<1x64xf32> to vector<256x64xf32>
    %sub3A_28 = arith.subf %add3A_19, %sub3A : vector<256x64xf32>
    %integer_pow3A = arith.mulf %sub3A_28, %sub3A_28 : vector<256x64xf32>
    %reduce_sum3A_29 = arith.constant dense<0.000000e+00> : vector<64xf32>
    %reduce_sum3A_30 = vector.multi_reduction <add>, %integer_pow3A, %reduce_sum3A_29 [0] : vector<256x64xf32> to vector<64xf32>
    %broadcast_in_dim3A_31 = vector.shape_cast %reduce_sum3A_30 : vector<64xf32> to vector<1x64xf32>
    %div3A_32 = arith.constant 2.560000e+02 : f32
    %div3A_33 = vector.broadcast %div3A_32 : f32 to vector<1x64xf32>
    %div3A_34 = arith.divf %broadcast_in_dim3A_31, %div3A_33 : vector<1x64xf32>
    %sub3A_35 = vector.broadcast %div3A_27 : vector<1x64xf32> to vector<256x64xf32>
    %sub3A_36 = arith.subf %add3A_19, %sub3A_35 : vector<256x64xf32>
    %add3A_37 = arith.constant 9.99999974E-6 : f32
    %add3A_38 = vector.broadcast %add3A_37 : f32 to vector<1x64xf32>
    %add3A_39 = arith.addf %div3A_34, %add3A_38 : vector<1x64xf32>
    %rsqrt3A = math.rsqrt %add3A_39 : vector<1x64xf32>
    %mul3A_40 = vector.broadcast %rsqrt3A : vector<1x64xf32> to vector<256x64xf32>
    %mul3A_41 = arith.mulf %sub3A_36, %mul3A_40 : vector<256x64xf32>
    %broadcast_in_dim3A_42 = vector.shape_cast %get3A_21 : vector<64xf32> to vector<1x64xf32>
    %mul3A_43 = vector.broadcast %broadcast_in_dim3A_42 : vector<1x64xf32> to vector<256x64xf32>
    %mul3A_44 = arith.mulf %mul3A_41, %mul3A_43 : vector<256x64xf32>
    %broadcast_in_dim3A_45 = vector.shape_cast %get3A_23 : vector<64xf32> to vector<1x64xf32>
    %add3A_46 = vector.broadcast %broadcast_in_dim3A_45 : vector<1x64xf32> to vector<256x64xf32>
    %add3A_47 = arith.addf %mul3A_44, %add3A_46 : vector<256x64xf32>
    %max3A = arith.constant 0.000000e+00 : f32
    %max3A_48 = vector.broadcast %max3A : f32 to vector<256x64xf32>
    %max3A_49 = arith.maximumf %add3A_47, %max3A_48 : vector<256x64xf32>
    %swap3A = arith.constant 0 : index
    %swap3A_50 = arith.constant 0 : index
    %swap3A_51 = vector.load %arg6[%swap3A, %swap3A_50] : memref<256x64xf32, #tpu.memory_space<vmem>>, vector<256x64xf32>
    tpu.vector_store %arg6[%swap3A, %swap3A_50], %max3A_49 {strides = array<i32>} : memref<256x64xf32, #tpu.memory_space<vmem>>, vector<256x64xf32>,
    return
  }
}

module attributes {stable_mosaic.version = 14 : i64} {
  func.func @_node_body(%arg0: memref<256x64xf32, #tpu.memory_space<vmem>>, %arg1: memref<256x16xf32, #tpu.memory_space<vmem>>, %arg2: memref<80x128xf32, #tpu.memory_space<vmem>>, %arg3: memref<128xf32, #tpu.memory_space<vmem>>, %arg4: memref<128x64xf32, #tpu.memory_space<vmem>>, %arg5: memref<64xf32, #tpu.memory_space<vmem>>, %arg6: memref<64xf32, #tpu.memory_space<vmem>>, %arg7: memref<64xf32, #tpu.memory_space<vmem>>, %arg8: memref<256x64xf32, #tpu.memory_space<vmem>>) attributes {dimension_semantics = [], scalar_prefetch = 0 : i64, scratch_operands = 0 : i64, tpu.core_type = #tpu.core_type<tc>} {
    %get3A = arith.constant 0 : index
    %get3A_0 = arith.constant 0 : index
    %get3A_1 = vector.load %arg0[%get3A, %get3A_0] : memref<256x64xf32, #tpu.memory_space<vmem>>, vector<256x64xf32>
    %get3A_2 = arith.constant 0 : index
    %get3A_3 = arith.constant 0 : index
    %get3A_4 = vector.load %arg1[%get3A_2, %get3A_3] : memref<256x16xf32, #tpu.memory_space<vmem>>, vector<256x16xf32>
    %concatenate3A = tpu.concatenate %get3A_1, %get3A_4 in 1 : vector<256x64xf32>, vector<256x16xf32> -> vector<256x80xf32>
    %get3A_5 = arith.constant 0 : index
    %get3A_6 = arith.constant 0 : index
    %get3A_7 = vector.load %arg2[%get3A_5, %get3A_6] : memref<80x128xf32, #tpu.memory_space<vmem>>, vector<80x128xf32>
    %convert_element_type3A = arith.truncf %concatenate3A : vector<256x80xf32> to vector<256x80xbf16>
    %convert_element_type3A_8 = arith.truncf %get3A_7 : vector<80x128xf32> to vector<80x128xbf16>
    %dot_general3A = arith.constant dense<0.000000e+00> : vector<256x128xf32>
    %dot_general3A_9 = tpu.matmul %convert_element_type3A, %convert_element_type3A_8, %dot_general3A {dimension_numbers = #tpu.dot_dimension_numbers<[1], [0], [0], [1], [0, 0, 1, 1], [], []>, transpose_lhs_hint = false} : vector<256x80xbf16>, vector<80x128xbf16>, vector<256x128xf32> -> vector<256x128xf32>
    %get3A_10 = arith.constant 0 : index
    %get3A_11 = vector.load %arg3[%get3A_10] : memref<128xf32, #tpu.memory_space<vmem>>, vector<128xf32>
    %broadcast_in_dim3A = vector.shape_cast %get3A_11 : vector<128xf32> to vector<1x128xf32>
    %add3A = vector.broadcast %broadcast_in_dim3A : vector<1x128xf32> to vector<256x128xf32>
    %add3A_12 = arith.addf %dot_general3A_9, %add3A : vector<256x128xf32>
    %logistic3A = arith.negf %add3A_12 : vector<256x128xf32>
    %logistic3A_13 = math.exp %logistic3A : vector<256x128xf32>
    %logistic3A_14 = arith.constant 1.000000e+00 : f32
    %logistic3A_15 = vector.broadcast %logistic3A_14 : f32 to vector<256x128xf32>
    %logistic3A_16 = arith.addf %logistic3A_15, %logistic3A_13 : vector<256x128xf32>
    %logistic3A_17 = arith.divf %logistic3A_15, %logistic3A_16 : vector<256x128xf32>
    %mul3A = arith.mulf %add3A_12, %logistic3A_17 : vector<256x128xf32>
    %get3A_18 = arith.constant 0 : index
    %get3A_19 = arith.constant 0 : index
    %get3A_20 = vector.load %arg4[%get3A_18, %get3A_19] : memref<128x64xf32, #tpu.memory_space<vmem>>, vector<128x64xf32>
    %convert_element_type3A_21 = arith.truncf %mul3A : vector<256x128xf32> to vector<256x128xbf16>
    %convert_element_type3A_22 = arith.truncf %get3A_20 : vector<128x64xf32> to vector<128x64xbf16>
    %dot_general3A_23 = arith.constant dense<0.000000e+00> : vector<256x64xf32>
    %dot_general3A_24 = tpu.matmul %convert_element_type3A_21, %convert_element_type3A_22, %dot_general3A_23 {dimension_numbers = #tpu.dot_dimension_numbers<[1], [0], [0], [1], [0, 0, 1, 1], [], []>, transpose_lhs_hint = false} : vector<256x128xbf16>, vector<128x64xbf16>, vector<256x64xf32> -> vector<256x64xf32>
    %get3A_25 = arith.constant 0 : index
    %get3A_26 = vector.load %arg5[%get3A_25] : memref<64xf32, #tpu.memory_space<vmem>>, vector<64xf32>
    %broadcast_in_dim3A_27 = vector.shape_cast %get3A_26 : vector<64xf32> to vector<1x64xf32>
    %add3A_28 = vector.broadcast %broadcast_in_dim3A_27 : vector<1x64xf32> to vector<256x64xf32>
    %add3A_29 = arith.addf %dot_general3A_24, %add3A_28 : vector<256x64xf32>
    %add3A_30 = arith.addf %add3A_29, %get3A_1 : vector<256x64xf32>
    %get3A_31 = arith.constant 0 : index
    %get3A_32 = vector.load %arg6[%get3A_31] : memref<64xf32, #tpu.memory_space<vmem>>, vector<64xf32>
    %get3A_33 = arith.constant 0 : index
    %get3A_34 = vector.load %arg7[%get3A_33] : memref<64xf32, #tpu.memory_space<vmem>>, vector<64xf32>
    %reduce_sum3A = arith.constant dense<0.000000e+00> : vector<64xf32>
    %reduce_sum3A_35 = vector.multi_reduction <add>, %add3A_30, %reduce_sum3A [0] : vector<256x64xf32> to vector<64xf32>
    %broadcast_in_dim3A_36 = vector.shape_cast %reduce_sum3A_35 : vector<64xf32> to vector<1x64xf32>
    %div3A = arith.constant 2.560000e+02 : f32
    %div3A_37 = vector.broadcast %div3A : f32 to vector<1x64xf32>
    %div3A_38 = arith.divf %broadcast_in_dim3A_36, %div3A_37 : vector<1x64xf32>
    %sub3A = vector.broadcast %div3A_38 : vector<1x64xf32> to vector<256x64xf32>
    %sub3A_39 = arith.subf %add3A_30, %sub3A : vector<256x64xf32>
    %integer_pow3A = arith.mulf %sub3A_39, %sub3A_39 : vector<256x64xf32>
    %reduce_sum3A_40 = arith.constant dense<0.000000e+00> : vector<64xf32>
    %reduce_sum3A_41 = vector.multi_reduction <add>, %integer_pow3A, %reduce_sum3A_40 [0] : vector<256x64xf32> to vector<64xf32>
    %broadcast_in_dim3A_42 = vector.shape_cast %reduce_sum3A_41 : vector<64xf32> to vector<1x64xf32>
    %div3A_43 = arith.constant 2.560000e+02 : f32
    %div3A_44 = vector.broadcast %div3A_43 : f32 to vector<1x64xf32>
    %div3A_45 = arith.divf %broadcast_in_dim3A_42, %div3A_44 : vector<1x64xf32>
    %sub3A_46 = vector.broadcast %div3A_38 : vector<1x64xf32> to vector<256x64xf32>
    %sub3A_47 = arith.subf %add3A_30, %sub3A_46 : vector<256x64xf32>
    %add3A_48 = arith.constant 9.99999974E-6 : f32
    %add3A_49 = vector.broadcast %add3A_48 : f32 to vector<1x64xf32>
    %add3A_50 = arith.addf %div3A_45, %add3A_49 : vector<1x64xf32>
    %rsqrt3A = math.rsqrt %add3A_50 : vector<1x64xf32>
    %mul3A_51 = vector.broadcast %rsqrt3A : vector<1x64xf32> to vector<256x64xf32>
    %mul3A_52 = arith.mulf %sub3A_47, %mul3A_51 : vector<256x64xf32>
    %broadcast_in_dim3A_53 = vector.shape_cast %get3A_32 : vector<64xf32> to vector<1x64xf32>
    %mul3A_54 = vector.broadcast %broadcast_in_dim3A_53 : vector<1x64xf32> to vector<256x64xf32>
    %mul3A_55 = arith.mulf %mul3A_52, %mul3A_54 : vector<256x64xf32>
    %broadcast_in_dim3A_56 = vector.shape_cast %get3A_34 : vector<64xf32> to vector<1x64xf32>
    %add3A_57 = vector.broadcast %broadcast_in_dim3A_56 : vector<1x64xf32> to vector<256x64xf32>
    %add3A_58 = arith.addf %mul3A_55, %add3A_57 : vector<256x64xf32>
    %max3A = arith.constant 0.000000e+00 : f32
    %max3A_59 = vector.broadcast %max3A : f32 to vector<256x64xf32>
    %max3A_60 = arith.maximumf %add3A_58, %max3A_59 : vector<256x64xf32>
    %swap3A = arith.constant 0 : index
    %swap3A_61 = arith.constant 0 : index
    %swap3A_62 = vector.load %arg8[%swap3A, %swap3A_61] : memref<256x64xf32, #tpu.memory_space<vmem>>, vector<256x64xf32>
    tpu.vector_store %arg8[%swap3A, %swap3A_61], %max3A_60 {strides = array<i32>} : memref<256x64xf32, #tpu.memory_space<vmem>>, vector<256x64xf32>,
    return
  }
}

module attributes {stable_mosaic.version = 14 : i64} {
  func.func @_egnn_body(%arg0: memref<256x64xf32, #tpu.memory_space<vmem>>, %arg1: memref<256x3xf32, #tpu.memory_space<vmem>>, %arg2: memref<3x256xf32, #tpu.memory_space<vmem>>, %arg3: memref<129x258xf32, #tpu.memory_space<vmem>>, %arg4: memref<258xf32, #tpu.memory_space<vmem>>, %arg5: memref<258x16xf32, #tpu.memory_space<vmem>>, %arg6: memref<16xf32, #tpu.memory_space<vmem>>, %arg7: memref<16x1xf32, #tpu.memory_space<vmem>>, %arg8: memref<1xf32, #tpu.memory_space<vmem>>, %arg9: memref<256x16xf32, #tpu.memory_space<vmem>>, %arg10: memref<256x258xf32, #tpu.memory_space<vmem>>) attributes {dimension_semantics = [], scalar_prefetch = 0 : i64, scratch_operands = 1 : i64, tpu.core_type = #tpu.core_type<tc>} {
    %get3A = arith.constant 0 : index
    %get3A_0 = arith.constant 0 : index
    %get3A_1 = vector.load %arg0[%get3A, %get3A_0] : memref<256x64xf32, #tpu.memory_space<vmem>>, vector<256x64xf32>
    %get3A_2 = arith.constant 0 : index
    %get3A_3 = arith.constant 0 : index
    %get3A_4 = vector.load %arg2[%get3A_2, %get3A_3] : memref<3x256xf32, #tpu.memory_space<vmem>>, vector<3x256xf32>
    %get3A_5 = arith.constant 128 : index
    %get3A_6 = arith.constant 0 : index
    %get3A_7 = vector.load %arg3[%get3A_5, %get3A_6] : memref<129x258xf32, #tpu.memory_space<vmem>>, vector<1x258xf32>
    %convert_element_type3A = arith.truncf %get3A_7 : vector<1x258xf32> to vector<1x258xbf16>
    %convert_element_type3A_8 = arith.extf %convert_element_type3A : vector<1x258xbf16> to vector<1x258xf32>
    %get3A_9 = arith.constant 0 : index
    %get3A_10 = arith.constant 0 : index
    %get3A_11 = vector.load %arg5[%get3A_9, %get3A_10] : memref<258x16xf32, #tpu.memory_space<vmem>>, vector<258x16xf32>
    %get3A_12 = arith.constant 0 : index
    %get3A_13 = vector.load %arg6[%get3A_12] : memref<16xf32, #tpu.memory_space<vmem>>, vector<16xf32>
    %get3A_14 = arith.constant 0 : index
    %get3A_15 = arith.constant 0 : index
    %get3A_16 = vector.load %arg7[%get3A_14, %get3A_15] : memref<16x1xf32, #tpu.memory_space<vmem>>, vector<16x1xf32>
    %get3A_17 = arith.constant 0 : index
    %get3A_18 = vector.load %arg8[%get3A_17] : memref<1xf32, #tpu.memory_space<vmem>>, vector<1xf32>
    %get3A_19 = arith.constant 0 : index
    %get3A_20 = arith.constant 0 : index
    %get3A_21 = vector.load %arg3[%get3A_19, %get3A_20] : memref<129x258xf32, #tpu.memory_space<vmem>>, vector<64x258xf32>
    %convert_element_type3A_22 = arith.truncf %get3A_1 : vector<256x64xf32> to vector<256x64xbf16>
    %convert_element_type3A_23 = arith.truncf %get3A_21 : vector<64x258xf32> to vector<64x258xbf16>
    %dot_general3A = arith.constant dense<0.000000e+00> : vector<256x258xf32>
    %dot_general3A_24 = tpu.matmul %convert_element_type3A_22, %convert_element_type3A_23, %dot_general3A {dimension_numbers = #tpu.dot_dimension_numbers<[1], [0], [0], [1], [0, 0, 1, 1], [], []>, transpose_lhs_hint = false} : vector<256x64xbf16>, vector<64x258xbf16>, vector<256x258xf32> -> vector<256x258xf32>
    %get3A_25 = arith.constant 0 : index
    %get3A_26 = vector.load %arg4[%get3A_25] : memref<258xf32, #tpu.memory_space<vmem>>, vector<258xf32>
    %broadcast_in_dim3A = vector.shape_cast %get3A_26 : vector<258xf32> to vector<1x258xf32>
    %add3A = vector.broadcast %broadcast_in_dim3A : vector<1x258xf32> to vector<256x258xf32>
    %add3A_27 = arith.addf %dot_general3A_24, %add3A : vector<256x258xf32>
    %swap3A = arith.constant 0 : index
    %swap3A_28 = arith.constant 0 : index
    %swap3A_29 = vector.load %arg10[%swap3A, %swap3A_28] : memref<256x258xf32, #tpu.memory_space<vmem>>, vector<256x258xf32>
    tpu.vector_store %arg10[%swap3A, %swap3A_28], %add3A_27 {strides = array<i32>} : memref<256x258xf32, #tpu.memory_space<vmem>>, vector<256x258xf32>,
    %get3A_30 = arith.constant 64 : index
    %get3A_31 = arith.constant 0 : index
    %get3A_32 = vector.load %arg3[%get3A_30, %get3A_31] : memref<129x258xf32, #tpu.memory_space<vmem>>, vector<64x258xf32>
    %convert_element_type3A_33 = arith.truncf %get3A_1 : vector<256x64xf32> to vector<256x64xbf16>
    %convert_element_type3A_34 = arith.truncf %get3A_32 : vector<64x258xf32> to vector<64x258xbf16>
    %dot_general3A_35 = arith.constant dense<0.000000e+00> : vector<256x258xf32>
    %dot_general3A_36 = tpu.matmul %convert_element_type3A_33, %convert_element_type3A_34, %dot_general3A_35 {dimension_numbers = #tpu.dot_dimension_numbers<[1], [0], [0], [1], [0, 0, 1, 1], [], []>, transpose_lhs_hint = false} : vector<256x64xbf16>, vector<64x258xbf16>, vector<256x258xf32> -> vector<256x258xf32>
    %scan3A = arith.constant 0 : i32
    %scan3A_37 = arith.constant 16 : i32
    %scan3A_38 = arith.addi %scan3A, %scan3A_37 : i32
    %scan3A_39 = arith.constant 1 : i32
    scf.for %scan3A_41 = %scan3A to %scan3A_38 step %scan3A_39  : i32 {
      %mul3A = arith.constant 16 : i32
      %mul3A_42 = arith.muli %scan3A_41, %mul3A : i32
      %get3A_43 = arith.index_cast %mul3A_42 : i32 to index
      %get3A_44 = arith.constant 0 : index
      %get3A_45 = vector.load %arg10[%get3A_43, %get3A_44] : memref<256x258xf32, #tpu.memory_space<vmem>>, vector<16x258xf32>
      %mul3A_46 = arith.constant 16 : i32
      %mul3A_47 = arith.muli %scan3A_41, %mul3A_46 : i32
      %get3A_48 = arith.index_cast %mul3A_47 : i32 to index
      %get3A_49 = arith.constant 0 : index
      %get3A_50 = vector.load %arg1[%get3A_48, %get3A_49] : memref<256x3xf32, #tpu.memory_space<vmem>>, vector<16x3xf32>
      %slice3A = vector.extract_strided_slice %get3A_50 {offsets = [0, 0], sizes = [16, 1], strides = [1, 1]} : vector<16x3xf32> to vector<16x1xf32>
      %slice3A_51 = vector.extract_strided_slice %get3A_4 {offsets = [0, 0], sizes = [1, 256], strides = [1, 1]} : vector<3x256xf32> to vector<1x256xf32>
      %sub3A = vector.broadcast %slice3A : vector<16x1xf32> to vector<16x256xf32>
      %sub3A_52 = vector.broadcast %slice3A_51 : vector<1x256xf32> to vector<16x256xf32>
      %sub3A_53 = arith.subf %sub3A, %sub3A_52 : vector<16x256xf32>
      %slice3A_54 = vector.extract_strided_slice %get3A_50 {offsets = [0, 1], sizes = [16, 1], strides = [1, 1]} : vector<16x3xf32> to vector<16x1xf32>
      %slice3A_55 = vector.extract_strided_slice %get3A_4 {offsets = [1, 0], sizes = [1, 256], strides = [1, 1]} : vector<3x256xf32> to vector<1x256xf32>
      %sub3A_56 = vector.broadcast %slice3A_54 : vector<16x1xf32> to vector<16x256xf32>
      %sub3A_57 = vector.broadcast %slice3A_55 : vector<1x256xf32> to vector<16x256xf32>
      %sub3A_58 = arith.subf %sub3A_56, %sub3A_57 : vector<16x256xf32>
      %slice3A_59 = vector.extract_strided_slice %get3A_50 {offsets = [0, 2], sizes = [16, 1], strides = [1, 1]} : vector<16x3xf32> to vector<16x1xf32>
      %slice3A_60 = vector.extract_strided_slice %get3A_4 {offsets = [2, 0], sizes = [1, 256], strides = [1, 1]} : vector<3x256xf32> to vector<1x256xf32>
      %sub3A_61 = vector.broadcast %slice3A_59 : vector<16x1xf32> to vector<16x256xf32>
      %sub3A_62 = vector.broadcast %slice3A_60 : vector<1x256xf32> to vector<16x256xf32>
      %sub3A_63 = arith.subf %sub3A_61, %sub3A_62 : vector<16x256xf32>
      %mul3A_64 = arith.mulf %sub3A_53, %sub3A_53 : vector<16x256xf32>
      %mul3A_65 = arith.mulf %sub3A_58, %sub3A_58 : vector<16x256xf32>
      %add3A_66 = arith.addf %mul3A_64, %mul3A_65 : vector<16x256xf32>
      %mul3A_67 = arith.mulf %sub3A_63, %sub3A_63 : vector<16x256xf32>
      %add3A_68 = arith.addf %add3A_66, %mul3A_67 : vector<16x256xf32>
      %broadcast_in_dim3A_69 = arith.constant 0.000000e+00 : f32
      %broadcast_in_dim3A_70 = vector.broadcast %broadcast_in_dim3A_69 : f32 to vector<16x16xf32>
      %convert_element_type3A_71 = arith.truncf %add3A_68 : vector<16x256xf32> to vector<16x256xbf16>
      %convert_element_type3A_72 = arith.extf %convert_element_type3A_71 : vector<16x256xbf16> to vector<16x256xf32>
      %broadcast_in_dim3A_73 = vector.shape_cast %get3A_45 : vector<16x258xf32> to vector<16x1x258xf32>
      %broadcast_in_dim3A_74 = vector.shape_cast %dot_general3A_36 : vector<256x258xf32> to vector<1x256x258xf32>
      %add3A_75 = vector.broadcast %broadcast_in_dim3A_73 : vector<16x1x258xf32> to vector<16x256x258xf32>
      %add3A_76 = vector.broadcast %broadcast_in_dim3A_74 : vector<1x256x258xf32> to vector<16x256x258xf32>
      %add3A_77 = arith.addf %add3A_75, %add3A_76 : vector<16x256x258xf32>
      %broadcast_in_dim3A_78 = vector.shape_cast %convert_element_type3A_72 : vector<16x256xf32> to vector<16x256x1xf32>
      %squeeze3A = vector.shape_cast %convert_element_type3A_8 : vector<1x258xf32> to vector<258xf32>
      %broadcast_in_dim3A_79 = vector.shape_cast %squeeze3A : vector<258xf32> to vector<1x1x258xf32>
      %mul3A_80 = vector.broadcast %broadcast_in_dim3A_78 : vector<16x256x1xf32> to vector<16x256x258xf32>
      %mul3A_81 = vector.broadcast %broadcast_in_dim3A_79 : vector<1x1x258xf32> to vector<16x256x258xf32>
      %mul3A_82 = arith.mulf %mul3A_80, %mul3A_81 : vector<16x256x258xf32>
      %add3A_83 = arith.addf %add3A_77, %mul3A_82 : vector<16x256x258xf32>
      %logistic3A = arith.negf %add3A_83 : vector<16x256x258xf32>
      %logistic3A_84 = math.exp %logistic3A : vector<16x256x258xf32>
      %logistic3A_85 = arith.constant 1.000000e+00 : f32
      %logistic3A_86 = vector.broadcast %logistic3A_85 : f32 to vector<16x256x258xf32>
      %logistic3A_87 = arith.addf %logistic3A_86, %logistic3A_84 : vector<16x256x258xf32>
      %logistic3A_88 = arith.divf %logistic3A_86, %logistic3A_87 : vector<16x256x258xf32>
      %mul3A_89 = arith.mulf %add3A_83, %logistic3A_88 : vector<16x256x258xf32>
      %reshape3A = vector.shape_cast %mul3A_89 : vector<16x256x258xf32> to vector<4096x258xf32>
      %convert_element_type3A_90 = arith.truncf %reshape3A : vector<4096x258xf32> to vector<4096x258xbf16>
      %convert_element_type3A_91 = arith.truncf %get3A_11 : vector<258x16xf32> to vector<258x16xbf16>
      %dot_general3A_92 = arith.constant dense<0.000000e+00> : vector<4096x16xf32>
      %dot_general3A_93 = tpu.matmul %convert_element_type3A_90, %convert_element_type3A_91, %dot_general3A_92 {dimension_numbers = #tpu.dot_dimension_numbers<[1], [0], [0], [1], [0, 0, 1, 1], [], []>, transpose_lhs_hint = false} : vector<4096x258xbf16>, vector<258x16xbf16>, vector<4096x16xf32> -> vector<4096x16xf32>
      %broadcast_in_dim3A_94 = vector.shape_cast %get3A_13 : vector<16xf32> to vector<1x16xf32>
      %add3A_95 = vector.broadcast %broadcast_in_dim3A_94 : vector<1x16xf32> to vector<4096x16xf32>
      %add3A_96 = arith.addf %dot_general3A_93, %add3A_95 : vector<4096x16xf32>
      %logistic3A_97 = arith.negf %add3A_96 : vector<4096x16xf32>
      %logistic3A_98 = math.exp %logistic3A_97 : vector<4096x16xf32>
      %logistic3A_99 = arith.constant 1.000000e+00 : f32
      %logistic3A_100 = vector.broadcast %logistic3A_99 : f32 to vector<4096x16xf32>
      %logistic3A_101 = arith.addf %logistic3A_100, %logistic3A_98 : vector<4096x16xf32>
      %logistic3A_102 = arith.divf %logistic3A_100, %logistic3A_101 : vector<4096x16xf32>
      %mul3A_103 = arith.mulf %add3A_96, %logistic3A_102 : vector<4096x16xf32>
      %convert_element_type3A_104 = arith.truncf %mul3A_103 : vector<4096x16xf32> to vector<4096x16xbf16>
      %convert_element_type3A_105 = arith.truncf %get3A_16 : vector<16x1xf32> to vector<16x1xbf16>
      %dot_general3A_106 = arith.constant dense<0.000000e+00> : vector<4096x1xf32>
      %dot_general3A_107 = tpu.matmul %convert_element_type3A_104, %convert_element_type3A_105, %dot_general3A_106 {dimension_numbers = #tpu.dot_dimension_numbers<[1], [0], [0], [1], [0, 0, 1, 1], [], []>, transpose_lhs_hint = false} : vector<4096x16xbf16>, vector<16x1xbf16>, vector<4096x1xf32> -> vector<4096x1xf32>
      %broadcast_in_dim3A_108 = vector.shape_cast %get3A_18 : vector<1xf32> to vector<1x1xf32>
      %add3A_109 = vector.broadcast %broadcast_in_dim3A_108 : vector<1x1xf32> to vector<4096x1xf32>
      %add3A_110 = arith.addf %dot_general3A_107, %add3A_109 : vector<4096x1xf32>
      %logistic3A_111 = arith.negf %add3A_110 : vector<4096x1xf32>
      %logistic3A_112 = math.exp %logistic3A_111 : vector<4096x1xf32>
      %logistic3A_113 = arith.constant 1.000000e+00 : f32
      %logistic3A_114 = vector.broadcast %logistic3A_113 : f32 to vector<4096x1xf32>
      %logistic3A_115 = arith.addf %logistic3A_114, %logistic3A_112 : vector<4096x1xf32>
      %logistic3A_116 = arith.divf %logistic3A_114, %logistic3A_115 : vector<4096x1xf32>
      %mul3A_117 = vector.broadcast %logistic3A_116 : vector<4096x1xf32> to vector<4096x16xf32>
      %mul3A_118 = arith.mulf %mul3A_103, %mul3A_117 : vector<4096x16xf32>
      %reshape3A_119 = vector.shape_cast %mul3A_118 : vector<4096x16xf32> to vector<16x256x16xf32>
      %reduce_sum3A = arith.constant dense<0.000000e+00> : vector<16x16xf32>
      %reduce_sum3A_120 = vector.multi_reduction <add>, %reshape3A_119, %reduce_sum3A [1] : vector<16x256x16xf32> to vector<16x16xf32>
      %add3A_121 = arith.addf %broadcast_in_dim3A_70, %reduce_sum3A_120 : vector<16x16xf32>
      %mul3A_122 = arith.constant 16 : i32
      %mul3A_123 = arith.muli %scan3A_41, %mul3A_122 : i32
      %swap3A_124 = arith.index_cast %mul3A_123 : i32 to index
      %swap3A_125 = arith.constant 0 : index
      %swap3A_126 = vector.load %arg9[%swap3A_124, %swap3A_125] : memref<256x16xf32, #tpu.memory_space<vmem>>, vector<16x16xf32>
      tpu.vector_store %arg9[%swap3A_124, %swap3A_125], %add3A_121 {strides = array<i32>} : memref<256x16xf32, #tpu.memory_space<vmem>>, vector<16x16xf32>,
    }
    %scan3A_40 = arith.constant 16 : i32
    return
  }
}

module attributes {stable_mosaic.version = 14 : i64} {
  func.func @_gat_body(%arg0: memref<768x64xf32, #tpu.memory_space<vmem>>, %arg1: memref<1x8192xi32, #tpu.memory_space<vmem>>, %arg2: memref<1x8192xi32, #tpu.memory_space<vmem>>, %arg3: memref<64x64xf32, #tpu.memory_space<vmem>>, %arg4: memref<64xf32, #tpu.memory_space<vmem>>, %arg5: memref<64xf32, #tpu.memory_space<vmem>>, %arg6: memref<64xf32, #tpu.memory_space<vmem>>, %arg7: memref<768x64xf32, #tpu.memory_space<vmem>>) attributes {dimension_semantics = [], scalar_prefetch = 0 : i64, scratch_operands = 0 : i64, tpu.core_type = #tpu.core_type<tc>} {
    %get3A = arith.constant 0 : index
    %get3A_0 = arith.constant 0 : index
    %get3A_1 = vector.load %arg0[%get3A, %get3A_0] : memref<768x64xf32, #tpu.memory_space<vmem>>, vector<768x64xf32>
    %get3A_2 = arith.constant 0 : index
    %get3A_3 = arith.constant 0 : index
    %get3A_4 = vector.load %arg3[%get3A_2, %get3A_3] : memref<64x64xf32, #tpu.memory_space<vmem>>, vector<64x64xf32>
    %convert_element_type3A = arith.truncf %get3A_1 : vector<768x64xf32> to vector<768x64xbf16>
    %convert_element_type3A_5 = arith.truncf %get3A_4 : vector<64x64xf32> to vector<64x64xbf16>
    %dot_general3A = arith.constant dense<0.000000e+00> : vector<768x64xf32>
    %dot_general3A_6 = tpu.matmul %convert_element_type3A, %convert_element_type3A_5, %dot_general3A {dimension_numbers = #tpu.dot_dimension_numbers<[1], [0], [0], [1], [0, 0, 1, 1], [], []>, transpose_lhs_hint = false} : vector<768x64xbf16>, vector<64x64xbf16>, vector<768x64xf32> -> vector<768x64xf32>
    %get3A_7 = arith.constant 0 : index
    %get3A_8 = vector.load %arg4[%get3A_7] : memref<64xf32, #tpu.memory_space<vmem>>, vector<64xf32>
    %reshape3A = vector.shape_cast %get3A_8 : vector<64xf32> to vector<64x1xf32>
    %get3A_9 = arith.constant 0 : index
    %get3A_10 = vector.load %arg5[%get3A_9] : memref<64xf32, #tpu.memory_space<vmem>>, vector<64xf32>
    %reshape3A_11 = vector.shape_cast %get3A_10 : vector<64xf32> to vector<64x1xf32>
    %convert_element_type3A_12 = arith.truncf %dot_general3A_6 : vector<768x64xf32> to vector<768x64xbf16>
    %convert_element_type3A_13 = arith.truncf %reshape3A : vector<64x1xf32> to vector<64x1xbf16>
    %dot_general3A_14 = arith.constant dense<0.000000e+00> : vector<768x1xf32>
    %dot_general3A_15 = tpu.matmul %convert_element_type3A_12, %convert_element_type3A_13, %dot_general3A_14 {dimension_numbers = #tpu.dot_dimension_numbers<[1], [0], [0], [1], [0, 0, 1, 1], [], []>, transpose_lhs_hint = false} : vector<768x64xbf16>, vector<64x1xbf16>, vector<768x1xf32> -> vector<768x1xf32>
    %convert_element_type3A_16 = arith.truncf %dot_general3A_6 : vector<768x64xf32> to vector<768x64xbf16>
    %convert_element_type3A_17 = arith.truncf %reshape3A_11 : vector<64x1xf32> to vector<64x1xbf16>
    %dot_general3A_18 = arith.constant dense<0.000000e+00> : vector<768x1xf32>
    %dot_general3A_19 = tpu.matmul %convert_element_type3A_16, %convert_element_type3A_17, %dot_general3A_18 {dimension_numbers = #tpu.dot_dimension_numbers<[1], [0], [0], [1], [0, 0, 1, 1], [], []>, transpose_lhs_hint = false} : vector<768x64xbf16>, vector<64x1xbf16>, vector<768x1xf32> -> vector<768x1xf32>
    %convert_element_type3A_20 = arith.truncf %reshape3A : vector<64x1xf32> to vector<64x1xbf16>
    %convert_element_type3A_21 = arith.truncf %dot_general3A_6 : vector<768x64xf32> to vector<768x64xbf16>
    %dot_general3A_22 = arith.constant dense<0.000000e+00> : vector<1x768xf32>
    %dot_general3A_23 = tpu.matmul %convert_element_type3A_20, %convert_element_type3A_21, %dot_general3A_22 {dimension_numbers = #tpu.dot_dimension_numbers<[0], [1], [1], [0], [0, 1, 1, 0], [], []>, transpose_lhs_hint = false} : vector<64x1xbf16>, vector<768x64xbf16>, vector<1x768xf32> -> vector<1x768xf32>
    %convert_element_type3A_24 = arith.truncf %reshape3A_11 : vector<64x1xf32> to vector<64x1xbf16>
    %convert_element_type3A_25 = arith.truncf %dot_general3A_6 : vector<768x64xf32> to vector<768x64xbf16>
    %dot_general3A_26 = arith.constant dense<0.000000e+00> : vector<1x768xf32>
    %dot_general3A_27 = tpu.matmul %convert_element_type3A_24, %convert_element_type3A_25, %dot_general3A_26 {dimension_numbers = #tpu.dot_dimension_numbers<[0], [1], [1], [0], [0, 1, 1, 0], [], []>, transpose_lhs_hint = false} : vector<64x1xbf16>, vector<768x64xbf16>, vector<1x768xf32> -> vector<1x768xf32>
    %add3A = arith.addf %dot_general3A_15, %dot_general3A_19 : vector<768x1xf32>
    %ge3A = arith.constant 0.000000e+00 : f32
    %ge3A_28 = vector.broadcast %ge3A : f32 to vector<768x1xf32>
    %ge3A_29 = arith.cmpf oge, %add3A, %ge3A_28 : vector<768x1xf32>
    %mul3A = arith.constant 2.000000e-01 : f32
    %mul3A_30 = vector.broadcast %mul3A : f32 to vector<768x1xf32>
    %mul3A_31 = arith.mulf %mul3A_30, %add3A : vector<768x1xf32>
    %select_n3A = arith.select %ge3A_29, %add3A, %mul3A_31 : vector<768x1xi1>, vector<768x1xf32>
    %reduce_max3A = vector.shape_cast %dot_general3A_15 : vector<768x1xf32> to vector<1x768x1xf32>
    %reduce_max3A_32 = arith.constant dense<0xFF800000> : vector<1xf32>
    %reduce_max3A_33 = vector.multi_reduction <maximumf>, %reduce_max3A, %reduce_max3A_32 [1, 2] : vector<1x768x1xf32> to vector<1xf32>
    %reduce_max3A_34 = vector.shape_cast %reduce_max3A_33 : vector<1xf32> to vector<1x1x1xf32>
    %reduce_max3A_35 = vector.extract %reduce_max3A_34[0, 0, 0] : f32 from vector<1x1x1xf32>
    %reduce_max3A_36 = vector.shape_cast %dot_general3A_19 : vector<768x1xf32> to vector<1x768x1xf32>
    %reduce_max3A_37 = arith.constant dense<0xFF800000> : vector<1xf32>
    %reduce_max3A_38 = vector.multi_reduction <maximumf>, %reduce_max3A_36, %reduce_max3A_37 [1, 2] : vector<1x768x1xf32> to vector<1xf32>
    %reduce_max3A_39 = vector.shape_cast %reduce_max3A_38 : vector<1xf32> to vector<1x1x1xf32>
    %reduce_max3A_40 = vector.extract %reduce_max3A_39[0, 0, 0] : f32 from vector<1x1x1xf32>
    %add3A_41 = arith.addf %reduce_max3A_35, %reduce_max3A_40 : f32
    %max3A = arith.constant 0.000000e+00 : f32
    %max3A_42 = arith.maximumf %add3A_41, %max3A : f32
    %broadcast_in_dim3A = arith.constant 0.000000e+00 : f32
    %broadcast_in_dim3A_43 = vector.broadcast %broadcast_in_dim3A : f32 to vector<768x64xf32>
    %broadcast_in_dim3A_44 = arith.constant 0.000000e+00 : f32
    %broadcast_in_dim3A_45 = vector.broadcast %broadcast_in_dim3A_44 : f32 to vector<768x1xf32>
    %scan3A = arith.constant 0 : i32
    %scan3A_46 = arith.constant 8 : i32
    %scan3A_47 = arith.addi %scan3A, %scan3A_46 : i32
    %scan3A_48 = arith.constant 1 : i32
    %scan3A_49:2 = scf.for %scan3A_67 = %scan3A to %scan3A_47 step %scan3A_48 iter_args(%scan3A_68 = %broadcast_in_dim3A_43, %scan3A_69 = %broadcast_in_dim3A_45) -> (vector<768x64xf32>, vector<768x1xf32>)  : i32 {
      %mul3A_70 = arith.constant 1024 : i32
      %mul3A_71 = arith.muli %scan3A_67, %mul3A_70 : i32
      %get3A_72 = arith.constant 0 : index
      %get3A_73 = arith.index_cast %mul3A_71 : i32 to index
      %get3A_74 = vector.load %arg1[%get3A_72, %get3A_73] : memref<1x8192xi32, #tpu.memory_space<vmem>>, vector<1x1024xi32>
      %mul3A_75 = arith.constant 1024 : i32
      %mul3A_76 = arith.muli %scan3A_67, %mul3A_75 : i32
      %get3A_77 = arith.constant 0 : index
      %get3A_78 = arith.index_cast %mul3A_76 : i32 to index
      %get3A_79 = vector.load %arg2[%get3A_77, %get3A_78] : memref<1x8192xi32, #tpu.memory_space<vmem>>, vector<1x1024xi32>
      %iota3A = tpu.iota {dimensions = array<i32: 0>} : vector<768x1024xi32>
      %eq3A = vector.broadcast %get3A_74 : vector<1x1024xi32> to vector<768x1024xi32>
      %eq3A_80 = arith.cmpi eq, %iota3A, %eq3A : vector<768x1024xi32>
      %convert_element_type3A_81 = arith.extui %eq3A_80 : vector<768x1024xi1> to vector<768x1024xi32>
      %convert_element_type3A_82 = arith.sitofp %convert_element_type3A_81 : vector<768x1024xi32> to vector<768x1024xf32>
      %iota3A_83 = tpu.iota {dimensions = array<i32: 0>} : vector<768x1024xi32>
      %eq3A_84 = vector.broadcast %get3A_79 : vector<1x1024xi32> to vector<768x1024xi32>
      %eq3A_85 = arith.cmpi eq, %iota3A_83, %eq3A_84 : vector<768x1024xi32>
      %convert_element_type3A_86 = arith.extui %eq3A_85 : vector<768x1024xi1> to vector<768x1024xi32>
      %convert_element_type3A_87 = arith.sitofp %convert_element_type3A_86 : vector<768x1024xi32> to vector<768x1024xf32>
      %dot_general3A_88 = arith.constant dense<0.000000e+00> : vector<1x1024xf32>
      %dot_general3A_89 = tpu.matmul %dot_general3A_23, %convert_element_type3A_82, %dot_general3A_88 {dimension_numbers = #tpu.dot_dimension_numbers<[1], [0], [0], [1], [0, 0, 1, 1], [], []>, precision = #tpu.contract_precision<fp32>, transpose_lhs_hint = false} : vector<1x768xf32>, vector<768x1024xf32>, vector<1x1024xf32> -> vector<1x1024xf32>
      %dot_general3A_90 = arith.constant dense<0.000000e+00> : vector<1x1024xf32>
      %dot_general3A_91 = tpu.matmul %dot_general3A_27, %convert_element_type3A_87, %dot_general3A_90 {dimension_numbers = #tpu.dot_dimension_numbers<[1], [0], [0], [1], [0, 0, 1, 1], [], []>, precision = #tpu.contract_precision<fp32>, transpose_lhs_hint = false} : vector<1x768xf32>, vector<768x1024xf32>, vector<1x1024xf32> -> vector<1x1024xf32>
      %add3A_92 = arith.addf %dot_general3A_89, %dot_general3A_91 : vector<1x1024xf32>
      %ge3A_93 = arith.constant 0.000000e+00 : f32
      %ge3A_94 = vector.broadcast %ge3A_93 : f32 to vector<1x1024xf32>
      %ge3A_95 = arith.cmpf oge, %add3A_92, %ge3A_94 : vector<1x1024xf32>
      %mul3A_96 = arith.constant 2.000000e-01 : f32
      %mul3A_97 = vector.broadcast %mul3A_96 : f32 to vector<1x1024xf32>
      %mul3A_98 = arith.mulf %mul3A_97, %add3A_92 : vector<1x1024xf32>
      %select_n3A_99 = arith.select %ge3A_95, %add3A_92, %mul3A_98 : vector<1x1024xi1>, vector<1x1024xf32>
      %sub3A_100 = vector.broadcast %max3A_42 : f32 to vector<1x1024xf32>
      %sub3A_101 = arith.subf %select_n3A_99, %sub3A_100 : vector<1x1024xf32>
      %exp3A_102 = math.exp %sub3A_101 : vector<1x1024xf32>
      %dot_general3A_103 = arith.constant dense<0.000000e+00> : vector<1024x64xf32>
      %dot_general3A_104 = tpu.matmul %convert_element_type3A_82, %dot_general3A_6, %dot_general3A_103 {dimension_numbers = #tpu.dot_dimension_numbers<[0], [0], [1], [1], [0, 1, 1, 1], [], []>, precision = #tpu.contract_precision<fp32>, transpose_lhs_hint = false} : vector<768x1024xf32>, vector<768x64xf32>, vector<1024x64xf32> -> vector<1024x64xf32>
      %mul3A_105 = vector.broadcast %exp3A_102 : vector<1x1024xf32> to vector<768x1024xf32>
      %mul3A_106 = arith.mulf %convert_element_type3A_87, %mul3A_105 : vector<768x1024xf32>
      %dot_general3A_107 = arith.constant dense<0.000000e+00> : vector<768x64xf32>
      %dot_general3A_108 = tpu.matmul %mul3A_106, %dot_general3A_104, %dot_general3A_107 {dimension_numbers = #tpu.dot_dimension_numbers<[1], [0], [0], [1], [0, 0, 1, 1], [], []>, precision = #tpu.contract_precision<fp32>, transpose_lhs_hint = false} : vector<768x1024xf32>, vector<1024x64xf32>, vector<768x64xf32> -> vector<768x64xf32>
      %add3A_109 = arith.addf %scan3A_68, %dot_general3A_108 : vector<768x64xf32>
      %dot_general3A_110 = arith.constant dense<0.000000e+00> : vector<768x1xf32>
      %dot_general3A_111 = tpu.matmul %convert_element_type3A_87, %exp3A_102, %dot_general3A_110 {dimension_numbers = #tpu.dot_dimension_numbers<[1], [1], [0], [0], [0, 0, 1, 0], [], []>, precision = #tpu.contract_precision<fp32>, transpose_lhs_hint = false} : vector<768x1024xf32>, vector<1x1024xf32>, vector<768x1xf32> -> vector<768x1xf32>
      %add3A_112 = arith.addf %scan3A_69, %dot_general3A_111 : vector<768x1xf32>
      scf.yield %add3A_109, %add3A_112 : vector<768x64xf32>, vector<768x1xf32>
    }
    %scan3A_50 = arith.constant 8 : i32
    %sub3A = vector.broadcast %max3A_42 : f32 to vector<768x1xf32>
    %sub3A_51 = arith.subf %select_n3A, %sub3A : vector<768x1xf32>
    %exp3A = math.exp %sub3A_51 : vector<768x1xf32>
    %add3A_52 = arith.addf %scan3A_49#1, %exp3A : vector<768x1xf32>
    %mul3A_53 = vector.broadcast %exp3A : vector<768x1xf32> to vector<768x64xf32>
    %mul3A_54 = arith.mulf %mul3A_53, %dot_general3A_6 : vector<768x64xf32>
    %add3A_55 = arith.addf %scan3A_49#0, %mul3A_54 : vector<768x64xf32>
    %div3A = vector.broadcast %add3A_52 : vector<768x1xf32> to vector<768x64xf32>
    %div3A_56 = arith.divf %add3A_55, %div3A : vector<768x64xf32>
    %get3A_57 = arith.constant 0 : index
    %get3A_58 = vector.load %arg6[%get3A_57] : memref<64xf32, #tpu.memory_space<vmem>>, vector<64xf32>
    %broadcast_in_dim3A_59 = vector.shape_cast %get3A_58 : vector<64xf32> to vector<1x64xf32>
    %add3A_60 = vector.broadcast %broadcast_in_dim3A_59 : vector<1x64xf32> to vector<768x64xf32>
    %add3A_61 = arith.addf %div3A_56, %add3A_60 : vector<768x64xf32>
    %max3A_62 = arith.constant 0.000000e+00 : f32
    %max3A_63 = vector.broadcast %max3A_62 : f32 to vector<768x64xf32>
    %max3A_64 = arith.maximumf %add3A_61, %max3A_63 : vector<768x64xf32>
    %swap3A = arith.constant 0 : index
    %swap3A_65 = arith.constant 0 : index
    %swap3A_66 = vector.load %arg7[%swap3A, %swap3A_65] : memref<768x64xf32, #tpu.memory_space<vmem>>, vector<768x64xf32>
    tpu.vector_store %arg7[%swap3A, %swap3A_65], %max3A_64 {strides = array<i32>} : memref<768x64xf32, #tpu.memory_space<vmem>>, vector<768x64xf32>,
    return
  }
}

module attributes {stable_mosaic.version = 14 : i64} {
  func.func @_gat_body(%arg0: memref<768x64xf32, #tpu.memory_space<vmem>>, %arg1: memref<1x8192xi32, #tpu.memory_space<vmem>>, %arg2: memref<1x8192xi32, #tpu.memory_space<vmem>>, %arg3: memref<64x64xf32, #tpu.memory_space<vmem>>, %arg4: memref<64xf32, #tpu.memory_space<vmem>>, %arg5: memref<64xf32, #tpu.memory_space<vmem>>, %arg6: memref<64xf32, #tpu.memory_space<vmem>>, %arg7: memref<768x64xf32, #tpu.memory_space<vmem>>) attributes {dimension_semantics = [], scalar_prefetch = 0 : i64, scratch_operands = 0 : i64, tpu.core_type = #tpu.core_type<tc>} {
    %get3A = arith.constant 0 : index
    %get3A_0 = arith.constant 0 : index
    %get3A_1 = vector.load %arg0[%get3A, %get3A_0] : memref<768x64xf32, #tpu.memory_space<vmem>>, vector<768x64xf32>
    %get3A_2 = arith.constant 0 : index
    %get3A_3 = arith.constant 0 : index
    %get3A_4 = vector.load %arg3[%get3A_2, %get3A_3] : memref<64x64xf32, #tpu.memory_space<vmem>>, vector<64x64xf32>
    %convert_element_type3A = arith.truncf %get3A_1 : vector<768x64xf32> to vector<768x64xbf16>
    %convert_element_type3A_5 = arith.truncf %get3A_4 : vector<64x64xf32> to vector<64x64xbf16>
    %dot_general3A = arith.constant dense<0.000000e+00> : vector<768x64xf32>
    %dot_general3A_6 = tpu.matmul %convert_element_type3A, %convert_element_type3A_5, %dot_general3A {dimension_numbers = #tpu.dot_dimension_numbers<[1], [0], [0], [1], [0, 0, 1, 1], [], []>, transpose_lhs_hint = false} : vector<768x64xbf16>, vector<64x64xbf16>, vector<768x64xf32> -> vector<768x64xf32>
    %get3A_7 = arith.constant 0 : index
    %get3A_8 = vector.load %arg4[%get3A_7] : memref<64xf32, #tpu.memory_space<vmem>>, vector<64xf32>
    %reshape3A = vector.shape_cast %get3A_8 : vector<64xf32> to vector<64x1xf32>
    %get3A_9 = arith.constant 0 : index
    %get3A_10 = vector.load %arg5[%get3A_9] : memref<64xf32, #tpu.memory_space<vmem>>, vector<64xf32>
    %reshape3A_11 = vector.shape_cast %get3A_10 : vector<64xf32> to vector<64x1xf32>
    %convert_element_type3A_12 = arith.truncf %dot_general3A_6 : vector<768x64xf32> to vector<768x64xbf16>
    %convert_element_type3A_13 = arith.truncf %reshape3A : vector<64x1xf32> to vector<64x1xbf16>
    %dot_general3A_14 = arith.constant dense<0.000000e+00> : vector<768x1xf32>
    %dot_general3A_15 = tpu.matmul %convert_element_type3A_12, %convert_element_type3A_13, %dot_general3A_14 {dimension_numbers = #tpu.dot_dimension_numbers<[1], [0], [0], [1], [0, 0, 1, 1], [], []>, transpose_lhs_hint = false} : vector<768x64xbf16>, vector<64x1xbf16>, vector<768x1xf32> -> vector<768x1xf32>
    %convert_element_type3A_16 = arith.truncf %dot_general3A_6 : vector<768x64xf32> to vector<768x64xbf16>
    %convert_element_type3A_17 = arith.truncf %reshape3A_11 : vector<64x1xf32> to vector<64x1xbf16>
    %dot_general3A_18 = arith.constant dense<0.000000e+00> : vector<768x1xf32>
    %dot_general3A_19 = tpu.matmul %convert_element_type3A_16, %convert_element_type3A_17, %dot_general3A_18 {dimension_numbers = #tpu.dot_dimension_numbers<[1], [0], [0], [1], [0, 0, 1, 1], [], []>, transpose_lhs_hint = false} : vector<768x64xbf16>, vector<64x1xbf16>, vector<768x1xf32> -> vector<768x1xf32>
    %convert_element_type3A_20 = arith.truncf %reshape3A : vector<64x1xf32> to vector<64x1xbf16>
    %convert_element_type3A_21 = arith.truncf %dot_general3A_6 : vector<768x64xf32> to vector<768x64xbf16>
    %dot_general3A_22 = arith.constant dense<0.000000e+00> : vector<1x768xf32>
    %dot_general3A_23 = tpu.matmul %convert_element_type3A_20, %convert_element_type3A_21, %dot_general3A_22 {dimension_numbers = #tpu.dot_dimension_numbers<[0], [1], [1], [0], [0, 1, 1, 0], [], []>, transpose_lhs_hint = false} : vector<64x1xbf16>, vector<768x64xbf16>, vector<1x768xf32> -> vector<1x768xf32>
    %convert_element_type3A_24 = arith.truncf %reshape3A_11 : vector<64x1xf32> to vector<64x1xbf16>
    %convert_element_type3A_25 = arith.truncf %dot_general3A_6 : vector<768x64xf32> to vector<768x64xbf16>
    %dot_general3A_26 = arith.constant dense<0.000000e+00> : vector<1x768xf32>
    %dot_general3A_27 = tpu.matmul %convert_element_type3A_24, %convert_element_type3A_25, %dot_general3A_26 {dimension_numbers = #tpu.dot_dimension_numbers<[0], [1], [1], [0], [0, 1, 1, 0], [], []>, transpose_lhs_hint = false} : vector<64x1xbf16>, vector<768x64xbf16>, vector<1x768xf32> -> vector<1x768xf32>
    %add3A = arith.addf %dot_general3A_15, %dot_general3A_19 : vector<768x1xf32>
    %ge3A = arith.constant 0.000000e+00 : f32
    %ge3A_28 = vector.broadcast %ge3A : f32 to vector<768x1xf32>
    %ge3A_29 = arith.cmpf oge, %add3A, %ge3A_28 : vector<768x1xf32>
    %mul3A = arith.constant 2.000000e-01 : f32
    %mul3A_30 = vector.broadcast %mul3A : f32 to vector<768x1xf32>
    %mul3A_31 = arith.mulf %mul3A_30, %add3A : vector<768x1xf32>
    %select_n3A = arith.select %ge3A_29, %add3A, %mul3A_31 : vector<768x1xi1>, vector<768x1xf32>
    %reduce_max3A = vector.shape_cast %dot_general3A_15 : vector<768x1xf32> to vector<1x768x1xf32>
    %reduce_max3A_32 = arith.constant dense<0xFF800000> : vector<1xf32>
    %reduce_max3A_33 = vector.multi_reduction <maximumf>, %reduce_max3A, %reduce_max3A_32 [1, 2] : vector<1x768x1xf32> to vector<1xf32>
    %reduce_max3A_34 = vector.shape_cast %reduce_max3A_33 : vector<1xf32> to vector<1x1x1xf32>
    %reduce_max3A_35 = vector.extract %reduce_max3A_34[0, 0, 0] : f32 from vector<1x1x1xf32>
    %reduce_max3A_36 = vector.shape_cast %dot_general3A_19 : vector<768x1xf32> to vector<1x768x1xf32>
    %reduce_max3A_37 = arith.constant dense<0xFF800000> : vector<1xf32>
    %reduce_max3A_38 = vector.multi_reduction <maximumf>, %reduce_max3A_36, %reduce_max3A_37 [1, 2] : vector<1x768x1xf32> to vector<1xf32>
    %reduce_max3A_39 = vector.shape_cast %reduce_max3A_38 : vector<1xf32> to vector<1x1x1xf32>
    %reduce_max3A_40 = vector.extract %reduce_max3A_39[0, 0, 0] : f32 from vector<1x1x1xf32>
    %add3A_41 = arith.addf %reduce_max3A_35, %reduce_max3A_40 : f32
    %max3A = arith.constant 0.000000e+00 : f32
    %max3A_42 = arith.maximumf %add3A_41, %max3A : f32
    %broadcast_in_dim3A = arith.constant 0.000000e+00 : f32
    %broadcast_in_dim3A_43 = vector.broadcast %broadcast_in_dim3A : f32 to vector<768x64xf32>
    %broadcast_in_dim3A_44 = arith.constant 0.000000e+00 : f32
    %broadcast_in_dim3A_45 = vector.broadcast %broadcast_in_dim3A_44 : f32 to vector<768x1xf32>
    %scan3A = arith.constant 0 : i32
    %scan3A_46 = arith.constant 8 : i32
    %scan3A_47 = arith.addi %scan3A, %scan3A_46 : i32
    %scan3A_48 = arith.constant 1 : i32
    %scan3A_49:2 = scf.for %scan3A_64 = %scan3A to %scan3A_47 step %scan3A_48 iter_args(%scan3A_65 = %broadcast_in_dim3A_43, %scan3A_66 = %broadcast_in_dim3A_45) -> (vector<768x64xf32>, vector<768x1xf32>)  : i32 {
      %mul3A_67 = arith.constant 1024 : i32
      %mul3A_68 = arith.muli %scan3A_64, %mul3A_67 : i32
      %get3A_69 = arith.constant 0 : index
      %get3A_70 = arith.index_cast %mul3A_68 : i32 to index
      %get3A_71 = vector.load %arg1[%get3A_69, %get3A_70] : memref<1x8192xi32, #tpu.memory_space<vmem>>, vector<1x1024xi32>
      %mul3A_72 = arith.constant 1024 : i32
      %mul3A_73 = arith.muli %scan3A_64, %mul3A_72 : i32
      %get3A_74 = arith.constant 0 : index
      %get3A_75 = arith.index_cast %mul3A_73 : i32 to index
      %get3A_76 = vector.load %arg2[%get3A_74, %get3A_75] : memref<1x8192xi32, #tpu.memory_space<vmem>>, vector<1x1024xi32>
      %iota3A = tpu.iota {dimensions = array<i32: 0>} : vector<768x1024xi32>
      %eq3A = vector.broadcast %get3A_71 : vector<1x1024xi32> to vector<768x1024xi32>
      %eq3A_77 = arith.cmpi eq, %iota3A, %eq3A : vector<768x1024xi32>
      %convert_element_type3A_78 = arith.extui %eq3A_77 : vector<768x1024xi1> to vector<768x1024xi32>
      %convert_element_type3A_79 = arith.sitofp %convert_element_type3A_78 : vector<768x1024xi32> to vector<768x1024xf32>
      %iota3A_80 = tpu.iota {dimensions = array<i32: 0>} : vector<768x1024xi32>
      %eq3A_81 = vector.broadcast %get3A_76 : vector<1x1024xi32> to vector<768x1024xi32>
      %eq3A_82 = arith.cmpi eq, %iota3A_80, %eq3A_81 : vector<768x1024xi32>
      %convert_element_type3A_83 = arith.extui %eq3A_82 : vector<768x1024xi1> to vector<768x1024xi32>
      %convert_element_type3A_84 = arith.sitofp %convert_element_type3A_83 : vector<768x1024xi32> to vector<768x1024xf32>
      %dot_general3A_85 = arith.constant dense<0.000000e+00> : vector<1x1024xf32>
      %dot_general3A_86 = tpu.matmul %dot_general3A_23, %convert_element_type3A_79, %dot_general3A_85 {dimension_numbers = #tpu.dot_dimension_numbers<[1], [0], [0], [1], [0, 0, 1, 1], [], []>, precision = #tpu.contract_precision<fp32>, transpose_lhs_hint = false} : vector<1x768xf32>, vector<768x1024xf32>, vector<1x1024xf32> -> vector<1x1024xf32>
      %dot_general3A_87 = arith.constant dense<0.000000e+00> : vector<1x1024xf32>
      %dot_general3A_88 = tpu.matmul %dot_general3A_27, %convert_element_type3A_84, %dot_general3A_87 {dimension_numbers = #tpu.dot_dimension_numbers<[1], [0], [0], [1], [0, 0, 1, 1], [], []>, precision = #tpu.contract_precision<fp32>, transpose_lhs_hint = false} : vector<1x768xf32>, vector<768x1024xf32>, vector<1x1024xf32> -> vector<1x1024xf32>
      %add3A_89 = arith.addf %dot_general3A_86, %dot_general3A_88 : vector<1x1024xf32>
      %ge3A_90 = arith.constant 0.000000e+00 : f32
      %ge3A_91 = vector.broadcast %ge3A_90 : f32 to vector<1x1024xf32>
      %ge3A_92 = arith.cmpf oge, %add3A_89, %ge3A_91 : vector<1x1024xf32>
      %mul3A_93 = arith.constant 2.000000e-01 : f32
      %mul3A_94 = vector.broadcast %mul3A_93 : f32 to vector<1x1024xf32>
      %mul3A_95 = arith.mulf %mul3A_94, %add3A_89 : vector<1x1024xf32>
      %select_n3A_96 = arith.select %ge3A_92, %add3A_89, %mul3A_95 : vector<1x1024xi1>, vector<1x1024xf32>
      %sub3A_97 = vector.broadcast %max3A_42 : f32 to vector<1x1024xf32>
      %sub3A_98 = arith.subf %select_n3A_96, %sub3A_97 : vector<1x1024xf32>
      %exp3A_99 = math.exp %sub3A_98 : vector<1x1024xf32>
      %dot_general3A_100 = arith.constant dense<0.000000e+00> : vector<1024x64xf32>
      %dot_general3A_101 = tpu.matmul %convert_element_type3A_79, %dot_general3A_6, %dot_general3A_100 {dimension_numbers = #tpu.dot_dimension_numbers<[0], [0], [1], [1], [0, 1, 1, 1], [], []>, precision = #tpu.contract_precision<fp32>, transpose_lhs_hint = false} : vector<768x1024xf32>, vector<768x64xf32>, vector<1024x64xf32> -> vector<1024x64xf32>
      %mul3A_102 = vector.broadcast %exp3A_99 : vector<1x1024xf32> to vector<768x1024xf32>
      %mul3A_103 = arith.mulf %convert_element_type3A_84, %mul3A_102 : vector<768x1024xf32>
      %dot_general3A_104 = arith.constant dense<0.000000e+00> : vector<768x64xf32>
      %dot_general3A_105 = tpu.matmul %mul3A_103, %dot_general3A_101, %dot_general3A_104 {dimension_numbers = #tpu.dot_dimension_numbers<[1], [0], [0], [1], [0, 0, 1, 1], [], []>, precision = #tpu.contract_precision<fp32>, transpose_lhs_hint = false} : vector<768x1024xf32>, vector<1024x64xf32>, vector<768x64xf32> -> vector<768x64xf32>
      %add3A_106 = arith.addf %scan3A_65, %dot_general3A_105 : vector<768x64xf32>
      %dot_general3A_107 = arith.constant dense<0.000000e+00> : vector<768x1xf32>
      %dot_general3A_108 = tpu.matmul %convert_element_type3A_84, %exp3A_99, %dot_general3A_107 {dimension_numbers = #tpu.dot_dimension_numbers<[1], [1], [0], [0], [0, 0, 1, 0], [], []>, precision = #tpu.contract_precision<fp32>, transpose_lhs_hint = false} : vector<768x1024xf32>, vector<1x1024xf32>, vector<768x1xf32> -> vector<768x1xf32>
      %add3A_109 = arith.addf %scan3A_66, %dot_general3A_108 : vector<768x1xf32>
      scf.yield %add3A_106, %add3A_109 : vector<768x64xf32>, vector<768x1xf32>
    }
    %scan3A_50 = arith.constant 8 : i32
    %sub3A = vector.broadcast %max3A_42 : f32 to vector<768x1xf32>
    %sub3A_51 = arith.subf %select_n3A, %sub3A : vector<768x1xf32>
    %exp3A = math.exp %sub3A_51 : vector<768x1xf32>
    %add3A_52 = arith.addf %scan3A_49#1, %exp3A : vector<768x1xf32>
    %mul3A_53 = vector.broadcast %exp3A : vector<768x1xf32> to vector<768x64xf32>
    %mul3A_54 = arith.mulf %mul3A_53, %dot_general3A_6 : vector<768x64xf32>
    %add3A_55 = arith.addf %scan3A_49#0, %mul3A_54 : vector<768x64xf32>
    %div3A = vector.broadcast %add3A_52 : vector<768x1xf32> to vector<768x64xf32>
    %div3A_56 = arith.divf %add3A_55, %div3A : vector<768x64xf32>
    %get3A_57 = arith.constant 0 : index
    %get3A_58 = vector.load %arg6[%get3A_57] : memref<64xf32, #tpu.memory_space<vmem>>, vector<64xf32>
    %broadcast_in_dim3A_59 = vector.shape_cast %get3A_58 : vector<64xf32> to vector<1x64xf32>
    %add3A_60 = vector.broadcast %broadcast_in_dim3A_59 : vector<1x64xf32> to vector<768x64xf32>
    %add3A_61 = arith.addf %div3A_56, %add3A_60 : vector<768x64xf32>
    %swap3A = arith.constant 0 : index
    %swap3A_62 = arith.constant 0 : index
    %swap3A_63 = vector.load %arg7[%swap3A, %swap3A_62] : memref<768x64xf32, #tpu.memory_space<vmem>>, vector<768x64xf32>
    tpu.vector_store %arg7[%swap3A, %swap3A_62], %add3A_61 {strides = array<i32>} : memref<768x64xf32, #tpu.memory_space<vmem>>, vector<768x64xf32>,
    return
  }
}

module attributes {stable_mosaic.version = 14 : i64} {
  func.func @_head_body(%arg0: memref<768x64xf32, #tpu.memory_space<vmem>>, %arg1: memref<256x64xf32, #tpu.memory_space<vmem>>, %arg2: memref<512x64xf32, #tpu.memory_space<vmem>>, %arg3: memref<128xf32, #tpu.memory_space<vmem>>, %arg4: memref<128xf32, #tpu.memory_space<vmem>>, %arg5: memref<128xf32, #tpu.memory_space<vmem>>, %arg6: memref<128xf32, #tpu.memory_space<vmem>>, %arg7: memref<128x1xf32, #tpu.memory_space<vmem>>, %arg8: memref<1xf32, #tpu.memory_space<vmem>>, %arg9: memref<128x1xf32, #tpu.memory_space<vmem>>, %arg10: memref<1xf32, #tpu.memory_space<vmem>>, %arg11: memref<256x1xf32, #tpu.memory_space<vmem>>, %arg12: memref<512x1xf32, #tpu.memory_space<vmem>>) attributes {dimension_semantics = [], scalar_prefetch = 0 : i64, scratch_operands = 0 : i64, tpu.core_type = #tpu.core_type<tc>} {
    %get3A = arith.constant 0 : index
    %get3A_0 = arith.constant 0 : index
    %get3A_1 = vector.load %arg0[%get3A, %get3A_0] : memref<768x64xf32, #tpu.memory_space<vmem>>, vector<768x64xf32>
    %slice3A = vector.extract_strided_slice %get3A_1 {offsets = [0, 0], sizes = [256, 64], strides = [1, 1]} : vector<768x64xf32> to vector<256x64xf32>
    %slice3A_2 = vector.extract_strided_slice %get3A_1 {offsets = [256, 0], sizes = [512, 64], strides = [1, 1]} : vector<768x64xf32> to vector<512x64xf32>
    %get3A_3 = arith.constant 0 : index
    %get3A_4 = arith.constant 0 : index
    %get3A_5 = vector.load %arg1[%get3A_3, %get3A_4] : memref<256x64xf32, #tpu.memory_space<vmem>>, vector<256x64xf32>
    %concatenate3A = tpu.concatenate %slice3A, %get3A_5 in 1 : vector<256x64xf32>, vector<256x64xf32> -> vector<256x128xf32>
    %get3A_6 = arith.constant 0 : index
    %get3A_7 = arith.constant 0 : index
    %get3A_8 = vector.load %arg2[%get3A_6, %get3A_7] : memref<512x64xf32, #tpu.memory_space<vmem>>, vector<512x64xf32>
    %concatenate3A_9 = tpu.concatenate %slice3A_2, %get3A_8 in 1 : vector<512x64xf32>, vector<512x64xf32> -> vector<512x128xf32>
    %get3A_10 = arith.constant 0 : index
    %get3A_11 = vector.load %arg3[%get3A_10] : memref<128xf32, #tpu.memory_space<vmem>>, vector<128xf32>
    %get3A_12 = arith.constant 0 : index
    %get3A_13 = vector.load %arg4[%get3A_12] : memref<128xf32, #tpu.memory_space<vmem>>, vector<128xf32>
    %reduce_sum3A = arith.constant dense<0.000000e+00> : vector<128xf32>
    %reduce_sum3A_14 = vector.multi_reduction <add>, %concatenate3A, %reduce_sum3A [0] : vector<256x128xf32> to vector<128xf32>
    %broadcast_in_dim3A = vector.shape_cast %reduce_sum3A_14 : vector<128xf32> to vector<1x128xf32>
    %div3A = arith.constant 2.560000e+02 : f32
    %div3A_15 = vector.broadcast %div3A : f32 to vector<1x128xf32>
    %div3A_16 = arith.divf %broadcast_in_dim3A, %div3A_15 : vector<1x128xf32>
    %sub3A = vector.broadcast %div3A_16 : vector<1x128xf32> to vector<256x128xf32>
    %sub3A_17 = arith.subf %concatenate3A, %sub3A : vector<256x128xf32>
    %integer_pow3A = arith.mulf %sub3A_17, %sub3A_17 : vector<256x128xf32>
    %reduce_sum3A_18 = arith.constant dense<0.000000e+00> : vector<128xf32>
    %reduce_sum3A_19 = vector.multi_reduction <add>, %integer_pow3A, %reduce_sum3A_18 [0] : vector<256x128xf32> to vector<128xf32>
    %broadcast_in_dim3A_20 = vector.shape_cast %reduce_sum3A_19 : vector<128xf32> to vector<1x128xf32>
    %div3A_21 = arith.constant 2.560000e+02 : f32
    %div3A_22 = vector.broadcast %div3A_21 : f32 to vector<1x128xf32>
    %div3A_23 = arith.divf %broadcast_in_dim3A_20, %div3A_22 : vector<1x128xf32>
    %sub3A_24 = vector.broadcast %div3A_16 : vector<1x128xf32> to vector<256x128xf32>
    %sub3A_25 = arith.subf %concatenate3A, %sub3A_24 : vector<256x128xf32>
    %add3A = arith.constant 9.99999974E-6 : f32
    %add3A_26 = vector.broadcast %add3A : f32 to vector<1x128xf32>
    %add3A_27 = arith.addf %div3A_23, %add3A_26 : vector<1x128xf32>
    %rsqrt3A = math.rsqrt %add3A_27 : vector<1x128xf32>
    %mul3A = vector.broadcast %rsqrt3A : vector<1x128xf32> to vector<256x128xf32>
    %mul3A_28 = arith.mulf %sub3A_25, %mul3A : vector<256x128xf32>
    %broadcast_in_dim3A_29 = vector.shape_cast %get3A_11 : vector<128xf32> to vector<1x128xf32>
    %mul3A_30 = vector.broadcast %broadcast_in_dim3A_29 : vector<1x128xf32> to vector<256x128xf32>
    %mul3A_31 = arith.mulf %mul3A_28, %mul3A_30 : vector<256x128xf32>
    %broadcast_in_dim3A_32 = vector.shape_cast %get3A_13 : vector<128xf32> to vector<1x128xf32>
    %add3A_33 = vector.broadcast %broadcast_in_dim3A_32 : vector<1x128xf32> to vector<256x128xf32>
    %add3A_34 = arith.addf %mul3A_31, %add3A_33 : vector<256x128xf32>
    %max3A = arith.constant 0.000000e+00 : f32
    %max3A_35 = vector.broadcast %max3A : f32 to vector<256x128xf32>
    %max3A_36 = arith.maximumf %add3A_34, %max3A_35 : vector<256x128xf32>
    %get3A_37 = arith.constant 0 : index
    %get3A_38 = vector.load %arg5[%get3A_37] : memref<128xf32, #tpu.memory_space<vmem>>, vector<128xf32>
    %get3A_39 = arith.constant 0 : index
    %get3A_40 = vector.load %arg6[%get3A_39] : memref<128xf32, #tpu.memory_space<vmem>>, vector<128xf32>
    %reduce_sum3A_41 = arith.constant dense<0.000000e+00> : vector<128xf32>
    %reduce_sum3A_42 = vector.multi_reduction <add>, %concatenate3A_9, %reduce_sum3A_41 [0] : vector<512x128xf32> to vector<128xf32>
    %broadcast_in_dim3A_43 = vector.shape_cast %reduce_sum3A_42 : vector<128xf32> to vector<1x128xf32>
    %div3A_44 = arith.constant 5.120000e+02 : f32
    %div3A_45 = vector.broadcast %div3A_44 : f32 to vector<1x128xf32>
    %div3A_46 = arith.divf %broadcast_in_dim3A_43, %div3A_45 : vector<1x128xf32>
    %sub3A_47 = vector.broadcast %div3A_46 : vector<1x128xf32> to vector<512x128xf32>
    %sub3A_48 = arith.subf %concatenate3A_9, %sub3A_47 : vector<512x128xf32>
    %integer_pow3A_49 = arith.mulf %sub3A_48, %sub3A_48 : vector<512x128xf32>
    %reduce_sum3A_50 = arith.constant dense<0.000000e+00> : vector<128xf32>
    %reduce_sum3A_51 = vector.multi_reduction <add>, %integer_pow3A_49, %reduce_sum3A_50 [0] : vector<512x128xf32> to vector<128xf32>
    %broadcast_in_dim3A_52 = vector.shape_cast %reduce_sum3A_51 : vector<128xf32> to vector<1x128xf32>
    %div3A_53 = arith.constant 5.120000e+02 : f32
    %div3A_54 = vector.broadcast %div3A_53 : f32 to vector<1x128xf32>
    %div3A_55 = arith.divf %broadcast_in_dim3A_52, %div3A_54 : vector<1x128xf32>
    %sub3A_56 = vector.broadcast %div3A_46 : vector<1x128xf32> to vector<512x128xf32>
    %sub3A_57 = arith.subf %concatenate3A_9, %sub3A_56 : vector<512x128xf32>
    %add3A_58 = arith.constant 9.99999974E-6 : f32
    %add3A_59 = vector.broadcast %add3A_58 : f32 to vector<1x128xf32>
    %add3A_60 = arith.addf %div3A_55, %add3A_59 : vector<1x128xf32>
    %rsqrt3A_61 = math.rsqrt %add3A_60 : vector<1x128xf32>
    %mul3A_62 = vector.broadcast %rsqrt3A_61 : vector<1x128xf32> to vector<512x128xf32>
    %mul3A_63 = arith.mulf %sub3A_57, %mul3A_62 : vector<512x128xf32>
    %broadcast_in_dim3A_64 = vector.shape_cast %get3A_38 : vector<128xf32> to vector<1x128xf32>
    %mul3A_65 = vector.broadcast %broadcast_in_dim3A_64 : vector<1x128xf32> to vector<512x128xf32>
    %mul3A_66 = arith.mulf %mul3A_63, %mul3A_65 : vector<512x128xf32>
    %broadcast_in_dim3A_67 = vector.shape_cast %get3A_40 : vector<128xf32> to vector<1x128xf32>
    %add3A_68 = vector.broadcast %broadcast_in_dim3A_67 : vector<1x128xf32> to vector<512x128xf32>
    %add3A_69 = arith.addf %mul3A_66, %add3A_68 : vector<512x128xf32>
    %max3A_70 = arith.constant 0.000000e+00 : f32
    %max3A_71 = vector.broadcast %max3A_70 : f32 to vector<512x128xf32>
    %max3A_72 = arith.maximumf %add3A_69, %max3A_71 : vector<512x128xf32>
    %get3A_73 = arith.constant 0 : index
    %get3A_74 = arith.constant 0 : index
    %get3A_75 = vector.load %arg7[%get3A_73, %get3A_74] : memref<128x1xf32, #tpu.memory_space<vmem>>, vector<128x1xf32>
    %convert_element_type3A = arith.truncf %max3A_36 : vector<256x128xf32> to vector<256x128xbf16>
    %convert_element_type3A_76 = arith.truncf %get3A_75 : vector<128x1xf32> to vector<128x1xbf16>
    %dot_general3A = arith.constant dense<0.000000e+00> : vector<256x1xf32>
    %dot_general3A_77 = tpu.matmul %convert_element_type3A, %convert_element_type3A_76, %dot_general3A {dimension_numbers = #tpu.dot_dimension_numbers<[1], [0], [0], [1], [0, 0, 1, 1], [], []>, transpose_lhs_hint = false} : vector<256x128xbf16>, vector<128x1xbf16>, vector<256x1xf32> -> vector<256x1xf32>
    %get3A_78 = arith.constant 0 : index
    %get3A_79 = vector.load %arg8[%get3A_78] : memref<1xf32, #tpu.memory_space<vmem>>, vector<1xf32>
    %broadcast_in_dim3A_80 = vector.shape_cast %get3A_79 : vector<1xf32> to vector<1x1xf32>
    %add3A_81 = vector.broadcast %broadcast_in_dim3A_80 : vector<1x1xf32> to vector<256x1xf32>
    %add3A_82 = arith.addf %dot_general3A_77, %add3A_81 : vector<256x1xf32>
    %swap3A = arith.constant 0 : index
    %swap3A_83 = arith.constant 0 : index
    %swap3A_84 = vector.load %arg11[%swap3A, %swap3A_83] : memref<256x1xf32, #tpu.memory_space<vmem>>, vector<256x1xf32>
    tpu.vector_store %arg11[%swap3A, %swap3A_83], %add3A_82 {strides = array<i32>} : memref<256x1xf32, #tpu.memory_space<vmem>>, vector<256x1xf32>,
    %get3A_85 = arith.constant 0 : index
    %get3A_86 = arith.constant 0 : index
    %get3A_87 = vector.load %arg9[%get3A_85, %get3A_86] : memref<128x1xf32, #tpu.memory_space<vmem>>, vector<128x1xf32>
    %convert_element_type3A_88 = arith.truncf %max3A_72 : vector<512x128xf32> to vector<512x128xbf16>
    %convert_element_type3A_89 = arith.truncf %get3A_87 : vector<128x1xf32> to vector<128x1xbf16>
    %dot_general3A_90 = arith.constant dense<0.000000e+00> : vector<512x1xf32>
    %dot_general3A_91 = tpu.matmul %convert_element_type3A_88, %convert_element_type3A_89, %dot_general3A_90 {dimension_numbers = #tpu.dot_dimension_numbers<[1], [0], [0], [1], [0, 0, 1, 1], [], []>, transpose_lhs_hint = false} : vector<512x128xbf16>, vector<128x1xbf16>, vector<512x1xf32> -> vector<512x1xf32>
    %get3A_92 = arith.constant 0 : index
    %get3A_93 = vector.load %arg10[%get3A_92] : memref<1xf32, #tpu.memory_space<vmem>>, vector<1xf32>
    %broadcast_in_dim3A_94 = vector.shape_cast %get3A_93 : vector<1xf32> to vector<1x1xf32>
    %add3A_95 = vector.broadcast %broadcast_in_dim3A_94 : vector<1x1xf32> to vector<512x1xf32>
    %add3A_96 = arith.addf %dot_general3A_91, %add3A_95 : vector<512x1xf32>
    %swap3A_97 = arith.constant 0 : index
    %swap3A_98 = arith.constant 0 : index
    %swap3A_99 = vector.load %arg12[%swap3A_97, %swap3A_98] : memref<512x1xf32, #tpu.memory_space<vmem>>, vector<512x1xf32>
    tpu.vector_store %arg12[%swap3A_97, %swap3A_98], %add3A_96 {strides = array<i32>} : memref<512x1xf32, #tpu.memory_space<vmem>>, vector<512x1xf32>,
    return
  }
}

</mosaic_0001>

<sc_bundles>
// kernel: kernel.15.cloned.1.call-start
scs
__scs_entry_jumppad:
0x0: {  	(pc) =	sbr.rel $0x88, $3  }
0x1: {  	(tag) =	ssettag $0x0;
	lr =	simm.s32 $0x1  }
0x2: {  	[smem:$0x3F6A] =	sst lr;
	_ =	strace $0xD0000000  }
0x3: {  	_ = 	snop  }
0x4: {  	_ = 	snop  }
0x5: {  	_ = 	snop  }
0x6: {  	_ = 	snop  }
0x7: {  	_ = 	snop  }
__scs_overlays_trampoline_lowered:
0x8: {  	[smem:$0x3F79] =	sst s0  }
0x9: {  	[smem:$0x3F7A] =	sst s1  }
0xa: {  	[smem:$0x3F7B] =	sst s2  }
0xb: {  	[smem:$0x3F7C] =	sst s3  }
0xc: {  	[smem:$0x3F7D] =	sst s4  }
0xd: {  	[smem:$0x3F7E] =	sst s5  }
0xe: {  	[smem:$0x3F7F] =	sst s6  }
0xf: {  	[smem:$0x3F80] =	sst s7  }
0x10: {  	[smem:$0x3F81] =	sst s8  }
0x11: {  	[smem:$0x3F82] =	sst s9;
	s0 =	simm.s32 @!p0 $0x0  }
0x12: {  	s1 =	sld [smem:$0x3F68];
	s0 =	simm.s32 @p0 $0x1  }
0x13: {  	[smem:$0x3F83] =	sst s0;
	s0 =	simm.s32 @!p1 $0x0  }
0x14: {  	s2 =	sld [smem:$0x3F67];
	s0 =	simm.s32 @p1 $0x1  }
0x15: {  	[smem:$0x3F84] =	sst s0;
	s0 =	simm.s32 @!p2 $0x0  }
0x16: {  	s3 =	sld [smem:$0x3FDB];
	s0 =	simm.s32 @p2 $0x1  }
0x17: {  	s4 =	simm.s32 $0x1BF5;
	[smem:$0x3F86] =	sst s0  }
0x18: {  	s0 =	sld [smem:$0x3F69];
	_ =	swait.ge [sflag:s4], $0x0  }
0x19: {  	s7 =	sld [smem:$0x3F6A]  }
0x1a: {  	s8 =	sadd.s32 $0xFFFFE003, lr  }
0x1b: {  	s9 =	sadd.s32 $0xFFFFFEF7, lr;
	s5 =	simm.s32 $0xFFFFFFFF;
	p2 =	slt.u32 s8, $0xFFFFF086  }
0x1c: {  	p1 =	slt.u32 s9, $0xF7A;
	s5 =	simm.s32 @!p2 $0x0  }
0x1d: {  	s5 =	simm.s32 @p1 $0x1;
	p0 =	seq.s32 s7, s2  }
0x1e: {  	s7 =	smul.u32 @!p0 $0xF7A, s2;
	p2 =	seq.s32 @!p0 s5, $0x0  }
0x1f: {  	s9 =	smul.u32 $0xF7A, s1;
	s8 =	simm.s32 @!p0 $0x1BF5;
	p2 =	por !p2, p0  }
0x20: {  	[sflag:s8] =	ssyncset.s32 @!p0 $0xFFFFF086;
	s6 =	sadd.s32 @!p0 s3, s7;
	s7 =	simm.s32 @!p0 $0x108  }
0x21: {  	s3 =	sadd.s32 s3, s9;
	s6 =	sadd.s32 @!p0 $0x88, s6;
	s7 =	simm.s32 @p2 $0x1082  }
0x22: {  	[simem:s7], [sflag:s8] =	dma.local @!p0 [hbm:s6], $0xF7A  }
0x23: {  	s9 =	sor.u32 $0xD0000000, s2;
	s6 =	simm.s32 $0x108;
	_ =	swait.ge @!p0 [sflag:s8], $0x0  }
0x24: {  	s3 =	sadd.s32 $0x88, s3;
	s6 =	simm.s32 @!p1 $0x1082;
	[sflag:s4] =	ssyncset.s32 $0xFFFFF086  }
0x25: {  	[simem:s6], [sflag:s4] =	dma.local [hbm:s3], $0xF7A  }
0x26: {  	[smem:$0x3F6A] =	sst s1;
	(tag) =	ssettag s2;
	_ =	strace s9  }
0x27: {  	s1 =	sld [smem:$0x3F7A]  }
0x28: {  	s2 =	sld [smem:$0x3F7B]  }
0x29: {  	s4 =	sld [smem:$0x3F7D]  }
0x2a: {  	p0 =	seq.s32 s5, $0x0;
	s5 =	sld [smem:$0x3F7E]  }
0x2b: {  	s6 =	sld [smem:$0x3F7F]  }
0x2c: {  	s7 =	sld [smem:$0x3F80]  }
0x2d: {  	s3 =	simm.s32 $0x108;
	s8 =	sld [smem:$0x3F81]  }
0x2e: {  	s3 =	simm.s32 @!p0 $0x1082;
	s9 =	sld [smem:$0x3F82]  }
0x2f: {  	lr =	sadd.s32 s0, s3;
	s0 =	sld [smem:$0x3F79]  }
0x30: {  	s3 =	sld [smem:$0x3F7C]  }
0x31: {  	[smem:$0x3F85] =	sst s10  }
0x32: {  	s10 =	sld [smem:$0x3F83];
	_ =	sdelay $0x3  }
0x33: {  	p0 =	seq.s32 s10, $0x1;
	s10 =	sld [smem:$0x3F85];
	_ =	sdelay $0x3  }
0x34: {  	[smem:$0x3F85] =	sst s10  }
0x35: {  	s10 =	sld [smem:$0x3F84];
	_ =	sdelay $0x3  }
0x36: {  	p1 =	seq.s32 s10, $0x1;
	s10 =	sld [smem:$0x3F85];
	_ =	sdelay $0x3  }
0x37: {  	[smem:$0x3F85] =	sst s10  }
0x38: {  	s10 =	sld [smem:$0x3F86]  }
0x39: {  	_ = 	snop;
	(pc) =	sbr.ind lr, $3  }
0x3a: {  	_ = 	snop  }
0x3b: {  	_ = 	snop  }
0x3c: {  	p2 =	seq.s32 s10, $0x1;
	s10 =	sld [smem:$0x3F85]  }
0x3d: {  	_ =	shalt  }
0x3e: {  	_ =	shalt  }
0x3f: {  	_ =	shalt  }
0x40: {  	_ =	shalt  }
0x41: {  	_ =	shalt  }
0x42: {  	_ =	shalt  }
0x43: {  	_ =	shalt  }
0x44: {  	_ =	shalt  }
0x45: {  	_ =	shalt  }
0x46: {  	_ =	shalt  }
0x47: {  	_ =	shalt  }
0x48: {  	_ =	shalt  }
0x49: {  	_ =	shalt  }
0x4a: {  	_ =	shalt  }
0x4b: {  	_ =	shalt  }
0x4c: {  	_ =	shalt  }
0x4d: {  	_ =	shalt  }
0x4e: {  	_ =	shalt  }
0x4f: {  	_ =	shalt  }
0x50: {  	_ =	shalt  }
0x51: {  	_ =	shalt  }
0x52: {  	_ =	shalt  }
0x53: {  	_ =	shalt  }
0x54: {  	_ =	shalt  }
0x55: {  	_ =	shalt  }
0x56: {  	_ =	shalt  }
0x57: {  	_ =	shalt  }
0x58: {  	_ =	shalt  }
0x59: {  	_ =	shalt  }
0x5a: {  	_ =	shalt  }
0x5b: {  	_ =	shalt  }
0x5c: {  	_ =	shalt  }
0x5d: {  	_ =	shalt  }
0x5e: {  	_ =	shalt  }
0x5f: {  	_ =	shalt  }
0x60: {  	_ =	shalt  }
0x61: {  	_ =	shalt  }
0x62: {  	_ =	shalt  }
0x63: {  	_ =	shalt  }
0x64: {  	_ =	shalt  }
0x65: {  	_ =	shalt  }
0x66: {  	_ =	shalt  }
0x67: {  	_ =	shalt  }
0x68: {  	_ =	shalt  }
0x69: {  	_ =	shalt  }
0x6a: {  	_ =	shalt  }
0x6b: {  	_ =	shalt  }
0x6c: {  	_ =	shalt  }
0x6d: {  	_ =	shalt  }
0x6e: {  	_ =	shalt  }
0x6f: {  	_ =	shalt  }
0x70: {  	_ =	shalt  }
0x71: {  	_ =	shalt  }
0x72: {  	_ =	shalt  }
0x73: {  	_ =	shalt  }
0x74: {  	_ =	shalt  }
0x75: {  	_ =	shalt  }
0x76: {  	_ =	shalt  }
0x77: {  	_ =	shalt  }
0x78: {  	_ =	shalt  }
0x79: {  	_ =	shalt  }
0x7a: {  	_ =	shalt  }
0x7b: {  	_ =	shalt  }
0x7c: {  	_ =	shalt  }
0x7d: {  	_ =	shalt  }
0x7e: {  	_ =	shalt  }
0x7f: {  	_ =	shalt  }
0x80: {  	_ =	shalt  }
0x81: {  	_ =	shalt  }
0x82: {  	_ =	shalt  }
0x83: {  	_ =	shalt  }
0x84: {  	_ =	shalt  }
0x85: {  	_ =	shalt  }
0x86: {  	_ =	shalt  }
0x87: {  	_ =	shalt  }
.Lfunc_end0:
.L_simem_size_0:
called_computation_lowered:
.L_overlay_start_0:
0x88: {  	s2 =	sld [smem:$0x3FD9]  }
0x89: {  	s3 =	sld [smem:$0x3FFE];
	_ =	sdelay $0x1  }
0x8a: {  	s1 =	srdreg.scid  }
0x8b: {  	s0 =	sand.u32 $0x1, s1  }
0x8c: {  	s17 =	sshll.u32 s0, $0xA;
	s2 =	sadd.s32 s3, s2  }
0x8d: {  	s2 =	sadd.s32 s2, s17  }
0x8e: {  	[smem:$0x3F91] =	sst s2  }
0x8f: {  	_ = 	snop  }
0x90: {  	(tm) =	ssettm $0x1  }
0x91: {  	s18 =	sld [smem:$0x3FFB];
	_ =	sdelay $0x3  }
0x92: {  	_ =	strace s18  }
0x93: {  	s2 =	sld [smem:$0x3FFC];
	_ =	sdelay $0x3  }
0x94: {  	_ =	strace s2  }
0x95: {  	s2 =	sld [smem:$0x3FFD];
	_ =	sdelay $0x3  }
0x96: {  	_ =	strace s2  }
0x97: {  	_ =	strace $0x8FFFFFFF  }
0x98: {  	s19 =	sld [smem:$0x3FDB];
	_ =	sdelay $0x1  }
0x99: {  	s20 =	simm.s32 $_scs_section_size  }
0x9a: {  	s4 =	simm.s32 $_size__tile_overlayer_lowered;
	s5 =	simm.s32 $_tile_overlayer_lowered  }
0x9b: {  	s6 =	simm.s32 $0x1BFF;
	s21 =	sshll.u32 s5, $0x1;
	s3 =	sadd.s32 s20, s19  }
0x9c: {  	s22 =	simm.s32 $0x0;
	s4 =	sshll.u32 s4, $0x1;
	s5 =	sadd.s32 s21, s3  }
0x9d: {  	[timem:s22], [sflag:s6] =	dma.local [hbm:s5], s4  }
0x9e: {  	_ =	swait.ge [sflag:s6], s4  }
0x9f: {  	s4 =	ssub.s32 $0x0, s4;
	[sflag:s6] =	ssyncset.done $0x0  }
0xa0: {  	[sflag:s6] =	ssyncadd.s32 s4;
	_ =	sdelay $0x1  }
0xa1: {  	s23 =	simm.s32 $0x1B8B  }
0xa2: {  	_ =	swait.ge [sflag:s23], $0x1  }
0xa3: {  	[sflag:s23] =	ssyncset.done $0x0  }
0xa4: {  	[sflag:s23] =	ssyncadd.s32 $0xFFFFFFFF  }
0xa5: {  	s4 =	sld [smem:$0x0]  }
0xa6: {  	s5 =	sand.u32 $0xFFFFFFFE, s1  }
0xa7: {  	p0 =	sne.s32 s1, s5  }
0xa8: {  	s5 =	sshll.u32 @p0 s5, $0xE  }
0xa9: {  	s5 =	sadd.s32 @p0 $0x11B8D, s5;
	s6 =	sshll.u32 @p0 s4, $0x11  }
0xaa: {  	s5 =	sor.u32 @p0 s6, s5  }
0xab: {  	[sflag:s5] =	ssyncadd.remote.s32 @p0 $0x1;
	_ =	sdelay $0x1  }
0xac: {  	s5 =	simm.s32 @p0 $0x1B8D  }
0xad: {  	_ =	swait.eq @p0 [sflag:s5], $0x1  }
0xae: {  	[sflag:s5] =	ssyncadd.s32 @p0 $0xFFFFFFFF  }
0xaf: {  	s6 =	sshll.u32 @!p0 s1, $0xE  }
0xb0: {  	s6 =	sor.u32 @!p0 $0x4000, s6;
	s5 =	simm.s32 @!p0 $0x1B8D  }
0xb1: {  	s4 =	sshll.u32 @!p0 s4, $0x11;
	s6 =	sadd.s32 @!p0 $0x11B8D, s6;
	_ =	swait.eq @!p0 [sflag:s5], $0x1  }
0xb2: {  	s4 =	sor.u32 @!p0 s4, s6;
	[sflag:s5] =	ssyncadd.s32 @!p0 $0xFFFFFFFF  }
0xb3: {  	s25 =	simm.s32 $0x1B8E;
	s24 =	sld [smem:$0x3FFE];
	[sflag:s4] =	ssyncadd.remote.s32 @!p0 $0x1  }
0xb4: {  	s26 =	simm.s32 $execute0_lowered;
	[smem:$0x3FD2] =	sst s25  }
0xb5: {  	s5 =	sshll.u32 s26, $0x1;
	_ =	strace $0x80000049;
	[dreg:$0x1] =	wrdreg $0xFFFFFFFF  }
0xb6: {  	s28 =	simm.s32 $_size_execute0_lowered;
	s3 =	sadd.s32 s3, s5;
	[dreg:$0x0] =	wrdreg $0x0  }
0xb7: {  	s5 =	sshll.u32 s28, $0x1;
	[dreg:$0x2] =	wrdreg s3  }
0xb8: {  	[dreg:$0x3] =	wrdreg s5  }
0xb9: {  	[dreg:$0x4] =	wrdreg $0xC0  }
0xba: {  	_ =	task [dreg:s22], $0x5FFFF  }
0xbb: {  	[dreg:$0x1] =	wrdreg $0xFFFFFFFF  }
0xbc: {  	[dreg:$0x0] =	wrdreg $0x60  }
0xbd: {  	[dreg:$0x2] =	wrdreg s24  }
0xbe: {  	[dreg:$0x3] =	wrdreg $0x49000  }
0xbf: {  	[dreg:$0x4] =	wrdreg $0x9  }
0xc0: {  	_ =	task.clear_ibuf [dreg:s22], $0x5FFFF;
	_ =	strace $0x90000049  }
0xc1: {  	s29 =	simm.s32 $0x9;
	_ =	strace $0x8000004B  }
0xc2: {  	_ =	swait.ge [sflag:s29], $0x1  }
0xc3: {  	[sflag:s29] =	ssyncadd.s32 $0xFFFFFFFF  }
0xc4: {  	_ =	strace $0x9000004B  }
0xc5: {  	_ =	sfence  }
0xc6: {  	s30 =	sld [smem:$0x0];
	_ =	sdelay $0x2  }
0xc7: {  	s31 =	sshll.u32 s1, $0xD;
	s1 =	sshrl.u32 s1, $0x2  }
0xc8: {  	s4 =	sand.u32 $0x4000, s31;
	s1 =	sadd.s32 s1, s30  }
0xc9: {  	s0 =	sor.u32 s4, s0;
	s1 =	sshll.u32 s1, $0x11  }
0xca: {  	s0 =	sor.u32 s1, s0  }
0xcb: {  	s0 =	sadd.s32 $0x8F2B, s0  }
0xcc: {  	[sflag:s0] =	ssyncadd.remote.s32 $0x1  }
0xcd: {  	_ =	sfence.sel $0xFFFF  }
0xce: {  	[dreg:$0x0] =	wrdreg $0xFFFFFFFF;
	(pc) =	sbr.abs _section_cstart, $3  }
0xcf: {  	[dreg:$0x1] =	wrdreg $0xFFFFFFFF  }
0xd0: {  	_ =	task.clear_ibuf [dreg:s22], $0x2FFFF;
	_ =	strace $0x9FFFFFFF  }
0xd1: {  	(tm) =	ssettm $0x7FFFFFFF  }
tec
execute0_lowered:
.L_overlay_start_1:
0x0: {  	(tag) =	ssettag $0x1  }
0x1: {  	s13 =	rddreg [dreg:$0x0]  }
0x2: {  	s1 =	rddreg [dreg:$0x1];
	s2 =	simm.s32 $0x0  }
0x3: {  	v0 =	vimm.f32 $0.0e+00;
	[smem:$0x7FF] =	sst s2  }
0x4: {  	s0 =	rddreg [dreg:$0x2];
	_ =	strace $0x8000004A;
	[tilespmem:$0x4120] =	vst v0  }
0x5: {  	[tilespmem:$0x4130] =	vst v0  }
0x6: {  	[tilespmem:$0x4140] =	vst v0  }
0x7: {  	[tilespmem:$0x4100] =	vst v0  }
0x8: {  	[tilespmem:$0x48F0] =	vst v0  }
0x9: {  	[tilespmem:$0x48E0] =	vst v0  }
0xa: {  	[tilespmem:$0x48D0] =	vst v0  }
0xb: {  	[tilespmem:$0x48C0] =	vst v0  }
0xc: {  	[tilespmem:$0x48B0] =	vst v0  }
0xd: {  	[tilespmem:$0x48A0] =	vst v0  }
0xe: {  	[tilespmem:$0x4890] =	vst v0  }
0xf: {  	[tilespmem:$0x4880] =	vst v0  }
0x10: {  	[tilespmem:$0x4870] =	vst v0  }
0x11: {  	[tilespmem:$0x4860] =	vst v0  }
0x12: {  	[tilespmem:$0x4850] =	vst v0  }
0x13: {  	[tilespmem:$0x4840] =	vst v0  }
0x14: {  	[tilespmem:$0x4830] =	vst v0  }
0x15: {  	[tilespmem:$0x4820] =	vst v0  }
0x16: {  	[tilespmem:$0x4810] =	vst v0  }
0x17: {  	[tilespmem:$0x4800] =	vst v0  }
0x18: {  	[tilespmem:$0x47F0] =	vst v0  }
0x19: {  	[tilespmem:$0x47E0] =	vst v0  }
0x1a: {  	[tilespmem:$0x47D0] =	vst v0  }
0x1b: {  	[tilespmem:$0x47C0] =	vst v0  }
0x1c: {  	[tilespmem:$0x47B0] =	vst v0  }
0x1d: {  	[tilespmem:$0x47A0] =	vst v0  }
0x1e: {  	[tilespmem:$0x4790] =	vst v0  }
0x1f: {  	[tilespmem:$0x4780] =	vst v0  }
0x20: {  	[tilespmem:$0x4770] =	vst v0  }
0x21: {  	[tilespmem:$0x4760] =	vst v0  }
0x22: {  	[tilespmem:$0x4750] =	vst v0  }
0x23: {  	[tilespmem:$0x4740] =	vst v0  }
0x24: {  	[tilespmem:$0x4730] =	vst v0  }
0x25: {  	[tilespmem:$0x4720] =	vst v0  }
0x26: {  	[tilespmem:$0x4710] =	vst v0  }
0x27: {  	[tilespmem:$0x4700] =	vst v0  }
0x28: {  	[tilespmem:$0x46F0] =	vst v0  }
0x29: {  	[tilespmem:$0x46E0] =	vst v0  }
0x2a: {  	[tilespmem:$0x46D0] =	vst v0  }
0x2b: {  	[tilespmem:$0x46C0] =	vst v0  }
0x2c: {  	[tilespmem:$0x46B0] =	vst v0  }
0x2d: {  	[tilespmem:$0x46A0] =	vst v0  }
0x2e: {  	[tilespmem:$0x4690] =	vst v0  }
0x2f: {  	[tilespmem:$0x4680] =	vst v0  }
0x30: {  	[tilespmem:$0x4670] =	vst v0  }
0x31: {  	[tilespmem:$0x4660] =	vst v0  }
0x32: {  	[tilespmem:$0x4650] =	vst v0  }
0x33: {  	[tilespmem:$0x4640] =	vst v0  }
0x34: {  	[tilespmem:$0x4630] =	vst v0  }
0x35: {  	[tilespmem:$0x4620] =	vst v0  }
0x36: {  	[tilespmem:$0x4610] =	vst v0  }
0x37: {  	[tilespmem:$0x4600] =	vst v0  }
0x38: {  	[tilespmem:$0x45F0] =	vst v0  }
0x39: {  	[tilespmem:$0x45E0] =	vst v0  }
0x3a: {  	[tilespmem:$0x45D0] =	vst v0  }
0x3b: {  	[tilespmem:$0x45C0] =	vst v0  }
0x3c: {  	[tilespmem:$0x45B0] =	vst v0  }
0x3d: {  	[tilespmem:$0x45A0] =	vst v0  }
0x3e: {  	[tilespmem:$0x4590] =	vst v0  }
0x3f: {  	[tilespmem:$0x4580] =	vst v0  }
0x40: {  	[tilespmem:$0x4570] =	vst v0  }
0x41: {  	[tilespmem:$0x4560] =	vst v0  }
0x42: {  	[tilespmem:$0x4550] =	vst v0  }
0x43: {  	[tilespmem:$0x4540] =	vst v0  }
0x44: {  	[tilespmem:$0x4530] =	vst v0  }
0x45: {  	[tilespmem:$0x4520] =	vst v0  }
0x46: {  	[tilespmem:$0x4510] =	vst v0  }
0x47: {  	[tilespmem:$0x4500] =	vst v0  }
0x48: {  	[tilespmem:$0x44F0] =	vst v0  }
0x49: {  	[tilespmem:$0x44E0] =	vst v0  }
0x4a: {  	[tilespmem:$0x44D0] =	vst v0  }
0x4b: {  	[tilespmem:$0x44C0] =	vst v0  }
0x4c: {  	[tilespmem:$0x44B0] =	vst v0  }
0x4d: {  	[tilespmem:$0x44A0] =	vst v0  }
0x4e: {  	[tilespmem:$0x4490] =	vst v0  }
0x4f: {  	[tilespmem:$0x4480] =	vst v0  }
0x50: {  	[tilespmem:$0x4470] =	vst v0  }
0x51: {  	[tilespmem:$0x4460] =	vst v0  }
0x52: {  	[tilespmem:$0x4450] =	vst v0  }
0x53: {  	[tilespmem:$0x4440] =	vst v0  }
0x54: {  	[tilespmem:$0x4430] =	vst v0  }
0x55: {  	[tilespmem:$0x4420] =	vst v0  }
0x56: {  	[tilespmem:$0x4410] =	vst v0  }
0x57: {  	[tilespmem:$0x4400] =	vst v0  }
0x58: {  	[tilespmem:$0x43F0] =	vst v0  }
0x59: {  	[tilespmem:$0x43E0] =	vst v0  }
0x5a: {  	[tilespmem:$0x43D0] =	vst v0  }
0x5b: {  	[tilespmem:$0x43C0] =	vst v0  }
0x5c: {  	[tilespmem:$0x43B0] =	vst v0  }
0x5d: {  	[tilespmem:$0x43A0] =	vst v0  }
0x5e: {  	[tilespmem:$0x4390] =	vst v0  }
0x5f: {  	[tilespmem:$0x4380] =	vst v0  }
0x60: {  	[tilespmem:$0x4370] =	vst v0  }
0x61: {  	[tilespmem:$0x4360] =	vst v0  }
0x62: {  	[tilespmem:$0x4350] =	vst v0  }
0x63: {  	[tilespmem:$0x4340] =	vst v0  }
0x64: {  	[tilespmem:$0x4330] =	vst v0  }
0x65: {  	[tilespmem:$0x4320] =	vst v0  }
0x66: {  	[tilespmem:$0x4310] =	vst v0  }
0x67: {  	[tilespmem:$0x4300] =	vst v0  }
0x68: {  	[tilespmem:$0x42F0] =	vst v0  }
0x69: {  	[tilespmem:$0x42E0] =	vst v0  }
0x6a: {  	[tilespmem:$0x42D0] =	vst v0  }
0x6b: {  	[tilespmem:$0x42C0] =	vst v0  }
0x6c: {  	[tilespmem:$0x42B0] =	vst v0  }
0x6d: {  	[tilespmem:$0x42A0] =	vst v0  }
0x6e: {  	[tilespmem:$0x4290] =	vst v0  }
0x6f: {  	[tilespmem:$0x4280] =	vst v0  }
0x70: {  	[tilespmem:$0x4270] =	vst v0  }
0x71: {  	[tilespmem:$0x4260] =	vst v0  }
0x72: {  	[tilespmem:$0x4250] =	vst v0  }
0x73: {  	[tilespmem:$0x4240] =	vst v0  }
0x74: {  	[tilespmem:$0x4230] =	vst v0  }
0x75: {  	[tilespmem:$0x4220] =	vst v0  }
0x76: {  	[tilespmem:$0x4210] =	vst v0  }
0x77: {  	[tilespmem:$0x4200] =	vst v0  }
0x78: {  	[tilespmem:$0x41F0] =	vst v0  }
0x79: {  	[tilespmem:$0x41E0] =	vst v0  }
0x7a: {  	[tilespmem:$0x41D0] =	vst v0  }
0x7b: {  	[tilespmem:$0x41C0] =	vst v0  }
0x7c: {  	[tilespmem:$0x41B0] =	vst v0  }
0x7d: {  	[tilespmem:$0x41A0] =	vst v0  }
0x7e: {  	[tilespmem:$0x4190] =	vst v0  }
0x7f: {  	[tilespmem:$0x4180] =	vst v0  }
0x80: {  	[tilespmem:$0x4170] =	vst v0  }
0x81: {  	s4 =	srdreg.scid;
	s3 =	stileid.u32;
	s6 =	simm.s32 $0x4100;
	[tilespmem:$0x4160] =	vst v0  }
0x82: {  	s5 =	simm.s32 $0x2;
	s14 =	sand.u32 $0x1, s4;
	s28 =	sshll.u32 s3, $0xB;
	[tilespmem:$0x4150] =	vst v0  }
0x83: {  	s7 =	sshll.u32 s3, $0x5;
	s8 =	sshll.u32 s14, $0x4;
	s4 =	sadd.s32 s28, s1;
	[tilespmem:$0x4110] =	vst v0  }
0x84: {  	[spmem:s4] =	stream.linear.scatter [tilespmem:s6], [sflag:$0x2], $0x800, $0x38;
	[tilespmem:$0x5100] =	vst v63  }
0x85: {  	s7 =	sor.u32 s8, s7;
	_ =	swait.ge [sflag:s5], $0x800  }
0x86: {  	s8 =	sadd.s32 s7, s13;
	[sflag:s5] =	ssyncset.done $0x0  }
0x87: {  	s7 =	sadd.s32 $0xEC00, s8;
	[sflag:s5] =	ssyncadd.s32 $0xFFFFF800  }
0x88: {  	[tilespmem:s2], [sflag:$0x2] =	stream.linear.gather [hbm4b:s7+s2], $0x80, $0x38;
	[tilespmem:$0x5100] =	vst v63  }
0x89: {  	_ =	swait.ge [sflag:s5], $0x80  }
0x8a: {  	[sflag:s5] =	ssyncset.done $0x0  }
0x8b: {  	s9 =	simm.s32 $0x80;
	s8 =	sadd.s32 $0xEE00, s8;
	[sflag:s5] =	ssyncadd.s32 $0xFFFFFF80  }
0x8c: {  	[tilespmem:s9], [sflag:$0x2] =	stream.linear.gather [hbm4b:s8+s2], $0x80, $0x38;
	[tilespmem:$0x5100] =	vst v63  }
0x8d: {  	_ =	swait.ge [sflag:s5], $0x80  }
0x8e: {  	[sflag:s5] =	ssyncset.done $0x0  }
0x8f: {  	s11 =	simm.s32 $0x100;
	[sflag:s5] =	ssyncadd.s32 $0xFFFFFF80  }
0x90: {  	s12 =	simm.s32 $0x1;
	s10 =	sadd.s32 $0xF000, s13;
	[bflag:$0x0] =	sbarrier.arrive $0xFFFF  }
0x91: {  	[tilespmem:s11], [sflag:$0x1] =	stream.indirect.gather [hbm4b:s10+s9], $0x80, s2, s9, $0xb8;
	[tilespmem:$0x5100] =	vst v63  }
0x92: {  	s15 =	sshll.u32 s3, $0x8;
	s29 =	ssub.s32 $0x2, s14;
	_ =	swait.ge [sflag:s12], $0x4000  }
0x93: {  	s31 =	sshll.u32 s3, $0x6;
	s16 =	sshrl.u32 s29, $0x1;
	[sflag:s12] =	ssyncset.done $0x0  }
0x94: {  	s14 =	sshll.u32 s14, $0xC;
	s30 =	ssub.s32 s29, s16;
	[sflag:s12] =	ssyncadd.s32 $0xFFFFC000  }
0x95: {  	[spmem:s1] =	stream.indirect.scatter.add.f32 [tilespmem:s11], [sflag:$0x2], $0x80, s9, s9, $0xb8;
	[tilespmem:$0x5100] =	vst v63  }
0x96: {  	s13 =	sadd.s32 s15, s13;
	s16 =	smax.u32 s30, $0x1;
	_ =	swait.ge [sflag:s5], $0x4000  }
0x97: {  	s15 =	sshrl.u32 s4, $0x3;
	p0 =	sne.s32 s16, $0x1;
	[sflag:s5] =	ssyncset.done $0x0  }
.Ltmp0:
0x98: {  	s13 =	sadd.s32 s14, s13;
	[sflag:s5] =	ssyncadd.s32 $0xFFFFC000;
	(pc) =	sbr.rel @!p0 .LBB2_2-.Ltmp0, $4  }
0x99: {  	s14 =	sor.u32 $0x1C02, s31;
	s13 =	sadd.s32 $0x10000, s13;
	[bflag:$0x0] =	sbarrier.arrive $0xFFFF  }
0x9a: {  	[hbm:s13], [sflag:s14] =	dma.local [spmem:s15], $0x100  }
0x9b: {  	_ =	swait.ge [sflag:s5], $0x100  }
0x9c: {  	s16 =	sadd.s32 $0xFFFFFFFF, s16;
	[sflag:s5] =	ssyncset.done $0x0  }
.LBB2_1:
0x9d: {  	p0 =	sne.s32 s16, $0x1;
	s16 =	sadd.s32 $0xFFFFFFFF, s16;
	[sflag:s5] =	ssyncadd.s32 $0xFFFFFF00  }
0x9e: {  	[tilespmem:$0x4120] =	vst v0  }
0x9f: {  	[tilespmem:$0x4130] =	vst v0  }
0xa0: {  	[tilespmem:$0x4140] =	vst v0  }
0xa1: {  	[tilespmem:$0x4100] =	vst v0  }
0xa2: {  	[tilespmem:$0x48F0] =	vst v0  }
0xa3: {  	[tilespmem:$0x48E0] =	vst v0  }
0xa4: {  	[tilespmem:$0x48D0] =	vst v0  }
0xa5: {  	[tilespmem:$0x48C0] =	vst v0  }
0xa6: {  	[tilespmem:$0x48B0] =	vst v0  }
0xa7: {  	[tilespmem:$0x48A0] =	vst v0  }
0xa8: {  	[tilespmem:$0x4890] =	vst v0  }
0xa9: {  	[tilespmem:$0x4880] =	vst v0  }
0xaa: {  	[tilespmem:$0x4870] =	vst v0  }
0xab: {  	[tilespmem:$0x4860] =	vst v0  }
0xac: {  	[tilespmem:$0x4850] =	vst v0  }
0xad: {  	[tilespmem:$0x4840] =	vst v0  }
0xae: {  	[tilespmem:$0x4830] =	vst v0  }
0xaf: {  	[tilespmem:$0x4820] =	vst v0  }
0xb0: {  	[tilespmem:$0x4810] =	vst v0  }
0xb1: {  	[tilespmem:$0x4800] =	vst v0  }
0xb2: {  	[tilespmem:$0x47F0] =	vst v0  }
0xb3: {  	[tilespmem:$0x47E0] =	vst v0  }
0xb4: {  	[tilespmem:$0x47D0] =	vst v0  }
0xb5: {  	[tilespmem:$0x47C0] =	vst v0  }
0xb6: {  	[tilespmem:$0x47B0] =	vst v0  }
0xb7: {  	[tilespmem:$0x47A0] =	vst v0  }
0xb8: {  	[tilespmem:$0x4790] =	vst v0  }
0xb9: {  	[tilespmem:$0x4780] =	vst v0  }
0xba: {  	[tilespmem:$0x4770] =	vst v0  }
0xbb: {  	[tilespmem:$0x4760] =	vst v0  }
0xbc: {  	[tilespmem:$0x4750] =	vst v0  }
0xbd: {  	[tilespmem:$0x4740] =	vst v0  }
0xbe: {  	[tilespmem:$0x4730] =	vst v0  }
0xbf: {  	[tilespmem:$0x4720] =	vst v0  }
0xc0: {  	[tilespmem:$0x4710] =	vst v0  }
0xc1: {  	[tilespmem:$0x4700] =	vst v0  }
0xc2: {  	[tilespmem:$0x46F0] =	vst v0  }
0xc3: {  	[tilespmem:$0x46E0] =	vst v0  }
0xc4: {  	[tilespmem:$0x46D0] =	vst v0  }
0xc5: {  	[tilespmem:$0x46C0] =	vst v0  }
0xc6: {  	[tilespmem:$0x46B0] =	vst v0  }
0xc7: {  	[tilespmem:$0x46A0] =	vst v0  }
0xc8: {  	[tilespmem:$0x4690] =	vst v0  }
0xc9: {  	[tilespmem:$0x4680] =	vst v0  }
0xca: {  	[tilespmem:$0x4670] =	vst v0  }
0xcb: {  	[tilespmem:$0x4660] =	vst v0  }
0xcc: {  	[tilespmem:$0x4650] =	vst v0  }
0xcd: {  	[tilespmem:$0x4640] =	vst v0  }
0xce: {  	[tilespmem:$0x4630] =	vst v0  }
0xcf: {  	[tilespmem:$0x4620] =	vst v0  }
0xd0: {  	[tilespmem:$0x4610] =	vst v0  }
0xd1: {  	[tilespmem:$0x4600] =	vst v0  }
0xd2: {  	[tilespmem:$0x45F0] =	vst v0  }
0xd3: {  	[tilespmem:$0x45E0] =	vst v0  }
0xd4: {  	[tilespmem:$0x45D0] =	vst v0  }
0xd5: {  	[tilespmem:$0x45C0] =	vst v0  }
0xd6: {  	[tilespmem:$0x45B0] =	vst v0  }
0xd7: {  	[tilespmem:$0x45A0] =	vst v0  }
0xd8: {  	[tilespmem:$0x4590] =	vst v0  }
0xd9: {  	[tilespmem:$0x4580] =	vst v0  }
0xda: {  	[tilespmem:$0x4570] =	vst v0  }
0xdb: {  	[tilespmem:$0x4560] =	vst v0  }
0xdc: {  	[tilespmem:$0x4550] =	vst v0  }
0xdd: {  	[tilespmem:$0x4540] =	vst v0  }
0xde: {  	[tilespmem:$0x4530] =	vst v0  }
0xdf: {  	[tilespmem:$0x4520] =	vst v0  }
0xe0: {  	[tilespmem:$0x4510] =	vst v0  }
0xe1: {  	[tilespmem:$0x4500] =	vst v0  }
0xe2: {  	[tilespmem:$0x44F0] =	vst v0  }
0xe3: {  	[tilespmem:$0x44E0] =	vst v0  }
0xe4: {  	[tilespmem:$0x44D0] =	vst v0  }
0xe5: {  	[tilespmem:$0x44C0] =	vst v0  }
0xe6: {  	[tilespmem:$0x44B0] =	vst v0  }
0xe7: {  	[tilespmem:$0x44A0] =	vst v0  }
0xe8: {  	[tilespmem:$0x4490] =	vst v0  }
0xe9: {  	[tilespmem:$0x4480] =	vst v0  }
0xea: {  	[tilespmem:$0x4470] =	vst v0  }
0xeb: {  	[tilespmem:$0x4460] =	vst v0  }
0xec: {  	[tilespmem:$0x4450] =	vst v0  }
0xed: {  	[tilespmem:$0x4440] =	vst v0  }
0xee: {  	[tilespmem:$0x4430] =	vst v0  }
0xef: {  	[tilespmem:$0x4420] =	vst v0  }
0xf0: {  	[tilespmem:$0x4410] =	vst v0  }
0xf1: {  	[tilespmem:$0x4400] =	vst v0  }
0xf2: {  	[tilespmem:$0x43F0] =	vst v0  }
0xf3: {  	[tilespmem:$0x43E0] =	vst v0  }
0xf4: {  	[tilespmem:$0x43D0] =	vst v0  }
0xf5: {  	[tilespmem:$0x43C0] =	vst v0  }
0xf6: {  	[tilespmem:$0x43B0] =	vst v0  }
0xf7: {  	[tilespmem:$0x43A0] =	vst v0  }
0xf8: {  	[tilespmem:$0x4390] =	vst v0  }
0xf9: {  	[tilespmem:$0x4380] =	vst v0  }
0xfa: {  	[tilespmem:$0x4370] =	vst v0  }
0xfb: {  	[tilespmem:$0x4360] =	vst v0  }
0xfc: {  	[tilespmem:$0x4350] =	vst v0  }
0xfd: {  	[tilespmem:$0x4340] =	vst v0  }
0xfe: {  	[tilespmem:$0x4330] =	vst v0  }
0xff: {  	[tilespmem:$0x4320] =	vst v0  }
0x100: {  	[tilespmem:$0x4310] =	vst v0  }
0x101: {  	[tilespmem:$0x4300] =	vst v0  }
0x102: {  	[tilespmem:$0x42F0] =	vst v0  }
0x103: {  	[tilespmem:$0x42E0] =	vst v0  }
0x104: {  	[tilespmem:$0x42D0] =	vst v0  }
0x105: {  	[tilespmem:$0x42C0] =	vst v0  }
0x106: {  	[tilespmem:$0x42B0] =	vst v0  }
0x107: {  	[tilespmem:$0x42A0] =	vst v0  }
0x108: {  	[tilespmem:$0x4290] =	vst v0  }
0x109: {  	[tilespmem:$0x4280] =	vst v0  }
0x10a: {  	[tilespmem:$0x4270] =	vst v0  }
0x10b: {  	[tilespmem:$0x4260] =	vst v0  }
0x10c: {  	[tilespmem:$0x4250] =	vst v0  }
0x10d: {  	[tilespmem:$0x4240] =	vst v0  }
0x10e: {  	[tilespmem:$0x4230] =	vst v0  }
0x10f: {  	[tilespmem:$0x4220] =	vst v0  }
0x110: {  	[tilespmem:$0x4210] =	vst v0  }
0x111: {  	[tilespmem:$0x4200] =	vst v0  }
0x112: {  	[tilespmem:$0x41F0] =	vst v0  }
0x113: {  	[tilespmem:$0x41E0] =	vst v0  }
0x114: {  	[tilespmem:$0x41D0] =	vst v0  }
0x115: {  	[tilespmem:$0x41C0] =	vst v0  }
0x116: {  	[tilespmem:$0x41B0] =	vst v0  }
0x117: {  	[tilespmem:$0x41A0] =	vst v0  }
0x118: {  	[tilespmem:$0x4190] =	vst v0  }
0x119: {  	[tilespmem:$0x4180] =	vst v0  }
0x11a: {  	[tilespmem:$0x4170] =	vst v0  }
0x11b: {  	[tilespmem:$0x4160] =	vst v0  }
0x11c: {  	[tilespmem:$0x4150] =	vst v0  }
0x11d: {  	[tilespmem:$0x4110] =	vst v0  }
0x11e: {  	[spmem:s4] =	stream.linear.scatter [tilespmem:s6], [sflag:$0x2], $0x800, $0x38;
	[tilespmem:$0x5100] =	vst v63  }
0x11f: {  	_ =	swait.ge [sflag:s5], $0x800  }
0x120: {  	[sflag:s5] =	ssyncset.done $0x0  }
0x121: {  	[sflag:s5] =	ssyncadd.s32 $0xFFFFF800  }
0x122: {  	[tilespmem:s2], [sflag:$0x2] =	stream.linear.gather [hbm4b:s7+s2], $0x80, $0x38;
	[tilespmem:$0x5100] =	vst v63  }
0x123: {  	_ =	swait.ge [sflag:s5], $0x80  }
0x124: {  	[sflag:s5] =	ssyncset.done $0x0  }
0x125: {  	[sflag:s5] =	ssyncadd.s32 $0xFFFFFF80  }
0x126: {  	[tilespmem:s9], [sflag:$0x2] =	stream.linear.gather [hbm4b:s8+s2], $0x80, $0x38;
	[tilespmem:$0x5100] =	vst v63  }
0x127: {  	_ =	swait.ge [sflag:s5], $0x80  }
0x128: {  	[sflag:s5] =	ssyncset.done $0x0  }
0x129: {  	[sflag:s5] =	ssyncadd.s32 $0xFFFFFF80  }
0x12a: {  	[bflag:$0x0] =	sbarrier.arrive $0xFFFF  }
0x12b: {  	[tilespmem:s11], [sflag:$0x1] =	stream.indirect.gather [hbm4b:s10+s9], $0x80, s2, s9, $0xb8;
	[tilespmem:$0x5100] =	vst v63  }
0x12c: {  	_ =	swait.ge [sflag:s12], $0x4000  }
0x12d: {  	[sflag:s12] =	ssyncset.done $0x0  }
0x12e: {  	[sflag:s12] =	ssyncadd.s32 $0xFFFFC000  }
0x12f: {  	[spmem:s1] =	stream.indirect.scatter.add.f32 [tilespmem:s11], [sflag:$0x2], $0x80, s9, s9, $0xb8;
	[tilespmem:$0x5100] =	vst v63  }
0x130: {  	_ =	swait.ge [sflag:s5], $0x4000  }
0x131: {  	[sflag:s5] =	ssyncset.done $0x0  }
.Ltmp1:
0x132: {  	[sflag:s5] =	ssyncadd.s32 $0xFFFFC000;
	(pc) =	sbr.rel @p0 .LBB2_1-.Ltmp1, $4  }
0x133: {  	[bflag:$0x0] =	sbarrier.arrive $0xFFFF  }
0x134: {  	[hbm:s13], [sflag:s14] =	dma.local [spmem:s15], $0x100  }
0x135: {  	_ =	swait.ge [sflag:s5], $0x100  }
0x136: {  	[sflag:s5] =	ssyncset.done $0x0  }
.LBB2_2:
0x137: {  	[sflag:s5] =	ssyncadd.s32 $0xFFFFFF00  }
0x138: {  	_ =	sfence.sel $0x180000  }
0x139: {  	[bflag:$0x0] =	sbarrier.arrive $0xFFFF  }
0x13a: {  	p0 =	sne.s32 s3, $0x0;
	_ =	strace $0x9000004A  }
0x13b: {  	s0 =	sadd.s32 @!p0 $0x100000, s0;
	[bflag:$0x2] =	sbarrier.arrive $0xFFFF  }
0x13c: {  	[sflag:s0] =	ssyncadd.tile.s32 @!p0 $0x1;
	_ =	shalt  }
.Lfunc_end2:
_tile_overlayer_lowered:
.L_overlay_start_2:
0x13d: {  	(tag) =	ssettag $0x2  }
0x13e: {  	s0 =	rddreg [dreg:$0x0];
	s2 =	stileid.u32  }
0x13f: {  	s1 =	rddreg [dreg:$0x1];
	p0 =	sne.s32 s2, $0x0  }
0x140: {  	s3 =	rddreg [dreg:$0x2];
	[bflag:$0x3] =	sbarrier.arrive $0xFFFF;
	s2 =	simm.s32 @!p0 $0x1C02  }
0x141: {  	[timem:s3], [sflag:s2] =	dma.local @!p0 [hbm:s0], s1  }
0x142: {  	s0 =	simm.s32 @!p0 $0x2  }
0x143: {  	_ =	swait.ge @!p0 [sflag:s0], s1  }
0x144: {  	s1 =	ssub.s32 @!p0 $0x0, s1;
	[sflag:s0] =	ssyncset.done @!p0 $0x0  }
0x145: {  	[sflag:s0] =	ssyncadd.s32 @!p0 s1  }
0x146: {  	[bflag:$0x3] =	sbarrier.arrive $0xFFFF  }
0x147: {  	_ =	shalt  }

// kernel: kernel.18.cloned.1.call-start
scs
__scs_entry_jumppad:
0x0: {  	(pc) =	sbr.rel $0x88, $3  }
0x1: {  	(tag) =	ssettag $0x0;
	lr =	simm.s32 $0x1  }
0x2: {  	[smem:$0x3F6A] =	sst lr;
	_ =	strace $0xD0000000  }
0x3: {  	_ = 	snop  }
0x4: {  	_ = 	snop  }
0x5: {  	_ = 	snop  }
0x6: {  	_ = 	snop  }
0x7: {  	_ = 	snop  }
__scs_overlays_trampoline_lowered:
0x8: {  	[smem:$0x3F79] =	sst s0  }
0x9: {  	[smem:$0x3F7A] =	sst s1  }
0xa: {  	[smem:$0x3F7B] =	sst s2  }
0xb: {  	[smem:$0x3F7C] =	sst s3  }
0xc: {  	[smem:$0x3F7D] =	sst s4  }
0xd: {  	[smem:$0x3F7E] =	sst s5  }
0xe: {  	[smem:$0x3F7F] =	sst s6  }
0xf: {  	[smem:$0x3F80] =	sst s7  }
0x10: {  	[smem:$0x3F81] =	sst s8  }
0x11: {  	[smem:$0x3F82] =	sst s9;
	s0 =	simm.s32 @!p0 $0x0  }
0x12: {  	s1 =	sld [smem:$0x3F68];
	s0 =	simm.s32 @p0 $0x1  }
0x13: {  	[smem:$0x3F83] =	sst s0;
	s0 =	simm.s32 @!p1 $0x0  }
0x14: {  	s2 =	sld [smem:$0x3F67];
	s0 =	simm.s32 @p1 $0x1  }
0x15: {  	[smem:$0x3F84] =	sst s0;
	s0 =	simm.s32 @!p2 $0x0  }
0x16: {  	s3 =	sld [smem:$0x3FDB];
	s0 =	simm.s32 @p2 $0x1  }
0x17: {  	s4 =	simm.s32 $0x1BF5;
	[smem:$0x3F86] =	sst s0  }
0x18: {  	s0 =	sld [smem:$0x3F69];
	_ =	swait.ge [sflag:s4], $0x0  }
0x19: {  	s7 =	sld [smem:$0x3F6A]  }
0x1a: {  	s8 =	sadd.s32 $0xFFFFE003, lr  }
0x1b: {  	s9 =	sadd.s32 $0xFFFFFEF7, lr;
	s5 =	simm.s32 $0xFFFFFFFF;
	p2 =	slt.u32 s8, $0xFFFFF086  }
0x1c: {  	p1 =	slt.u32 s9, $0xF7A;
	s5 =	simm.s32 @!p2 $0x0  }
0x1d: {  	s5 =	simm.s32 @p1 $0x1;
	p0 =	seq.s32 s7, s2  }
0x1e: {  	s7 =	smul.u32 @!p0 $0xF7A, s2;
	p2 =	seq.s32 @!p0 s5, $0x0  }
0x1f: {  	s9 =	smul.u32 $0xF7A, s1;
	s8 =	simm.s32 @!p0 $0x1BF5;
	p2 =	por !p2, p0  }
0x20: {  	[sflag:s8] =	ssyncset.s32 @!p0 $0xFFFFF086;
	s6 =	sadd.s32 @!p0 s3, s7;
	s7 =	simm.s32 @!p0 $0x108  }
0x21: {  	s3 =	sadd.s32 s3, s9;
	s6 =	sadd.s32 @!p0 $0x88, s6;
	s7 =	simm.s32 @p2 $0x1082  }
0x22: {  	[simem:s7], [sflag:s8] =	dma.local @!p0 [hbm:s6], $0xF7A  }
0x23: {  	s9 =	sor.u32 $0xD0000000, s2;
	s6 =	simm.s32 $0x108;
	_ =	swait.ge @!p0 [sflag:s8], $0x0  }
0x24: {  	s3 =	sadd.s32 $0x88, s3;
	s6 =	simm.s32 @!p1 $0x1082;
	[sflag:s4] =	ssyncset.s32 $0xFFFFF086  }
0x25: {  	[simem:s6], [sflag:s4] =	dma.local [hbm:s3], $0xF7A  }
0x26: {  	[smem:$0x3F6A] =	sst s1;
	(tag) =	ssettag s2;
	_ =	strace s9  }
0x27: {  	s1 =	sld [smem:$0x3F7A]  }
0x28: {  	s2 =	sld [smem:$0x3F7B]  }
0x29: {  	s4 =	sld [smem:$0x3F7D]  }
0x2a: {  	p0 =	seq.s32 s5, $0x0;
	s5 =	sld [smem:$0x3F7E]  }
0x2b: {  	s6 =	sld [smem:$0x3F7F]  }
0x2c: {  	s7 =	sld [smem:$0x3F80]  }
0x2d: {  	s3 =	simm.s32 $0x108;
	s8 =	sld [smem:$0x3F81]  }
0x2e: {  	s3 =	simm.s32 @!p0 $0x1082;
	s9 =	sld [smem:$0x3F82]  }
0x2f: {  	lr =	sadd.s32 s0, s3;
	s0 =	sld [smem:$0x3F79]  }
0x30: {  	s3 =	sld [smem:$0x3F7C]  }
0x31: {  	[smem:$0x3F85] =	sst s10  }
0x32: {  	s10 =	sld [smem:$0x3F83];
	_ =	sdelay $0x3  }
0x33: {  	p0 =	seq.s32 s10, $0x1;
	s10 =	sld [smem:$0x3F85];
	_ =	sdelay $0x3  }
0x34: {  	[smem:$0x3F85] =	sst s10  }
0x35: {  	s10 =	sld [smem:$0x3F84];
	_ =	sdelay $0x3  }
0x36: {  	p1 =	seq.s32 s10, $0x1;
	s10 =	sld [smem:$0x3F85];
	_ =	sdelay $0x3  }
0x37: {  	[smem:$0x3F85] =	sst s10  }
0x38: {  	s10 =	sld [smem:$0x3F86]  }
0x39: {  	_ = 	snop;
	(pc) =	sbr.ind lr, $3  }
0x3a: {  	_ = 	snop  }
0x3b: {  	_ = 	snop  }
0x3c: {  	p2 =	seq.s32 s10, $0x1;
	s10 =	sld [smem:$0x3F85]  }
0x3d: {  	_ =	shalt  }
0x3e: {  	_ =	shalt  }
0x3f: {  	_ =	shalt  }
0x40: {  	_ =	shalt  }
0x41: {  	_ =	shalt  }
0x42: {  	_ =	shalt  }
0x43: {  	_ =	shalt  }
0x44: {  	_ =	shalt  }
0x45: {  	_ =	shalt  }
0x46: {  	_ =	shalt  }
0x47: {  	_ =	shalt  }
0x48: {  	_ =	shalt  }
0x49: {  	_ =	shalt  }
0x4a: {  	_ =	shalt  }
0x4b: {  	_ =	shalt  }
0x4c: {  	_ =	shalt  }
0x4d: {  	_ =	shalt  }
0x4e: {  	_ =	shalt  }
0x4f: {  	_ =	shalt  }
0x50: {  	_ =	shalt  }
0x51: {  	_ =	shalt  }
0x52: {  	_ =	shalt  }
0x53: {  	_ =	shalt  }
0x54: {  	_ =	shalt  }
0x55: {  	_ =	shalt  }
0x56: {  	_ =	shalt  }
0x57: {  	_ =	shalt  }
0x58: {  	_ =	shalt  }
0x59: {  	_ =	shalt  }
0x5a: {  	_ =	shalt  }
0x5b: {  	_ =	shalt  }
0x5c: {  	_ =	shalt  }
0x5d: {  	_ =	shalt  }
0x5e: {  	_ =	shalt  }
0x5f: {  	_ =	shalt  }
0x60: {  	_ =	shalt  }
0x61: {  	_ =	shalt  }
0x62: {  	_ =	shalt  }
0x63: {  	_ =	shalt  }
0x64: {  	_ =	shalt  }
0x65: {  	_ =	shalt  }
0x66: {  	_ =	shalt  }
0x67: {  	_ =	shalt  }
0x68: {  	_ =	shalt  }
0x69: {  	_ =	shalt  }
0x6a: {  	_ =	shalt  }
0x6b: {  	_ =	shalt  }
0x6c: {  	_ =	shalt  }
0x6d: {  	_ =	shalt  }
0x6e: {  	_ =	shalt  }
0x6f: {  	_ =	shalt  }
0x70: {  	_ =	shalt  }
0x71: {  	_ =	shalt  }
0x72: {  	_ =	shalt  }
0x73: {  	_ =	shalt  }
0x74: {  	_ =	shalt  }
0x75: {  	_ =	shalt  }
0x76: {  	_ =	shalt  }
0x77: {  	_ =	shalt  }
0x78: {  	_ =	shalt  }
0x79: {  	_ =	shalt  }
0x7a: {  	_ =	shalt  }
0x7b: {  	_ =	shalt  }
0x7c: {  	_ =	shalt  }
0x7d: {  	_ =	shalt  }
0x7e: {  	_ =	shalt  }
0x7f: {  	_ =	shalt  }
0x80: {  	_ =	shalt  }
0x81: {  	_ =	shalt  }
0x82: {  	_ =	shalt  }
0x83: {  	_ =	shalt  }
0x84: {  	_ =	shalt  }
0x85: {  	_ =	shalt  }
0x86: {  	_ =	shalt  }
0x87: {  	_ =	shalt  }
.Lfunc_end0:
.L_simem_size_0:
called_computation.1_lowered:
.L_overlay_start_0:
0x88: {  	s2 =	sld [smem:$0x3FD9]  }
0x89: {  	s3 =	sld [smem:$0x3FFE];
	_ =	sdelay $0x1  }
0x8a: {  	s1 =	srdreg.scid  }
0x8b: {  	s0 =	sand.u32 $0x1, s1  }
0x8c: {  	s16 =	sshll.u32 s0, $0xA;
	s2 =	sadd.s32 s3, s2  }
0x8d: {  	s2 =	sadd.s32 s2, s16  }
0x8e: {  	[smem:$0x3F91] =	sst s2  }
0x8f: {  	_ = 	snop  }
0x90: {  	(tm) =	ssettm $0x1  }
0x91: {  	s17 =	sld [smem:$0x3FFB];
	_ =	sdelay $0x3  }
0x92: {  	_ =	strace s17  }
0x93: {  	s2 =	sld [smem:$0x3FFC];
	_ =	sdelay $0x3  }
0x94: {  	_ =	strace s2  }
0x95: {  	s2 =	sld [smem:$0x3FFD];
	_ =	sdelay $0x3  }
0x96: {  	_ =	strace s2  }
0x97: {  	_ =	strace $0x8FFFFFFF  }
0x98: {  	s18 =	sld [smem:$0x3FDB];
	_ =	sdelay $0x1  }
0x99: {  	s19 =	simm.s32 $_scs_section_size  }
0x9a: {  	s4 =	simm.s32 $_size__tile_overlayer_lowered;
	s5 =	simm.s32 $_tile_overlayer_lowered  }
0x9b: {  	s22 =	simm.s32 $0x1BFF;
	s21 =	sshll.u32 s5, $0x1;
	s2 =	sadd.s32 s19, s18  }
0x9c: {  	s6 =	simm.s32 $0x0;
	s20 =	sshll.u32 s4, $0x1;
	s4 =	sadd.s32 s21, s2  }
0x9d: {  	[timem:s6], [sflag:s22] =	dma.local [hbm:s4], s20  }
0x9e: {  	_ =	swait.ge [sflag:s22], s20  }
0x9f: {  	s3 =	ssub.s32 $0x0, s20;
	[sflag:s22] =	ssyncset.done $0x0  }
0xa0: {  	[sflag:s22] =	ssyncadd.s32 s3;
	_ =	sdelay $0x1  }
0xa1: {  	s23 =	simm.s32 $0x1B8B  }
0xa2: {  	_ =	swait.ge [sflag:s23], $0x1  }
0xa3: {  	[sflag:s23] =	ssyncset.done $0x0  }
0xa4: {  	s25 =	simm.s32 $0x1B8E;
	s24 =	sld [smem:$0x3FFE];
	[sflag:s23] =	ssyncadd.s32 $0xFFFFFFFF  }
0xa5: {  	s26 =	simm.s32 $execute0_lowered;
	[smem:$0x3FD2] =	sst s25  }
0xa6: {  	s4 =	sshll.u32 s26, $0x1;
	_ =	strace $0x80000046;
	[dreg:$0x1] =	wrdreg $0xFFFFFFFF  }
0xa7: {  	s28 =	simm.s32 $_size_execute0_lowered;
	s2 =	sadd.s32 s2, s4;
	[dreg:$0x0] =	wrdreg $0x0  }
0xa8: {  	s4 =	sshll.u32 s28, $0x1;
	[dreg:$0x2] =	wrdreg s2  }
0xa9: {  	[dreg:$0x3] =	wrdreg s4  }
0xaa: {  	[dreg:$0x4] =	wrdreg $0xC0  }
0xab: {  	_ =	task [dreg:s6], $0x5FFFF  }
0xac: {  	[dreg:$0x1] =	wrdreg $0xFFFFFFFF  }
0xad: {  	[dreg:$0x0] =	wrdreg $0x60  }
0xae: {  	[dreg:$0x2] =	wrdreg s24  }
0xaf: {  	[dreg:$0x3] =	wrdreg $0x52000  }
0xb0: {  	[dreg:$0x4] =	wrdreg $0xA  }
0xb1: {  	_ =	task.clear_ibuf [dreg:s6], $0x5FFFF;
	_ =	strace $0x90000046  }
0xb2: {  	s29 =	simm.s32 $0xA;
	_ =	strace $0x80000048  }
0xb3: {  	_ =	swait.ge [sflag:s29], $0x1  }
0xb4: {  	[sflag:s29] =	ssyncadd.s32 $0xFFFFFFFF  }
0xb5: {  	_ =	strace $0x90000048  }
0xb6: {  	_ =	sfence  }
0xb7: {  	s30 =	sld [smem:$0x0];
	_ =	sdelay $0x2  }
0xb8: {  	s31 =	sshll.u32 s1, $0xD;
	s1 =	sshrl.u32 s1, $0x2  }
0xb9: {  	s3 =	sand.u32 $0x4000, s31;
	s1 =	sadd.s32 s1, s30  }
0xba: {  	s0 =	sor.u32 s3, s0;
	s1 =	sshll.u32 s1, $0x11  }
0xbb: {  	s0 =	sor.u32 s1, s0  }
0xbc: {  	s0 =	sadd.s32 $0x8F2B, s0  }
0xbd: {  	[sflag:s0] =	ssyncadd.remote.s32 $0x1  }
0xbe: {  	_ =	sfence.sel $0xFFFF  }
0xbf: {  	[dreg:$0x0] =	wrdreg $0xFFFFFFFF;
	(pc) =	sbr.abs _section_cstart, $3  }
0xc0: {  	[dreg:$0x1] =	wrdreg $0xFFFFFFFF  }
0xc1: {  	_ =	task.clear_ibuf [dreg:s6], $0x2FFFF;
	_ =	strace $0x9FFFFFFF  }
0xc2: {  	(tm) =	ssettm $0x7FFFFFFF  }
0xc3: {  	_ =	shalt  }
tec
execute0_lowered:
.L_overlay_start_1:
0x0: {  	(tag) =	ssettag $0x1  }
0x1: {  	s14 =	rddreg [dreg:$0x0]  }
0x2: {  	s1 =	rddreg [dreg:$0x1];
	s2 =	simm.s32 $0x0  }
0x3: {  	v0 =	vimm.f32 $0.0e+00;
	[smem:$0x7FF] =	sst s2  }
0x4: {  	s0 =	rddreg [dreg:$0x2];
	_ =	strace $0x80000047;
	[tilespmem:$0x4220] =	vst v0  }
0x5: {  	[tilespmem:$0x4230] =	vst v0  }
0x6: {  	[tilespmem:$0x4240] =	vst v0  }
0x7: {  	[tilespmem:$0x4200] =	vst v0  }
0x8: {  	[tilespmem:$0x51F0] =	vst v0  }
0x9: {  	[tilespmem:$0x51E0] =	vst v0  }
0xa: {  	[tilespmem:$0x51D0] =	vst v0  }
0xb: {  	[tilespmem:$0x51C0] =	vst v0  }
0xc: {  	[tilespmem:$0x51B0] =	vst v0  }
0xd: {  	[tilespmem:$0x51A0] =	vst v0  }
0xe: {  	[tilespmem:$0x5190] =	vst v0  }
0xf: {  	[tilespmem:$0x5180] =	vst v0  }
0x10: {  	[tilespmem:$0x5170] =	vst v0  }
0x11: {  	[tilespmem:$0x5160] =	vst v0  }
0x12: {  	[tilespmem:$0x5150] =	vst v0  }
0x13: {  	[tilespmem:$0x5140] =	vst v0  }
0x14: {  	[tilespmem:$0x5130] =	vst v0  }
0x15: {  	[tilespmem:$0x5120] =	vst v0  }
0x16: {  	[tilespmem:$0x5110] =	vst v0  }
0x17: {  	[tilespmem:$0x5100] =	vst v0  }
0x18: {  	[tilespmem:$0x50F0] =	vst v0  }
0x19: {  	[tilespmem:$0x50E0] =	vst v0  }
0x1a: {  	[tilespmem:$0x50D0] =	vst v0  }
0x1b: {  	[tilespmem:$0x50C0] =	vst v0  }
0x1c: {  	[tilespmem:$0x50B0] =	vst v0  }
0x1d: {  	[tilespmem:$0x50A0] =	vst v0  }
0x1e: {  	[tilespmem:$0x5090] =	vst v0  }
0x1f: {  	[tilespmem:$0x5080] =	vst v0  }
0x20: {  	[tilespmem:$0x5070] =	vst v0  }
0x21: {  	[tilespmem:$0x5060] =	vst v0  }
0x22: {  	[tilespmem:$0x5050] =	vst v0  }
0x23: {  	[tilespmem:$0x5040] =	vst v0  }
0x24: {  	[tilespmem:$0x5030] =	vst v0  }
0x25: {  	[tilespmem:$0x5020] =	vst v0  }
0x26: {  	[tilespmem:$0x5010] =	vst v0  }
0x27: {  	[tilespmem:$0x5000] =	vst v0  }
0x28: {  	[tilespmem:$0x4FF0] =	vst v0  }
0x29: {  	[tilespmem:$0x4FE0] =	vst v0  }
0x2a: {  	[tilespmem:$0x4FD0] =	vst v0  }
0x2b: {  	[tilespmem:$0x4FC0] =	vst v0  }
0x2c: {  	[tilespmem:$0x4FB0] =	vst v0  }
0x2d: {  	[tilespmem:$0x4FA0] =	vst v0  }
0x2e: {  	[tilespmem:$0x4F90] =	vst v0  }
0x2f: {  	[tilespmem:$0x4F80] =	vst v0  }
0x30: {  	[tilespmem:$0x4F70] =	vst v0  }
0x31: {  	[tilespmem:$0x4F60] =	vst v0  }
0x32: {  	[tilespmem:$0x4F50] =	vst v0  }
0x33: {  	[tilespmem:$0x4F40] =	vst v0  }
0x34: {  	[tilespmem:$0x4F30] =	vst v0  }
0x35: {  	[tilespmem:$0x4F20] =	vst v0  }
0x36: {  	[tilespmem:$0x4F10] =	vst v0  }
0x37: {  	[tilespmem:$0x4F00] =	vst v0  }
0x38: {  	[tilespmem:$0x4EF0] =	vst v0  }
0x39: {  	[tilespmem:$0x4EE0] =	vst v0  }
0x3a: {  	[tilespmem:$0x4ED0] =	vst v0  }
0x3b: {  	[tilespmem:$0x4EC0] =	vst v0  }
0x3c: {  	[tilespmem:$0x4EB0] =	vst v0  }
0x3d: {  	[tilespmem:$0x4EA0] =	vst v0  }
0x3e: {  	[tilespmem:$0x4E90] =	vst v0  }
0x3f: {  	[tilespmem:$0x4E80] =	vst v0  }
0x40: {  	[tilespmem:$0x4E70] =	vst v0  }
0x41: {  	[tilespmem:$0x4E60] =	vst v0  }
0x42: {  	[tilespmem:$0x4E50] =	vst v0  }
0x43: {  	[tilespmem:$0x4E40] =	vst v0  }
0x44: {  	[tilespmem:$0x4E30] =	vst v0  }
0x45: {  	[tilespmem:$0x4E20] =	vst v0  }
0x46: {  	[tilespmem:$0x4E10] =	vst v0  }
0x47: {  	[tilespmem:$0x4E00] =	vst v0  }
0x48: {  	[tilespmem:$0x4DF0] =	vst v0  }
0x49: {  	[tilespmem:$0x4DE0] =	vst v0  }
0x4a: {  	[tilespmem:$0x4DD0] =	vst v0  }
0x4b: {  	[tilespmem:$0x4DC0] =	vst v0  }
0x4c: {  	[tilespmem:$0x4DB0] =	vst v0  }
0x4d: {  	[tilespmem:$0x4DA0] =	vst v0  }
0x4e: {  	[tilespmem:$0x4D90] =	vst v0  }
0x4f: {  	[tilespmem:$0x4D80] =	vst v0  }
0x50: {  	[tilespmem:$0x4D70] =	vst v0  }
0x51: {  	[tilespmem:$0x4D60] =	vst v0  }
0x52: {  	[tilespmem:$0x4D50] =	vst v0  }
0x53: {  	[tilespmem:$0x4D40] =	vst v0  }
0x54: {  	[tilespmem:$0x4D30] =	vst v0  }
0x55: {  	[tilespmem:$0x4D20] =	vst v0  }
0x56: {  	[tilespmem:$0x4D10] =	vst v0  }
0x57: {  	[tilespmem:$0x4D00] =	vst v0  }
0x58: {  	[tilespmem:$0x4CF0] =	vst v0  }
0x59: {  	[tilespmem:$0x4CE0] =	vst v0  }
0x5a: {  	[tilespmem:$0x4CD0] =	vst v0  }
0x5b: {  	[tilespmem:$0x4CC0] =	vst v0  }
0x5c: {  	[tilespmem:$0x4CB0] =	vst v0  }
0x5d: {  	[tilespmem:$0x4CA0] =	vst v0  }
0x5e: {  	[tilespmem:$0x4C90] =	vst v0  }
0x5f: {  	[tilespmem:$0x4C80] =	vst v0  }
0x60: {  	[tilespmem:$0x4C70] =	vst v0  }
0x61: {  	[tilespmem:$0x4C60] =	vst v0  }
0x62: {  	[tilespmem:$0x4C50] =	vst v0  }
0x63: {  	[tilespmem:$0x4C40] =	vst v0  }
0x64: {  	[tilespmem:$0x4C30] =	vst v0  }
0x65: {  	[tilespmem:$0x4C20] =	vst v0  }
0x66: {  	[tilespmem:$0x4C10] =	vst v0  }
0x67: {  	[tilespmem:$0x4C00] =	vst v0  }
0x68: {  	[tilespmem:$0x4BF0] =	vst v0  }
0x69: {  	[tilespmem:$0x4BE0] =	vst v0  }
0x6a: {  	[tilespmem:$0x4BD0] =	vst v0  }
0x6b: {  	[tilespmem:$0x4BC0] =	vst v0  }
0x6c: {  	[tilespmem:$0x4BB0] =	vst v0  }
0x6d: {  	[tilespmem:$0x4BA0] =	vst v0  }
0x6e: {  	[tilespmem:$0x4B90] =	vst v0  }
0x6f: {  	[tilespmem:$0x4B80] =	vst v0  }
0x70: {  	[tilespmem:$0x4B70] =	vst v0  }
0x71: {  	[tilespmem:$0x4B60] =	vst v0  }
0x72: {  	[tilespmem:$0x4B50] =	vst v0  }
0x73: {  	[tilespmem:$0x4B40] =	vst v0  }
0x74: {  	[tilespmem:$0x4B30] =	vst v0  }
0x75: {  	[tilespmem:$0x4B20] =	vst v0  }
0x76: {  	[tilespmem:$0x4B10] =	vst v0  }
0x77: {  	[tilespmem:$0x4B00] =	vst v0  }
0x78: {  	[tilespmem:$0x4AF0] =	vst v0  }
0x79: {  	[tilespmem:$0x4AE0] =	vst v0  }
0x7a: {  	[tilespmem:$0x4AD0] =	vst v0  }
0x7b: {  	[tilespmem:$0x4AC0] =	vst v0  }
0x7c: {  	[tilespmem:$0x4AB0] =	vst v0  }
0x7d: {  	[tilespmem:$0x4AA0] =	vst v0  }
0x7e: {  	[tilespmem:$0x4A90] =	vst v0  }
0x7f: {  	[tilespmem:$0x4A80] =	vst v0  }
0x80: {  	[tilespmem:$0x4A70] =	vst v0  }
0x81: {  	[tilespmem:$0x4A60] =	vst v0  }
0x82: {  	[tilespmem:$0x4A50] =	vst v0  }
0x83: {  	[tilespmem:$0x4A40] =	vst v0  }
0x84: {  	[tilespmem:$0x4A30] =	vst v0  }
0x85: {  	[tilespmem:$0x4A20] =	vst v0  }
0x86: {  	[tilespmem:$0x4A10] =	vst v0  }
0x87: {  	[tilespmem:$0x4A00] =	vst v0  }
0x88: {  	[tilespmem:$0x49F0] =	vst v0  }
0x89: {  	[tilespmem:$0x49E0] =	vst v0  }
0x8a: {  	[tilespmem:$0x49D0] =	vst v0  }
0x8b: {  	[tilespmem:$0x49C0] =	vst v0  }
0x8c: {  	[tilespmem:$0x49B0] =	vst v0  }
0x8d: {  	[tilespmem:$0x49A0] =	vst v0  }
0x8e: {  	[tilespmem:$0x4990] =	vst v0  }
0x8f: {  	[tilespmem:$0x4980] =	vst v0  }
0x90: {  	[tilespmem:$0x4970] =	vst v0  }
0x91: {  	[tilespmem:$0x4960] =	vst v0  }
0x92: {  	[tilespmem:$0x4950] =	vst v0  }
0x93: {  	[tilespmem:$0x4940] =	vst v0  }
0x94: {  	[tilespmem:$0x4930] =	vst v0  }
0x95: {  	[tilespmem:$0x4920] =	vst v0  }
0x96: {  	[tilespmem:$0x4910] =	vst v0  }
0x97: {  	[tilespmem:$0x4900] =	vst v0  }
0x98: {  	[tilespmem:$0x48F0] =	vst v0  }
0x99: {  	[tilespmem:$0x48E0] =	vst v0  }
0x9a: {  	[tilespmem:$0x48D0] =	vst v0  }
0x9b: {  	[tilespmem:$0x48C0] =	vst v0  }
0x9c: {  	[tilespmem:$0x48B0] =	vst v0  }
0x9d: {  	[tilespmem:$0x48A0] =	vst v0  }
0x9e: {  	[tilespmem:$0x4890] =	vst v0  }
0x9f: {  	[tilespmem:$0x4880] =	vst v0  }
0xa0: {  	[tilespmem:$0x4870] =	vst v0  }
0xa1: {  	[tilespmem:$0x4860] =	vst v0  }
0xa2: {  	[tilespmem:$0x4850] =	vst v0  }
0xa3: {  	[tilespmem:$0x4840] =	vst v0  }
0xa4: {  	[tilespmem:$0x4830] =	vst v0  }
0xa5: {  	[tilespmem:$0x4820] =	vst v0  }
0xa6: {  	[tilespmem:$0x4810] =	vst v0  }
0xa7: {  	[tilespmem:$0x4800] =	vst v0  }
0xa8: {  	[tilespmem:$0x47F0] =	vst v0  }
0xa9: {  	[tilespmem:$0x47E0] =	vst v0  }
0xaa: {  	[tilespmem:$0x47D0] =	vst v0  }
0xab: {  	[tilespmem:$0x47C0] =	vst v0  }
0xac: {  	[tilespmem:$0x47B0] =	vst v0  }
0xad: {  	[tilespmem:$0x47A0] =	vst v0  }
0xae: {  	[tilespmem:$0x4790] =	vst v0  }
0xaf: {  	[tilespmem:$0x4780] =	vst v0  }
0xb0: {  	[tilespmem:$0x4770] =	vst v0  }
0xb1: {  	[tilespmem:$0x4760] =	vst v0  }
0xb2: {  	[tilespmem:$0x4750] =	vst v0  }
0xb3: {  	[tilespmem:$0x4740] =	vst v0  }
0xb4: {  	[tilespmem:$0x4730] =	vst v0  }
0xb5: {  	[tilespmem:$0x4720] =	vst v0  }
0xb6: {  	[tilespmem:$0x4710] =	vst v0  }
0xb7: {  	[tilespmem:$0x4700] =	vst v0  }
0xb8: {  	[tilespmem:$0x46F0] =	vst v0  }
0xb9: {  	[tilespmem:$0x46E0] =	vst v0  }
0xba: {  	[tilespmem:$0x46D0] =	vst v0  }
0xbb: {  	[tilespmem:$0x46C0] =	vst v0  }
0xbc: {  	[tilespmem:$0x46B0] =	vst v0  }
0xbd: {  	[tilespmem:$0x46A0] =	vst v0  }
0xbe: {  	[tilespmem:$0x4690] =	vst v0  }
0xbf: {  	[tilespmem:$0x4680] =	vst v0  }
0xc0: {  	[tilespmem:$0x4670] =	vst v0  }
0xc1: {  	[tilespmem:$0x4660] =	vst v0  }
0xc2: {  	[tilespmem:$0x4650] =	vst v0  }
0xc3: {  	[tilespmem:$0x4640] =	vst v0  }
0xc4: {  	[tilespmem:$0x4630] =	vst v0  }
0xc5: {  	[tilespmem:$0x4620] =	vst v0  }
0xc6: {  	[tilespmem:$0x4610] =	vst v0  }
0xc7: {  	[tilespmem:$0x4600] =	vst v0  }
0xc8: {  	[tilespmem:$0x45F0] =	vst v0  }
0xc9: {  	[tilespmem:$0x45E0] =	vst v0  }
0xca: {  	[tilespmem:$0x45D0] =	vst v0  }
0xcb: {  	[tilespmem:$0x45C0] =	vst v0  }
0xcc: {  	[tilespmem:$0x45B0] =	vst v0  }
0xcd: {  	[tilespmem:$0x45A0] =	vst v0  }
0xce: {  	[tilespmem:$0x4590] =	vst v0  }
0xcf: {  	[tilespmem:$0x4580] =	vst v0  }
0xd0: {  	[tilespmem:$0x4570] =	vst v0  }
0xd1: {  	[tilespmem:$0x4560] =	vst v0  }
0xd2: {  	[tilespmem:$0x4550] =	vst v0  }
0xd3: {  	[tilespmem:$0x4540] =	vst v0  }
0xd4: {  	[tilespmem:$0x4530] =	vst v0  }
0xd5: {  	[tilespmem:$0x4520] =	vst v0  }
0xd6: {  	[tilespmem:$0x4510] =	vst v0  }
0xd7: {  	[tilespmem:$0x4500] =	vst v0  }
0xd8: {  	[tilespmem:$0x44F0] =	vst v0  }
0xd9: {  	[tilespmem:$0x44E0] =	vst v0  }
0xda: {  	[tilespmem:$0x44D0] =	vst v0  }
0xdb: {  	[tilespmem:$0x44C0] =	vst v0  }
0xdc: {  	[tilespmem:$0x44B0] =	vst v0  }
0xdd: {  	[tilespmem:$0x44A0] =	vst v0  }
0xde: {  	[tilespmem:$0x4490] =	vst v0  }
0xdf: {  	[tilespmem:$0x4480] =	vst v0  }
0xe0: {  	[tilespmem:$0x4470] =	vst v0  }
0xe1: {  	[tilespmem:$0x4460] =	vst v0  }
0xe2: {  	[tilespmem:$0x4450] =	vst v0  }
0xe3: {  	[tilespmem:$0x4440] =	vst v0  }
0xe4: {  	[tilespmem:$0x4430] =	vst v0  }
0xe5: {  	[tilespmem:$0x4420] =	vst v0  }
0xe6: {  	[tilespmem:$0x4410] =	vst v0  }
0xe7: {  	[tilespmem:$0x4400] =	vst v0  }
0xe8: {  	[tilespmem:$0x43F0] =	vst v0  }
0xe9: {  	[tilespmem:$0x43E0] =	vst v0  }
0xea: {  	[tilespmem:$0x43D0] =	vst v0  }
0xeb: {  	[tilespmem:$0x43C0] =	vst v0  }
0xec: {  	[tilespmem:$0x43B0] =	vst v0  }
0xed: {  	[tilespmem:$0x43A0] =	vst v0  }
0xee: {  	[tilespmem:$0x4390] =	vst v0  }
0xef: {  	[tilespmem:$0x4380] =	vst v0  }
0xf0: {  	[tilespmem:$0x4370] =	vst v0  }
0xf1: {  	[tilespmem:$0x4360] =	vst v0  }
0xf2: {  	[tilespmem:$0x4350] =	vst v0  }
0xf3: {  	[tilespmem:$0x4340] =	vst v0  }
0xf4: {  	[tilespmem:$0x4330] =	vst v0  }
0xf5: {  	[tilespmem:$0x4320] =	vst v0  }
0xf6: {  	[tilespmem:$0x4310] =	vst v0  }
0xf7: {  	[tilespmem:$0x4300] =	vst v0  }
0xf8: {  	[tilespmem:$0x42F0] =	vst v0  }
0xf9: {  	[tilespmem:$0x42E0] =	vst v0  }
0xfa: {  	[tilespmem:$0x42D0] =	vst v0  }
0xfb: {  	[tilespmem:$0x42C0] =	vst v0  }
0xfc: {  	[tilespmem:$0x42B0] =	vst v0  }
0xfd: {  	[tilespmem:$0x42A0] =	vst v0  }
0xfe: {  	[tilespmem:$0x4290] =	vst v0  }
0xff: {  	[tilespmem:$0x4280] =	vst v0  }
0x100: {  	[tilespmem:$0x4250] =	vst v0  }
0x101: {  	s4 =	srdreg.scid;
	s3 =	stileid.u32;
	s6 =	simm.s32 $0x4200;
	[tilespmem:$0x4270] =	vst v0  }
0x102: {  	s5 =	simm.s32 $0x2;
	s15 =	sand.u32 $0x1, s4;
	s31 =	sshll.u32 s3, $0xC;
	[tilespmem:$0x4260] =	vst v0  }
0x103: {  	s16 =	sshll.u32 s3, $0x6;
	s4 =	sadd.s32 s31, s1;
	s7 =	sshll.u32 s15, $0x5;
	[tilespmem:$0x4210] =	vst v0  }
0x104: {  	[spmem:s4] =	stream.linear.scatter [tilespmem:s6], [sflag:$0x2], $0x1000, $0x38;
	[tilespmem:$0x6200] =	vst v63  }
0x105: {  	s7 =	sor.u32 s7, s16;
	_ =	swait.ge [sflag:s5], $0x1000  }
0x106: {  	s8 =	sadd.s32 s7, s14;
	[sflag:s5] =	ssyncset.done $0x0  }
0x107: {  	s7 =	sadd.s32 $0x8400, s8;
	[sflag:s5] =	ssyncadd.s32 $0xFFFFF000  }
0x108: {  	[tilespmem:s2], [sflag:$0x2] =	stream.linear.gather [hbm4b:s7+s2], $0x100, $0x38;
	[tilespmem:$0x6200] =	vst v63  }
0x109: {  	_ =	swait.ge [sflag:s5], $0x100  }
0x10a: {  	[sflag:s5] =	ssyncset.done $0x0  }
0x10b: {  	s9 =	simm.s32 $0x100;
	s8 =	sadd.s32 $0x8800, s8;
	[sflag:s5] =	ssyncadd.s32 $0xFFFFFF00  }
0x10c: {  	[tilespmem:s9], [sflag:$0x2] =	stream.linear.gather [hbm4b:s8+s2], $0x100, $0x38;
	[tilespmem:$0x6200] =	vst v63  }
0x10d: {  	_ =	swait.ge [sflag:s5], $0x100  }
0x10e: {  	[sflag:s5] =	ssyncset.done $0x0  }
0x10f: {  	s11 =	simm.s32 $0x80;
	s12 =	simm.s32 $0x200;
	[sflag:s5] =	ssyncadd.s32 $0xFFFFFF00  }
0x110: {  	s13 =	simm.s32 $0x1;
	s10 =	sadd.s32 $0x8C00, s14;
	[bflag:$0x0] =	sbarrier.arrive $0xFFFF  }
0x111: {  	[tilespmem:s12], [sflag:$0x1] =	stream.indirect.gather [hbm4b:s10+s11], $0x80, s2, s11, $0xb8;
	[tilespmem:$0x6200] =	vst v63  }
0x112: {  	_ =	swait.ge [sflag:s13], $0x4000  }
0x113: {  	[sflag:s13] =	ssyncset.done $0x0  }
0x114: {  	[sflag:s13] =	ssyncadd.s32 $0xFFFFC000  }
0x115: {  	[spmem:s1] =	stream.indirect.scatter.add.f32 [tilespmem:s12], [sflag:$0x2], $0x80, s9, s11, $0xb8;
	[tilespmem:$0x6200] =	vst v63  }
0x116: {  	_ =	swait.ge [sflag:s5], $0x4000  }
0x117: {  	[sflag:s5] =	ssyncset.done $0x0  }
0x118: {  	[sflag:s5] =	ssyncadd.s32 $0xFFFFC000  }
0x119: {  	[tilespmem:s12], [sflag:$0x1] =	stream.indirect.gather [hbm4b:s10+s11], $0x80, s11, s11, $0xb8;
	[tilespmem:$0x6200] =	vst v63  }
0x11a: {  	s17 =	sshll.u32 s3, $0x9;
	s18 =	ssub.s32 $0x2, s15;
	_ =	swait.ge [sflag:s13], $0x4000  }
0x11b: {  	s17 =	sadd.s32 s17, s14;
	s19 =	sshrl.u32 s18, $0x1;
	[sflag:s13] =	ssyncset.done $0x0  }
0x11c: {  	s14 =	simm.s32 $0x180;
	s18 =	ssub.s32 s18, s19;
	[sflag:s13] =	ssyncadd.s32 $0xFFFFC000  }
0x11d: {  	[spmem:s1] =	stream.indirect.scatter.add.f32 [tilespmem:s12], [sflag:$0x2], $0x80, s14, s11, $0xb8;
	[tilespmem:$0x6200] =	vst v63  }
0x11e: {  	s15 =	sshll.u32 s15, $0xD;
	s18 =	smax.u32 s18, $0x1;
	_ =	swait.ge [sflag:s5], $0x4000  }
0x11f: {  	s15 =	sadd.s32 s15, s17;
	p0 =	sne.s32 s18, $0x1;
	[sflag:s5] =	ssyncset.done $0x0  }
.Ltmp0:
0x120: {  	s16 =	sor.u32 $0x1C02, s16;
	[sflag:s5] =	ssyncadd.s32 $0xFFFFC000;
	(pc) =	sbr.rel @!p0 .LBB2_2-.Ltmp0, $4  }
0x121: {  	s17 =	sshrl.u32 s4, $0x3;
	s15 =	sadd.s32 $0xAC00, s15;
	[bflag:$0x0] =	sbarrier.arrive $0xFFFF  }
0x122: {  	[hbm:s15], [sflag:s16] =	dma.local [spmem:s17], $0x200  }
0x123: {  	_ =	swait.ge [sflag:s5], $0x200  }
0x124: {  	s18 =	sadd.s32 $0xFFFFFFFF, s18;
	[sflag:s5] =	ssyncset.done $0x0  }
.LBB2_1:
0x125: {  	p0 =	sne.s32 s18, $0x1;
	s18 =	sadd.s32 $0xFFFFFFFF, s18;
	[sflag:s5] =	ssyncadd.s32 $0xFFFFFE00  }
0x126: {  	[tilespmem:$0x4220] =	vst v0  }
0x127: {  	[tilespmem:$0x4230] =	vst v0  }
0x128: {  	[tilespmem:$0x4240] =	vst v0  }
0x129: {  	[tilespmem:$0x4200] =	vst v0  }
0x12a: {  	[tilespmem:$0x51F0] =	vst v0  }
0x12b: {  	[tilespmem:$0x51E0] =	vst v0  }
0x12c: {  	[tilespmem:$0x51D0] =	vst v0  }
0x12d: {  	[tilespmem:$0x51C0] =	vst v0  }
0x12e: {  	[tilespmem:$0x51B0] =	vst v0  }
0x12f: {  	[tilespmem:$0x51A0] =	vst v0  }
0x130: {  	[tilespmem:$0x5190] =	vst v0  }
0x131: {  	[tilespmem:$0x5180] =	vst v0  }
0x132: {  	[tilespmem:$0x5170] =	vst v0  }
0x133: {  	[tilespmem:$0x5160] =	vst v0  }
0x134: {  	[tilespmem:$0x5150] =	vst v0  }
0x135: {  	[tilespmem:$0x5140] =	vst v0  }
0x136: {  	[tilespmem:$0x5130] =	vst v0  }
0x137: {  	[tilespmem:$0x5120] =	vst v0  }
0x138: {  	[tilespmem:$0x5110] =	vst v0  }
0x139: {  	[tilespmem:$0x5100] =	vst v0  }
0x13a: {  	[tilespmem:$0x50F0] =	vst v0  }
0x13b: {  	[tilespmem:$0x50E0] =	vst v0  }
0x13c: {  	[tilespmem:$0x50D0] =	vst v0  }
0x13d: {  	[tilespmem:$0x50C0] =	vst v0  }
0x13e: {  	[tilespmem:$0x50B0] =	vst v0  }
0x13f: {  	[tilespmem:$0x50A0] =	vst v0  }
0x140: {  	[tilespmem:$0x5090] =	vst v0  }
0x141: {  	[tilespmem:$0x5080] =	vst v0  }
0x142: {  	[tilespmem:$0x5070] =	vst v0  }
0x143: {  	[tilespmem:$0x5060] =	vst v0  }
0x144: {  	[tilespmem:$0x5050] =	vst v0  }
0x145: {  	[tilespmem:$0x5040] =	vst v0  }
0x146: {  	[tilespmem:$0x5030] =	vst v0  }
0x147: {  	[tilespmem:$0x5020] =	vst v0  }
0x148: {  	[tilespmem:$0x5010] =	vst v0  }
0x149: {  	[tilespmem:$0x5000] =	vst v0  }
0x14a: {  	[tilespmem:$0x4FF0] =	vst v0  }
0x14b: {  	[tilespmem:$0x4FE0] =	vst v0  }
0x14c: {  	[tilespmem:$0x4FD0] =	vst v0  }
0x14d: {  	[tilespmem:$0x4FC0] =	vst v0  }
0x14e: {  	[tilespmem:$0x4FB0] =	vst v0  }
0x14f: {  	[tilespmem:$0x4FA0] =	vst v0  }
0x150: {  	[tilespmem:$0x4F90] =	vst v0  }
0x151: {  	[tilespmem:$0x4F80] =	vst v0  }
0x152: {  	[tilespmem:$0x4F70] =	vst v0  }
0x153: {  	[tilespmem:$0x4F60] =	vst v0  }
0x154: {  	[tilespmem:$0x4F50] =	vst v0  }
0x155: {  	[tilespmem:$0x4F40] =	vst v0  }
0x156: {  	[tilespmem:$0x4F30] =	vst v0  }
0x157: {  	[tilespmem:$0x4F20] =	vst v0  }
0x158: {  	[tilespmem:$0x4F10] =	vst v0  }
0x159: {  	[tilespmem:$0x4F00] =	vst v0  }
0x15a: {  	[tilespmem:$0x4EF0] =	vst v0  }
0x15b: {  	[tilespmem:$0x4EE0] =	vst v0  }
0x15c: {  	[tilespmem:$0x4ED0] =	vst v0  }
0x15d: {  	[tilespmem:$0x4EC0] =	vst v0  }
0x15e: {  	[tilespmem:$0x4EB0] =	vst v0  }
0x15f: {  	[tilespmem:$0x4EA0] =	vst v0  }
0x160: {  	[tilespmem:$0x4E90] =	vst v0  }
0x161: {  	[tilespmem:$0x4E80] =	vst v0  }
0x162: {  	[tilespmem:$0x4E70] =	vst v0  }
0x163: {  	[tilespmem:$0x4E60] =	vst v0  }
0x164: {  	[tilespmem:$0x4E50] =	vst v0  }
0x165: {  	[tilespmem:$0x4E40] =	vst v0  }
0x166: {  	[tilespmem:$0x4E30] =	vst v0  }
0x167: {  	[tilespmem:$0x4E20] =	vst v0  }
0x168: {  	[tilespmem:$0x4E10] =	vst v0  }
0x169: {  	[tilespmem:$0x4E00] =	vst v0  }
0x16a: {  	[tilespmem:$0x4DF0] =	vst v0  }
0x16b: {  	[tilespmem:$0x4DE0] =	vst v0  }
0x16c: {  	[tilespmem:$0x4DD0] =	vst v0  }
0x16d: {  	[tilespmem:$0x4DC0] =	vst v0  }
0x16e: {  	[tilespmem:$0x4DB0] =	vst v0  }
0x16f: {  	[tilespmem:$0x4DA0] =	vst v0  }
0x170: {  	[tilespmem:$0x4D90] =	vst v0  }
0x171: {  	[tilespmem:$0x4D80] =	vst v0  }
0x172: {  	[tilespmem:$0x4D70] =	vst v0  }
0x173: {  	[tilespmem:$0x4D60] =	vst v0  }
0x174: {  	[tilespmem:$0x4D50] =	vst v0  }
0x175: {  	[tilespmem:$0x4D40] =	vst v0  }
0x176: {  	[tilespmem:$0x4D30] =	vst v0  }
0x177: {  	[tilespmem:$0x4D20] =	vst v0  }
0x178: {  	[tilespmem:$0x4D10] =	vst v0  }
0x179: {  	[tilespmem:$0x4D00] =	vst v0  }
0x17a: {  	[tilespmem:$0x4CF0] =	vst v0  }
0x17b: {  	[tilespmem:$0x4CE0] =	vst v0  }
0x17c: {  	[tilespmem:$0x4CD0] =	vst v0  }
0x17d: {  	[tilespmem:$0x4CC0] =	vst v0  }
0x17e: {  	[tilespmem:$0x4CB0] =	vst v0  }
0x17f: {  	[tilespmem:$0x4CA0] =	vst v0  }
0x180: {  	[tilespmem:$0x4C90] =	vst v0  }
0x181: {  	[tilespmem:$0x4C80] =	vst v0  }
0x182: {  	[tilespmem:$0x4C70] =	vst v0  }
0x183: {  	[tilespmem:$0x4C60] =	vst v0  }
0x184: {  	[tilespmem:$0x4C50] =	vst v0  }
0x185: {  	[tilespmem:$0x4C40] =	vst v0  }
0x186: {  	[tilespmem:$0x4C30] =	vst v0  }
0x187: {  	[tilespmem:$0x4C20] =	vst v0  }
0x188: {  	[tilespmem:$0x4C10] =	vst v0  }
0x189: {  	[tilespmem:$0x4C00] =	vst v0  }
0x18a: {  	[tilespmem:$0x4BF0] =	vst v0  }
0x18b: {  	[tilespmem:$0x4BE0] =	vst v0  }
0x18c: {  	[tilespmem:$0x4BD0] =	vst v0  }
0x18d: {  	[tilespmem:$0x4BC0] =	vst v0  }
0x18e: {  	[tilespmem:$0x4BB0] =	vst v0  }
0x18f: {  	[tilespmem:$0x4BA0] =	vst v0  }
0x190: {  	[tilespmem:$0x4B90] =	vst v0  }
0x191: {  	[tilespmem:$0x4B80] =	vst v0  }
0x192: {  	[tilespmem:$0x4B70] =	vst v0  }
0x193: {  	[tilespmem:$0x4B60] =	vst v0  }
0x194: {  	[tilespmem:$0x4B50] =	vst v0  }
0x195: {  	[tilespmem:$0x4B40] =	vst v0  }
0x196: {  	[tilespmem:$0x4B30] =	vst v0  }
0x197: {  	[tilespmem:$0x4B20] =	vst v0  }
0x198: {  	[tilespmem:$0x4B10] =	vst v0  }
0x199: {  	[tilespmem:$0x4B00] =	vst v0  }
0x19a: {  	[tilespmem:$0x4AF0] =	vst v0  }
0x19b: {  	[tilespmem:$0x4AE0] =	vst v0  }
0x19c: {  	[tilespmem:$0x4AD0] =	vst v0  }
0x19d: {  	[tilespmem:$0x4AC0] =	vst v0  }
0x19e: {  	[tilespmem:$0x4AB0] =	vst v0  }
0x19f: {  	[tilespmem:$0x4AA0] =	vst v0  }
0x1a0: {  	[tilespmem:$0x4A90] =	vst v0  }
0x1a1: {  	[tilespmem:$0x4A80] =	vst v0  }
0x1a2: {  	[tilespmem:$0x4A70] =	vst v0  }
0x1a3: {  	[tilespmem:$0x4A60] =	vst v0  }
0x1a4: {  	[tilespmem:$0x4A50] =	vst v0  }
0x1a5: {  	[tilespmem:$0x4A40] =	vst v0  }
0x1a6: {  	[tilespmem:$0x4A30] =	vst v0  }
0x1a7: {  	[tilespmem:$0x4A20] =	vst v0  }
0x1a8: {  	[tilespmem:$0x4A10] =	vst v0  }
0x1a9: {  	[tilespmem:$0x4A00] =	vst v0  }
0x1aa: {  	[tilespmem:$0x49F0] =	vst v0  }
0x1ab: {  	[tilespmem:$0x49E0] =	vst v0  }
0x1ac: {  	[tilespmem:$0x49D0] =	vst v0  }
0x1ad: {  	[tilespmem:$0x49C0] =	vst v0  }
0x1ae: {  	[tilespmem:$0x49B0] =	vst v0  }
0x1af: {  	[tilespmem:$0x49A0] =	vst v0  }
0x1b0: {  	[tilespmem:$0x4990] =	vst v0  }
0x1b1: {  	[tilespmem:$0x4980] =	vst v0  }
0x1b2: {  	[tilespmem:$0x4970] =	vst v0  }
0x1b3: {  	[tilespmem:$0x4960] =	vst v0  }
0x1b4: {  	[tilespmem:$0x4950] =	vst v0  }
0x1b5: {  	[tilespmem:$0x4940] =	vst v0  }
0x1b6: {  	[tilespmem:$0x4930] =	vst v0  }
0x1b7: {  	[tilespmem:$0x4920] =	vst v0  }
0x1b8: {  	[tilespmem:$0x4910] =	vst v0  }
0x1b9: {  	[tilespmem:$0x4900] =	vst v0  }
0x1ba: {  	[tilespmem:$0x48F0] =	vst v0  }
0x1bb: {  	[tilespmem:$0x48E0] =	vst v0  }
0x1bc: {  	[tilespmem:$0x48D0] =	vst v0  }
0x1bd: {  	[tilespmem:$0x48C0] =	vst v0  }
0x1be: {  	[tilespmem:$0x48B0] =	vst v0  }
0x1bf: {  	[tilespmem:$0x48A0] =	vst v0  }
0x1c0: {  	[tilespmem:$0x4890] =	vst v0  }
0x1c1: {  	[tilespmem:$0x4880] =	vst v0  }
0x1c2: {  	[tilespmem:$0x4870] =	vst v0  }
0x1c3: {  	[tilespmem:$0x4860] =	vst v0  }
0x1c4: {  	[tilespmem:$0x4850] =	vst v0  }
0x1c5: {  	[tilespmem:$0x4840] =	vst v0  }
0x1c6: {  	[tilespmem:$0x4830] =	vst v0  }
0x1c7: {  	[tilespmem:$0x4820] =	vst v0  }
0x1c8: {  	[tilespmem:$0x4810] =	vst v0  }
0x1c9: {  	[tilespmem:$0x4800] =	vst v0  }
0x1ca: {  	[tilespmem:$0x47F0] =	vst v0  }
0x1cb: {  	[tilespmem:$0x47E0] =	vst v0  }
0x1cc: {  	[tilespmem:$0x47D0] =	vst v0  }
0x1cd: {  	[tilespmem:$0x47C0] =	vst v0  }
0x1ce: {  	[tilespmem:$0x47B0] =	vst v0  }
0x1cf: {  	[tilespmem:$0x47A0] =	vst v0  }
0x1d0: {  	[tilespmem:$0x4790] =	vst v0  }
0x1d1: {  	[tilespmem:$0x4780] =	vst v0  }
0x1d2: {  	[tilespmem:$0x4770] =	vst v0  }
0x1d3: {  	[tilespmem:$0x4760] =	vst v0  }
0x1d4: {  	[tilespmem:$0x4750] =	vst v0  }
0x1d5: {  	[tilespmem:$0x4740] =	vst v0  }
0x1d6: {  	[tilespmem:$0x4730] =	vst v0  }
0x1d7: {  	[tilespmem:$0x4720] =	vst v0  }
0x1d8: {  	[tilespmem:$0x4710] =	vst v0  }
0x1d9: {  	[tilespmem:$0x4700] =	vst v0  }
0x1da: {  	[tilespmem:$0x46F0] =	vst v0  }
0x1db: {  	[tilespmem:$0x46E0] =	vst v0  }
0x1dc: {  	[tilespmem:$0x46D0] =	vst v0  }
0x1dd: {  	[tilespmem:$0x46C0] =	vst v0  }
0x1de: {  	[tilespmem:$0x46B0] =	vst v0  }
0x1df: {  	[tilespmem:$0x46A0] =	vst v0  }
0x1e0: {  	[tilespmem:$0x4690] =	vst v0  }
0x1e1: {  	[tilespmem:$0x4680] =	vst v0  }
0x1e2: {  	[tilespmem:$0x4670] =	vst v0  }
0x1e3: {  	[tilespmem:$0x4660] =	vst v0  }
0x1e4: {  	[tilespmem:$0x4650] =	vst v0  }
0x1e5: {  	[tilespmem:$0x4640] =	vst v0  }
0x1e6: {  	[tilespmem:$0x4630] =	vst v0  }
0x1e7: {  	[tilespmem:$0x4620] =	vst v0  }
0x1e8: {  	[tilespmem:$0x4610] =	vst v0  }
0x1e9: {  	[tilespmem:$0x4600] =	vst v0  }
0x1ea: {  	[tilespmem:$0x45F0] =	vst v0  }
0x1eb: {  	[tilespmem:$0x45E0] =	vst v0  }
0x1ec: {  	[tilespmem:$0x45D0] =	vst v0  }
0x1ed: {  	[tilespmem:$0x45C0] =	vst v0  }
0x1ee: {  	[tilespmem:$0x45B0] =	vst v0  }
0x1ef: {  	[tilespmem:$0x45A0] =	vst v0  }
0x1f0: {  	[tilespmem:$0x4590] =	vst v0  }
0x1f1: {  	[tilespmem:$0x4580] =	vst v0  }
0x1f2: {  	[tilespmem:$0x4570] =	vst v0  }
0x1f3: {  	[tilespmem:$0x4560] =	vst v0  }
0x1f4: {  	[tilespmem:$0x4550] =	vst v0  }
0x1f5: {  	[tilespmem:$0x4540] =	vst v0  }
0x1f6: {  	[tilespmem:$0x4530] =	vst v0  }
0x1f7: {  	[tilespmem:$0x4520] =	vst v0  }
0x1f8: {  	[tilespmem:$0x4510] =	vst v0  }
0x1f9: {  	[tilespmem:$0x4500] =	vst v0  }
0x1fa: {  	[tilespmem:$0x44F0] =	vst v0  }
0x1fb: {  	[tilespmem:$0x44E0] =	vst v0  }
0x1fc: {  	[tilespmem:$0x44D0] =	vst v0  }
0x1fd: {  	[tilespmem:$0x44C0] =	vst v0  }
0x1fe: {  	[tilespmem:$0x44B0] =	vst v0  }
0x1ff: {  	[tilespmem:$0x44A0] =	vst v0  }
0x200: {  	[tilespmem:$0x4490] =	vst v0  }
0x201: {  	[tilespmem:$0x4480] =	vst v0  }
0x202: {  	[tilespmem:$0x4470] =	vst v0  }
0x203: {  	[tilespmem:$0x4460] =	vst v0  }
0x204: {  	[tilespmem:$0x4450] =	vst v0  }
0x205: {  	[tilespmem:$0x4440] =	vst v0  }
0x206: {  	[tilespmem:$0x4430] =	vst v0  }
0x207: {  	[tilespmem:$0x4420] =	vst v0  }
0x208: {  	[tilespmem:$0x4410] =	vst v0  }
0x209: {  	[tilespmem:$0x4400] =	vst v0  }
0x20a: {  	[tilespmem:$0x43F0] =	vst v0  }
0x20b: {  	[tilespmem:$0x43E0] =	vst v0  }
0x20c: {  	[tilespmem:$0x43D0] =	vst v0  }
0x20d: {  	[tilespmem:$0x43C0] =	vst v0  }
0x20e: {  	[tilespmem:$0x43B0] =	vst v0  }
0x20f: {  	[tilespmem:$0x43A0] =	vst v0  }
0x210: {  	[tilespmem:$0x4390] =	vst v0  }
0x211: {  	[tilespmem:$0x4380] =	vst v0  }
0x212: {  	[tilespmem:$0x4370] =	vst v0  }
0x213: {  	[tilespmem:$0x4360] =	vst v0  }
0x214: {  	[tilespmem:$0x4350] =	vst v0  }
0x215: {  	[tilespmem:$0x4340] =	vst v0  }
0x216: {  	[tilespmem:$0x4330] =	vst v0  }
0x217: {  	[tilespmem:$0x4320] =	vst v0  }
0x218: {  	[tilespmem:$0x4310] =	vst v0  }
0x219: {  	[tilespmem:$0x4300] =	vst v0  }
0x21a: {  	[tilespmem:$0x42F0] =	vst v0  }
0x21b: {  	[tilespmem:$0x42E0] =	vst v0  }
0x21c: {  	[tilespmem:$0x42D0] =	vst v0  }
0x21d: {  	[tilespmem:$0x42C0] =	vst v0  }
0x21e: {  	[tilespmem:$0x42B0] =	vst v0  }
0x21f: {  	[tilespmem:$0x42A0] =	vst v0  }
0x220: {  	[tilespmem:$0x4290] =	vst v0  }
0x221: {  	[tilespmem:$0x4280] =	vst v0  }
0x222: {  	[tilespmem:$0x4270] =	vst v0  }
0x223: {  	[tilespmem:$0x4260] =	vst v0  }
0x224: {  	[tilespmem:$0x4250] =	vst v0  }
0x225: {  	[tilespmem:$0x4210] =	vst v0  }
0x226: {  	[spmem:s4] =	stream.linear.scatter [tilespmem:s6], [sflag:$0x2], $0x1000, $0x38;
	[tilespmem:$0x6200] =	vst v63  }
0x227: {  	_ =	swait.ge [sflag:s5], $0x1000  }
0x228: {  	[sflag:s5] =	ssyncset.done $0x0  }
0x229: {  	[sflag:s5] =	ssyncadd.s32 $0xFFFFF000  }
0x22a: {  	[tilespmem:s2], [sflag:$0x2] =	stream.linear.gather [hbm4b:s7+s2], $0x100, $0x38;
	[tilespmem:$0x6200] =	vst v63  }
0x22b: {  	_ =	swait.ge [sflag:s5], $0x100  }
0x22c: {  	[sflag:s5] =	ssyncset.done $0x0  }
0x22d: {  	[sflag:s5] =	ssyncadd.s32 $0xFFFFFF00  }
0x22e: {  	[tilespmem:s9], [sflag:$0x2] =	stream.linear.gather [hbm4b:s8+s2], $0x100, $0x38;
	[tilespmem:$0x6200] =	vst v63  }
0x22f: {  	_ =	swait.ge [sflag:s5], $0x100  }
0x230: {  	[sflag:s5] =	ssyncset.done $0x0  }
0x231: {  	[sflag:s5] =	ssyncadd.s32 $0xFFFFFF00  }
0x232: {  	[bflag:$0x0] =	sbarrier.arrive $0xFFFF  }
0x233: {  	[tilespmem:s12], [sflag:$0x1] =	stream.indirect.gather [hbm4b:s10+s11], $0x80, s2, s11, $0xb8;
	[tilespmem:$0x6200] =	vst v63  }
0x234: {  	_ =	swait.ge [sflag:s13], $0x4000  }
0x235: {  	[sflag:s13] =	ssyncset.done $0x0  }
0x236: {  	[sflag:s13] =	ssyncadd.s32 $0xFFFFC000  }
0x237: {  	[spmem:s1] =	stream.indirect.scatter.add.f32 [tilespmem:s12], [sflag:$0x2], $0x80, s9, s11, $0xb8;
	[tilespmem:$0x6200] =	vst v63  }
0x238: {  	_ =	swait.ge [sflag:s5], $0x4000  }
0x239: {  	[sflag:s5] =	ssyncset.done $0x0  }
0x23a: {  	[sflag:s5] =	ssyncadd.s32 $0xFFFFC000  }
0x23b: {  	[tilespmem:s12], [sflag:$0x1] =	stream.indirect.gather [hbm4b:s10+s11], $0x80, s11, s11, $0xb8;
	[tilespmem:$0x6200] =	vst v63  }
0x23c: {  	_ =	swait.ge [sflag:s13], $0x4000  }
0x23d: {  	[sflag:s13] =	ssyncset.done $0x0  }
0x23e: {  	[sflag:s13] =	ssyncadd.s32 $0xFFFFC000  }
0x23f: {  	[spmem:s1] =	stream.indirect.scatter.add.f32 [tilespmem:s12], [sflag:$0x2], $0x80, s14, s11, $0xb8;
	[tilespmem:$0x6200] =	vst v63  }
0x240: {  	_ =	swait.ge [sflag:s5], $0x4000  }
0x241: {  	[sflag:s5] =	ssyncset.done $0x0  }
.Ltmp1:
0x242: {  	[sflag:s5] =	ssyncadd.s32 $0xFFFFC000;
	(pc) =	sbr.rel @p0 .LBB2_1-.Ltmp1, $4  }
0x243: {  	[bflag:$0x0] =	sbarrier.arrive $0xFFFF  }
0x244: {  	[hbm:s15], [sflag:s16] =	dma.local [spmem:s17], $0x200  }
0x245: {  	_ =	swait.ge [sflag:s5], $0x200  }
0x246: {  	[sflag:s5] =	ssyncset.done $0x0  }
.LBB2_2:
0x247: {  	[sflag:s5] =	ssyncadd.s32 $0xFFFFFE00  }
0x248: {  	_ =	sfence.sel $0x180000  }
0x249: {  	[bflag:$0x0] =	sbarrier.arrive $0xFFFF  }
0x24a: {  	p0 =	sne.s32 s3, $0x0;
	_ =	strace $0x90000047  }
0x24b: {  	s0 =	sadd.s32 @!p0 $0x100000, s0;
	[bflag:$0x2] =	sbarrier.arrive $0xFFFF  }
0x24c: {  	[sflag:s0] =	ssyncadd.tile.s32 @!p0 $0x1;
	_ =	shalt  }
.Lfunc_end2:
_tile_overlayer_lowered:
.L_overlay_start_2:
0x24d: {  	(tag) =	ssettag $0x2  }
0x24e: {  	s0 =	rddreg [dreg:$0x0];
	s2 =	stileid.u32  }
0x24f: {  	s1 =	rddreg [dreg:$0x1];
	p0 =	sne.s32 s2, $0x0  }
0x250: {  	s3 =	rddreg [dreg:$0x2];
	[bflag:$0x3] =	sbarrier.arrive $0xFFFF;
	s2 =	simm.s32 @!p0 $0x1C02  }
0x251: {  	[timem:s3], [sflag:s2] =	dma.local @!p0 [hbm:s0], s1  }
0x252: {  	s0 =	simm.s32 @!p0 $0x2  }
0x253: {  	_ =	swait.ge @!p0 [sflag:s0], s1  }
0x254: {  	s1 =	ssub.s32 @!p0 $0x0, s1;
	[sflag:s0] =	ssyncset.done @!p0 $0x0  }
0x255: {  	[sflag:s0] =	ssyncadd.s32 @!p0 s1  }
0x256: {  	[bflag:$0x3] =	sbarrier.arrive $0xFFFF  }
0x257: {  	_ =	shalt  }

</sc_bundles>
